<compile_context>
chip_gen: v7x
topology: tpu7x:2x2x1
jax: 0.10.2.dev20260603
libtpu: 0.0.44.dev20260713+nightly
codegen_flags: <defaults>
</compile_context>

<pallas_src>
import functools

import jax
import jax.numpy as jnp
from jax import lax
from jax.experimental import pallas as pl
from jax.experimental.pallas import tpu as pltpu
from jax.experimental.pallas import tpu_sc as plsc

_NSEG = 8
_N = 8192
_D = 512
_BLK = 512
_NBLK = _N // _BLK

_NSUB = 16
_RPW = _N // _NSUB


def _in_copy(x_hbm, x_keep, in_sems, jj):
    return pltpu.make_async_copy(
        x_hbm.at[pl.ds(jj * _BLK, _BLK), :],
        x_keep.at[pl.ds(jj * _BLK, _BLK), :],
        in_sems.at[jj],
    )


def _out_copy(x_keep, out_hbm, out_sems, jj):
    return pltpu.make_async_copy(
        x_keep.at[pl.ds(jj * _BLK, _BLK), :],
        out_hbm.at[pl.ds(jj * _BLK, _BLK), :],
        out_sems.at[jj],
    )


def _rowsum_kernel(x_hbm, p_ref, x_keep, in_sems):
    for jj in range(_NBLK):
        _in_copy(x_hbm, x_keep, in_sems, jj).start()
    ones = jnp.ones((1, _BLK), jnp.float32)
    for jj in range(_NBLK):
        _in_copy(x_hbm, x_keep, in_sems, jj).wait()
        e = jnp.exp(x_keep[pl.ds(jj * _BLK, _BLK), :])
        pr = lax.dot_general(
            ones, e, (((1,), (1,)), ((), ())), preferred_element_type=jnp.float32
        )
        p_ref[jj : jj + 1, :] = pr


def _seg_bin_kernel(p_hbm, ids_hbm, part_hbm, p_v, ids_v, acc_v):
    wid = lax.axis_index("s")
    base = wid * _RPW
    pltpu.sync_copy(p_hbm.at[pl.ds(base, _RPW)], p_v)
    pltpu.sync_copy(ids_hbm.at[pl.ds(base, _RPW)], ids_v)
    accs = [jnp.zeros((16,), jnp.float32) for _ in range(_NSEG)]
    for g in range(_RPW // 16):
        vals = p_v[pl.ds(g * 16, 16)]
        idx = ids_v[pl.ds(g * 16, 16)]
        for s in range(_NSEG):
            accs[s] = accs[s] + jnp.where(idx == s, vals, 0.0)
    for s in range(_NSEG):
        acc_v[s] = accs[s]
    pltpu.sync_copy(acc_v, part_hbm.at[wid])


def _subtract_kernel(part_ref, bct_ref, x_hbm, out_hbm, x_keep, in_sems, out_sems):
    for jj in range(_NBLK):
        _in_copy(x_hbm, x_keep, in_sems, jj).start()
    t = part_ref[...]
    tot = jnp.sum(jnp.sum(t, axis=0), axis=1, keepdims=True)
    lse8 = jnp.log(tot)
    bt = bct_ref[...]
    lset = jnp.zeros((_BLK, _NBLK), jnp.float32)
    for s in range(_NSEG):
        lset = jnp.where(bt == float(s), lse8[s, 0], lset)
    for jj in range(_NBLK):
        _in_copy(x_hbm, x_keep, in_sems, jj).wait()
        lseb = lset[:, jj : jj + 1]
        x_keep[pl.ds(jj * _BLK, _BLK), :] = x_keep[pl.ds(jj * _BLK, _BLK), :] - lseb
        _out_copy(x_keep, out_hbm, out_sems, jj).start()
    for jj in range(_NBLK):
        _out_copy(x_keep, out_hbm, out_sems, jj).wait()


def kernel(x, batch):
    p = pl.pallas_call(
        _rowsum_kernel,
        in_specs=[pl.BlockSpec(memory_space=pl.ANY)],
        out_specs=pl.BlockSpec(memory_space=pltpu.VMEM),
        out_shape=jax.ShapeDtypeStruct((_NBLK, _BLK), jnp.float32),
        scratch_shapes=[
            pltpu.VMEM((_N, _D), jnp.float32),
            pltpu.SemaphoreType.DMA((_NBLK,)),
        ],
    )(x)

    sc_kernel = functools.partial(
        pl.kernel,
        mesh=plsc.VectorSubcoreMesh(
            core_axis_name="c", subcore_axis_name="s", num_cores=1
        ),
        out_type=jax.ShapeDtypeStruct((_NSUB, _NSEG, 16), jnp.float32),
        scratch_types=[
            pltpu.VMEM((_RPW,), jnp.float32),
            pltpu.VMEM((_RPW,), jnp.int32),
            pltpu.VMEM((_NSEG, 16), jnp.float32),
        ],
    )(_seg_bin_kernel)
    partials = sc_kernel(p.reshape(_N), batch)

    batch_colt = batch.astype(jnp.float32).reshape(_NBLK, _BLK).T
    return pl.pallas_call(
        _subtract_kernel,
        in_specs=[
            pl.BlockSpec(memory_space=pltpu.VMEM),
            pl.BlockSpec(memory_space=pltpu.VMEM),
            pl.BlockSpec(memory_space=pl.ANY),
        ],
        out_specs=pl.BlockSpec(memory_space=pl.ANY),
        out_shape=jax.ShapeDtypeStruct((_N, _D), jnp.float32),
        scratch_shapes=[
            pltpu.VMEM((_N, _D), jnp.float32),
            pltpu.SemaphoreType.DMA((_NBLK,)),
            pltpu.SemaphoreType.DMA((_NBLK,)),
        ],
    )(partials, batch_colt, x)

# --- scband reference (transcript-rebuilt; emitter-appended) ---
"""Pipeline reference for scband-node-objective-34222299415122 (READ-ONLY COPY).

The authoritative reference and input builder live on the scoring server;
editing this copy changes nothing except your own understanding.
"""

import jax, jax.numpy as jnp
import numpy as np

NUM_SEGMENTS = 8
N_TOKENS = 8192
D_FEAT = 512

def setup_inputs(seed: int = 0) -> dict:
    key = jax.random.key(seed)
    k1, k2 = jax.random.split(key)
    x = jax.random.normal(k1, (N_TOKENS, D_FEAT), dtype=jnp.float32)
    batch = jnp.sort(jax.random.randint(k2, (N_TOKENS,), 0, NUM_SEGMENTS)).astype(jnp.int32)
    return {"x": x, "batch": batch}

def reference(x, batch):
    # NodeObjective groups rows of x by batch id, flattens each group into one
    # logits vector, and wraps it in FixedCategorical. The canonical tensor
    # output of that distribution is per-group log-softmax over the flattened
    # group logits (what log_probs consumes). We compute it raggedly via
    # segment reductions, returning per-element log-probabilities [N, d].
    num_segments = NUM_SEGMENTS
    # per-segment max over all flattened elements (numerical stability)
    row_max = jnp.max(x, axis=1)
    seg_max = jax.ops.segment_max(row_max, batch, num_segments=num_segments)
    shifted = x - seg_max[batch][:, None]
    # per-segment sum of exp over all flattened elements
    row_sum = jnp.sum(jnp.exp(shifted), axis=1)
    seg_sum = jax.ops.segment_sum(row_sum, batch, num_segments=num_segments)
    lse = jnp.log(seg_sum) + seg_max
    logp = x - lse[batch][:, None]
    return logp

if __name__ == "__main__":
    import jax
    _d = setup_inputs()
    print(jax.jit(kernel)(*tuple(_d.values())))

</pallas_src>

<mosaic_0001>
#map = affine_map<(d0, d1) -> (0)>
#map1 = affine_map<(d0, d1) -> (0, 0, 0)>
module attributes {stable_mosaic.version = 14 : i64} {
  func.func @_seg_bin_kernel(%arg0: i32, %arg1: i32, %arg2: memref<8192xf32, #tpu.memory_space<hbm>>, %arg3: memref<8192xi32, #tpu.memory_space<hbm>>, %arg4: memref<16x8x16xf32, #tpu.memory_space<hbm>>, %arg5: memref<512xf32, #tpu.memory_space<vmem>>, %arg6: memref<512xi32, #tpu.memory_space<vmem>>, %arg7: memref<8x16xf32, #tpu.memory_space<vmem>>) attributes {dimension_semantics = [#tpu.dimension_semantics<core_parallel>, #tpu.dimension_semantics<subcore_parallel>], iteration_bounds = array<i64: 1, 16>, scalar_prefetch = 0 : i64, scratch_operands = 3 : i64, tpu.core_type = #tpu.core_type<sc_vector_subcore>, window_params = [{transform_indices = #map}, {transform_indices = #map}, {transform_indices = #map1}]} {
    %mul3A = arith.constant 512 : i32
    %mul3A_0 = arith.muli %arg1, %mul3A : i32
    "tpu.region"() ({
      %run_scoped3A = tpu.sem_alloc : memref<!tpu.dma_semaphore, #tpu.memory_space<semaphore_mem>>
      %dma_start3A = tpu.memref_slice %arg2[%mul3A_0] : memref<8192xf32, #tpu.memory_space<hbm>> -> memref<512xf32, #tpu.memory_space<hbm>>
      %dma_start3A_2042 = tpu.memref_slice %arg2[%mul3A_0] : memref<8192xf32, #tpu.memory_space<hbm>> -> memref<512xf32, #tpu.memory_space<hbm>>
      tpu.enqueue_dma source(%dma_start3A_2042 : memref<512xf32, #tpu.memory_space<hbm>>) target(%arg5 : memref<512xf32, #tpu.memory_space<vmem>>) target_semaphore(%run_scoped3A : memref<!tpu.dma_semaphore, #tpu.memory_space<semaphore_mem>>)
      %dma_wait3A = tpu.memref_slice %arg2[%mul3A_0] : memref<8192xf32, #tpu.memory_space<hbm>> -> memref<512xf32, #tpu.memory_space<hbm>>
      %dma_wait3A_2043 = tpu.memref_slice %arg2[%mul3A_0] : memref<8192xf32, #tpu.memory_space<hbm>> -> memref<512xf32, #tpu.memory_space<hbm>>
      tpu.wait_dma2 semaphore(%run_scoped3A : memref<!tpu.dma_semaphore, #tpu.memory_space<semaphore_mem>>) src(%dma_wait3A_2043 : memref<512xf32, #tpu.memory_space<hbm>>) dst(%arg5 : memref<512xf32, #tpu.memory_space<vmem>>)
      tpu.yield
    }) : () -> ()
    "tpu.region"() ({
      %run_scoped3A = tpu.sem_alloc : memref<!tpu.dma_semaphore, #tpu.memory_space<semaphore_mem>>
      %dma_start3A = tpu.memref_slice %arg3[%mul3A_0] : memref<8192xi32, #tpu.memory_space<hbm>> -> memref<512xi32, #tpu.memory_space<hbm>>
      %dma_start3A_2042 = tpu.memref_slice %arg3[%mul3A_0] : memref<8192xi32, #tpu.memory_space<hbm>> -> memref<512xi32, #tpu.memory_space<hbm>>
      tpu.enqueue_dma source(%dma_start3A_2042 : memref<512xi32, #tpu.memory_space<hbm>>) target(%arg6 : memref<512xi32, #tpu.memory_space<vmem>>) target_semaphore(%run_scoped3A : memref<!tpu.dma_semaphore, #tpu.memory_space<semaphore_mem>>)
      %dma_wait3A = tpu.memref_slice %arg3[%mul3A_0] : memref<8192xi32, #tpu.memory_space<hbm>> -> memref<512xi32, #tpu.memory_space<hbm>>
      %dma_wait3A_2043 = tpu.memref_slice %arg3[%mul3A_0] : memref<8192xi32, #tpu.memory_space<hbm>> -> memref<512xi32, #tpu.memory_space<hbm>>
      tpu.wait_dma2 semaphore(%run_scoped3A : memref<!tpu.dma_semaphore, #tpu.memory_space<semaphore_mem>>) src(%dma_wait3A_2043 : memref<512xi32, #tpu.memory_space<hbm>>) dst(%arg6 : memref<512xi32, #tpu.memory_space<vmem>>)
      tpu.yield
    }) : () -> ()
    %broadcast_in_dim3A = arith.constant 0.000000e+00 : f32
    %broadcast_in_dim3A_1 = vector.broadcast %broadcast_in_dim3A : f32 to vector<16xf32>
    %broadcast_in_dim3A_2 = arith.constant 0.000000e+00 : f32
    %broadcast_in_dim3A_3 = vector.broadcast %broadcast_in_dim3A_2 : f32 to vector<16xf32>
    %broadcast_in_dim3A_4 = arith.constant 0.000000e+00 : f32
    %broadcast_in_dim3A_5 = vector.broadcast %broadcast_in_dim3A_4 : f32 to vector<16xf32>
    %broadcast_in_dim3A_6 = arith.constant 0.000000e+00 : f32
    %broadcast_in_dim3A_7 = vector.broadcast %broadcast_in_dim3A_6 : f32 to vector<16xf32>
    %broadcast_in_dim3A_8 = arith.constant 0.000000e+00 : f32
    %broadcast_in_dim3A_9 = vector.broadcast %broadcast_in_dim3A_8 : f32 to vector<16xf32>
    %broadcast_in_dim3A_10 = arith.constant 0.000000e+00 : f32
    %broadcast_in_dim3A_11 = vector.broadcast %broadcast_in_dim3A_10 : f32 to vector<16xf32>
    %broadcast_in_dim3A_12 = arith.constant 0.000000e+00 : f32
    %broadcast_in_dim3A_13 = vector.broadcast %broadcast_in_dim3A_12 : f32 to vector<16xf32>
    %broadcast_in_dim3A_14 = arith.constant 0.000000e+00 : f32
    %broadcast_in_dim3A_15 = vector.broadcast %broadcast_in_dim3A_14 : f32 to vector<16xf32>
    %get3A = arith.constant 0 : index
    %get3A_16 = tpu.vector_load %arg5[%get3A] {strides = array<i32>} : memref<512xf32, #tpu.memory_space<vmem>>, vector<16xf32>,
    %get3A_17 = vector.shape_cast %get3A_16 : vector<16xf32> to vector<16xf32>
    %get3A_18 = arith.constant 0 : index
    %get3A_19 = tpu.vector_load %arg6[%get3A_18] {strides = array<i32>} : memref<512xi32, #tpu.memory_space<vmem>>, vector<16xi32>,
    %get3A_20 = vector.shape_cast %get3A_19 : vector<16xi32> to vector<16xi32>
    %eq3A = arith.constant 0 : i32
    %eq3A_21 = vector.broadcast %eq3A : i32 to vector<16xi32>
    %eq3A_22 = arith.cmpi eq, %get3A_20, %eq3A_21 : vector<16xi32>
    %jit3A = arith.constant 0.000000e+00 : f32
    %broadcast_in_dim3A_23 = vector.broadcast %jit3A : f32 to vector<16xf32>
    %select_n3A = arith.select %eq3A_22, %get3A_17, %broadcast_in_dim3A_23 : vector<16xi1>, vector<16xf32>
    %add3A = arith.addf %broadcast_in_dim3A_1, %select_n3A : vector<16xf32>
    %eq3A_24 = arith.constant 1 : i32
    %eq3A_25 = vector.broadcast %eq3A_24 : i32 to vector<16xi32>
    %eq3A_26 = arith.cmpi eq, %get3A_20, %eq3A_25 : vector<16xi32>
    %jit3A_27 = arith.constant 0.000000e+00 : f32
    %broadcast_in_dim3A_28 = vector.broadcast %jit3A_27 : f32 to vector<16xf32>
    %select_n3A_29 = arith.select %eq3A_26, %get3A_17, %broadcast_in_dim3A_28 : vector<16xi1>, vector<16xf32>
    %add3A_30 = arith.addf %broadcast_in_dim3A_3, %select_n3A_29 : vector<16xf32>
    %eq3A_31 = arith.constant 2 : i32
    %eq3A_32 = vector.broadcast %eq3A_31 : i32 to vector<16xi32>
    %eq3A_33 = arith.cmpi eq, %get3A_20, %eq3A_32 : vector<16xi32>
    %jit3A_34 = arith.constant 0.000000e+00 : f32
    %broadcast_in_dim3A_35 = vector.broadcast %jit3A_34 : f32 to vector<16xf32>
    %select_n3A_36 = arith.select %eq3A_33, %get3A_17, %broadcast_in_dim3A_35 : vector<16xi1>, vector<16xf32>
    %add3A_37 = arith.addf %broadcast_in_dim3A_5, %select_n3A_36 : vector<16xf32>
    %eq3A_38 = arith.constant 3 : i32
    %eq3A_39 = vector.broadcast %eq3A_38 : i32 to vector<16xi32>
    %eq3A_40 = arith.cmpi eq, %get3A_20, %eq3A_39 : vector<16xi32>
    %jit3A_41 = arith.constant 0.000000e+00 : f32
    %broadcast_in_dim3A_42 = vector.broadcast %jit3A_41 : f32 to vector<16xf32>
    %select_n3A_43 = arith.select %eq3A_40, %get3A_17, %broadcast_in_dim3A_42 : vector<16xi1>, vector<16xf32>
    %add3A_44 = arith.addf %broadcast_in_dim3A_7, %select_n3A_43 : vector<16xf32>
    %eq3A_45 = arith.constant 4 : i32
    %eq3A_46 = vector.broadcast %eq3A_45 : i32 to vector<16xi32>
    %eq3A_47 = arith.cmpi eq, %get3A_20, %eq3A_46 : vector<16xi32>
    %jit3A_48 = arith.constant 0.000000e+00 : f32
    %broadcast_in_dim3A_49 = vector.broadcast %jit3A_48 : f32 to vector<16xf32>
    %select_n3A_50 = arith.select %eq3A_47, %get3A_17, %broadcast_in_dim3A_49 : vector<16xi1>, vector<16xf32>
    %add3A_51 = arith.addf %broadcast_in_dim3A_9, %select_n3A_50 : vector<16xf32>
    %eq3A_52 = arith.constant 5 : i32
    %eq3A_53 = vector.broadcast %eq3A_52 : i32 to vector<16xi32>
    %eq3A_54 = arith.cmpi eq, %get3A_20, %eq3A_53 : vector<16xi32>
    %jit3A_55 = arith.constant 0.000000e+00 : f32
    %broadcast_in_dim3A_56 = vector.broadcast %jit3A_55 : f32 to vector<16xf32>
    %select_n3A_57 = arith.select %eq3A_54, %get3A_17, %broadcast_in_dim3A_56 : vector<16xi1>, vector<16xf32>
    %add3A_58 = arith.addf %broadcast_in_dim3A_11, %select_n3A_57 : vector<16xf32>
    %eq3A_59 = arith.constant 6 : i32
    %eq3A_60 = vector.broadcast %eq3A_59 : i32 to vector<16xi32>
    %eq3A_61 = arith.cmpi eq, %get3A_20, %eq3A_60 : vector<16xi32>
    %jit3A_62 = arith.constant 0.000000e+00 : f32
    %broadcast_in_dim3A_63 = vector.broadcast %jit3A_62 : f32 to vector<16xf32>
    %select_n3A_64 = arith.select %eq3A_61, %get3A_17, %broadcast_in_dim3A_63 : vector<16xi1>, vector<16xf32>
    %add3A_65 = arith.addf %broadcast_in_dim3A_13, %select_n3A_64 : vector<16xf32>
    %eq3A_66 = arith.constant 7 : i32
    %eq3A_67 = vector.broadcast %eq3A_66 : i32 to vector<16xi32>
    %eq3A_68 = arith.cmpi eq, %get3A_20, %eq3A_67 : vector<16xi32>
    %jit3A_69 = arith.constant 0.000000e+00 : f32
    %broadcast_in_dim3A_70 = vector.broadcast %jit3A_69 : f32 to vector<16xf32>
    %select_n3A_71 = arith.select %eq3A_68, %get3A_17, %broadcast_in_dim3A_70 : vector<16xi1>, vector<16xf32>
    %add3A_72 = arith.addf %broadcast_in_dim3A_15, %select_n3A_71 : vector<16xf32>
    %get3A_73 = arith.constant 16 : index
    %get3A_74 = tpu.vector_load %arg5[%get3A_73] {strides = array<i32>} : memref<512xf32, #tpu.memory_space<vmem>>, vector<16xf32>,
    %get3A_75 = vector.shape_cast %get3A_74 : vector<16xf32> to vector<16xf32>
    %get3A_76 = arith.constant 16 : index
    %get3A_77 = tpu.vector_load %arg6[%get3A_76] {strides = array<i32>} : memref<512xi32, #tpu.memory_space<vmem>>, vector<16xi32>,
    %get3A_78 = vector.shape_cast %get3A_77 : vector<16xi32> to vector<16xi32>
    %eq3A_79 = arith.constant 0 : i32
    %eq3A_80 = vector.broadcast %eq3A_79 : i32 to vector<16xi32>
    %eq3A_81 = arith.cmpi eq, %get3A_78, %eq3A_80 : vector<16xi32>
    %jit3A_82 = arith.constant 0.000000e+00 : f32
    %broadcast_in_dim3A_83 = vector.broadcast %jit3A_82 : f32 to vector<16xf32>
    %select_n3A_84 = arith.select %eq3A_81, %get3A_75, %broadcast_in_dim3A_83 : vector<16xi1>, vector<16xf32>
    %add3A_85 = arith.addf %add3A, %select_n3A_84 : vector<16xf32>
    %eq3A_86 = arith.constant 1 : i32
    %eq3A_87 = vector.broadcast %eq3A_86 : i32 to vector<16xi32>
    %eq3A_88 = arith.cmpi eq, %get3A_78, %eq3A_87 : vector<16xi32>
    %jit3A_89 = arith.constant 0.000000e+00 : f32
    %broadcast_in_dim3A_90 = vector.broadcast %jit3A_89 : f32 to vector<16xf32>
    %select_n3A_91 = arith.select %eq3A_88, %get3A_75, %broadcast_in_dim3A_90 : vector<16xi1>, vector<16xf32>
    %add3A_92 = arith.addf %add3A_30, %select_n3A_91 : vector<16xf32>
    %eq3A_93 = arith.constant 2 : i32
    %eq3A_94 = vector.broadcast %eq3A_93 : i32 to vector<16xi32>
    %eq3A_95 = arith.cmpi eq, %get3A_78, %eq3A_94 : vector<16xi32>
    %jit3A_96 = arith.constant 0.000000e+00 : f32
    %broadcast_in_dim3A_97 = vector.broadcast %jit3A_96 : f32 to vector<16xf32>
    %select_n3A_98 = arith.select %eq3A_95, %get3A_75, %broadcast_in_dim3A_97 : vector<16xi1>, vector<16xf32>
    %add3A_99 = arith.addf %add3A_37, %select_n3A_98 : vector<16xf32>
    %eq3A_100 = arith.constant 3 : i32
    %eq3A_101 = vector.broadcast %eq3A_100 : i32 to vector<16xi32>
    %eq3A_102 = arith.cmpi eq, %get3A_78, %eq3A_101 : vector<16xi32>
    %jit3A_103 = arith.constant 0.000000e+00 : f32
    %broadcast_in_dim3A_104 = vector.broadcast %jit3A_103 : f32 to vector<16xf32>
    %select_n3A_105 = arith.select %eq3A_102, %get3A_75, %broadcast_in_dim3A_104 : vector<16xi1>, vector<16xf32>
    %add3A_106 = arith.addf %add3A_44, %select_n3A_105 : vector<16xf32>
    %eq3A_107 = arith.constant 4 : i32
    %eq3A_108 = vector.broadcast %eq3A_107 : i32 to vector<16xi32>
    %eq3A_109 = arith.cmpi eq, %get3A_78, %eq3A_108 : vector<16xi32>
    %jit3A_110 = arith.constant 0.000000e+00 : f32
    %broadcast_in_dim3A_111 = vector.broadcast %jit3A_110 : f32 to vector<16xf32>
    %select_n3A_112 = arith.select %eq3A_109, %get3A_75, %broadcast_in_dim3A_111 : vector<16xi1>, vector<16xf32>
    %add3A_113 = arith.addf %add3A_51, %select_n3A_112 : vector<16xf32>
    %eq3A_114 = arith.constant 5 : i32
    %eq3A_115 = vector.broadcast %eq3A_114 : i32 to vector<16xi32>
    %eq3A_116 = arith.cmpi eq, %get3A_78, %eq3A_115 : vector<16xi32>
    %jit3A_117 = arith.constant 0.000000e+00 : f32
    %broadcast_in_dim3A_118 = vector.broadcast %jit3A_117 : f32 to vector<16xf32>
    %select_n3A_119 = arith.select %eq3A_116, %get3A_75, %broadcast_in_dim3A_118 : vector<16xi1>, vector<16xf32>
    %add3A_120 = arith.addf %add3A_58, %select_n3A_119 : vector<16xf32>
    %eq3A_121 = arith.constant 6 : i32
    %eq3A_122 = vector.broadcast %eq3A_121 : i32 to vector<16xi32>
    %eq3A_123 = arith.cmpi eq, %get3A_78, %eq3A_122 : vector<16xi32>
    %jit3A_124 = arith.constant 0.000000e+00 : f32
    %broadcast_in_dim3A_125 = vector.broadcast %jit3A_124 : f32 to vector<16xf32>
    %select_n3A_126 = arith.select %eq3A_123, %get3A_75, %broadcast_in_dim3A_125 : vector<16xi1>, vector<16xf32>
    %add3A_127 = arith.addf %add3A_65, %select_n3A_126 : vector<16xf32>
    %eq3A_128 = arith.constant 7 : i32
    %eq3A_129 = vector.broadcast %eq3A_128 : i32 to vector<16xi32>
    %eq3A_130 = arith.cmpi eq, %get3A_78, %eq3A_129 : vector<16xi32>
    %jit3A_131 = arith.constant 0.000000e+00 : f32
    %broadcast_in_dim3A_132 = vector.broadcast %jit3A_131 : f32 to vector<16xf32>
    %select_n3A_133 = arith.select %eq3A_130, %get3A_75, %broadcast_in_dim3A_132 : vector<16xi1>, vector<16xf32>
    %add3A_134 = arith.addf %add3A_72, %select_n3A_133 : vector<16xf32>
    %get3A_135 = arith.constant 32 : index
    %get3A_136 = tpu.vector_load %arg5[%get3A_135] {strides = array<i32>} : memref<512xf32, #tpu.memory_space<vmem>>, vector<16xf32>,
    %get3A_137 = vector.shape_cast %get3A_136 : vector<16xf32> to vector<16xf32>
    %get3A_138 = arith.constant 32 : index
    %get3A_139 = tpu.vector_load %arg6[%get3A_138] {strides = array<i32>} : memref<512xi32, #tpu.memory_space<vmem>>, vector<16xi32>,
    %get3A_140 = vector.shape_cast %get3A_139 : vector<16xi32> to vector<16xi32>
    %eq3A_141 = arith.constant 0 : i32
    %eq3A_142 = vector.broadcast %eq3A_141 : i32 to vector<16xi32>
    %eq3A_143 = arith.cmpi eq, %get3A_140, %eq3A_142 : vector<16xi32>
    %jit3A_144 = arith.constant 0.000000e+00 : f32
    %broadcast_in_dim3A_145 = vector.broadcast %jit3A_144 : f32 to vector<16xf32>
    %select_n3A_146 = arith.select %eq3A_143, %get3A_137, %broadcast_in_dim3A_145 : vector<16xi1>, vector<16xf32>
    %add3A_147 = arith.addf %add3A_85, %select_n3A_146 : vector<16xf32>
    %eq3A_148 = arith.constant 1 : i32
    %eq3A_149 = vector.broadcast %eq3A_148 : i32 to vector<16xi32>
    %eq3A_150 = arith.cmpi eq, %get3A_140, %eq3A_149 : vector<16xi32>
    %jit3A_151 = arith.constant 0.000000e+00 : f32
    %broadcast_in_dim3A_152 = vector.broadcast %jit3A_151 : f32 to vector<16xf32>
    %select_n3A_153 = arith.select %eq3A_150, %get3A_137, %broadcast_in_dim3A_152 : vector<16xi1>, vector<16xf32>
    %add3A_154 = arith.addf %add3A_92, %select_n3A_153 : vector<16xf32>
    %eq3A_155 = arith.constant 2 : i32
    %eq3A_156 = vector.broadcast %eq3A_155 : i32 to vector<16xi32>
    %eq3A_157 = arith.cmpi eq, %get3A_140, %eq3A_156 : vector<16xi32>
    %jit3A_158 = arith.constant 0.000000e+00 : f32
    %broadcast_in_dim3A_159 = vector.broadcast %jit3A_158 : f32 to vector<16xf32>
    %select_n3A_160 = arith.select %eq3A_157, %get3A_137, %broadcast_in_dim3A_159 : vector<16xi1>, vector<16xf32>
    %add3A_161 = arith.addf %add3A_99, %select_n3A_160 : vector<16xf32>
    %eq3A_162 = arith.constant 3 : i32
    %eq3A_163 = vector.broadcast %eq3A_162 : i32 to vector<16xi32>
    %eq3A_164 = arith.cmpi eq, %get3A_140, %eq3A_163 : vector<16xi32>
    %jit3A_165 = arith.constant 0.000000e+00 : f32
    %broadcast_in_dim3A_166 = vector.broadcast %jit3A_165 : f32 to vector<16xf32>
    %select_n3A_167 = arith.select %eq3A_164, %get3A_137, %broadcast_in_dim3A_166 : vector<16xi1>, vector<16xf32>
    %add3A_168 = arith.addf %add3A_106, %select_n3A_167 : vector<16xf32>
    %eq3A_169 = arith.constant 4 : i32
    %eq3A_170 = vector.broadcast %eq3A_169 : i32 to vector<16xi32>
    %eq3A_171 = arith.cmpi eq, %get3A_140, %eq3A_170 : vector<16xi32>
    %jit3A_172 = arith.constant 0.000000e+00 : f32
    %broadcast_in_dim3A_173 = vector.broadcast %jit3A_172 : f32 to vector<16xf32>
    %select_n3A_174 = arith.select %eq3A_171, %get3A_137, %broadcast_in_dim3A_173 : vector<16xi1>, vector<16xf32>
    %add3A_175 = arith.addf %add3A_113, %select_n3A_174 : vector<16xf32>
    %eq3A_176 = arith.constant 5 : i32
    %eq3A_177 = vector.broadcast %eq3A_176 : i32 to vector<16xi32>
    %eq3A_178 = arith.cmpi eq, %get3A_140, %eq3A_177 : vector<16xi32>
    %jit3A_179 = arith.constant 0.000000e+00 : f32
    %broadcast_in_dim3A_180 = vector.broadcast %jit3A_179 : f32 to vector<16xf32>
    %select_n3A_181 = arith.select %eq3A_178, %get3A_137, %broadcast_in_dim3A_180 : vector<16xi1>, vector<16xf32>
    %add3A_182 = arith.addf %add3A_120, %select_n3A_181 : vector<16xf32>
    %eq3A_183 = arith.constant 6 : i32
    %eq3A_184 = vector.broadcast %eq3A_183 : i32 to vector<16xi32>
    %eq3A_185 = arith.cmpi eq, %get3A_140, %eq3A_184 : vector<16xi32>
    %jit3A_186 = arith.constant 0.000000e+00 : f32
    %broadcast_in_dim3A_187 = vector.broadcast %jit3A_186 : f32 to vector<16xf32>
    %select_n3A_188 = arith.select %eq3A_185, %get3A_137, %broadcast_in_dim3A_187 : vector<16xi1>, vector<16xf32>
    %add3A_189 = arith.addf %add3A_127, %select_n3A_188 : vector<16xf32>
    %eq3A_190 = arith.constant 7 : i32
    %eq3A_191 = vector.broadcast %eq3A_190 : i32 to vector<16xi32>
    %eq3A_192 = arith.cmpi eq, %get3A_140, %eq3A_191 : vector<16xi32>
    %jit3A_193 = arith.constant 0.000000e+00 : f32
    %broadcast_in_dim3A_194 = vector.broadcast %jit3A_193 : f32 to vector<16xf32>
    %select_n3A_195 = arith.select %eq3A_192, %get3A_137, %broadcast_in_dim3A_194 : vector<16xi1>, vector<16xf32>
    %add3A_196 = arith.addf %add3A_134, %select_n3A_195 : vector<16xf32>
    %get3A_197 = arith.constant 48 : index
    %get3A_198 = tpu.vector_load %arg5[%get3A_197] {strides = array<i32>} : memref<512xf32, #tpu.memory_space<vmem>>, vector<16xf32>,
    %get3A_199 = vector.shape_cast %get3A_198 : vector<16xf32> to vector<16xf32>
    %get3A_200 = arith.constant 48 : index
    %get3A_201 = tpu.vector_load %arg6[%get3A_200] {strides = array<i32>} : memref<512xi32, #tpu.memory_space<vmem>>, vector<16xi32>,
    %get3A_202 = vector.shape_cast %get3A_201 : vector<16xi32> to vector<16xi32>
    %eq3A_203 = arith.constant 0 : i32
    %eq3A_204 = vector.broadcast %eq3A_203 : i32 to vector<16xi32>
    %eq3A_205 = arith.cmpi eq, %get3A_202, %eq3A_204 : vector<16xi32>
    %jit3A_206 = arith.constant 0.000000e+00 : f32
    %broadcast_in_dim3A_207 = vector.broadcast %jit3A_206 : f32 to vector<16xf32>
    %select_n3A_208 = arith.select %eq3A_205, %get3A_199, %broadcast_in_dim3A_207 : vector<16xi1>, vector<16xf32>
    %add3A_209 = arith.addf %add3A_147, %select_n3A_208 : vector<16xf32>
    %eq3A_210 = arith.constant 1 : i32
    %eq3A_211 = vector.broadcast %eq3A_210 : i32 to vector<16xi32>
    %eq3A_212 = arith.cmpi eq, %get3A_202, %eq3A_211 : vector<16xi32>
    %jit3A_213 = arith.constant 0.000000e+00 : f32
    %broadcast_in_dim3A_214 = vector.broadcast %jit3A_213 : f32 to vector<16xf32>
    %select_n3A_215 = arith.select %eq3A_212, %get3A_199, %broadcast_in_dim3A_214 : vector<16xi1>, vector<16xf32>
    %add3A_216 = arith.addf %add3A_154, %select_n3A_215 : vector<16xf32>
    %eq3A_217 = arith.constant 2 : i32
    %eq3A_218 = vector.broadcast %eq3A_217 : i32 to vector<16xi32>
    %eq3A_219 = arith.cmpi eq, %get3A_202, %eq3A_218 : vector<16xi32>
    %jit3A_220 = arith.constant 0.000000e+00 : f32
    %broadcast_in_dim3A_221 = vector.broadcast %jit3A_220 : f32 to vector<16xf32>
    %select_n3A_222 = arith.select %eq3A_219, %get3A_199, %broadcast_in_dim3A_221 : vector<16xi1>, vector<16xf32>
    %add3A_223 = arith.addf %add3A_161, %select_n3A_222 : vector<16xf32>
    %eq3A_224 = arith.constant 3 : i32
    %eq3A_225 = vector.broadcast %eq3A_224 : i32 to vector<16xi32>
    %eq3A_226 = arith.cmpi eq, %get3A_202, %eq3A_225 : vector<16xi32>
    %jit3A_227 = arith.constant 0.000000e+00 : f32
    %broadcast_in_dim3A_228 = vector.broadcast %jit3A_227 : f32 to vector<16xf32>
    %select_n3A_229 = arith.select %eq3A_226, %get3A_199, %broadcast_in_dim3A_228 : vector<16xi1>, vector<16xf32>
    %add3A_230 = arith.addf %add3A_168, %select_n3A_229 : vector<16xf32>
    %eq3A_231 = arith.constant 4 : i32
    %eq3A_232 = vector.broadcast %eq3A_231 : i32 to vector<16xi32>
    %eq3A_233 = arith.cmpi eq, %get3A_202, %eq3A_232 : vector<16xi32>
    %jit3A_234 = arith.constant 0.000000e+00 : f32
    %broadcast_in_dim3A_235 = vector.broadcast %jit3A_234 : f32 to vector<16xf32>
    %select_n3A_236 = arith.select %eq3A_233, %get3A_199, %broadcast_in_dim3A_235 : vector<16xi1>, vector<16xf32>
    %add3A_237 = arith.addf %add3A_175, %select_n3A_236 : vector<16xf32>
    %eq3A_238 = arith.constant 5 : i32
    %eq3A_239 = vector.broadcast %eq3A_238 : i32 to vector<16xi32>
    %eq3A_240 = arith.cmpi eq, %get3A_202, %eq3A_239 : vector<16xi32>
    %jit3A_241 = arith.constant 0.000000e+00 : f32
    %broadcast_in_dim3A_242 = vector.broadcast %jit3A_241 : f32 to vector<16xf32>
    %select_n3A_243 = arith.select %eq3A_240, %get3A_199, %broadcast_in_dim3A_242 : vector<16xi1>, vector<16xf32>
    %add3A_244 = arith.addf %add3A_182, %select_n3A_243 : vector<16xf32>
    %eq3A_245 = arith.constant 6 : i32
    %eq3A_246 = vector.broadcast %eq3A_245 : i32 to vector<16xi32>
    %eq3A_247 = arith.cmpi eq, %get3A_202, %eq3A_246 : vector<16xi32>
    %jit3A_248 = arith.constant 0.000000e+00 : f32
    %broadcast_in_dim3A_249 = vector.broadcast %jit3A_248 : f32 to vector<16xf32>
    %select_n3A_250 = arith.select %eq3A_247, %get3A_199, %broadcast_in_dim3A_249 : vector<16xi1>, vector<16xf32>
    %add3A_251 = arith.addf %add3A_189, %select_n3A_250 : vector<16xf32>
    %eq3A_252 = arith.constant 7 : i32
    %eq3A_253 = vector.broadcast %eq3A_252 : i32 to vector<16xi32>
    %eq3A_254 = arith.cmpi eq, %get3A_202, %eq3A_253 : vector<16xi32>
    %jit3A_255 = arith.constant 0.000000e+00 : f32
    %broadcast_in_dim3A_256 = vector.broadcast %jit3A_255 : f32 to vector<16xf32>
    %select_n3A_257 = arith.select %eq3A_254, %get3A_199, %broadcast_in_dim3A_256 : vector<16xi1>, vector<16xf32>
    %add3A_258 = arith.addf %add3A_196, %select_n3A_257 : vector<16xf32>
    %get3A_259 = arith.constant 64 : index
    %get3A_260 = tpu.vector_load %arg5[%get3A_259] {strides = array<i32>} : memref<512xf32, #tpu.memory_space<vmem>>, vector<16xf32>,
    %get3A_261 = vector.shape_cast %get3A_260 : vector<16xf32> to vector<16xf32>
    %get3A_262 = arith.constant 64 : index
    %get3A_263 = tpu.vector_load %arg6[%get3A_262] {strides = array<i32>} : memref<512xi32, #tpu.memory_space<vmem>>, vector<16xi32>,
    %get3A_264 = vector.shape_cast %get3A_263 : vector<16xi32> to vector<16xi32>
    %eq3A_265 = arith.constant 0 : i32
    %eq3A_266 = vector.broadcast %eq3A_265 : i32 to vector<16xi32>
    %eq3A_267 = arith.cmpi eq, %get3A_264, %eq3A_266 : vector<16xi32>
    %jit3A_268 = arith.constant 0.000000e+00 : f32
    %broadcast_in_dim3A_269 = vector.broadcast %jit3A_268 : f32 to vector<16xf32>
    %select_n3A_270 = arith.select %eq3A_267, %get3A_261, %broadcast_in_dim3A_269 : vector<16xi1>, vector<16xf32>
    %add3A_271 = arith.addf %add3A_209, %select_n3A_270 : vector<16xf32>
    %eq3A_272 = arith.constant 1 : i32
    %eq3A_273 = vector.broadcast %eq3A_272 : i32 to vector<16xi32>
    %eq3A_274 = arith.cmpi eq, %get3A_264, %eq3A_273 : vector<16xi32>
    %jit3A_275 = arith.constant 0.000000e+00 : f32
    %broadcast_in_dim3A_276 = vector.broadcast %jit3A_275 : f32 to vector<16xf32>
    %select_n3A_277 = arith.select %eq3A_274, %get3A_261, %broadcast_in_dim3A_276 : vector<16xi1>, vector<16xf32>
    %add3A_278 = arith.addf %add3A_216, %select_n3A_277 : vector<16xf32>
    %eq3A_279 = arith.constant 2 : i32
    %eq3A_280 = vector.broadcast %eq3A_279 : i32 to vector<16xi32>
    %eq3A_281 = arith.cmpi eq, %get3A_264, %eq3A_280 : vector<16xi32>
    %jit3A_282 = arith.constant 0.000000e+00 : f32
    %broadcast_in_dim3A_283 = vector.broadcast %jit3A_282 : f32 to vector<16xf32>
    %select_n3A_284 = arith.select %eq3A_281, %get3A_261, %broadcast_in_dim3A_283 : vector<16xi1>, vector<16xf32>
    %add3A_285 = arith.addf %add3A_223, %select_n3A_284 : vector<16xf32>
    %eq3A_286 = arith.constant 3 : i32
    %eq3A_287 = vector.broadcast %eq3A_286 : i32 to vector<16xi32>
    %eq3A_288 = arith.cmpi eq, %get3A_264, %eq3A_287 : vector<16xi32>
    %jit3A_289 = arith.constant 0.000000e+00 : f32
    %broadcast_in_dim3A_290 = vector.broadcast %jit3A_289 : f32 to vector<16xf32>
    %select_n3A_291 = arith.select %eq3A_288, %get3A_261, %broadcast_in_dim3A_290 : vector<16xi1>, vector<16xf32>
    %add3A_292 = arith.addf %add3A_230, %select_n3A_291 : vector<16xf32>
    %eq3A_293 = arith.constant 4 : i32
    %eq3A_294 = vector.broadcast %eq3A_293 : i32 to vector<16xi32>
    %eq3A_295 = arith.cmpi eq, %get3A_264, %eq3A_294 : vector<16xi32>
    %jit3A_296 = arith.constant 0.000000e+00 : f32
    %broadcast_in_dim3A_297 = vector.broadcast %jit3A_296 : f32 to vector<16xf32>
    %select_n3A_298 = arith.select %eq3A_295, %get3A_261, %broadcast_in_dim3A_297 : vector<16xi1>, vector<16xf32>
    %add3A_299 = arith.addf %add3A_237, %select_n3A_298 : vector<16xf32>
    %eq3A_300 = arith.constant 5 : i32
    %eq3A_301 = vector.broadcast %eq3A_300 : i32 to vector<16xi32>
    %eq3A_302 = arith.cmpi eq, %get3A_264, %eq3A_301 : vector<16xi32>
    %jit3A_303 = arith.constant 0.000000e+00 : f32
    %broadcast_in_dim3A_304 = vector.broadcast %jit3A_303 : f32 to vector<16xf32>
    %select_n3A_305 = arith.select %eq3A_302, %get3A_261, %broadcast_in_dim3A_304 : vector<16xi1>, vector<16xf32>
    %add3A_306 = arith.addf %add3A_244, %select_n3A_305 : vector<16xf32>
    %eq3A_307 = arith.constant 6 : i32
    %eq3A_308 = vector.broadcast %eq3A_307 : i32 to vector<16xi32>
    %eq3A_309 = arith.cmpi eq, %get3A_264, %eq3A_308 : vector<16xi32>
    %jit3A_310 = arith.constant 0.000000e+00 : f32
    %broadcast_in_dim3A_311 = vector.broadcast %jit3A_310 : f32 to vector<16xf32>
    %select_n3A_312 = arith.select %eq3A_309, %get3A_261, %broadcast_in_dim3A_311 : vector<16xi1>, vector<16xf32>
    %add3A_313 = arith.addf %add3A_251, %select_n3A_312 : vector<16xf32>
    %eq3A_314 = arith.constant 7 : i32
    %eq3A_315 = vector.broadcast %eq3A_314 : i32 to vector<16xi32>
    %eq3A_316 = arith.cmpi eq, %get3A_264, %eq3A_315 : vector<16xi32>
    %jit3A_317 = arith.constant 0.000000e+00 : f32
    %broadcast_in_dim3A_318 = vector.broadcast %jit3A_317 : f32 to vector<16xf32>
    %select_n3A_319 = arith.select %eq3A_316, %get3A_261, %broadcast_in_dim3A_318 : vector<16xi1>, vector<16xf32>
    %add3A_320 = arith.addf %add3A_258, %select_n3A_319 : vector<16xf32>
    %get3A_321 = arith.constant 80 : index
    %get3A_322 = tpu.vector_load %arg5[%get3A_321] {strides = array<i32>} : memref<512xf32, #tpu.memory_space<vmem>>, vector<16xf32>,
    %get3A_323 = vector.shape_cast %get3A_322 : vector<16xf32> to vector<16xf32>
    %get3A_324 = arith.constant 80 : index
    %get3A_325 = tpu.vector_load %arg6[%get3A_324] {strides = array<i32>} : memref<512xi32, #tpu.memory_space<vmem>>, vector<16xi32>,
    %get3A_326 = vector.shape_cast %get3A_325 : vector<16xi32> to vector<16xi32>
    %eq3A_327 = arith.constant 0 : i32
    %eq3A_328 = vector.broadcast %eq3A_327 : i32 to vector<16xi32>
    %eq3A_329 = arith.cmpi eq, %get3A_326, %eq3A_328 : vector<16xi32>
    %jit3A_330 = arith.constant 0.000000e+00 : f32
    %broadcast_in_dim3A_331 = vector.broadcast %jit3A_330 : f32 to vector<16xf32>
    %select_n3A_332 = arith.select %eq3A_329, %get3A_323, %broadcast_in_dim3A_331 : vector<16xi1>, vector<16xf32>
    %add3A_333 = arith.addf %add3A_271, %select_n3A_332 : vector<16xf32>
    %eq3A_334 = arith.constant 1 : i32
    %eq3A_335 = vector.broadcast %eq3A_334 : i32 to vector<16xi32>
    %eq3A_336 = arith.cmpi eq, %get3A_326, %eq3A_335 : vector<16xi32>
    %jit3A_337 = arith.constant 0.000000e+00 : f32
    %broadcast_in_dim3A_338 = vector.broadcast %jit3A_337 : f32 to vector<16xf32>
    %select_n3A_339 = arith.select %eq3A_336, %get3A_323, %broadcast_in_dim3A_338 : vector<16xi1>, vector<16xf32>
    %add3A_340 = arith.addf %add3A_278, %select_n3A_339 : vector<16xf32>
    %eq3A_341 = arith.constant 2 : i32
    %eq3A_342 = vector.broadcast %eq3A_341 : i32 to vector<16xi32>
    %eq3A_343 = arith.cmpi eq, %get3A_326, %eq3A_342 : vector<16xi32>
    %jit3A_344 = arith.constant 0.000000e+00 : f32
    %broadcast_in_dim3A_345 = vector.broadcast %jit3A_344 : f32 to vector<16xf32>
    %select_n3A_346 = arith.select %eq3A_343, %get3A_323, %broadcast_in_dim3A_345 : vector<16xi1>, vector<16xf32>
    %add3A_347 = arith.addf %add3A_285, %select_n3A_346 : vector<16xf32>
    %eq3A_348 = arith.constant 3 : i32
    %eq3A_349 = vector.broadcast %eq3A_348 : i32 to vector<16xi32>
    %eq3A_350 = arith.cmpi eq, %get3A_326, %eq3A_349 : vector<16xi32>
    %jit3A_351 = arith.constant 0.000000e+00 : f32
    %broadcast_in_dim3A_352 = vector.broadcast %jit3A_351 : f32 to vector<16xf32>
    %select_n3A_353 = arith.select %eq3A_350, %get3A_323, %broadcast_in_dim3A_352 : vector<16xi1>, vector<16xf32>
    %add3A_354 = arith.addf %add3A_292, %select_n3A_353 : vector<16xf32>
    %eq3A_355 = arith.constant 4 : i32
    %eq3A_356 = vector.broadcast %eq3A_355 : i32 to vector<16xi32>
    %eq3A_357 = arith.cmpi eq, %get3A_326, %eq3A_356 : vector<16xi32>
    %jit3A_358 = arith.constant 0.000000e+00 : f32
    %broadcast_in_dim3A_359 = vector.broadcast %jit3A_358 : f32 to vector<16xf32>
    %select_n3A_360 = arith.select %eq3A_357, %get3A_323, %broadcast_in_dim3A_359 : vector<16xi1>, vector<16xf32>
    %add3A_361 = arith.addf %add3A_299, %select_n3A_360 : vector<16xf32>
    %eq3A_362 = arith.constant 5 : i32
    %eq3A_363 = vector.broadcast %eq3A_362 : i32 to vector<16xi32>
    %eq3A_364 = arith.cmpi eq, %get3A_326, %eq3A_363 : vector<16xi32>
    %jit3A_365 = arith.constant 0.000000e+00 : f32
    %broadcast_in_dim3A_366 = vector.broadcast %jit3A_365 : f32 to vector<16xf32>
    %select_n3A_367 = arith.select %eq3A_364, %get3A_323, %broadcast_in_dim3A_366 : vector<16xi1>, vector<16xf32>
    %add3A_368 = arith.addf %add3A_306, %select_n3A_367 : vector<16xf32>
    %eq3A_369 = arith.constant 6 : i32
    %eq3A_370 = vector.broadcast %eq3A_369 : i32 to vector<16xi32>
    %eq3A_371 = arith.cmpi eq, %get3A_326, %eq3A_370 : vector<16xi32>
    %jit3A_372 = arith.constant 0.000000e+00 : f32
    %broadcast_in_dim3A_373 = vector.broadcast %jit3A_372 : f32 to vector<16xf32>
    %select_n3A_374 = arith.select %eq3A_371, %get3A_323, %broadcast_in_dim3A_373 : vector<16xi1>, vector<16xf32>
    %add3A_375 = arith.addf %add3A_313, %select_n3A_374 : vector<16xf32>
    %eq3A_376 = arith.constant 7 : i32
    %eq3A_377 = vector.broadcast %eq3A_376 : i32 to vector<16xi32>
    %eq3A_378 = arith.cmpi eq, %get3A_326, %eq3A_377 : vector<16xi32>
    %jit3A_379 = arith.constant 0.000000e+00 : f32
    %broadcast_in_dim3A_380 = vector.broadcast %jit3A_379 : f32 to vector<16xf32>
    %select_n3A_381 = arith.select %eq3A_378, %get3A_323, %broadcast_in_dim3A_380 : vector<16xi1>, vector<16xf32>
    %add3A_382 = arith.addf %add3A_320, %select_n3A_381 : vector<16xf32>
    %get3A_383 = arith.constant 96 : index
    %get3A_384 = tpu.vector_load %arg5[%get3A_383] {strides = array<i32>} : memref<512xf32, #tpu.memory_space<vmem>>, vector<16xf32>,
    %get3A_385 = vector.shape_cast %get3A_384 : vector<16xf32> to vector<16xf32>
    %get3A_386 = arith.constant 96 : index
    %get3A_387 = tpu.vector_load %arg6[%get3A_386] {strides = array<i32>} : memref<512xi32, #tpu.memory_space<vmem>>, vector<16xi32>,
    %get3A_388 = vector.shape_cast %get3A_387 : vector<16xi32> to vector<16xi32>
    %eq3A_389 = arith.constant 0 : i32
    %eq3A_390 = vector.broadcast %eq3A_389 : i32 to vector<16xi32>
    %eq3A_391 = arith.cmpi eq, %get3A_388, %eq3A_390 : vector<16xi32>
    %jit3A_392 = arith.constant 0.000000e+00 : f32
    %broadcast_in_dim3A_393 = vector.broadcast %jit3A_392 : f32 to vector<16xf32>
    %select_n3A_394 = arith.select %eq3A_391, %get3A_385, %broadcast_in_dim3A_393 : vector<16xi1>, vector<16xf32>
    %add3A_395 = arith.addf %add3A_333, %select_n3A_394 : vector<16xf32>
    %eq3A_396 = arith.constant 1 : i32
    %eq3A_397 = vector.broadcast %eq3A_396 : i32 to vector<16xi32>
    %eq3A_398 = arith.cmpi eq, %get3A_388, %eq3A_397 : vector<16xi32>
    %jit3A_399 = arith.constant 0.000000e+00 : f32
    %broadcast_in_dim3A_400 = vector.broadcast %jit3A_399 : f32 to vector<16xf32>
    %select_n3A_401 = arith.select %eq3A_398, %get3A_385, %broadcast_in_dim3A_400 : vector<16xi1>, vector<16xf32>
    %add3A_402 = arith.addf %add3A_340, %select_n3A_401 : vector<16xf32>
    %eq3A_403 = arith.constant 2 : i32
    %eq3A_404 = vector.broadcast %eq3A_403 : i32 to vector<16xi32>
    %eq3A_405 = arith.cmpi eq, %get3A_388, %eq3A_404 : vector<16xi32>
    %jit3A_406 = arith.constant 0.000000e+00 : f32
    %broadcast_in_dim3A_407 = vector.broadcast %jit3A_406 : f32 to vector<16xf32>
    %select_n3A_408 = arith.select %eq3A_405, %get3A_385, %broadcast_in_dim3A_407 : vector<16xi1>, vector<16xf32>
    %add3A_409 = arith.addf %add3A_347, %select_n3A_408 : vector<16xf32>
    %eq3A_410 = arith.constant 3 : i32
    %eq3A_411 = vector.broadcast %eq3A_410 : i32 to vector<16xi32>
    %eq3A_412 = arith.cmpi eq, %get3A_388, %eq3A_411 : vector<16xi32>
    %jit3A_413 = arith.constant 0.000000e+00 : f32
    %broadcast_in_dim3A_414 = vector.broadcast %jit3A_413 : f32 to vector<16xf32>
    %select_n3A_415 = arith.select %eq3A_412, %get3A_385, %broadcast_in_dim3A_414 : vector<16xi1>, vector<16xf32>
    %add3A_416 = arith.addf %add3A_354, %select_n3A_415 : vector<16xf32>
    %eq3A_417 = arith.constant 4 : i32
    %eq3A_418 = vector.broadcast %eq3A_417 : i32 to vector<16xi32>
    %eq3A_419 = arith.cmpi eq, %get3A_388, %eq3A_418 : vector<16xi32>
    %jit3A_420 = arith.constant 0.000000e+00 : f32
    %broadcast_in_dim3A_421 = vector.broadcast %jit3A_420 : f32 to vector<16xf32>
    %select_n3A_422 = arith.select %eq3A_419, %get3A_385, %broadcast_in_dim3A_421 : vector<16xi1>, vector<16xf32>
    %add3A_423 = arith.addf %add3A_361, %select_n3A_422 : vector<16xf32>
    %eq3A_424 = arith.constant 5 : i32
    %eq3A_425 = vector.broadcast %eq3A_424 : i32 to vector<16xi32>
    %eq3A_426 = arith.cmpi eq, %get3A_388, %eq3A_425 : vector<16xi32>
    %jit3A_427 = arith.constant 0.000000e+00 : f32
    %broadcast_in_dim3A_428 = vector.broadcast %jit3A_427 : f32 to vector<16xf32>
    %select_n3A_429 = arith.select %eq3A_426, %get3A_385, %broadcast_in_dim3A_428 : vector<16xi1>, vector<16xf32>
    %add3A_430 = arith.addf %add3A_368, %select_n3A_429 : vector<16xf32>
    %eq3A_431 = arith.constant 6 : i32
    %eq3A_432 = vector.broadcast %eq3A_431 : i32 to vector<16xi32>
    %eq3A_433 = arith.cmpi eq, %get3A_388, %eq3A_432 : vector<16xi32>
    %jit3A_434 = arith.constant 0.000000e+00 : f32
    %broadcast_in_dim3A_435 = vector.broadcast %jit3A_434 : f32 to vector<16xf32>
    %select_n3A_436 = arith.select %eq3A_433, %get3A_385, %broadcast_in_dim3A_435 : vector<16xi1>, vector<16xf32>
    %add3A_437 = arith.addf %add3A_375, %select_n3A_436 : vector<16xf32>
    %eq3A_438 = arith.constant 7 : i32
    %eq3A_439 = vector.broadcast %eq3A_438 : i32 to vector<16xi32>
    %eq3A_440 = arith.cmpi eq, %get3A_388, %eq3A_439 : vector<16xi32>
    %jit3A_441 = arith.constant 0.000000e+00 : f32
    %broadcast_in_dim3A_442 = vector.broadcast %jit3A_441 : f32 to vector<16xf32>
    %select_n3A_443 = arith.select %eq3A_440, %get3A_385, %broadcast_in_dim3A_442 : vector<16xi1>, vector<16xf32>
    %add3A_444 = arith.addf %add3A_382, %select_n3A_443 : vector<16xf32>
    %get3A_445 = arith.constant 112 : index
    %get3A_446 = tpu.vector_load %arg5[%get3A_445] {strides = array<i32>} : memref<512xf32, #tpu.memory_space<vmem>>, vector<16xf32>,
    %get3A_447 = vector.shape_cast %get3A_446 : vector<16xf32> to vector<16xf32>
    %get3A_448 = arith.constant 112 : index
    %get3A_449 = tpu.vector_load %arg6[%get3A_448] {strides = array<i32>} : memref<512xi32, #tpu.memory_space<vmem>>, vector<16xi32>,
    %get3A_450 = vector.shape_cast %get3A_449 : vector<16xi32> to vector<16xi32>
    %eq3A_451 = arith.constant 0 : i32
    %eq3A_452 = vector.broadcast %eq3A_451 : i32 to vector<16xi32>
    %eq3A_453 = arith.cmpi eq, %get3A_450, %eq3A_452 : vector<16xi32>
    %jit3A_454 = arith.constant 0.000000e+00 : f32
    %broadcast_in_dim3A_455 = vector.broadcast %jit3A_454 : f32 to vector<16xf32>
    %select_n3A_456 = arith.select %eq3A_453, %get3A_447, %broadcast_in_dim3A_455 : vector<16xi1>, vector<16xf32>
    %add3A_457 = arith.addf %add3A_395, %select_n3A_456 : vector<16xf32>
    %eq3A_458 = arith.constant 1 : i32
    %eq3A_459 = vector.broadcast %eq3A_458 : i32 to vector<16xi32>
    %eq3A_460 = arith.cmpi eq, %get3A_450, %eq3A_459 : vector<16xi32>
    %jit3A_461 = arith.constant 0.000000e+00 : f32
    %broadcast_in_dim3A_462 = vector.broadcast %jit3A_461 : f32 to vector<16xf32>
    %select_n3A_463 = arith.select %eq3A_460, %get3A_447, %broadcast_in_dim3A_462 : vector<16xi1>, vector<16xf32>
    %add3A_464 = arith.addf %add3A_402, %select_n3A_463 : vector<16xf32>
    %eq3A_465 = arith.constant 2 : i32
    %eq3A_466 = vector.broadcast %eq3A_465 : i32 to vector<16xi32>
    %eq3A_467 = arith.cmpi eq, %get3A_450, %eq3A_466 : vector<16xi32>
    %jit3A_468 = arith.constant 0.000000e+00 : f32
    %broadcast_in_dim3A_469 = vector.broadcast %jit3A_468 : f32 to vector<16xf32>
    %select_n3A_470 = arith.select %eq3A_467, %get3A_447, %broadcast_in_dim3A_469 : vector<16xi1>, vector<16xf32>
    %add3A_471 = arith.addf %add3A_409, %select_n3A_470 : vector<16xf32>
    %eq3A_472 = arith.constant 3 : i32
    %eq3A_473 = vector.broadcast %eq3A_472 : i32 to vector<16xi32>
    %eq3A_474 = arith.cmpi eq, %get3A_450, %eq3A_473 : vector<16xi32>
    %jit3A_475 = arith.constant 0.000000e+00 : f32
    %broadcast_in_dim3A_476 = vector.broadcast %jit3A_475 : f32 to vector<16xf32>
    %select_n3A_477 = arith.select %eq3A_474, %get3A_447, %broadcast_in_dim3A_476 : vector<16xi1>, vector<16xf32>
    %add3A_478 = arith.addf %add3A_416, %select_n3A_477 : vector<16xf32>
    %eq3A_479 = arith.constant 4 : i32
    %eq3A_480 = vector.broadcast %eq3A_479 : i32 to vector<16xi32>
    %eq3A_481 = arith.cmpi eq, %get3A_450, %eq3A_480 : vector<16xi32>
    %jit3A_482 = arith.constant 0.000000e+00 : f32
    %broadcast_in_dim3A_483 = vector.broadcast %jit3A_482 : f32 to vector<16xf32>
    %select_n3A_484 = arith.select %eq3A_481, %get3A_447, %broadcast_in_dim3A_483 : vector<16xi1>, vector<16xf32>
    %add3A_485 = arith.addf %add3A_423, %select_n3A_484 : vector<16xf32>
    %eq3A_486 = arith.constant 5 : i32
    %eq3A_487 = vector.broadcast %eq3A_486 : i32 to vector<16xi32>
    %eq3A_488 = arith.cmpi eq, %get3A_450, %eq3A_487 : vector<16xi32>
    %jit3A_489 = arith.constant 0.000000e+00 : f32
    %broadcast_in_dim3A_490 = vector.broadcast %jit3A_489 : f32 to vector<16xf32>
    %select_n3A_491 = arith.select %eq3A_488, %get3A_447, %broadcast_in_dim3A_490 : vector<16xi1>, vector<16xf32>
    %add3A_492 = arith.addf %add3A_430, %select_n3A_491 : vector<16xf32>
    %eq3A_493 = arith.constant 6 : i32
    %eq3A_494 = vector.broadcast %eq3A_493 : i32 to vector<16xi32>
    %eq3A_495 = arith.cmpi eq, %get3A_450, %eq3A_494 : vector<16xi32>
    %jit3A_496 = arith.constant 0.000000e+00 : f32
    %broadcast_in_dim3A_497 = vector.broadcast %jit3A_496 : f32 to vector<16xf32>
    %select_n3A_498 = arith.select %eq3A_495, %get3A_447, %broadcast_in_dim3A_497 : vector<16xi1>, vector<16xf32>
    %add3A_499 = arith.addf %add3A_437, %select_n3A_498 : vector<16xf32>
    %eq3A_500 = arith.constant 7 : i32
    %eq3A_501 = vector.broadcast %eq3A_500 : i32 to vector<16xi32>
    %eq3A_502 = arith.cmpi eq, %get3A_450, %eq3A_501 : vector<16xi32>
    %jit3A_503 = arith.constant 0.000000e+00 : f32
    %broadcast_in_dim3A_504 = vector.broadcast %jit3A_503 : f32 to vector<16xf32>
    %select_n3A_505 = arith.select %eq3A_502, %get3A_447, %broadcast_in_dim3A_504 : vector<16xi1>, vector<16xf32>
    %add3A_506 = arith.addf %add3A_444, %select_n3A_505 : vector<16xf32>
    %get3A_507 = arith.constant 128 : index
    %get3A_508 = tpu.vector_load %arg5[%get3A_507] {strides = array<i32>} : memref<512xf32, #tpu.memory_space<vmem>>, vector<16xf32>,
    %get3A_509 = vector.shape_cast %get3A_508 : vector<16xf32> to vector<16xf32>
    %get3A_510 = arith.constant 128 : index
    %get3A_511 = tpu.vector_load %arg6[%get3A_510] {strides = array<i32>} : memref<512xi32, #tpu.memory_space<vmem>>, vector<16xi32>,
    %get3A_512 = vector.shape_cast %get3A_511 : vector<16xi32> to vector<16xi32>
    %eq3A_513 = arith.constant 0 : i32
    %eq3A_514 = vector.broadcast %eq3A_513 : i32 to vector<16xi32>
    %eq3A_515 = arith.cmpi eq, %get3A_512, %eq3A_514 : vector<16xi32>
    %jit3A_516 = arith.constant 0.000000e+00 : f32
    %broadcast_in_dim3A_517 = vector.broadcast %jit3A_516 : f32 to vector<16xf32>
    %select_n3A_518 = arith.select %eq3A_515, %get3A_509, %broadcast_in_dim3A_517 : vector<16xi1>, vector<16xf32>
    %add3A_519 = arith.addf %add3A_457, %select_n3A_518 : vector<16xf32>
    %eq3A_520 = arith.constant 1 : i32
    %eq3A_521 = vector.broadcast %eq3A_520 : i32 to vector<16xi32>
    %eq3A_522 = arith.cmpi eq, %get3A_512, %eq3A_521 : vector<16xi32>
    %jit3A_523 = arith.constant 0.000000e+00 : f32
    %broadcast_in_dim3A_524 = vector.broadcast %jit3A_523 : f32 to vector<16xf32>
    %select_n3A_525 = arith.select %eq3A_522, %get3A_509, %broadcast_in_dim3A_524 : vector<16xi1>, vector<16xf32>
    %add3A_526 = arith.addf %add3A_464, %select_n3A_525 : vector<16xf32>
    %eq3A_527 = arith.constant 2 : i32
    %eq3A_528 = vector.broadcast %eq3A_527 : i32 to vector<16xi32>
    %eq3A_529 = arith.cmpi eq, %get3A_512, %eq3A_528 : vector<16xi32>
    %jit3A_530 = arith.constant 0.000000e+00 : f32
    %broadcast_in_dim3A_531 = vector.broadcast %jit3A_530 : f32 to vector<16xf32>
    %select_n3A_532 = arith.select %eq3A_529, %get3A_509, %broadcast_in_dim3A_531 : vector<16xi1>, vector<16xf32>
    %add3A_533 = arith.addf %add3A_471, %select_n3A_532 : vector<16xf32>
    %eq3A_534 = arith.constant 3 : i32
    %eq3A_535 = vector.broadcast %eq3A_534 : i32 to vector<16xi32>
    %eq3A_536 = arith.cmpi eq, %get3A_512, %eq3A_535 : vector<16xi32>
    %jit3A_537 = arith.constant 0.000000e+00 : f32
    %broadcast_in_dim3A_538 = vector.broadcast %jit3A_537 : f32 to vector<16xf32>
    %select_n3A_539 = arith.select %eq3A_536, %get3A_509, %broadcast_in_dim3A_538 : vector<16xi1>, vector<16xf32>
    %add3A_540 = arith.addf %add3A_478, %select_n3A_539 : vector<16xf32>
    %eq3A_541 = arith.constant 4 : i32
    %eq3A_542 = vector.broadcast %eq3A_541 : i32 to vector<16xi32>
    %eq3A_543 = arith.cmpi eq, %get3A_512, %eq3A_542 : vector<16xi32>
    %jit3A_544 = arith.constant 0.000000e+00 : f32
    %broadcast_in_dim3A_545 = vector.broadcast %jit3A_544 : f32 to vector<16xf32>
    %select_n3A_546 = arith.select %eq3A_543, %get3A_509, %broadcast_in_dim3A_545 : vector<16xi1>, vector<16xf32>
    %add3A_547 = arith.addf %add3A_485, %select_n3A_546 : vector<16xf32>
    %eq3A_548 = arith.constant 5 : i32
    %eq3A_549 = vector.broadcast %eq3A_548 : i32 to vector<16xi32>
    %eq3A_550 = arith.cmpi eq, %get3A_512, %eq3A_549 : vector<16xi32>
    %jit3A_551 = arith.constant 0.000000e+00 : f32
    %broadcast_in_dim3A_552 = vector.broadcast %jit3A_551 : f32 to vector<16xf32>
    %select_n3A_553 = arith.select %eq3A_550, %get3A_509, %broadcast_in_dim3A_552 : vector<16xi1>, vector<16xf32>
    %add3A_554 = arith.addf %add3A_492, %select_n3A_553 : vector<16xf32>
    %eq3A_555 = arith.constant 6 : i32
    %eq3A_556 = vector.broadcast %eq3A_555 : i32 to vector<16xi32>
    %eq3A_557 = arith.cmpi eq, %get3A_512, %eq3A_556 : vector<16xi32>
    %jit3A_558 = arith.constant 0.000000e+00 : f32
    %broadcast_in_dim3A_559 = vector.broadcast %jit3A_558 : f32 to vector<16xf32>
    %select_n3A_560 = arith.select %eq3A_557, %get3A_509, %broadcast_in_dim3A_559 : vector<16xi1>, vector<16xf32>
    %add3A_561 = arith.addf %add3A_499, %select_n3A_560 : vector<16xf32>
    %eq3A_562 = arith.constant 7 : i32
    %eq3A_563 = vector.broadcast %eq3A_562 : i32 to vector<16xi32>
    %eq3A_564 = arith.cmpi eq, %get3A_512, %eq3A_563 : vector<16xi32>
    %jit3A_565 = arith.constant 0.000000e+00 : f32
    %broadcast_in_dim3A_566 = vector.broadcast %jit3A_565 : f32 to vector<16xf32>
    %select_n3A_567 = arith.select %eq3A_564, %get3A_509, %broadcast_in_dim3A_566 : vector<16xi1>, vector<16xf32>
    %add3A_568 = arith.addf %add3A_506, %select_n3A_567 : vector<16xf32>
    %get3A_569 = arith.constant 144 : index
    %get3A_570 = tpu.vector_load %arg5[%get3A_569] {strides = array<i32>} : memref<512xf32, #tpu.memory_space<vmem>>, vector<16xf32>,
    %get3A_571 = vector.shape_cast %get3A_570 : vector<16xf32> to vector<16xf32>
    %get3A_572 = arith.constant 144 : index
    %get3A_573 = tpu.vector_load %arg6[%get3A_572] {strides = array<i32>} : memref<512xi32, #tpu.memory_space<vmem>>, vector<16xi32>,
    %get3A_574 = vector.shape_cast %get3A_573 : vector<16xi32> to vector<16xi32>
    %eq3A_575 = arith.constant 0 : i32
    %eq3A_576 = vector.broadcast %eq3A_575 : i32 to vector<16xi32>
    %eq3A_577 = arith.cmpi eq, %get3A_574, %eq3A_576 : vector<16xi32>
    %jit3A_578 = arith.constant 0.000000e+00 : f32
    %broadcast_in_dim3A_579 = vector.broadcast %jit3A_578 : f32 to vector<16xf32>
    %select_n3A_580 = arith.select %eq3A_577, %get3A_571, %broadcast_in_dim3A_579 : vector<16xi1>, vector<16xf32>
    %add3A_581 = arith.addf %add3A_519, %select_n3A_580 : vector<16xf32>
    %eq3A_582 = arith.constant 1 : i32
    %eq3A_583 = vector.broadcast %eq3A_582 : i32 to vector<16xi32>
    %eq3A_584 = arith.cmpi eq, %get3A_574, %eq3A_583 : vector<16xi32>
    %jit3A_585 = arith.constant 0.000000e+00 : f32
    %broadcast_in_dim3A_586 = vector.broadcast %jit3A_585 : f32 to vector<16xf32>
    %select_n3A_587 = arith.select %eq3A_584, %get3A_571, %broadcast_in_dim3A_586 : vector<16xi1>, vector<16xf32>
    %add3A_588 = arith.addf %add3A_526, %select_n3A_587 : vector<16xf32>
    %eq3A_589 = arith.constant 2 : i32
    %eq3A_590 = vector.broadcast %eq3A_589 : i32 to vector<16xi32>
    %eq3A_591 = arith.cmpi eq, %get3A_574, %eq3A_590 : vector<16xi32>
    %jit3A_592 = arith.constant 0.000000e+00 : f32
    %broadcast_in_dim3A_593 = vector.broadcast %jit3A_592 : f32 to vector<16xf32>
    %select_n3A_594 = arith.select %eq3A_591, %get3A_571, %broadcast_in_dim3A_593 : vector<16xi1>, vector<16xf32>
    %add3A_595 = arith.addf %add3A_533, %select_n3A_594 : vector<16xf32>
    %eq3A_596 = arith.constant 3 : i32
    %eq3A_597 = vector.broadcast %eq3A_596 : i32 to vector<16xi32>
    %eq3A_598 = arith.cmpi eq, %get3A_574, %eq3A_597 : vector<16xi32>
    %jit3A_599 = arith.constant 0.000000e+00 : f32
    %broadcast_in_dim3A_600 = vector.broadcast %jit3A_599 : f32 to vector<16xf32>
    %select_n3A_601 = arith.select %eq3A_598, %get3A_571, %broadcast_in_dim3A_600 : vector<16xi1>, vector<16xf32>
    %add3A_602 = arith.addf %add3A_540, %select_n3A_601 : vector<16xf32>
    %eq3A_603 = arith.constant 4 : i32
    %eq3A_604 = vector.broadcast %eq3A_603 : i32 to vector<16xi32>
    %eq3A_605 = arith.cmpi eq, %get3A_574, %eq3A_604 : vector<16xi32>
    %jit3A_606 = arith.constant 0.000000e+00 : f32
    %broadcast_in_dim3A_607 = vector.broadcast %jit3A_606 : f32 to vector<16xf32>
    %select_n3A_608 = arith.select %eq3A_605, %get3A_571, %broadcast_in_dim3A_607 : vector<16xi1>, vector<16xf32>
    %add3A_609 = arith.addf %add3A_547, %select_n3A_608 : vector<16xf32>
    %eq3A_610 = arith.constant 5 : i32
    %eq3A_611 = vector.broadcast %eq3A_610 : i32 to vector<16xi32>
    %eq3A_612 = arith.cmpi eq, %get3A_574, %eq3A_611 : vector<16xi32>
    %jit3A_613 = arith.constant 0.000000e+00 : f32
    %broadcast_in_dim3A_614 = vector.broadcast %jit3A_613 : f32 to vector<16xf32>
    %select_n3A_615 = arith.select %eq3A_612, %get3A_571, %broadcast_in_dim3A_614 : vector<16xi1>, vector<16xf32>
    %add3A_616 = arith.addf %add3A_554, %select_n3A_615 : vector<16xf32>
    %eq3A_617 = arith.constant 6 : i32
    %eq3A_618 = vector.broadcast %eq3A_617 : i32 to vector<16xi32>
    %eq3A_619 = arith.cmpi eq, %get3A_574, %eq3A_618 : vector<16xi32>
    %jit3A_620 = arith.constant 0.000000e+00 : f32
    %broadcast_in_dim3A_621 = vector.broadcast %jit3A_620 : f32 to vector<16xf32>
    %select_n3A_622 = arith.select %eq3A_619, %get3A_571, %broadcast_in_dim3A_621 : vector<16xi1>, vector<16xf32>
    %add3A_623 = arith.addf %add3A_561, %select_n3A_622 : vector<16xf32>
    %eq3A_624 = arith.constant 7 : i32
    %eq3A_625 = vector.broadcast %eq3A_624 : i32 to vector<16xi32>
    %eq3A_626 = arith.cmpi eq, %get3A_574, %eq3A_625 : vector<16xi32>
    %jit3A_627 = arith.constant 0.000000e+00 : f32
    %broadcast_in_dim3A_628 = vector.broadcast %jit3A_627 : f32 to vector<16xf32>
    %select_n3A_629 = arith.select %eq3A_626, %get3A_571, %broadcast_in_dim3A_628 : vector<16xi1>, vector<16xf32>
    %add3A_630 = arith.addf %add3A_568, %select_n3A_629 : vector<16xf32>
    %get3A_631 = arith.constant 160 : index
    %get3A_632 = tpu.vector_load %arg5[%get3A_631] {strides = array<i32>} : memref<512xf32, #tpu.memory_space<vmem>>, vector<16xf32>,
    %get3A_633 = vector.shape_cast %get3A_632 : vector<16xf32> to vector<16xf32>
    %get3A_634 = arith.constant 160 : index
    %get3A_635 = tpu.vector_load %arg6[%get3A_634] {strides = array<i32>} : memref<512xi32, #tpu.memory_space<vmem>>, vector<16xi32>,
    %get3A_636 = vector.shape_cast %get3A_635 : vector<16xi32> to vector<16xi32>
    %eq3A_637 = arith.constant 0 : i32
    %eq3A_638 = vector.broadcast %eq3A_637 : i32 to vector<16xi32>
    %eq3A_639 = arith.cmpi eq, %get3A_636, %eq3A_638 : vector<16xi32>
    %jit3A_640 = arith.constant 0.000000e+00 : f32
    %broadcast_in_dim3A_641 = vector.broadcast %jit3A_640 : f32 to vector<16xf32>
    %select_n3A_642 = arith.select %eq3A_639, %get3A_633, %broadcast_in_dim3A_641 : vector<16xi1>, vector<16xf32>
    %add3A_643 = arith.addf %add3A_581, %select_n3A_642 : vector<16xf32>
    %eq3A_644 = arith.constant 1 : i32
    %eq3A_645 = vector.broadcast %eq3A_644 : i32 to vector<16xi32>
    %eq3A_646 = arith.cmpi eq, %get3A_636, %eq3A_645 : vector<16xi32>
    %jit3A_647 = arith.constant 0.000000e+00 : f32
    %broadcast_in_dim3A_648 = vector.broadcast %jit3A_647 : f32 to vector<16xf32>
    %select_n3A_649 = arith.select %eq3A_646, %get3A_633, %broadcast_in_dim3A_648 : vector<16xi1>, vector<16xf32>
    %add3A_650 = arith.addf %add3A_588, %select_n3A_649 : vector<16xf32>
    %eq3A_651 = arith.constant 2 : i32
    %eq3A_652 = vector.broadcast %eq3A_651 : i32 to vector<16xi32>
    %eq3A_653 = arith.cmpi eq, %get3A_636, %eq3A_652 : vector<16xi32>
    %jit3A_654 = arith.constant 0.000000e+00 : f32
    %broadcast_in_dim3A_655 = vector.broadcast %jit3A_654 : f32 to vector<16xf32>
    %select_n3A_656 = arith.select %eq3A_653, %get3A_633, %broadcast_in_dim3A_655 : vector<16xi1>, vector<16xf32>
    %add3A_657 = arith.addf %add3A_595, %select_n3A_656 : vector<16xf32>
    %eq3A_658 = arith.constant 3 : i32
    %eq3A_659 = vector.broadcast %eq3A_658 : i32 to vector<16xi32>
    %eq3A_660 = arith.cmpi eq, %get3A_636, %eq3A_659 : vector<16xi32>
    %jit3A_661 = arith.constant 0.000000e+00 : f32
    %broadcast_in_dim3A_662 = vector.broadcast %jit3A_661 : f32 to vector<16xf32>
    %select_n3A_663 = arith.select %eq3A_660, %get3A_633, %broadcast_in_dim3A_662 : vector<16xi1>, vector<16xf32>
    %add3A_664 = arith.addf %add3A_602, %select_n3A_663 : vector<16xf32>
    %eq3A_665 = arith.constant 4 : i32
    %eq3A_666 = vector.broadcast %eq3A_665 : i32 to vector<16xi32>
    %eq3A_667 = arith.cmpi eq, %get3A_636, %eq3A_666 : vector<16xi32>
    %jit3A_668 = arith.constant 0.000000e+00 : f32
    %broadcast_in_dim3A_669 = vector.broadcast %jit3A_668 : f32 to vector<16xf32>
    %select_n3A_670 = arith.select %eq3A_667, %get3A_633, %broadcast_in_dim3A_669 : vector<16xi1>, vector<16xf32>
    %add3A_671 = arith.addf %add3A_609, %select_n3A_670 : vector<16xf32>
    %eq3A_672 = arith.constant 5 : i32
    %eq3A_673 = vector.broadcast %eq3A_672 : i32 to vector<16xi32>
    %eq3A_674 = arith.cmpi eq, %get3A_636, %eq3A_673 : vector<16xi32>
    %jit3A_675 = arith.constant 0.000000e+00 : f32
    %broadcast_in_dim3A_676 = vector.broadcast %jit3A_675 : f32 to vector<16xf32>
    %select_n3A_677 = arith.select %eq3A_674, %get3A_633, %broadcast_in_dim3A_676 : vector<16xi1>, vector<16xf32>
    %add3A_678 = arith.addf %add3A_616, %select_n3A_677 : vector<16xf32>
    %eq3A_679 = arith.constant 6 : i32
    %eq3A_680 = vector.broadcast %eq3A_679 : i32 to vector<16xi32>
    %eq3A_681 = arith.cmpi eq, %get3A_636, %eq3A_680 : vector<16xi32>
    %jit3A_682 = arith.constant 0.000000e+00 : f32
    %broadcast_in_dim3A_683 = vector.broadcast %jit3A_682 : f32 to vector<16xf32>
    %select_n3A_684 = arith.select %eq3A_681, %get3A_633, %broadcast_in_dim3A_683 : vector<16xi1>, vector<16xf32>
    %add3A_685 = arith.addf %add3A_623, %select_n3A_684 : vector<16xf32>
    %eq3A_686 = arith.constant 7 : i32
    %eq3A_687 = vector.broadcast %eq3A_686 : i32 to vector<16xi32>
    %eq3A_688 = arith.cmpi eq, %get3A_636, %eq3A_687 : vector<16xi32>
    %jit3A_689 = arith.constant 0.000000e+00 : f32
    %broadcast_in_dim3A_690 = vector.broadcast %jit3A_689 : f32 to vector<16xf32>
    %select_n3A_691 = arith.select %eq3A_688, %get3A_633, %broadcast_in_dim3A_690 : vector<16xi1>, vector<16xf32>
    %add3A_692 = arith.addf %add3A_630, %select_n3A_691 : vector<16xf32>
    %get3A_693 = arith.constant 176 : index
    %get3A_694 = tpu.vector_load %arg5[%get3A_693] {strides = array<i32>} : memref<512xf32, #tpu.memory_space<vmem>>, vector<16xf32>,
    %get3A_695 = vector.shape_cast %get3A_694 : vector<16xf32> to vector<16xf32>
    %get3A_696 = arith.constant 176 : index
    %get3A_697 = tpu.vector_load %arg6[%get3A_696] {strides = array<i32>} : memref<512xi32, #tpu.memory_space<vmem>>, vector<16xi32>,
    %get3A_698 = vector.shape_cast %get3A_697 : vector<16xi32> to vector<16xi32>
    %eq3A_699 = arith.constant 0 : i32
    %eq3A_700 = vector.broadcast %eq3A_699 : i32 to vector<16xi32>
    %eq3A_701 = arith.cmpi eq, %get3A_698, %eq3A_700 : vector<16xi32>
    %jit3A_702 = arith.constant 0.000000e+00 : f32
    %broadcast_in_dim3A_703 = vector.broadcast %jit3A_702 : f32 to vector<16xf32>
    %select_n3A_704 = arith.select %eq3A_701, %get3A_695, %broadcast_in_dim3A_703 : vector<16xi1>, vector<16xf32>
    %add3A_705 = arith.addf %add3A_643, %select_n3A_704 : vector<16xf32>
    %eq3A_706 = arith.constant 1 : i32
    %eq3A_707 = vector.broadcast %eq3A_706 : i32 to vector<16xi32>
    %eq3A_708 = arith.cmpi eq, %get3A_698, %eq3A_707 : vector<16xi32>
    %jit3A_709 = arith.constant 0.000000e+00 : f32
    %broadcast_in_dim3A_710 = vector.broadcast %jit3A_709 : f32 to vector<16xf32>
    %select_n3A_711 = arith.select %eq3A_708, %get3A_695, %broadcast_in_dim3A_710 : vector<16xi1>, vector<16xf32>
    %add3A_712 = arith.addf %add3A_650, %select_n3A_711 : vector<16xf32>
    %eq3A_713 = arith.constant 2 : i32
    %eq3A_714 = vector.broadcast %eq3A_713 : i32 to vector<16xi32>
    %eq3A_715 = arith.cmpi eq, %get3A_698, %eq3A_714 : vector<16xi32>
    %jit3A_716 = arith.constant 0.000000e+00 : f32
    %broadcast_in_dim3A_717 = vector.broadcast %jit3A_716 : f32 to vector<16xf32>
    %select_n3A_718 = arith.select %eq3A_715, %get3A_695, %broadcast_in_dim3A_717 : vector<16xi1>, vector<16xf32>
    %add3A_719 = arith.addf %add3A_657, %select_n3A_718 : vector<16xf32>
    %eq3A_720 = arith.constant 3 : i32
    %eq3A_721 = vector.broadcast %eq3A_720 : i32 to vector<16xi32>
    %eq3A_722 = arith.cmpi eq, %get3A_698, %eq3A_721 : vector<16xi32>
    %jit3A_723 = arith.constant 0.000000e+00 : f32
    %broadcast_in_dim3A_724 = vector.broadcast %jit3A_723 : f32 to vector<16xf32>
    %select_n3A_725 = arith.select %eq3A_722, %get3A_695, %broadcast_in_dim3A_724 : vector<16xi1>, vector<16xf32>
    %add3A_726 = arith.addf %add3A_664, %select_n3A_725 : vector<16xf32>
    %eq3A_727 = arith.constant 4 : i32
    %eq3A_728 = vector.broadcast %eq3A_727 : i32 to vector<16xi32>
    %eq3A_729 = arith.cmpi eq, %get3A_698, %eq3A_728 : vector<16xi32>
    %jit3A_730 = arith.constant 0.000000e+00 : f32
    %broadcast_in_dim3A_731 = vector.broadcast %jit3A_730 : f32 to vector<16xf32>
    %select_n3A_732 = arith.select %eq3A_729, %get3A_695, %broadcast_in_dim3A_731 : vector<16xi1>, vector<16xf32>
    %add3A_733 = arith.addf %add3A_671, %select_n3A_732 : vector<16xf32>
    %eq3A_734 = arith.constant 5 : i32
    %eq3A_735 = vector.broadcast %eq3A_734 : i32 to vector<16xi32>
    %eq3A_736 = arith.cmpi eq, %get3A_698, %eq3A_735 : vector<16xi32>
    %jit3A_737 = arith.constant 0.000000e+00 : f32
    %broadcast_in_dim3A_738 = vector.broadcast %jit3A_737 : f32 to vector<16xf32>
    %select_n3A_739 = arith.select %eq3A_736, %get3A_695, %broadcast_in_dim3A_738 : vector<16xi1>, vector<16xf32>
    %add3A_740 = arith.addf %add3A_678, %select_n3A_739 : vector<16xf32>
    %eq3A_741 = arith.constant 6 : i32
    %eq3A_742 = vector.broadcast %eq3A_741 : i32 to vector<16xi32>
    %eq3A_743 = arith.cmpi eq, %get3A_698, %eq3A_742 : vector<16xi32>
    %jit3A_744 = arith.constant 0.000000e+00 : f32
    %broadcast_in_dim3A_745 = vector.broadcast %jit3A_744 : f32 to vector<16xf32>
    %select_n3A_746 = arith.select %eq3A_743, %get3A_695, %broadcast_in_dim3A_745 : vector<16xi1>, vector<16xf32>
    %add3A_747 = arith.addf %add3A_685, %select_n3A_746 : vector<16xf32>
    %eq3A_748 = arith.constant 7 : i32
    %eq3A_749 = vector.broadcast %eq3A_748 : i32 to vector<16xi32>
    %eq3A_750 = arith.cmpi eq, %get3A_698, %eq3A_749 : vector<16xi32>
    %jit3A_751 = arith.constant 0.000000e+00 : f32
    %broadcast_in_dim3A_752 = vector.broadcast %jit3A_751 : f32 to vector<16xf32>
    %select_n3A_753 = arith.select %eq3A_750, %get3A_695, %broadcast_in_dim3A_752 : vector<16xi1>, vector<16xf32>
    %add3A_754 = arith.addf %add3A_692, %select_n3A_753 : vector<16xf32>
    %get3A_755 = arith.constant 192 : index
    %get3A_756 = tpu.vector_load %arg5[%get3A_755] {strides = array<i32>} : memref<512xf32, #tpu.memory_space<vmem>>, vector<16xf32>,
    %get3A_757 = vector.shape_cast %get3A_756 : vector<16xf32> to vector<16xf32>
    %get3A_758 = arith.constant 192 : index
    %get3A_759 = tpu.vector_load %arg6[%get3A_758] {strides = array<i32>} : memref<512xi32, #tpu.memory_space<vmem>>, vector<16xi32>,
    %get3A_760 = vector.shape_cast %get3A_759 : vector<16xi32> to vector<16xi32>
    %eq3A_761 = arith.constant 0 : i32
    %eq3A_762 = vector.broadcast %eq3A_761 : i32 to vector<16xi32>
    %eq3A_763 = arith.cmpi eq, %get3A_760, %eq3A_762 : vector<16xi32>
    %jit3A_764 = arith.constant 0.000000e+00 : f32
    %broadcast_in_dim3A_765 = vector.broadcast %jit3A_764 : f32 to vector<16xf32>
    %select_n3A_766 = arith.select %eq3A_763, %get3A_757, %broadcast_in_dim3A_765 : vector<16xi1>, vector<16xf32>
    %add3A_767 = arith.addf %add3A_705, %select_n3A_766 : vector<16xf32>
    %eq3A_768 = arith.constant 1 : i32
    %eq3A_769 = vector.broadcast %eq3A_768 : i32 to vector<16xi32>
    %eq3A_770 = arith.cmpi eq, %get3A_760, %eq3A_769 : vector<16xi32>
    %jit3A_771 = arith.constant 0.000000e+00 : f32
    %broadcast_in_dim3A_772 = vector.broadcast %jit3A_771 : f32 to vector<16xf32>
    %select_n3A_773 = arith.select %eq3A_770, %get3A_757, %broadcast_in_dim3A_772 : vector<16xi1>, vector<16xf32>
    %add3A_774 = arith.addf %add3A_712, %select_n3A_773 : vector<16xf32>
    %eq3A_775 = arith.constant 2 : i32
    %eq3A_776 = vector.broadcast %eq3A_775 : i32 to vector<16xi32>
    %eq3A_777 = arith.cmpi eq, %get3A_760, %eq3A_776 : vector<16xi32>
    %jit3A_778 = arith.constant 0.000000e+00 : f32
    %broadcast_in_dim3A_779 = vector.broadcast %jit3A_778 : f32 to vector<16xf32>
    %select_n3A_780 = arith.select %eq3A_777, %get3A_757, %broadcast_in_dim3A_779 : vector<16xi1>, vector<16xf32>
    %add3A_781 = arith.addf %add3A_719, %select_n3A_780 : vector<16xf32>
    %eq3A_782 = arith.constant 3 : i32
    %eq3A_783 = vector.broadcast %eq3A_782 : i32 to vector<16xi32>
    %eq3A_784 = arith.cmpi eq, %get3A_760, %eq3A_783 : vector<16xi32>
    %jit3A_785 = arith.constant 0.000000e+00 : f32
    %broadcast_in_dim3A_786 = vector.broadcast %jit3A_785 : f32 to vector<16xf32>
    %select_n3A_787 = arith.select %eq3A_784, %get3A_757, %broadcast_in_dim3A_786 : vector<16xi1>, vector<16xf32>
    %add3A_788 = arith.addf %add3A_726, %select_n3A_787 : vector<16xf32>
    %eq3A_789 = arith.constant 4 : i32
    %eq3A_790 = vector.broadcast %eq3A_789 : i32 to vector<16xi32>
    %eq3A_791 = arith.cmpi eq, %get3A_760, %eq3A_790 : vector<16xi32>
    %jit3A_792 = arith.constant 0.000000e+00 : f32
    %broadcast_in_dim3A_793 = vector.broadcast %jit3A_792 : f32 to vector<16xf32>
    %select_n3A_794 = arith.select %eq3A_791, %get3A_757, %broadcast_in_dim3A_793 : vector<16xi1>, vector<16xf32>
    %add3A_795 = arith.addf %add3A_733, %select_n3A_794 : vector<16xf32>
    %eq3A_796 = arith.constant 5 : i32
    %eq3A_797 = vector.broadcast %eq3A_796 : i32 to vector<16xi32>
    %eq3A_798 = arith.cmpi eq, %get3A_760, %eq3A_797 : vector<16xi32>
    %jit3A_799 = arith.constant 0.000000e+00 : f32
    %broadcast_in_dim3A_800 = vector.broadcast %jit3A_799 : f32 to vector<16xf32>
    %select_n3A_801 = arith.select %eq3A_798, %get3A_757, %broadcast_in_dim3A_800 : vector<16xi1>, vector<16xf32>
    %add3A_802 = arith.addf %add3A_740, %select_n3A_801 : vector<16xf32>
    %eq3A_803 = arith.constant 6 : i32
    %eq3A_804 = vector.broadcast %eq3A_803 : i32 to vector<16xi32>
    %eq3A_805 = arith.cmpi eq, %get3A_760, %eq3A_804 : vector<16xi32>
    %jit3A_806 = arith.constant 0.000000e+00 : f32
    %broadcast_in_dim3A_807 = vector.broadcast %jit3A_806 : f32 to vector<16xf32>
    %select_n3A_808 = arith.select %eq3A_805, %get3A_757, %broadcast_in_dim3A_807 : vector<16xi1>, vector<16xf32>
    %add3A_809 = arith.addf %add3A_747, %select_n3A_808 : vector<16xf32>
    %eq3A_810 = arith.constant 7 : i32
    %eq3A_811 = vector.broadcast %eq3A_810 : i32 to vector<16xi32>
    %eq3A_812 = arith.cmpi eq, %get3A_760, %eq3A_811 : vector<16xi32>
    %jit3A_813 = arith.constant 0.000000e+00 : f32
    %broadcast_in_dim3A_814 = vector.broadcast %jit3A_813 : f32 to vector<16xf32>
    %select_n3A_815 = arith.select %eq3A_812, %get3A_757, %broadcast_in_dim3A_814 : vector<16xi1>, vector<16xf32>
    %add3A_816 = arith.addf %add3A_754, %select_n3A_815 : vector<16xf32>
    %get3A_817 = arith.constant 208 : index
    %get3A_818 = tpu.vector_load %arg5[%get3A_817] {strides = array<i32>} : memref<512xf32, #tpu.memory_space<vmem>>, vector<16xf32>,
    %get3A_819 = vector.shape_cast %get3A_818 : vector<16xf32> to vector<16xf32>
    %get3A_820 = arith.constant 208 : index
    %get3A_821 = tpu.vector_load %arg6[%get3A_820] {strides = array<i32>} : memref<512xi32, #tpu.memory_space<vmem>>, vector<16xi32>,
    %get3A_822 = vector.shape_cast %get3A_821 : vector<16xi32> to vector<16xi32>
    %eq3A_823 = arith.constant 0 : i32
    %eq3A_824 = vector.broadcast %eq3A_823 : i32 to vector<16xi32>
    %eq3A_825 = arith.cmpi eq, %get3A_822, %eq3A_824 : vector<16xi32>
    %jit3A_826 = arith.constant 0.000000e+00 : f32
    %broadcast_in_dim3A_827 = vector.broadcast %jit3A_826 : f32 to vector<16xf32>
    %select_n3A_828 = arith.select %eq3A_825, %get3A_819, %broadcast_in_dim3A_827 : vector<16xi1>, vector<16xf32>
    %add3A_829 = arith.addf %add3A_767, %select_n3A_828 : vector<16xf32>
    %eq3A_830 = arith.constant 1 : i32
    %eq3A_831 = vector.broadcast %eq3A_830 : i32 to vector<16xi32>
    %eq3A_832 = arith.cmpi eq, %get3A_822, %eq3A_831 : vector<16xi32>
    %jit3A_833 = arith.constant 0.000000e+00 : f32
    %broadcast_in_dim3A_834 = vector.broadcast %jit3A_833 : f32 to vector<16xf32>
    %select_n3A_835 = arith.select %eq3A_832, %get3A_819, %broadcast_in_dim3A_834 : vector<16xi1>, vector<16xf32>
    %add3A_836 = arith.addf %add3A_774, %select_n3A_835 : vector<16xf32>
    %eq3A_837 = arith.constant 2 : i32
    %eq3A_838 = vector.broadcast %eq3A_837 : i32 to vector<16xi32>
    %eq3A_839 = arith.cmpi eq, %get3A_822, %eq3A_838 : vector<16xi32>
    %jit3A_840 = arith.constant 0.000000e+00 : f32
    %broadcast_in_dim3A_841 = vector.broadcast %jit3A_840 : f32 to vector<16xf32>
    %select_n3A_842 = arith.select %eq3A_839, %get3A_819, %broadcast_in_dim3A_841 : vector<16xi1>, vector<16xf32>
    %add3A_843 = arith.addf %add3A_781, %select_n3A_842 : vector<16xf32>
    %eq3A_844 = arith.constant 3 : i32
    %eq3A_845 = vector.broadcast %eq3A_844 : i32 to vector<16xi32>
    %eq3A_846 = arith.cmpi eq, %get3A_822, %eq3A_845 : vector<16xi32>
    %jit3A_847 = arith.constant 0.000000e+00 : f32
    %broadcast_in_dim3A_848 = vector.broadcast %jit3A_847 : f32 to vector<16xf32>
    %select_n3A_849 = arith.select %eq3A_846, %get3A_819, %broadcast_in_dim3A_848 : vector<16xi1>, vector<16xf32>
    %add3A_850 = arith.addf %add3A_788, %select_n3A_849 : vector<16xf32>
    %eq3A_851 = arith.constant 4 : i32
    %eq3A_852 = vector.broadcast %eq3A_851 : i32 to vector<16xi32>
    %eq3A_853 = arith.cmpi eq, %get3A_822, %eq3A_852 : vector<16xi32>
    %jit3A_854 = arith.constant 0.000000e+00 : f32
    %broadcast_in_dim3A_855 = vector.broadcast %jit3A_854 : f32 to vector<16xf32>
    %select_n3A_856 = arith.select %eq3A_853, %get3A_819, %broadcast_in_dim3A_855 : vector<16xi1>, vector<16xf32>
    %add3A_857 = arith.addf %add3A_795, %select_n3A_856 : vector<16xf32>
    %eq3A_858 = arith.constant 5 : i32
    %eq3A_859 = vector.broadcast %eq3A_858 : i32 to vector<16xi32>
    %eq3A_860 = arith.cmpi eq, %get3A_822, %eq3A_859 : vector<16xi32>
    %jit3A_861 = arith.constant 0.000000e+00 : f32
    %broadcast_in_dim3A_862 = vector.broadcast %jit3A_861 : f32 to vector<16xf32>
    %select_n3A_863 = arith.select %eq3A_860, %get3A_819, %broadcast_in_dim3A_862 : vector<16xi1>, vector<16xf32>
    %add3A_864 = arith.addf %add3A_802, %select_n3A_863 : vector<16xf32>
    %eq3A_865 = arith.constant 6 : i32
    %eq3A_866 = vector.broadcast %eq3A_865 : i32 to vector<16xi32>
    %eq3A_867 = arith.cmpi eq, %get3A_822, %eq3A_866 : vector<16xi32>
    %jit3A_868 = arith.constant 0.000000e+00 : f32
    %broadcast_in_dim3A_869 = vector.broadcast %jit3A_868 : f32 to vector<16xf32>
    %select_n3A_870 = arith.select %eq3A_867, %get3A_819, %broadcast_in_dim3A_869 : vector<16xi1>, vector<16xf32>
    %add3A_871 = arith.addf %add3A_809, %select_n3A_870 : vector<16xf32>
    %eq3A_872 = arith.constant 7 : i32
    %eq3A_873 = vector.broadcast %eq3A_872 : i32 to vector<16xi32>
    %eq3A_874 = arith.cmpi eq, %get3A_822, %eq3A_873 : vector<16xi32>
    %jit3A_875 = arith.constant 0.000000e+00 : f32
    %broadcast_in_dim3A_876 = vector.broadcast %jit3A_875 : f32 to vector<16xf32>
    %select_n3A_877 = arith.select %eq3A_874, %get3A_819, %broadcast_in_dim3A_876 : vector<16xi1>, vector<16xf32>
    %add3A_878 = arith.addf %add3A_816, %select_n3A_877 : vector<16xf32>
    %get3A_879 = arith.constant 224 : index
    %get3A_880 = tpu.vector_load %arg5[%get3A_879] {strides = array<i32>} : memref<512xf32, #tpu.memory_space<vmem>>, vector<16xf32>,
    %get3A_881 = vector.shape_cast %get3A_880 : vector<16xf32> to vector<16xf32>
    %get3A_882 = arith.constant 224 : index
    %get3A_883 = tpu.vector_load %arg6[%get3A_882] {strides = array<i32>} : memref<512xi32, #tpu.memory_space<vmem>>, vector<16xi32>,
    %get3A_884 = vector.shape_cast %get3A_883 : vector<16xi32> to vector<16xi32>
    %eq3A_885 = arith.constant 0 : i32
    %eq3A_886 = vector.broadcast %eq3A_885 : i32 to vector<16xi32>
    %eq3A_887 = arith.cmpi eq, %get3A_884, %eq3A_886 : vector<16xi32>
    %jit3A_888 = arith.constant 0.000000e+00 : f32
    %broadcast_in_dim3A_889 = vector.broadcast %jit3A_888 : f32 to vector<16xf32>
    %select_n3A_890 = arith.select %eq3A_887, %get3A_881, %broadcast_in_dim3A_889 : vector<16xi1>, vector<16xf32>
    %add3A_891 = arith.addf %add3A_829, %select_n3A_890 : vector<16xf32>
    %eq3A_892 = arith.constant 1 : i32
    %eq3A_893 = vector.broadcast %eq3A_892 : i32 to vector<16xi32>
    %eq3A_894 = arith.cmpi eq, %get3A_884, %eq3A_893 : vector<16xi32>
    %jit3A_895 = arith.constant 0.000000e+00 : f32
    %broadcast_in_dim3A_896 = vector.broadcast %jit3A_895 : f32 to vector<16xf32>
    %select_n3A_897 = arith.select %eq3A_894, %get3A_881, %broadcast_in_dim3A_896 : vector<16xi1>, vector<16xf32>
    %add3A_898 = arith.addf %add3A_836, %select_n3A_897 : vector<16xf32>
    %eq3A_899 = arith.constant 2 : i32
    %eq3A_900 = vector.broadcast %eq3A_899 : i32 to vector<16xi32>
    %eq3A_901 = arith.cmpi eq, %get3A_884, %eq3A_900 : vector<16xi32>
    %jit3A_902 = arith.constant 0.000000e+00 : f32
    %broadcast_in_dim3A_903 = vector.broadcast %jit3A_902 : f32 to vector<16xf32>
    %select_n3A_904 = arith.select %eq3A_901, %get3A_881, %broadcast_in_dim3A_903 : vector<16xi1>, vector<16xf32>
    %add3A_905 = arith.addf %add3A_843, %select_n3A_904 : vector<16xf32>
    %eq3A_906 = arith.constant 3 : i32
    %eq3A_907 = vector.broadcast %eq3A_906 : i32 to vector<16xi32>
    %eq3A_908 = arith.cmpi eq, %get3A_884, %eq3A_907 : vector<16xi32>
    %jit3A_909 = arith.constant 0.000000e+00 : f32
    %broadcast_in_dim3A_910 = vector.broadcast %jit3A_909 : f32 to vector<16xf32>
    %select_n3A_911 = arith.select %eq3A_908, %get3A_881, %broadcast_in_dim3A_910 : vector<16xi1>, vector<16xf32>
    %add3A_912 = arith.addf %add3A_850, %select_n3A_911 : vector<16xf32>
    %eq3A_913 = arith.constant 4 : i32
    %eq3A_914 = vector.broadcast %eq3A_913 : i32 to vector<16xi32>
    %eq3A_915 = arith.cmpi eq, %get3A_884, %eq3A_914 : vector<16xi32>
    %jit3A_916 = arith.constant 0.000000e+00 : f32
    %broadcast_in_dim3A_917 = vector.broadcast %jit3A_916 : f32 to vector<16xf32>
    %select_n3A_918 = arith.select %eq3A_915, %get3A_881, %broadcast_in_dim3A_917 : vector<16xi1>, vector<16xf32>
    %add3A_919 = arith.addf %add3A_857, %select_n3A_918 : vector<16xf32>
    %eq3A_920 = arith.constant 5 : i32
    %eq3A_921 = vector.broadcast %eq3A_920 : i32 to vector<16xi32>
    %eq3A_922 = arith.cmpi eq, %get3A_884, %eq3A_921 : vector<16xi32>
    %jit3A_923 = arith.constant 0.000000e+00 : f32
    %broadcast_in_dim3A_924 = vector.broadcast %jit3A_923 : f32 to vector<16xf32>
    %select_n3A_925 = arith.select %eq3A_922, %get3A_881, %broadcast_in_dim3A_924 : vector<16xi1>, vector<16xf32>
    %add3A_926 = arith.addf %add3A_864, %select_n3A_925 : vector<16xf32>
    %eq3A_927 = arith.constant 6 : i32
    %eq3A_928 = vector.broadcast %eq3A_927 : i32 to vector<16xi32>
    %eq3A_929 = arith.cmpi eq, %get3A_884, %eq3A_928 : vector<16xi32>
    %jit3A_930 = arith.constant 0.000000e+00 : f32
    %broadcast_in_dim3A_931 = vector.broadcast %jit3A_930 : f32 to vector<16xf32>
    %select_n3A_932 = arith.select %eq3A_929, %get3A_881, %broadcast_in_dim3A_931 : vector<16xi1>, vector<16xf32>
    %add3A_933 = arith.addf %add3A_871, %select_n3A_932 : vector<16xf32>
    %eq3A_934 = arith.constant 7 : i32
    %eq3A_935 = vector.broadcast %eq3A_934 : i32 to vector<16xi32>
    %eq3A_936 = arith.cmpi eq, %get3A_884, %eq3A_935 : vector<16xi32>
    %jit3A_937 = arith.constant 0.000000e+00 : f32
    %broadcast_in_dim3A_938 = vector.broadcast %jit3A_937 : f32 to vector<16xf32>
    %select_n3A_939 = arith.select %eq3A_936, %get3A_881, %broadcast_in_dim3A_938 : vector<16xi1>, vector<16xf32>
    %add3A_940 = arith.addf %add3A_878, %select_n3A_939 : vector<16xf32>
    %get3A_941 = arith.constant 240 : index
    %get3A_942 = tpu.vector_load %arg5[%get3A_941] {strides = array<i32>} : memref<512xf32, #tpu.memory_space<vmem>>, vector<16xf32>,
    %get3A_943 = vector.shape_cast %get3A_942 : vector<16xf32> to vector<16xf32>
    %get3A_944 = arith.constant 240 : index
    %get3A_945 = tpu.vector_load %arg6[%get3A_944] {strides = array<i32>} : memref<512xi32, #tpu.memory_space<vmem>>, vector<16xi32>,
    %get3A_946 = vector.shape_cast %get3A_945 : vector<16xi32> to vector<16xi32>
    %eq3A_947 = arith.constant 0 : i32
    %eq3A_948 = vector.broadcast %eq3A_947 : i32 to vector<16xi32>
    %eq3A_949 = arith.cmpi eq, %get3A_946, %eq3A_948 : vector<16xi32>
    %jit3A_950 = arith.constant 0.000000e+00 : f32
    %broadcast_in_dim3A_951 = vector.broadcast %jit3A_950 : f32 to vector<16xf32>
    %select_n3A_952 = arith.select %eq3A_949, %get3A_943, %broadcast_in_dim3A_951 : vector<16xi1>, vector<16xf32>
    %add3A_953 = arith.addf %add3A_891, %select_n3A_952 : vector<16xf32>
    %eq3A_954 = arith.constant 1 : i32
    %eq3A_955 = vector.broadcast %eq3A_954 : i32 to vector<16xi32>
    %eq3A_956 = arith.cmpi eq, %get3A_946, %eq3A_955 : vector<16xi32>
    %jit3A_957 = arith.constant 0.000000e+00 : f32
    %broadcast_in_dim3A_958 = vector.broadcast %jit3A_957 : f32 to vector<16xf32>
    %select_n3A_959 = arith.select %eq3A_956, %get3A_943, %broadcast_in_dim3A_958 : vector<16xi1>, vector<16xf32>
    %add3A_960 = arith.addf %add3A_898, %select_n3A_959 : vector<16xf32>
    %eq3A_961 = arith.constant 2 : i32
    %eq3A_962 = vector.broadcast %eq3A_961 : i32 to vector<16xi32>
    %eq3A_963 = arith.cmpi eq, %get3A_946, %eq3A_962 : vector<16xi32>
    %jit3A_964 = arith.constant 0.000000e+00 : f32
    %broadcast_in_dim3A_965 = vector.broadcast %jit3A_964 : f32 to vector<16xf32>
    %select_n3A_966 = arith.select %eq3A_963, %get3A_943, %broadcast_in_dim3A_965 : vector<16xi1>, vector<16xf32>
    %add3A_967 = arith.addf %add3A_905, %select_n3A_966 : vector<16xf32>
    %eq3A_968 = arith.constant 3 : i32
    %eq3A_969 = vector.broadcast %eq3A_968 : i32 to vector<16xi32>
    %eq3A_970 = arith.cmpi eq, %get3A_946, %eq3A_969 : vector<16xi32>
    %jit3A_971 = arith.constant 0.000000e+00 : f32
    %broadcast_in_dim3A_972 = vector.broadcast %jit3A_971 : f32 to vector<16xf32>
    %select_n3A_973 = arith.select %eq3A_970, %get3A_943, %broadcast_in_dim3A_972 : vector<16xi1>, vector<16xf32>
    %add3A_974 = arith.addf %add3A_912, %select_n3A_973 : vector<16xf32>
    %eq3A_975 = arith.constant 4 : i32
    %eq3A_976 = vector.broadcast %eq3A_975 : i32 to vector<16xi32>
    %eq3A_977 = arith.cmpi eq, %get3A_946, %eq3A_976 : vector<16xi32>
    %jit3A_978 = arith.constant 0.000000e+00 : f32
    %broadcast_in_dim3A_979 = vector.broadcast %jit3A_978 : f32 to vector<16xf32>
    %select_n3A_980 = arith.select %eq3A_977, %get3A_943, %broadcast_in_dim3A_979 : vector<16xi1>, vector<16xf32>
    %add3A_981 = arith.addf %add3A_919, %select_n3A_980 : vector<16xf32>
    %eq3A_982 = arith.constant 5 : i32
    %eq3A_983 = vector.broadcast %eq3A_982 : i32 to vector<16xi32>
    %eq3A_984 = arith.cmpi eq, %get3A_946, %eq3A_983 : vector<16xi32>
    %jit3A_985 = arith.constant 0.000000e+00 : f32
    %broadcast_in_dim3A_986 = vector.broadcast %jit3A_985 : f32 to vector<16xf32>
    %select_n3A_987 = arith.select %eq3A_984, %get3A_943, %broadcast_in_dim3A_986 : vector<16xi1>, vector<16xf32>
    %add3A_988 = arith.addf %add3A_926, %select_n3A_987 : vector<16xf32>
    %eq3A_989 = arith.constant 6 : i32
    %eq3A_990 = vector.broadcast %eq3A_989 : i32 to vector<16xi32>
    %eq3A_991 = arith.cmpi eq, %get3A_946, %eq3A_990 : vector<16xi32>
    %jit3A_992 = arith.constant 0.000000e+00 : f32
    %broadcast_in_dim3A_993 = vector.broadcast %jit3A_992 : f32 to vector<16xf32>
    %select_n3A_994 = arith.select %eq3A_991, %get3A_943, %broadcast_in_dim3A_993 : vector<16xi1>, vector<16xf32>
    %add3A_995 = arith.addf %add3A_933, %select_n3A_994 : vector<16xf32>
    %eq3A_996 = arith.constant 7 : i32
    %eq3A_997 = vector.broadcast %eq3A_996 : i32 to vector<16xi32>
    %eq3A_998 = arith.cmpi eq, %get3A_946, %eq3A_997 : vector<16xi32>
    %jit3A_999 = arith.constant 0.000000e+00 : f32
    %broadcast_in_dim3A_1000 = vector.broadcast %jit3A_999 : f32 to vector<16xf32>
    %select_n3A_1001 = arith.select %eq3A_998, %get3A_943, %broadcast_in_dim3A_1000 : vector<16xi1>, vector<16xf32>
    %add3A_1002 = arith.addf %add3A_940, %select_n3A_1001 : vector<16xf32>
    %get3A_1003 = arith.constant 256 : index
    %get3A_1004 = tpu.vector_load %arg5[%get3A_1003] {strides = array<i32>} : memref<512xf32, #tpu.memory_space<vmem>>, vector<16xf32>,
    %get3A_1005 = vector.shape_cast %get3A_1004 : vector<16xf32> to vector<16xf32>
    %get3A_1006 = arith.constant 256 : index
    %get3A_1007 = tpu.vector_load %arg6[%get3A_1006] {strides = array<i32>} : memref<512xi32, #tpu.memory_space<vmem>>, vector<16xi32>,
    %get3A_1008 = vector.shape_cast %get3A_1007 : vector<16xi32> to vector<16xi32>
    %eq3A_1009 = arith.constant 0 : i32
    %eq3A_1010 = vector.broadcast %eq3A_1009 : i32 to vector<16xi32>
    %eq3A_1011 = arith.cmpi eq, %get3A_1008, %eq3A_1010 : vector<16xi32>
    %jit3A_1012 = arith.constant 0.000000e+00 : f32
    %broadcast_in_dim3A_1013 = vector.broadcast %jit3A_1012 : f32 to vector<16xf32>
    %select_n3A_1014 = arith.select %eq3A_1011, %get3A_1005, %broadcast_in_dim3A_1013 : vector<16xi1>, vector<16xf32>
    %add3A_1015 = arith.addf %add3A_953, %select_n3A_1014 : vector<16xf32>
    %eq3A_1016 = arith.constant 1 : i32
    %eq3A_1017 = vector.broadcast %eq3A_1016 : i32 to vector<16xi32>
    %eq3A_1018 = arith.cmpi eq, %get3A_1008, %eq3A_1017 : vector<16xi32>
    %jit3A_1019 = arith.constant 0.000000e+00 : f32
    %broadcast_in_dim3A_1020 = vector.broadcast %jit3A_1019 : f32 to vector<16xf32>
    %select_n3A_1021 = arith.select %eq3A_1018, %get3A_1005, %broadcast_in_dim3A_1020 : vector<16xi1>, vector<16xf32>
    %add3A_1022 = arith.addf %add3A_960, %select_n3A_1021 : vector<16xf32>
    %eq3A_1023 = arith.constant 2 : i32
    %eq3A_1024 = vector.broadcast %eq3A_1023 : i32 to vector<16xi32>
    %eq3A_1025 = arith.cmpi eq, %get3A_1008, %eq3A_1024 : vector<16xi32>
    %jit3A_1026 = arith.constant 0.000000e+00 : f32
    %broadcast_in_dim3A_1027 = vector.broadcast %jit3A_1026 : f32 to vector<16xf32>
    %select_n3A_1028 = arith.select %eq3A_1025, %get3A_1005, %broadcast_in_dim3A_1027 : vector<16xi1>, vector<16xf32>
    %add3A_1029 = arith.addf %add3A_967, %select_n3A_1028 : vector<16xf32>
    %eq3A_1030 = arith.constant 3 : i32
    %eq3A_1031 = vector.broadcast %eq3A_1030 : i32 to vector<16xi32>
    %eq3A_1032 = arith.cmpi eq, %get3A_1008, %eq3A_1031 : vector<16xi32>
    %jit3A_1033 = arith.constant 0.000000e+00 : f32
    %broadcast_in_dim3A_1034 = vector.broadcast %jit3A_1033 : f32 to vector<16xf32>
    %select_n3A_1035 = arith.select %eq3A_1032, %get3A_1005, %broadcast_in_dim3A_1034 : vector<16xi1>, vector<16xf32>
    %add3A_1036 = arith.addf %add3A_974, %select_n3A_1035 : vector<16xf32>
    %eq3A_1037 = arith.constant 4 : i32
    %eq3A_1038 = vector.broadcast %eq3A_1037 : i32 to vector<16xi32>
    %eq3A_1039 = arith.cmpi eq, %get3A_1008, %eq3A_1038 : vector<16xi32>
    %jit3A_1040 = arith.constant 0.000000e+00 : f32
    %broadcast_in_dim3A_1041 = vector.broadcast %jit3A_1040 : f32 to vector<16xf32>
    %select_n3A_1042 = arith.select %eq3A_1039, %get3A_1005, %broadcast_in_dim3A_1041 : vector<16xi1>, vector<16xf32>
    %add3A_1043 = arith.addf %add3A_981, %select_n3A_1042 : vector<16xf32>
    %eq3A_1044 = arith.constant 5 : i32
    %eq3A_1045 = vector.broadcast %eq3A_1044 : i32 to vector<16xi32>
    %eq3A_1046 = arith.cmpi eq, %get3A_1008, %eq3A_1045 : vector<16xi32>
    %jit3A_1047 = arith.constant 0.000000e+00 : f32
    %broadcast_in_dim3A_1048 = vector.broadcast %jit3A_1047 : f32 to vector<16xf32>
    %select_n3A_1049 = arith.select %eq3A_1046, %get3A_1005, %broadcast_in_dim3A_1048 : vector<16xi1>, vector<16xf32>
    %add3A_1050 = arith.addf %add3A_988, %select_n3A_1049 : vector<16xf32>
    %eq3A_1051 = arith.constant 6 : i32
    %eq3A_1052 = vector.broadcast %eq3A_1051 : i32 to vector<16xi32>
    %eq3A_1053 = arith.cmpi eq, %get3A_1008, %eq3A_1052 : vector<16xi32>
    %jit3A_1054 = arith.constant 0.000000e+00 : f32
    %broadcast_in_dim3A_1055 = vector.broadcast %jit3A_1054 : f32 to vector<16xf32>
    %select_n3A_1056 = arith.select %eq3A_1053, %get3A_1005, %broadcast_in_dim3A_1055 : vector<16xi1>, vector<16xf32>
    %add3A_1057 = arith.addf %add3A_995, %select_n3A_1056 : vector<16xf32>
    %eq3A_1058 = arith.constant 7 : i32
    %eq3A_1059 = vector.broadcast %eq3A_1058 : i32 to vector<16xi32>
    %eq3A_1060 = arith.cmpi eq, %get3A_1008, %eq3A_1059 : vector<16xi32>
    %jit3A_1061 = arith.constant 0.000000e+00 : f32
    %broadcast_in_dim3A_1062 = vector.broadcast %jit3A_1061 : f32 to vector<16xf32>
    %select_n3A_1063 = arith.select %eq3A_1060, %get3A_1005, %broadcast_in_dim3A_1062 : vector<16xi1>, vector<16xf32>
    %add3A_1064 = arith.addf %add3A_1002, %select_n3A_1063 : vector<16xf32>
    %get3A_1065 = arith.constant 272 : index
    %get3A_1066 = tpu.vector_load %arg5[%get3A_1065] {strides = array<i32>} : memref<512xf32, #tpu.memory_space<vmem>>, vector<16xf32>,
    %get3A_1067 = vector.shape_cast %get3A_1066 : vector<16xf32> to vector<16xf32>
    %get3A_1068 = arith.constant 272 : index
    %get3A_1069 = tpu.vector_load %arg6[%get3A_1068] {strides = array<i32>} : memref<512xi32, #tpu.memory_space<vmem>>, vector<16xi32>,
    %get3A_1070 = vector.shape_cast %get3A_1069 : vector<16xi32> to vector<16xi32>
    %eq3A_1071 = arith.constant 0 : i32
    %eq3A_1072 = vector.broadcast %eq3A_1071 : i32 to vector<16xi32>
    %eq3A_1073 = arith.cmpi eq, %get3A_1070, %eq3A_1072 : vector<16xi32>
    %jit3A_1074 = arith.constant 0.000000e+00 : f32
    %broadcast_in_dim3A_1075 = vector.broadcast %jit3A_1074 : f32 to vector<16xf32>
    %select_n3A_1076 = arith.select %eq3A_1073, %get3A_1067, %broadcast_in_dim3A_1075 : vector<16xi1>, vector<16xf32>
    %add3A_1077 = arith.addf %add3A_1015, %select_n3A_1076 : vector<16xf32>
    %eq3A_1078 = arith.constant 1 : i32
    %eq3A_1079 = vector.broadcast %eq3A_1078 : i32 to vector<16xi32>
    %eq3A_1080 = arith.cmpi eq, %get3A_1070, %eq3A_1079 : vector<16xi32>
    %jit3A_1081 = arith.constant 0.000000e+00 : f32
    %broadcast_in_dim3A_1082 = vector.broadcast %jit3A_1081 : f32 to vector<16xf32>
    %select_n3A_1083 = arith.select %eq3A_1080, %get3A_1067, %broadcast_in_dim3A_1082 : vector<16xi1>, vector<16xf32>
    %add3A_1084 = arith.addf %add3A_1022, %select_n3A_1083 : vector<16xf32>
    %eq3A_1085 = arith.constant 2 : i32
    %eq3A_1086 = vector.broadcast %eq3A_1085 : i32 to vector<16xi32>
    %eq3A_1087 = arith.cmpi eq, %get3A_1070, %eq3A_1086 : vector<16xi32>
    %jit3A_1088 = arith.constant 0.000000e+00 : f32
    %broadcast_in_dim3A_1089 = vector.broadcast %jit3A_1088 : f32 to vector<16xf32>
    %select_n3A_1090 = arith.select %eq3A_1087, %get3A_1067, %broadcast_in_dim3A_1089 : vector<16xi1>, vector<16xf32>
    %add3A_1091 = arith.addf %add3A_1029, %select_n3A_1090 : vector<16xf32>
    %eq3A_1092 = arith.constant 3 : i32
    %eq3A_1093 = vector.broadcast %eq3A_1092 : i32 to vector<16xi32>
    %eq3A_1094 = arith.cmpi eq, %get3A_1070, %eq3A_1093 : vector<16xi32>
    %jit3A_1095 = arith.constant 0.000000e+00 : f32
    %broadcast_in_dim3A_1096 = vector.broadcast %jit3A_1095 : f32 to vector<16xf32>
    %select_n3A_1097 = arith.select %eq3A_1094, %get3A_1067, %broadcast_in_dim3A_1096 : vector<16xi1>, vector<16xf32>
    %add3A_1098 = arith.addf %add3A_1036, %select_n3A_1097 : vector<16xf32>
    %eq3A_1099 = arith.constant 4 : i32
    %eq3A_1100 = vector.broadcast %eq3A_1099 : i32 to vector<16xi32>
    %eq3A_1101 = arith.cmpi eq, %get3A_1070, %eq3A_1100 : vector<16xi32>
    %jit3A_1102 = arith.constant 0.000000e+00 : f32
    %broadcast_in_dim3A_1103 = vector.broadcast %jit3A_1102 : f32 to vector<16xf32>
    %select_n3A_1104 = arith.select %eq3A_1101, %get3A_1067, %broadcast_in_dim3A_1103 : vector<16xi1>, vector<16xf32>
    %add3A_1105 = arith.addf %add3A_1043, %select_n3A_1104 : vector<16xf32>
    %eq3A_1106 = arith.constant 5 : i32
    %eq3A_1107 = vector.broadcast %eq3A_1106 : i32 to vector<16xi32>
    %eq3A_1108 = arith.cmpi eq, %get3A_1070, %eq3A_1107 : vector<16xi32>
    %jit3A_1109 = arith.constant 0.000000e+00 : f32
    %broadcast_in_dim3A_1110 = vector.broadcast %jit3A_1109 : f32 to vector<16xf32>
    %select_n3A_1111 = arith.select %eq3A_1108, %get3A_1067, %broadcast_in_dim3A_1110 : vector<16xi1>, vector<16xf32>
    %add3A_1112 = arith.addf %add3A_1050, %select_n3A_1111 : vector<16xf32>
    %eq3A_1113 = arith.constant 6 : i32
    %eq3A_1114 = vector.broadcast %eq3A_1113 : i32 to vector<16xi32>
    %eq3A_1115 = arith.cmpi eq, %get3A_1070, %eq3A_1114 : vector<16xi32>
    %jit3A_1116 = arith.constant 0.000000e+00 : f32
    %broadcast_in_dim3A_1117 = vector.broadcast %jit3A_1116 : f32 to vector<16xf32>
    %select_n3A_1118 = arith.select %eq3A_1115, %get3A_1067, %broadcast_in_dim3A_1117 : vector<16xi1>, vector<16xf32>
    %add3A_1119 = arith.addf %add3A_1057, %select_n3A_1118 : vector<16xf32>
    %eq3A_1120 = arith.constant 7 : i32
    %eq3A_1121 = vector.broadcast %eq3A_1120 : i32 to vector<16xi32>
    %eq3A_1122 = arith.cmpi eq, %get3A_1070, %eq3A_1121 : vector<16xi32>
    %jit3A_1123 = arith.constant 0.000000e+00 : f32
    %broadcast_in_dim3A_1124 = vector.broadcast %jit3A_1123 : f32 to vector<16xf32>
    %select_n3A_1125 = arith.select %eq3A_1122, %get3A_1067, %broadcast_in_dim3A_1124 : vector<16xi1>, vector<16xf32>
    %add3A_1126 = arith.addf %add3A_1064, %select_n3A_1125 : vector<16xf32>
    %get3A_1127 = arith.constant 288 : index
    %get3A_1128 = tpu.vector_load %arg5[%get3A_1127] {strides = array<i32>} : memref<512xf32, #tpu.memory_space<vmem>>, vector<16xf32>,
    %get3A_1129 = vector.shape_cast %get3A_1128 : vector<16xf32> to vector<16xf32>
    %get3A_1130 = arith.constant 288 : index
    %get3A_1131 = tpu.vector_load %arg6[%get3A_1130] {strides = array<i32>} : memref<512xi32, #tpu.memory_space<vmem>>, vector<16xi32>,
    %get3A_1132 = vector.shape_cast %get3A_1131 : vector<16xi32> to vector<16xi32>
    %eq3A_1133 = arith.constant 0 : i32
    %eq3A_1134 = vector.broadcast %eq3A_1133 : i32 to vector<16xi32>
    %eq3A_1135 = arith.cmpi eq, %get3A_1132, %eq3A_1134 : vector<16xi32>
    %jit3A_1136 = arith.constant 0.000000e+00 : f32
    %broadcast_in_dim3A_1137 = vector.broadcast %jit3A_1136 : f32 to vector<16xf32>
    %select_n3A_1138 = arith.select %eq3A_1135, %get3A_1129, %broadcast_in_dim3A_1137 : vector<16xi1>, vector<16xf32>
    %add3A_1139 = arith.addf %add3A_1077, %select_n3A_1138 : vector<16xf32>
    %eq3A_1140 = arith.constant 1 : i32
    %eq3A_1141 = vector.broadcast %eq3A_1140 : i32 to vector<16xi32>
    %eq3A_1142 = arith.cmpi eq, %get3A_1132, %eq3A_1141 : vector<16xi32>
    %jit3A_1143 = arith.constant 0.000000e+00 : f32
    %broadcast_in_dim3A_1144 = vector.broadcast %jit3A_1143 : f32 to vector<16xf32>
    %select_n3A_1145 = arith.select %eq3A_1142, %get3A_1129, %broadcast_in_dim3A_1144 : vector<16xi1>, vector<16xf32>
    %add3A_1146 = arith.addf %add3A_1084, %select_n3A_1145 : vector<16xf32>
    %eq3A_1147 = arith.constant 2 : i32
    %eq3A_1148 = vector.broadcast %eq3A_1147 : i32 to vector<16xi32>
    %eq3A_1149 = arith.cmpi eq, %get3A_1132, %eq3A_1148 : vector<16xi32>
    %jit3A_1150 = arith.constant 0.000000e+00 : f32
    %broadcast_in_dim3A_1151 = vector.broadcast %jit3A_1150 : f32 to vector<16xf32>
    %select_n3A_1152 = arith.select %eq3A_1149, %get3A_1129, %broadcast_in_dim3A_1151 : vector<16xi1>, vector<16xf32>
    %add3A_1153 = arith.addf %add3A_1091, %select_n3A_1152 : vector<16xf32>
    %eq3A_1154 = arith.constant 3 : i32
    %eq3A_1155 = vector.broadcast %eq3A_1154 : i32 to vector<16xi32>
    %eq3A_1156 = arith.cmpi eq, %get3A_1132, %eq3A_1155 : vector<16xi32>
    %jit3A_1157 = arith.constant 0.000000e+00 : f32
    %broadcast_in_dim3A_1158 = vector.broadcast %jit3A_1157 : f32 to vector<16xf32>
    %select_n3A_1159 = arith.select %eq3A_1156, %get3A_1129, %broadcast_in_dim3A_1158 : vector<16xi1>, vector<16xf32>
    %add3A_1160 = arith.addf %add3A_1098, %select_n3A_1159 : vector<16xf32>
    %eq3A_1161 = arith.constant 4 : i32
    %eq3A_1162 = vector.broadcast %eq3A_1161 : i32 to vector<16xi32>
    %eq3A_1163 = arith.cmpi eq, %get3A_1132, %eq3A_1162 : vector<16xi32>
    %jit3A_1164 = arith.constant 0.000000e+00 : f32
    %broadcast_in_dim3A_1165 = vector.broadcast %jit3A_1164 : f32 to vector<16xf32>
    %select_n3A_1166 = arith.select %eq3A_1163, %get3A_1129, %broadcast_in_dim3A_1165 : vector<16xi1>, vector<16xf32>
    %add3A_1167 = arith.addf %add3A_1105, %select_n3A_1166 : vector<16xf32>
    %eq3A_1168 = arith.constant 5 : i32
    %eq3A_1169 = vector.broadcast %eq3A_1168 : i32 to vector<16xi32>
    %eq3A_1170 = arith.cmpi eq, %get3A_1132, %eq3A_1169 : vector<16xi32>
    %jit3A_1171 = arith.constant 0.000000e+00 : f32
    %broadcast_in_dim3A_1172 = vector.broadcast %jit3A_1171 : f32 to vector<16xf32>
    %select_n3A_1173 = arith.select %eq3A_1170, %get3A_1129, %broadcast_in_dim3A_1172 : vector<16xi1>, vector<16xf32>
    %add3A_1174 = arith.addf %add3A_1112, %select_n3A_1173 : vector<16xf32>
    %eq3A_1175 = arith.constant 6 : i32
    %eq3A_1176 = vector.broadcast %eq3A_1175 : i32 to vector<16xi32>
    %eq3A_1177 = arith.cmpi eq, %get3A_1132, %eq3A_1176 : vector<16xi32>
    %jit3A_1178 = arith.constant 0.000000e+00 : f32
    %broadcast_in_dim3A_1179 = vector.broadcast %jit3A_1178 : f32 to vector<16xf32>
    %select_n3A_1180 = arith.select %eq3A_1177, %get3A_1129, %broadcast_in_dim3A_1179 : vector<16xi1>, vector<16xf32>
    %add3A_1181 = arith.addf %add3A_1119, %select_n3A_1180 : vector<16xf32>
    %eq3A_1182 = arith.constant 7 : i32
    %eq3A_1183 = vector.broadcast %eq3A_1182 : i32 to vector<16xi32>
    %eq3A_1184 = arith.cmpi eq, %get3A_1132, %eq3A_1183 : vector<16xi32>
    %jit3A_1185 = arith.constant 0.000000e+00 : f32
    %broadcast_in_dim3A_1186 = vector.broadcast %jit3A_1185 : f32 to vector<16xf32>
    %select_n3A_1187 = arith.select %eq3A_1184, %get3A_1129, %broadcast_in_dim3A_1186 : vector<16xi1>, vector<16xf32>
    %add3A_1188 = arith.addf %add3A_1126, %select_n3A_1187 : vector<16xf32>
    %get3A_1189 = arith.constant 304 : index
    %get3A_1190 = tpu.vector_load %arg5[%get3A_1189] {strides = array<i32>} : memref<512xf32, #tpu.memory_space<vmem>>, vector<16xf32>,
    %get3A_1191 = vector.shape_cast %get3A_1190 : vector<16xf32> to vector<16xf32>
    %get3A_1192 = arith.constant 304 : index
    %get3A_1193 = tpu.vector_load %arg6[%get3A_1192] {strides = array<i32>} : memref<512xi32, #tpu.memory_space<vmem>>, vector<16xi32>,
    %get3A_1194 = vector.shape_cast %get3A_1193 : vector<16xi32> to vector<16xi32>
    %eq3A_1195 = arith.constant 0 : i32
    %eq3A_1196 = vector.broadcast %eq3A_1195 : i32 to vector<16xi32>
    %eq3A_1197 = arith.cmpi eq, %get3A_1194, %eq3A_1196 : vector<16xi32>
    %jit3A_1198 = arith.constant 0.000000e+00 : f32
    %broadcast_in_dim3A_1199 = vector.broadcast %jit3A_1198 : f32 to vector<16xf32>
    %select_n3A_1200 = arith.select %eq3A_1197, %get3A_1191, %broadcast_in_dim3A_1199 : vector<16xi1>, vector<16xf32>
    %add3A_1201 = arith.addf %add3A_1139, %select_n3A_1200 : vector<16xf32>
    %eq3A_1202 = arith.constant 1 : i32
    %eq3A_1203 = vector.broadcast %eq3A_1202 : i32 to vector<16xi32>
    %eq3A_1204 = arith.cmpi eq, %get3A_1194, %eq3A_1203 : vector<16xi32>
    %jit3A_1205 = arith.constant 0.000000e+00 : f32
    %broadcast_in_dim3A_1206 = vector.broadcast %jit3A_1205 : f32 to vector<16xf32>
    %select_n3A_1207 = arith.select %eq3A_1204, %get3A_1191, %broadcast_in_dim3A_1206 : vector<16xi1>, vector<16xf32>
    %add3A_1208 = arith.addf %add3A_1146, %select_n3A_1207 : vector<16xf32>
    %eq3A_1209 = arith.constant 2 : i32
    %eq3A_1210 = vector.broadcast %eq3A_1209 : i32 to vector<16xi32>
    %eq3A_1211 = arith.cmpi eq, %get3A_1194, %eq3A_1210 : vector<16xi32>
    %jit3A_1212 = arith.constant 0.000000e+00 : f32
    %broadcast_in_dim3A_1213 = vector.broadcast %jit3A_1212 : f32 to vector<16xf32>
    %select_n3A_1214 = arith.select %eq3A_1211, %get3A_1191, %broadcast_in_dim3A_1213 : vector<16xi1>, vector<16xf32>
    %add3A_1215 = arith.addf %add3A_1153, %select_n3A_1214 : vector<16xf32>
    %eq3A_1216 = arith.constant 3 : i32
    %eq3A_1217 = vector.broadcast %eq3A_1216 : i32 to vector<16xi32>
    %eq3A_1218 = arith.cmpi eq, %get3A_1194, %eq3A_1217 : vector<16xi32>
    %jit3A_1219 = arith.constant 0.000000e+00 : f32
    %broadcast_in_dim3A_1220 = vector.broadcast %jit3A_1219 : f32 to vector<16xf32>
    %select_n3A_1221 = arith.select %eq3A_1218, %get3A_1191, %broadcast_in_dim3A_1220 : vector<16xi1>, vector<16xf32>
    %add3A_1222 = arith.addf %add3A_1160, %select_n3A_1221 : vector<16xf32>
    %eq3A_1223 = arith.constant 4 : i32
    %eq3A_1224 = vector.broadcast %eq3A_1223 : i32 to vector<16xi32>
    %eq3A_1225 = arith.cmpi eq, %get3A_1194, %eq3A_1224 : vector<16xi32>
    %jit3A_1226 = arith.constant 0.000000e+00 : f32
    %broadcast_in_dim3A_1227 = vector.broadcast %jit3A_1226 : f32 to vector<16xf32>
    %select_n3A_1228 = arith.select %eq3A_1225, %get3A_1191, %broadcast_in_dim3A_1227 : vector<16xi1>, vector<16xf32>
    %add3A_1229 = arith.addf %add3A_1167, %select_n3A_1228 : vector<16xf32>
    %eq3A_1230 = arith.constant 5 : i32
    %eq3A_1231 = vector.broadcast %eq3A_1230 : i32 to vector<16xi32>
    %eq3A_1232 = arith.cmpi eq, %get3A_1194, %eq3A_1231 : vector<16xi32>
    %jit3A_1233 = arith.constant 0.000000e+00 : f32
    %broadcast_in_dim3A_1234 = vector.broadcast %jit3A_1233 : f32 to vector<16xf32>
    %select_n3A_1235 = arith.select %eq3A_1232, %get3A_1191, %broadcast_in_dim3A_1234 : vector<16xi1>, vector<16xf32>
    %add3A_1236 = arith.addf %add3A_1174, %select_n3A_1235 : vector<16xf32>
    %eq3A_1237 = arith.constant 6 : i32
    %eq3A_1238 = vector.broadcast %eq3A_1237 : i32 to vector<16xi32>
    %eq3A_1239 = arith.cmpi eq, %get3A_1194, %eq3A_1238 : vector<16xi32>
    %jit3A_1240 = arith.constant 0.000000e+00 : f32
    %broadcast_in_dim3A_1241 = vector.broadcast %jit3A_1240 : f32 to vector<16xf32>
    %select_n3A_1242 = arith.select %eq3A_1239, %get3A_1191, %broadcast_in_dim3A_1241 : vector<16xi1>, vector<16xf32>
    %add3A_1243 = arith.addf %add3A_1181, %select_n3A_1242 : vector<16xf32>
    %eq3A_1244 = arith.constant 7 : i32
    %eq3A_1245 = vector.broadcast %eq3A_1244 : i32 to vector<16xi32>
    %eq3A_1246 = arith.cmpi eq, %get3A_1194, %eq3A_1245 : vector<16xi32>
    %jit3A_1247 = arith.constant 0.000000e+00 : f32
    %broadcast_in_dim3A_1248 = vector.broadcast %jit3A_1247 : f32 to vector<16xf32>
    %select_n3A_1249 = arith.select %eq3A_1246, %get3A_1191, %broadcast_in_dim3A_1248 : vector<16xi1>, vector<16xf32>
    %add3A_1250 = arith.addf %add3A_1188, %select_n3A_1249 : vector<16xf32>
    %get3A_1251 = arith.constant 320 : index
    %get3A_1252 = tpu.vector_load %arg5[%get3A_1251] {strides = array<i32>} : memref<512xf32, #tpu.memory_space<vmem>>, vector<16xf32>,
    %get3A_1253 = vector.shape_cast %get3A_1252 : vector<16xf32> to vector<16xf32>
    %get3A_1254 = arith.constant 320 : index
    %get3A_1255 = tpu.vector_load %arg6[%get3A_1254] {strides = array<i32>} : memref<512xi32, #tpu.memory_space<vmem>>, vector<16xi32>,
    %get3A_1256 = vector.shape_cast %get3A_1255 : vector<16xi32> to vector<16xi32>
    %eq3A_1257 = arith.constant 0 : i32
    %eq3A_1258 = vector.broadcast %eq3A_1257 : i32 to vector<16xi32>
    %eq3A_1259 = arith.cmpi eq, %get3A_1256, %eq3A_1258 : vector<16xi32>
    %jit3A_1260 = arith.constant 0.000000e+00 : f32
    %broadcast_in_dim3A_1261 = vector.broadcast %jit3A_1260 : f32 to vector<16xf32>
    %select_n3A_1262 = arith.select %eq3A_1259, %get3A_1253, %broadcast_in_dim3A_1261 : vector<16xi1>, vector<16xf32>
    %add3A_1263 = arith.addf %add3A_1201, %select_n3A_1262 : vector<16xf32>
    %eq3A_1264 = arith.constant 1 : i32
    %eq3A_1265 = vector.broadcast %eq3A_1264 : i32 to vector<16xi32>
    %eq3A_1266 = arith.cmpi eq, %get3A_1256, %eq3A_1265 : vector<16xi32>
    %jit3A_1267 = arith.constant 0.000000e+00 : f32
    %broadcast_in_dim3A_1268 = vector.broadcast %jit3A_1267 : f32 to vector<16xf32>
    %select_n3A_1269 = arith.select %eq3A_1266, %get3A_1253, %broadcast_in_dim3A_1268 : vector<16xi1>, vector<16xf32>
    %add3A_1270 = arith.addf %add3A_1208, %select_n3A_1269 : vector<16xf32>
    %eq3A_1271 = arith.constant 2 : i32
    %eq3A_1272 = vector.broadcast %eq3A_1271 : i32 to vector<16xi32>
    %eq3A_1273 = arith.cmpi eq, %get3A_1256, %eq3A_1272 : vector<16xi32>
    %jit3A_1274 = arith.constant 0.000000e+00 : f32
    %broadcast_in_dim3A_1275 = vector.broadcast %jit3A_1274 : f32 to vector<16xf32>
    %select_n3A_1276 = arith.select %eq3A_1273, %get3A_1253, %broadcast_in_dim3A_1275 : vector<16xi1>, vector<16xf32>
    %add3A_1277 = arith.addf %add3A_1215, %select_n3A_1276 : vector<16xf32>
    %eq3A_1278 = arith.constant 3 : i32
    %eq3A_1279 = vector.broadcast %eq3A_1278 : i32 to vector<16xi32>
    %eq3A_1280 = arith.cmpi eq, %get3A_1256, %eq3A_1279 : vector<16xi32>
    %jit3A_1281 = arith.constant 0.000000e+00 : f32
    %broadcast_in_dim3A_1282 = vector.broadcast %jit3A_1281 : f32 to vector<16xf32>
    %select_n3A_1283 = arith.select %eq3A_1280, %get3A_1253, %broadcast_in_dim3A_1282 : vector<16xi1>, vector<16xf32>
    %add3A_1284 = arith.addf %add3A_1222, %select_n3A_1283 : vector<16xf32>
    %eq3A_1285 = arith.constant 4 : i32
    %eq3A_1286 = vector.broadcast %eq3A_1285 : i32 to vector<16xi32>
    %eq3A_1287 = arith.cmpi eq, %get3A_1256, %eq3A_1286 : vector<16xi32>
    %jit3A_1288 = arith.constant 0.000000e+00 : f32
    %broadcast_in_dim3A_1289 = vector.broadcast %jit3A_1288 : f32 to vector<16xf32>
    %select_n3A_1290 = arith.select %eq3A_1287, %get3A_1253, %broadcast_in_dim3A_1289 : vector<16xi1>, vector<16xf32>
    %add3A_1291 = arith.addf %add3A_1229, %select_n3A_1290 : vector<16xf32>
    %eq3A_1292 = arith.constant 5 : i32
    %eq3A_1293 = vector.broadcast %eq3A_1292 : i32 to vector<16xi32>
    %eq3A_1294 = arith.cmpi eq, %get3A_1256, %eq3A_1293 : vector<16xi32>
    %jit3A_1295 = arith.constant 0.000000e+00 : f32
    %broadcast_in_dim3A_1296 = vector.broadcast %jit3A_1295 : f32 to vector<16xf32>
    %select_n3A_1297 = arith.select %eq3A_1294, %get3A_1253, %broadcast_in_dim3A_1296 : vector<16xi1>, vector<16xf32>
    %add3A_1298 = arith.addf %add3A_1236, %select_n3A_1297 : vector<16xf32>
    %eq3A_1299 = arith.constant 6 : i32
    %eq3A_1300 = vector.broadcast %eq3A_1299 : i32 to vector<16xi32>
    %eq3A_1301 = arith.cmpi eq, %get3A_1256, %eq3A_1300 : vector<16xi32>
    %jit3A_1302 = arith.constant 0.000000e+00 : f32
    %broadcast_in_dim3A_1303 = vector.broadcast %jit3A_1302 : f32 to vector<16xf32>
    %select_n3A_1304 = arith.select %eq3A_1301, %get3A_1253, %broadcast_in_dim3A_1303 : vector<16xi1>, vector<16xf32>
    %add3A_1305 = arith.addf %add3A_1243, %select_n3A_1304 : vector<16xf32>
    %eq3A_1306 = arith.constant 7 : i32
    %eq3A_1307 = vector.broadcast %eq3A_1306 : i32 to vector<16xi32>
    %eq3A_1308 = arith.cmpi eq, %get3A_1256, %eq3A_1307 : vector<16xi32>
    %jit3A_1309 = arith.constant 0.000000e+00 : f32
    %broadcast_in_dim3A_1310 = vector.broadcast %jit3A_1309 : f32 to vector<16xf32>
    %select_n3A_1311 = arith.select %eq3A_1308, %get3A_1253, %broadcast_in_dim3A_1310 : vector<16xi1>, vector<16xf32>
    %add3A_1312 = arith.addf %add3A_1250, %select_n3A_1311 : vector<16xf32>
    %get3A_1313 = arith.constant 336 : index
    %get3A_1314 = tpu.vector_load %arg5[%get3A_1313] {strides = array<i32>} : memref<512xf32, #tpu.memory_space<vmem>>, vector<16xf32>,
    %get3A_1315 = vector.shape_cast %get3A_1314 : vector<16xf32> to vector<16xf32>
    %get3A_1316 = arith.constant 336 : index
    %get3A_1317 = tpu.vector_load %arg6[%get3A_1316] {strides = array<i32>} : memref<512xi32, #tpu.memory_space<vmem>>, vector<16xi32>,
    %get3A_1318 = vector.shape_cast %get3A_1317 : vector<16xi32> to vector<16xi32>
    %eq3A_1319 = arith.constant 0 : i32
    %eq3A_1320 = vector.broadcast %eq3A_1319 : i32 to vector<16xi32>
    %eq3A_1321 = arith.cmpi eq, %get3A_1318, %eq3A_1320 : vector<16xi32>
    %jit3A_1322 = arith.constant 0.000000e+00 : f32
    %broadcast_in_dim3A_1323 = vector.broadcast %jit3A_1322 : f32 to vector<16xf32>
    %select_n3A_1324 = arith.select %eq3A_1321, %get3A_1315, %broadcast_in_dim3A_1323 : vector<16xi1>, vector<16xf32>
    %add3A_1325 = arith.addf %add3A_1263, %select_n3A_1324 : vector<16xf32>
    %eq3A_1326 = arith.constant 1 : i32
    %eq3A_1327 = vector.broadcast %eq3A_1326 : i32 to vector<16xi32>
    %eq3A_1328 = arith.cmpi eq, %get3A_1318, %eq3A_1327 : vector<16xi32>
    %jit3A_1329 = arith.constant 0.000000e+00 : f32
    %broadcast_in_dim3A_1330 = vector.broadcast %jit3A_1329 : f32 to vector<16xf32>
    %select_n3A_1331 = arith.select %eq3A_1328, %get3A_1315, %broadcast_in_dim3A_1330 : vector<16xi1>, vector<16xf32>
    %add3A_1332 = arith.addf %add3A_1270, %select_n3A_1331 : vector<16xf32>
    %eq3A_1333 = arith.constant 2 : i32
    %eq3A_1334 = vector.broadcast %eq3A_1333 : i32 to vector<16xi32>
    %eq3A_1335 = arith.cmpi eq, %get3A_1318, %eq3A_1334 : vector<16xi32>
    %jit3A_1336 = arith.constant 0.000000e+00 : f32
    %broadcast_in_dim3A_1337 = vector.broadcast %jit3A_1336 : f32 to vector<16xf32>
    %select_n3A_1338 = arith.select %eq3A_1335, %get3A_1315, %broadcast_in_dim3A_1337 : vector<16xi1>, vector<16xf32>
    %add3A_1339 = arith.addf %add3A_1277, %select_n3A_1338 : vector<16xf32>
    %eq3A_1340 = arith.constant 3 : i32
    %eq3A_1341 = vector.broadcast %eq3A_1340 : i32 to vector<16xi32>
    %eq3A_1342 = arith.cmpi eq, %get3A_1318, %eq3A_1341 : vector<16xi32>
    %jit3A_1343 = arith.constant 0.000000e+00 : f32
    %broadcast_in_dim3A_1344 = vector.broadcast %jit3A_1343 : f32 to vector<16xf32>
    %select_n3A_1345 = arith.select %eq3A_1342, %get3A_1315, %broadcast_in_dim3A_1344 : vector<16xi1>, vector<16xf32>
    %add3A_1346 = arith.addf %add3A_1284, %select_n3A_1345 : vector<16xf32>
    %eq3A_1347 = arith.constant 4 : i32
    %eq3A_1348 = vector.broadcast %eq3A_1347 : i32 to vector<16xi32>
    %eq3A_1349 = arith.cmpi eq, %get3A_1318, %eq3A_1348 : vector<16xi32>
    %jit3A_1350 = arith.constant 0.000000e+00 : f32
    %broadcast_in_dim3A_1351 = vector.broadcast %jit3A_1350 : f32 to vector<16xf32>
    %select_n3A_1352 = arith.select %eq3A_1349, %get3A_1315, %broadcast_in_dim3A_1351 : vector<16xi1>, vector<16xf32>
    %add3A_1353 = arith.addf %add3A_1291, %select_n3A_1352 : vector<16xf32>
    %eq3A_1354 = arith.constant 5 : i32
    %eq3A_1355 = vector.broadcast %eq3A_1354 : i32 to vector<16xi32>
    %eq3A_1356 = arith.cmpi eq, %get3A_1318, %eq3A_1355 : vector<16xi32>
    %jit3A_1357 = arith.constant 0.000000e+00 : f32
    %broadcast_in_dim3A_1358 = vector.broadcast %jit3A_1357 : f32 to vector<16xf32>
    %select_n3A_1359 = arith.select %eq3A_1356, %get3A_1315, %broadcast_in_dim3A_1358 : vector<16xi1>, vector<16xf32>
    %add3A_1360 = arith.addf %add3A_1298, %select_n3A_1359 : vector<16xf32>
    %eq3A_1361 = arith.constant 6 : i32
    %eq3A_1362 = vector.broadcast %eq3A_1361 : i32 to vector<16xi32>
    %eq3A_1363 = arith.cmpi eq, %get3A_1318, %eq3A_1362 : vector<16xi32>
    %jit3A_1364 = arith.constant 0.000000e+00 : f32
    %broadcast_in_dim3A_1365 = vector.broadcast %jit3A_1364 : f32 to vector<16xf32>
    %select_n3A_1366 = arith.select %eq3A_1363, %get3A_1315, %broadcast_in_dim3A_1365 : vector<16xi1>, vector<16xf32>
    %add3A_1367 = arith.addf %add3A_1305, %select_n3A_1366 : vector<16xf32>
    %eq3A_1368 = arith.constant 7 : i32
    %eq3A_1369 = vector.broadcast %eq3A_1368 : i32 to vector<16xi32>
    %eq3A_1370 = arith.cmpi eq, %get3A_1318, %eq3A_1369 : vector<16xi32>
    %jit3A_1371 = arith.constant 0.000000e+00 : f32
    %broadcast_in_dim3A_1372 = vector.broadcast %jit3A_1371 : f32 to vector<16xf32>
    %select_n3A_1373 = arith.select %eq3A_1370, %get3A_1315, %broadcast_in_dim3A_1372 : vector<16xi1>, vector<16xf32>
    %add3A_1374 = arith.addf %add3A_1312, %select_n3A_1373 : vector<16xf32>
    %get3A_1375 = arith.constant 352 : index
    %get3A_1376 = tpu.vector_load %arg5[%get3A_1375] {strides = array<i32>} : memref<512xf32, #tpu.memory_space<vmem>>, vector<16xf32>,
    %get3A_1377 = vector.shape_cast %get3A_1376 : vector<16xf32> to vector<16xf32>
    %get3A_1378 = arith.constant 352 : index
    %get3A_1379 = tpu.vector_load %arg6[%get3A_1378] {strides = array<i32>} : memref<512xi32, #tpu.memory_space<vmem>>, vector<16xi32>,
    %get3A_1380 = vector.shape_cast %get3A_1379 : vector<16xi32> to vector<16xi32>
    %eq3A_1381 = arith.constant 0 : i32
    %eq3A_1382 = vector.broadcast %eq3A_1381 : i32 to vector<16xi32>
    %eq3A_1383 = arith.cmpi eq, %get3A_1380, %eq3A_1382 : vector<16xi32>
    %jit3A_1384 = arith.constant 0.000000e+00 : f32
    %broadcast_in_dim3A_1385 = vector.broadcast %jit3A_1384 : f32 to vector<16xf32>
    %select_n3A_1386 = arith.select %eq3A_1383, %get3A_1377, %broadcast_in_dim3A_1385 : vector<16xi1>, vector<16xf32>
    %add3A_1387 = arith.addf %add3A_1325, %select_n3A_1386 : vector<16xf32>
    %eq3A_1388 = arith.constant 1 : i32
    %eq3A_1389 = vector.broadcast %eq3A_1388 : i32 to vector<16xi32>
    %eq3A_1390 = arith.cmpi eq, %get3A_1380, %eq3A_1389 : vector<16xi32>
    %jit3A_1391 = arith.constant 0.000000e+00 : f32
    %broadcast_in_dim3A_1392 = vector.broadcast %jit3A_1391 : f32 to vector<16xf32>
    %select_n3A_1393 = arith.select %eq3A_1390, %get3A_1377, %broadcast_in_dim3A_1392 : vector<16xi1>, vector<16xf32>
    %add3A_1394 = arith.addf %add3A_1332, %select_n3A_1393 : vector<16xf32>
    %eq3A_1395 = arith.constant 2 : i32
    %eq3A_1396 = vector.broadcast %eq3A_1395 : i32 to vector<16xi32>
    %eq3A_1397 = arith.cmpi eq, %get3A_1380, %eq3A_1396 : vector<16xi32>
    %jit3A_1398 = arith.constant 0.000000e+00 : f32
    %broadcast_in_dim3A_1399 = vector.broadcast %jit3A_1398 : f32 to vector<16xf32>
    %select_n3A_1400 = arith.select %eq3A_1397, %get3A_1377, %broadcast_in_dim3A_1399 : vector<16xi1>, vector<16xf32>
    %add3A_1401 = arith.addf %add3A_1339, %select_n3A_1400 : vector<16xf32>
    %eq3A_1402 = arith.constant 3 : i32
    %eq3A_1403 = vector.broadcast %eq3A_1402 : i32 to vector<16xi32>
    %eq3A_1404 = arith.cmpi eq, %get3A_1380, %eq3A_1403 : vector<16xi32>
    %jit3A_1405 = arith.constant 0.000000e+00 : f32
    %broadcast_in_dim3A_1406 = vector.broadcast %jit3A_1405 : f32 to vector<16xf32>
    %select_n3A_1407 = arith.select %eq3A_1404, %get3A_1377, %broadcast_in_dim3A_1406 : vector<16xi1>, vector<16xf32>
    %add3A_1408 = arith.addf %add3A_1346, %select_n3A_1407 : vector<16xf32>
    %eq3A_1409 = arith.constant 4 : i32
    %eq3A_1410 = vector.broadcast %eq3A_1409 : i32 to vector<16xi32>
    %eq3A_1411 = arith.cmpi eq, %get3A_1380, %eq3A_1410 : vector<16xi32>
    %jit3A_1412 = arith.constant 0.000000e+00 : f32
    %broadcast_in_dim3A_1413 = vector.broadcast %jit3A_1412 : f32 to vector<16xf32>
    %select_n3A_1414 = arith.select %eq3A_1411, %get3A_1377, %broadcast_in_dim3A_1413 : vector<16xi1>, vector<16xf32>
    %add3A_1415 = arith.addf %add3A_1353, %select_n3A_1414 : vector<16xf32>
    %eq3A_1416 = arith.constant 5 : i32
    %eq3A_1417 = vector.broadcast %eq3A_1416 : i32 to vector<16xi32>
    %eq3A_1418 = arith.cmpi eq, %get3A_1380, %eq3A_1417 : vector<16xi32>
    %jit3A_1419 = arith.constant 0.000000e+00 : f32
    %broadcast_in_dim3A_1420 = vector.broadcast %jit3A_1419 : f32 to vector<16xf32>
    %select_n3A_1421 = arith.select %eq3A_1418, %get3A_1377, %broadcast_in_dim3A_1420 : vector<16xi1>, vector<16xf32>
    %add3A_1422 = arith.addf %add3A_1360, %select_n3A_1421 : vector<16xf32>
    %eq3A_1423 = arith.constant 6 : i32
    %eq3A_1424 = vector.broadcast %eq3A_1423 : i32 to vector<16xi32>
    %eq3A_1425 = arith.cmpi eq, %get3A_1380, %eq3A_1424 : vector<16xi32>
    %jit3A_1426 = arith.constant 0.000000e+00 : f32
    %broadcast_in_dim3A_1427 = vector.broadcast %jit3A_1426 : f32 to vector<16xf32>
    %select_n3A_1428 = arith.select %eq3A_1425, %get3A_1377, %broadcast_in_dim3A_1427 : vector<16xi1>, vector<16xf32>
    %add3A_1429 = arith.addf %add3A_1367, %select_n3A_1428 : vector<16xf32>
    %eq3A_1430 = arith.constant 7 : i32
    %eq3A_1431 = vector.broadcast %eq3A_1430 : i32 to vector<16xi32>
    %eq3A_1432 = arith.cmpi eq, %get3A_1380, %eq3A_1431 : vector<16xi32>
    %jit3A_1433 = arith.constant 0.000000e+00 : f32
    %broadcast_in_dim3A_1434 = vector.broadcast %jit3A_1433 : f32 to vector<16xf32>
    %select_n3A_1435 = arith.select %eq3A_1432, %get3A_1377, %broadcast_in_dim3A_1434 : vector<16xi1>, vector<16xf32>
    %add3A_1436 = arith.addf %add3A_1374, %select_n3A_1435 : vector<16xf32>
    %get3A_1437 = arith.constant 368 : index
    %get3A_1438 = tpu.vector_load %arg5[%get3A_1437] {strides = array<i32>} : memref<512xf32, #tpu.memory_space<vmem>>, vector<16xf32>,
    %get3A_1439 = vector.shape_cast %get3A_1438 : vector<16xf32> to vector<16xf32>
    %get3A_1440 = arith.constant 368 : index
    %get3A_1441 = tpu.vector_load %arg6[%get3A_1440] {strides = array<i32>} : memref<512xi32, #tpu.memory_space<vmem>>, vector<16xi32>,
    %get3A_1442 = vector.shape_cast %get3A_1441 : vector<16xi32> to vector<16xi32>
    %eq3A_1443 = arith.constant 0 : i32
    %eq3A_1444 = vector.broadcast %eq3A_1443 : i32 to vector<16xi32>
    %eq3A_1445 = arith.cmpi eq, %get3A_1442, %eq3A_1444 : vector<16xi32>
    %jit3A_1446 = arith.constant 0.000000e+00 : f32
    %broadcast_in_dim3A_1447 = vector.broadcast %jit3A_1446 : f32 to vector<16xf32>
    %select_n3A_1448 = arith.select %eq3A_1445, %get3A_1439, %broadcast_in_dim3A_1447 : vector<16xi1>, vector<16xf32>
    %add3A_1449 = arith.addf %add3A_1387, %select_n3A_1448 : vector<16xf32>
    %eq3A_1450 = arith.constant 1 : i32
    %eq3A_1451 = vector.broadcast %eq3A_1450 : i32 to vector<16xi32>
    %eq3A_1452 = arith.cmpi eq, %get3A_1442, %eq3A_1451 : vector<16xi32>
    %jit3A_1453 = arith.constant 0.000000e+00 : f32
    %broadcast_in_dim3A_1454 = vector.broadcast %jit3A_1453 : f32 to vector<16xf32>
    %select_n3A_1455 = arith.select %eq3A_1452, %get3A_1439, %broadcast_in_dim3A_1454 : vector<16xi1>, vector<16xf32>
    %add3A_1456 = arith.addf %add3A_1394, %select_n3A_1455 : vector<16xf32>
    %eq3A_1457 = arith.constant 2 : i32
    %eq3A_1458 = vector.broadcast %eq3A_1457 : i32 to vector<16xi32>
    %eq3A_1459 = arith.cmpi eq, %get3A_1442, %eq3A_1458 : vector<16xi32>
    %jit3A_1460 = arith.constant 0.000000e+00 : f32
    %broadcast_in_dim3A_1461 = vector.broadcast %jit3A_1460 : f32 to vector<16xf32>
    %select_n3A_1462 = arith.select %eq3A_1459, %get3A_1439, %broadcast_in_dim3A_1461 : vector<16xi1>, vector<16xf32>
    %add3A_1463 = arith.addf %add3A_1401, %select_n3A_1462 : vector<16xf32>
    %eq3A_1464 = arith.constant 3 : i32
    %eq3A_1465 = vector.broadcast %eq3A_1464 : i32 to vector<16xi32>
    %eq3A_1466 = arith.cmpi eq, %get3A_1442, %eq3A_1465 : vector<16xi32>
    %jit3A_1467 = arith.constant 0.000000e+00 : f32
    %broadcast_in_dim3A_1468 = vector.broadcast %jit3A_1467 : f32 to vector<16xf32>
    %select_n3A_1469 = arith.select %eq3A_1466, %get3A_1439, %broadcast_in_dim3A_1468 : vector<16xi1>, vector<16xf32>
    %add3A_1470 = arith.addf %add3A_1408, %select_n3A_1469 : vector<16xf32>
    %eq3A_1471 = arith.constant 4 : i32
    %eq3A_1472 = vector.broadcast %eq3A_1471 : i32 to vector<16xi32>
    %eq3A_1473 = arith.cmpi eq, %get3A_1442, %eq3A_1472 : vector<16xi32>
    %jit3A_1474 = arith.constant 0.000000e+00 : f32
    %broadcast_in_dim3A_1475 = vector.broadcast %jit3A_1474 : f32 to vector<16xf32>
    %select_n3A_1476 = arith.select %eq3A_1473, %get3A_1439, %broadcast_in_dim3A_1475 : vector<16xi1>, vector<16xf32>
    %add3A_1477 = arith.addf %add3A_1415, %select_n3A_1476 : vector<16xf32>
    %eq3A_1478 = arith.constant 5 : i32
    %eq3A_1479 = vector.broadcast %eq3A_1478 : i32 to vector<16xi32>
    %eq3A_1480 = arith.cmpi eq, %get3A_1442, %eq3A_1479 : vector<16xi32>
    %jit3A_1481 = arith.constant 0.000000e+00 : f32
    %broadcast_in_dim3A_1482 = vector.broadcast %jit3A_1481 : f32 to vector<16xf32>
    %select_n3A_1483 = arith.select %eq3A_1480, %get3A_1439, %broadcast_in_dim3A_1482 : vector<16xi1>, vector<16xf32>
    %add3A_1484 = arith.addf %add3A_1422, %select_n3A_1483 : vector<16xf32>
    %eq3A_1485 = arith.constant 6 : i32
    %eq3A_1486 = vector.broadcast %eq3A_1485 : i32 to vector<16xi32>
    %eq3A_1487 = arith.cmpi eq, %get3A_1442, %eq3A_1486 : vector<16xi32>
    %jit3A_1488 = arith.constant 0.000000e+00 : f32
    %broadcast_in_dim3A_1489 = vector.broadcast %jit3A_1488 : f32 to vector<16xf32>
    %select_n3A_1490 = arith.select %eq3A_1487, %get3A_1439, %broadcast_in_dim3A_1489 : vector<16xi1>, vector<16xf32>
    %add3A_1491 = arith.addf %add3A_1429, %select_n3A_1490 : vector<16xf32>
    %eq3A_1492 = arith.constant 7 : i32
    %eq3A_1493 = vector.broadcast %eq3A_1492 : i32 to vector<16xi32>
    %eq3A_1494 = arith.cmpi eq, %get3A_1442, %eq3A_1493 : vector<16xi32>
    %jit3A_1495 = arith.constant 0.000000e+00 : f32
    %broadcast_in_dim3A_1496 = vector.broadcast %jit3A_1495 : f32 to vector<16xf32>
    %select_n3A_1497 = arith.select %eq3A_1494, %get3A_1439, %broadcast_in_dim3A_1496 : vector<16xi1>, vector<16xf32>
    %add3A_1498 = arith.addf %add3A_1436, %select_n3A_1497 : vector<16xf32>
    %get3A_1499 = arith.constant 384 : index
    %get3A_1500 = tpu.vector_load %arg5[%get3A_1499] {strides = array<i32>} : memref<512xf32, #tpu.memory_space<vmem>>, vector<16xf32>,
    %get3A_1501 = vector.shape_cast %get3A_1500 : vector<16xf32> to vector<16xf32>
    %get3A_1502 = arith.constant 384 : index
    %get3A_1503 = tpu.vector_load %arg6[%get3A_1502] {strides = array<i32>} : memref<512xi32, #tpu.memory_space<vmem>>, vector<16xi32>,
    %get3A_1504 = vector.shape_cast %get3A_1503 : vector<16xi32> to vector<16xi32>
    %eq3A_1505 = arith.constant 0 : i32
    %eq3A_1506 = vector.broadcast %eq3A_1505 : i32 to vector<16xi32>
    %eq3A_1507 = arith.cmpi eq, %get3A_1504, %eq3A_1506 : vector<16xi32>
    %jit3A_1508 = arith.constant 0.000000e+00 : f32
    %broadcast_in_dim3A_1509 = vector.broadcast %jit3A_1508 : f32 to vector<16xf32>
    %select_n3A_1510 = arith.select %eq3A_1507, %get3A_1501, %broadcast_in_dim3A_1509 : vector<16xi1>, vector<16xf32>
    %add3A_1511 = arith.addf %add3A_1449, %select_n3A_1510 : vector<16xf32>
    %eq3A_1512 = arith.constant 1 : i32
    %eq3A_1513 = vector.broadcast %eq3A_1512 : i32 to vector<16xi32>
    %eq3A_1514 = arith.cmpi eq, %get3A_1504, %eq3A_1513 : vector<16xi32>
    %jit3A_1515 = arith.constant 0.000000e+00 : f32
    %broadcast_in_dim3A_1516 = vector.broadcast %jit3A_1515 : f32 to vector<16xf32>
    %select_n3A_1517 = arith.select %eq3A_1514, %get3A_1501, %broadcast_in_dim3A_1516 : vector<16xi1>, vector<16xf32>
    %add3A_1518 = arith.addf %add3A_1456, %select_n3A_1517 : vector<16xf32>
    %eq3A_1519 = arith.constant 2 : i32
    %eq3A_1520 = vector.broadcast %eq3A_1519 : i32 to vector<16xi32>
    %eq3A_1521 = arith.cmpi eq, %get3A_1504, %eq3A_1520 : vector<16xi32>
    %jit3A_1522 = arith.constant 0.000000e+00 : f32
    %broadcast_in_dim3A_1523 = vector.broadcast %jit3A_1522 : f32 to vector<16xf32>
    %select_n3A_1524 = arith.select %eq3A_1521, %get3A_1501, %broadcast_in_dim3A_1523 : vector<16xi1>, vector<16xf32>
    %add3A_1525 = arith.addf %add3A_1463, %select_n3A_1524 : vector<16xf32>
    %eq3A_1526 = arith.constant 3 : i32
    %eq3A_1527 = vector.broadcast %eq3A_1526 : i32 to vector<16xi32>
    %eq3A_1528 = arith.cmpi eq, %get3A_1504, %eq3A_1527 : vector<16xi32>
    %jit3A_1529 = arith.constant 0.000000e+00 : f32
    %broadcast_in_dim3A_1530 = vector.broadcast %jit3A_1529 : f32 to vector<16xf32>
    %select_n3A_1531 = arith.select %eq3A_1528, %get3A_1501, %broadcast_in_dim3A_1530 : vector<16xi1>, vector<16xf32>
    %add3A_1532 = arith.addf %add3A_1470, %select_n3A_1531 : vector<16xf32>
    %eq3A_1533 = arith.constant 4 : i32
    %eq3A_1534 = vector.broadcast %eq3A_1533 : i32 to vector<16xi32>
    %eq3A_1535 = arith.cmpi eq, %get3A_1504, %eq3A_1534 : vector<16xi32>
    %jit3A_1536 = arith.constant 0.000000e+00 : f32
    %broadcast_in_dim3A_1537 = vector.broadcast %jit3A_1536 : f32 to vector<16xf32>
    %select_n3A_1538 = arith.select %eq3A_1535, %get3A_1501, %broadcast_in_dim3A_1537 : vector<16xi1>, vector<16xf32>
    %add3A_1539 = arith.addf %add3A_1477, %select_n3A_1538 : vector<16xf32>
    %eq3A_1540 = arith.constant 5 : i32
    %eq3A_1541 = vector.broadcast %eq3A_1540 : i32 to vector<16xi32>
    %eq3A_1542 = arith.cmpi eq, %get3A_1504, %eq3A_1541 : vector<16xi32>
    %jit3A_1543 = arith.constant 0.000000e+00 : f32
    %broadcast_in_dim3A_1544 = vector.broadcast %jit3A_1543 : f32 to vector<16xf32>
    %select_n3A_1545 = arith.select %eq3A_1542, %get3A_1501, %broadcast_in_dim3A_1544 : vector<16xi1>, vector<16xf32>
    %add3A_1546 = arith.addf %add3A_1484, %select_n3A_1545 : vector<16xf32>
    %eq3A_1547 = arith.constant 6 : i32
    %eq3A_1548 = vector.broadcast %eq3A_1547 : i32 to vector<16xi32>
    %eq3A_1549 = arith.cmpi eq, %get3A_1504, %eq3A_1548 : vector<16xi32>
    %jit3A_1550 = arith.constant 0.000000e+00 : f32
    %broadcast_in_dim3A_1551 = vector.broadcast %jit3A_1550 : f32 to vector<16xf32>
    %select_n3A_1552 = arith.select %eq3A_1549, %get3A_1501, %broadcast_in_dim3A_1551 : vector<16xi1>, vector<16xf32>
    %add3A_1553 = arith.addf %add3A_1491, %select_n3A_1552 : vector<16xf32>
    %eq3A_1554 = arith.constant 7 : i32
    %eq3A_1555 = vector.broadcast %eq3A_1554 : i32 to vector<16xi32>
    %eq3A_1556 = arith.cmpi eq, %get3A_1504, %eq3A_1555 : vector<16xi32>
    %jit3A_1557 = arith.constant 0.000000e+00 : f32
    %broadcast_in_dim3A_1558 = vector.broadcast %jit3A_1557 : f32 to vector<16xf32>
    %select_n3A_1559 = arith.select %eq3A_1556, %get3A_1501, %broadcast_in_dim3A_1558 : vector<16xi1>, vector<16xf32>
    %add3A_1560 = arith.addf %add3A_1498, %select_n3A_1559 : vector<16xf32>
    %get3A_1561 = arith.constant 400 : index
    %get3A_1562 = tpu.vector_load %arg5[%get3A_1561] {strides = array<i32>} : memref<512xf32, #tpu.memory_space<vmem>>, vector<16xf32>,
    %get3A_1563 = vector.shape_cast %get3A_1562 : vector<16xf32> to vector<16xf32>
    %get3A_1564 = arith.constant 400 : index
    %get3A_1565 = tpu.vector_load %arg6[%get3A_1564] {strides = array<i32>} : memref<512xi32, #tpu.memory_space<vmem>>, vector<16xi32>,
    %get3A_1566 = vector.shape_cast %get3A_1565 : vector<16xi32> to vector<16xi32>
    %eq3A_1567 = arith.constant 0 : i32
    %eq3A_1568 = vector.broadcast %eq3A_1567 : i32 to vector<16xi32>
    %eq3A_1569 = arith.cmpi eq, %get3A_1566, %eq3A_1568 : vector<16xi32>
    %jit3A_1570 = arith.constant 0.000000e+00 : f32
    %broadcast_in_dim3A_1571 = vector.broadcast %jit3A_1570 : f32 to vector<16xf32>
    %select_n3A_1572 = arith.select %eq3A_1569, %get3A_1563, %broadcast_in_dim3A_1571 : vector<16xi1>, vector<16xf32>
    %add3A_1573 = arith.addf %add3A_1511, %select_n3A_1572 : vector<16xf32>
    %eq3A_1574 = arith.constant 1 : i32
    %eq3A_1575 = vector.broadcast %eq3A_1574 : i32 to vector<16xi32>
    %eq3A_1576 = arith.cmpi eq, %get3A_1566, %eq3A_1575 : vector<16xi32>
    %jit3A_1577 = arith.constant 0.000000e+00 : f32
    %broadcast_in_dim3A_1578 = vector.broadcast %jit3A_1577 : f32 to vector<16xf32>
    %select_n3A_1579 = arith.select %eq3A_1576, %get3A_1563, %broadcast_in_dim3A_1578 : vector<16xi1>, vector<16xf32>
    %add3A_1580 = arith.addf %add3A_1518, %select_n3A_1579 : vector<16xf32>
    %eq3A_1581 = arith.constant 2 : i32
    %eq3A_1582 = vector.broadcast %eq3A_1581 : i32 to vector<16xi32>
    %eq3A_1583 = arith.cmpi eq, %get3A_1566, %eq3A_1582 : vector<16xi32>
    %jit3A_1584 = arith.constant 0.000000e+00 : f32
    %broadcast_in_dim3A_1585 = vector.broadcast %jit3A_1584 : f32 to vector<16xf32>
    %select_n3A_1586 = arith.select %eq3A_1583, %get3A_1563, %broadcast_in_dim3A_1585 : vector<16xi1>, vector<16xf32>
    %add3A_1587 = arith.addf %add3A_1525, %select_n3A_1586 : vector<16xf32>
    %eq3A_1588 = arith.constant 3 : i32
    %eq3A_1589 = vector.broadcast %eq3A_1588 : i32 to vector<16xi32>
    %eq3A_1590 = arith.cmpi eq, %get3A_1566, %eq3A_1589 : vector<16xi32>
    %jit3A_1591 = arith.constant 0.000000e+00 : f32
    %broadcast_in_dim3A_1592 = vector.broadcast %jit3A_1591 : f32 to vector<16xf32>
    %select_n3A_1593 = arith.select %eq3A_1590, %get3A_1563, %broadcast_in_dim3A_1592 : vector<16xi1>, vector<16xf32>
    %add3A_1594 = arith.addf %add3A_1532, %select_n3A_1593 : vector<16xf32>
    %eq3A_1595 = arith.constant 4 : i32
    %eq3A_1596 = vector.broadcast %eq3A_1595 : i32 to vector<16xi32>
    %eq3A_1597 = arith.cmpi eq, %get3A_1566, %eq3A_1596 : vector<16xi32>
    %jit3A_1598 = arith.constant 0.000000e+00 : f32
    %broadcast_in_dim3A_1599 = vector.broadcast %jit3A_1598 : f32 to vector<16xf32>
    %select_n3A_1600 = arith.select %eq3A_1597, %get3A_1563, %broadcast_in_dim3A_1599 : vector<16xi1>, vector<16xf32>
    %add3A_1601 = arith.addf %add3A_1539, %select_n3A_1600 : vector<16xf32>
    %eq3A_1602 = arith.constant 5 : i32
    %eq3A_1603 = vector.broadcast %eq3A_1602 : i32 to vector<16xi32>
    %eq3A_1604 = arith.cmpi eq, %get3A_1566, %eq3A_1603 : vector<16xi32>
    %jit3A_1605 = arith.constant 0.000000e+00 : f32
    %broadcast_in_dim3A_1606 = vector.broadcast %jit3A_1605 : f32 to vector<16xf32>
    %select_n3A_1607 = arith.select %eq3A_1604, %get3A_1563, %broadcast_in_dim3A_1606 : vector<16xi1>, vector<16xf32>
    %add3A_1608 = arith.addf %add3A_1546, %select_n3A_1607 : vector<16xf32>
    %eq3A_1609 = arith.constant 6 : i32
    %eq3A_1610 = vector.broadcast %eq3A_1609 : i32 to vector<16xi32>
    %eq3A_1611 = arith.cmpi eq, %get3A_1566, %eq3A_1610 : vector<16xi32>
    %jit3A_1612 = arith.constant 0.000000e+00 : f32
    %broadcast_in_dim3A_1613 = vector.broadcast %jit3A_1612 : f32 to vector<16xf32>
    %select_n3A_1614 = arith.select %eq3A_1611, %get3A_1563, %broadcast_in_dim3A_1613 : vector<16xi1>, vector<16xf32>
    %add3A_1615 = arith.addf %add3A_1553, %select_n3A_1614 : vector<16xf32>
    %eq3A_1616 = arith.constant 7 : i32
    %eq3A_1617 = vector.broadcast %eq3A_1616 : i32 to vector<16xi32>
    %eq3A_1618 = arith.cmpi eq, %get3A_1566, %eq3A_1617 : vector<16xi32>
    %jit3A_1619 = arith.constant 0.000000e+00 : f32
    %broadcast_in_dim3A_1620 = vector.broadcast %jit3A_1619 : f32 to vector<16xf32>
    %select_n3A_1621 = arith.select %eq3A_1618, %get3A_1563, %broadcast_in_dim3A_1620 : vector<16xi1>, vector<16xf32>
    %add3A_1622 = arith.addf %add3A_1560, %select_n3A_1621 : vector<16xf32>
    %get3A_1623 = arith.constant 416 : index
    %get3A_1624 = tpu.vector_load %arg5[%get3A_1623] {strides = array<i32>} : memref<512xf32, #tpu.memory_space<vmem>>, vector<16xf32>,
    %get3A_1625 = vector.shape_cast %get3A_1624 : vector<16xf32> to vector<16xf32>
    %get3A_1626 = arith.constant 416 : index
    %get3A_1627 = tpu.vector_load %arg6[%get3A_1626] {strides = array<i32>} : memref<512xi32, #tpu.memory_space<vmem>>, vector<16xi32>,
    %get3A_1628 = vector.shape_cast %get3A_1627 : vector<16xi32> to vector<16xi32>
    %eq3A_1629 = arith.constant 0 : i32
    %eq3A_1630 = vector.broadcast %eq3A_1629 : i32 to vector<16xi32>
    %eq3A_1631 = arith.cmpi eq, %get3A_1628, %eq3A_1630 : vector<16xi32>
    %jit3A_1632 = arith.constant 0.000000e+00 : f32
    %broadcast_in_dim3A_1633 = vector.broadcast %jit3A_1632 : f32 to vector<16xf32>
    %select_n3A_1634 = arith.select %eq3A_1631, %get3A_1625, %broadcast_in_dim3A_1633 : vector<16xi1>, vector<16xf32>
    %add3A_1635 = arith.addf %add3A_1573, %select_n3A_1634 : vector<16xf32>
    %eq3A_1636 = arith.constant 1 : i32
    %eq3A_1637 = vector.broadcast %eq3A_1636 : i32 to vector<16xi32>
    %eq3A_1638 = arith.cmpi eq, %get3A_1628, %eq3A_1637 : vector<16xi32>
    %jit3A_1639 = arith.constant 0.000000e+00 : f32
    %broadcast_in_dim3A_1640 = vector.broadcast %jit3A_1639 : f32 to vector<16xf32>
    %select_n3A_1641 = arith.select %eq3A_1638, %get3A_1625, %broadcast_in_dim3A_1640 : vector<16xi1>, vector<16xf32>
    %add3A_1642 = arith.addf %add3A_1580, %select_n3A_1641 : vector<16xf32>
    %eq3A_1643 = arith.constant 2 : i32
    %eq3A_1644 = vector.broadcast %eq3A_1643 : i32 to vector<16xi32>
    %eq3A_1645 = arith.cmpi eq, %get3A_1628, %eq3A_1644 : vector<16xi32>
    %jit3A_1646 = arith.constant 0.000000e+00 : f32
    %broadcast_in_dim3A_1647 = vector.broadcast %jit3A_1646 : f32 to vector<16xf32>
    %select_n3A_1648 = arith.select %eq3A_1645, %get3A_1625, %broadcast_in_dim3A_1647 : vector<16xi1>, vector<16xf32>
    %add3A_1649 = arith.addf %add3A_1587, %select_n3A_1648 : vector<16xf32>
    %eq3A_1650 = arith.constant 3 : i32
    %eq3A_1651 = vector.broadcast %eq3A_1650 : i32 to vector<16xi32>
    %eq3A_1652 = arith.cmpi eq, %get3A_1628, %eq3A_1651 : vector<16xi32>
    %jit3A_1653 = arith.constant 0.000000e+00 : f32
    %broadcast_in_dim3A_1654 = vector.broadcast %jit3A_1653 : f32 to vector<16xf32>
    %select_n3A_1655 = arith.select %eq3A_1652, %get3A_1625, %broadcast_in_dim3A_1654 : vector<16xi1>, vector<16xf32>
    %add3A_1656 = arith.addf %add3A_1594, %select_n3A_1655 : vector<16xf32>
    %eq3A_1657 = arith.constant 4 : i32
    %eq3A_1658 = vector.broadcast %eq3A_1657 : i32 to vector<16xi32>
    %eq3A_1659 = arith.cmpi eq, %get3A_1628, %eq3A_1658 : vector<16xi32>
    %jit3A_1660 = arith.constant 0.000000e+00 : f32
    %broadcast_in_dim3A_1661 = vector.broadcast %jit3A_1660 : f32 to vector<16xf32>
    %select_n3A_1662 = arith.select %eq3A_1659, %get3A_1625, %broadcast_in_dim3A_1661 : vector<16xi1>, vector<16xf32>
    %add3A_1663 = arith.addf %add3A_1601, %select_n3A_1662 : vector<16xf32>
    %eq3A_1664 = arith.constant 5 : i32
    %eq3A_1665 = vector.broadcast %eq3A_1664 : i32 to vector<16xi32>
    %eq3A_1666 = arith.cmpi eq, %get3A_1628, %eq3A_1665 : vector<16xi32>
    %jit3A_1667 = arith.constant 0.000000e+00 : f32
    %broadcast_in_dim3A_1668 = vector.broadcast %jit3A_1667 : f32 to vector<16xf32>
    %select_n3A_1669 = arith.select %eq3A_1666, %get3A_1625, %broadcast_in_dim3A_1668 : vector<16xi1>, vector<16xf32>
    %add3A_1670 = arith.addf %add3A_1608, %select_n3A_1669 : vector<16xf32>
    %eq3A_1671 = arith.constant 6 : i32
    %eq3A_1672 = vector.broadcast %eq3A_1671 : i32 to vector<16xi32>
    %eq3A_1673 = arith.cmpi eq, %get3A_1628, %eq3A_1672 : vector<16xi32>
    %jit3A_1674 = arith.constant 0.000000e+00 : f32
    %broadcast_in_dim3A_1675 = vector.broadcast %jit3A_1674 : f32 to vector<16xf32>
    %select_n3A_1676 = arith.select %eq3A_1673, %get3A_1625, %broadcast_in_dim3A_1675 : vector<16xi1>, vector<16xf32>
    %add3A_1677 = arith.addf %add3A_1615, %select_n3A_1676 : vector<16xf32>
    %eq3A_1678 = arith.constant 7 : i32
    %eq3A_1679 = vector.broadcast %eq3A_1678 : i32 to vector<16xi32>
    %eq3A_1680 = arith.cmpi eq, %get3A_1628, %eq3A_1679 : vector<16xi32>
    %jit3A_1681 = arith.constant 0.000000e+00 : f32
    %broadcast_in_dim3A_1682 = vector.broadcast %jit3A_1681 : f32 to vector<16xf32>
    %select_n3A_1683 = arith.select %eq3A_1680, %get3A_1625, %broadcast_in_dim3A_1682 : vector<16xi1>, vector<16xf32>
    %add3A_1684 = arith.addf %add3A_1622, %select_n3A_1683 : vector<16xf32>
    %get3A_1685 = arith.constant 432 : index
    %get3A_1686 = tpu.vector_load %arg5[%get3A_1685] {strides = array<i32>} : memref<512xf32, #tpu.memory_space<vmem>>, vector<16xf32>,
    %get3A_1687 = vector.shape_cast %get3A_1686 : vector<16xf32> to vector<16xf32>
    %get3A_1688 = arith.constant 432 : index
    %get3A_1689 = tpu.vector_load %arg6[%get3A_1688] {strides = array<i32>} : memref<512xi32, #tpu.memory_space<vmem>>, vector<16xi32>,
    %get3A_1690 = vector.shape_cast %get3A_1689 : vector<16xi32> to vector<16xi32>
    %eq3A_1691 = arith.constant 0 : i32
    %eq3A_1692 = vector.broadcast %eq3A_1691 : i32 to vector<16xi32>
    %eq3A_1693 = arith.cmpi eq, %get3A_1690, %eq3A_1692 : vector<16xi32>
    %jit3A_1694 = arith.constant 0.000000e+00 : f32
    %broadcast_in_dim3A_1695 = vector.broadcast %jit3A_1694 : f32 to vector<16xf32>
    %select_n3A_1696 = arith.select %eq3A_1693, %get3A_1687, %broadcast_in_dim3A_1695 : vector<16xi1>, vector<16xf32>
    %add3A_1697 = arith.addf %add3A_1635, %select_n3A_1696 : vector<16xf32>
    %eq3A_1698 = arith.constant 1 : i32
    %eq3A_1699 = vector.broadcast %eq3A_1698 : i32 to vector<16xi32>
    %eq3A_1700 = arith.cmpi eq, %get3A_1690, %eq3A_1699 : vector<16xi32>
    %jit3A_1701 = arith.constant 0.000000e+00 : f32
    %broadcast_in_dim3A_1702 = vector.broadcast %jit3A_1701 : f32 to vector<16xf32>
    %select_n3A_1703 = arith.select %eq3A_1700, %get3A_1687, %broadcast_in_dim3A_1702 : vector<16xi1>, vector<16xf32>
    %add3A_1704 = arith.addf %add3A_1642, %select_n3A_1703 : vector<16xf32>
    %eq3A_1705 = arith.constant 2 : i32
    %eq3A_1706 = vector.broadcast %eq3A_1705 : i32 to vector<16xi32>
    %eq3A_1707 = arith.cmpi eq, %get3A_1690, %eq3A_1706 : vector<16xi32>
    %jit3A_1708 = arith.constant 0.000000e+00 : f32
    %broadcast_in_dim3A_1709 = vector.broadcast %jit3A_1708 : f32 to vector<16xf32>
    %select_n3A_1710 = arith.select %eq3A_1707, %get3A_1687, %broadcast_in_dim3A_1709 : vector<16xi1>, vector<16xf32>
    %add3A_1711 = arith.addf %add3A_1649, %select_n3A_1710 : vector<16xf32>
    %eq3A_1712 = arith.constant 3 : i32
    %eq3A_1713 = vector.broadcast %eq3A_1712 : i32 to vector<16xi32>
    %eq3A_1714 = arith.cmpi eq, %get3A_1690, %eq3A_1713 : vector<16xi32>
    %jit3A_1715 = arith.constant 0.000000e+00 : f32
    %broadcast_in_dim3A_1716 = vector.broadcast %jit3A_1715 : f32 to vector<16xf32>
    %select_n3A_1717 = arith.select %eq3A_1714, %get3A_1687, %broadcast_in_dim3A_1716 : vector<16xi1>, vector<16xf32>
    %add3A_1718 = arith.addf %add3A_1656, %select_n3A_1717 : vector<16xf32>
    %eq3A_1719 = arith.constant 4 : i32
    %eq3A_1720 = vector.broadcast %eq3A_1719 : i32 to vector<16xi32>
    %eq3A_1721 = arith.cmpi eq, %get3A_1690, %eq3A_1720 : vector<16xi32>
    %jit3A_1722 = arith.constant 0.000000e+00 : f32
    %broadcast_in_dim3A_1723 = vector.broadcast %jit3A_1722 : f32 to vector<16xf32>
    %select_n3A_1724 = arith.select %eq3A_1721, %get3A_1687, %broadcast_in_dim3A_1723 : vector<16xi1>, vector<16xf32>
    %add3A_1725 = arith.addf %add3A_1663, %select_n3A_1724 : vector<16xf32>
    %eq3A_1726 = arith.constant 5 : i32
    %eq3A_1727 = vector.broadcast %eq3A_1726 : i32 to vector<16xi32>
    %eq3A_1728 = arith.cmpi eq, %get3A_1690, %eq3A_1727 : vector<16xi32>
    %jit3A_1729 = arith.constant 0.000000e+00 : f32
    %broadcast_in_dim3A_1730 = vector.broadcast %jit3A_1729 : f32 to vector<16xf32>
    %select_n3A_1731 = arith.select %eq3A_1728, %get3A_1687, %broadcast_in_dim3A_1730 : vector<16xi1>, vector<16xf32>
    %add3A_1732 = arith.addf %add3A_1670, %select_n3A_1731 : vector<16xf32>
    %eq3A_1733 = arith.constant 6 : i32
    %eq3A_1734 = vector.broadcast %eq3A_1733 : i32 to vector<16xi32>
    %eq3A_1735 = arith.cmpi eq, %get3A_1690, %eq3A_1734 : vector<16xi32>
    %jit3A_1736 = arith.constant 0.000000e+00 : f32
    %broadcast_in_dim3A_1737 = vector.broadcast %jit3A_1736 : f32 to vector<16xf32>
    %select_n3A_1738 = arith.select %eq3A_1735, %get3A_1687, %broadcast_in_dim3A_1737 : vector<16xi1>, vector<16xf32>
    %add3A_1739 = arith.addf %add3A_1677, %select_n3A_1738 : vector<16xf32>
    %eq3A_1740 = arith.constant 7 : i32
    %eq3A_1741 = vector.broadcast %eq3A_1740 : i32 to vector<16xi32>
    %eq3A_1742 = arith.cmpi eq, %get3A_1690, %eq3A_1741 : vector<16xi32>
    %jit3A_1743 = arith.constant 0.000000e+00 : f32
    %broadcast_in_dim3A_1744 = vector.broadcast %jit3A_1743 : f32 to vector<16xf32>
    %select_n3A_1745 = arith.select %eq3A_1742, %get3A_1687, %broadcast_in_dim3A_1744 : vector<16xi1>, vector<16xf32>
    %add3A_1746 = arith.addf %add3A_1684, %select_n3A_1745 : vector<16xf32>
    %get3A_1747 = arith.constant 448 : index
    %get3A_1748 = tpu.vector_load %arg5[%get3A_1747] {strides = array<i32>} : memref<512xf32, #tpu.memory_space<vmem>>, vector<16xf32>,
    %get3A_1749 = vector.shape_cast %get3A_1748 : vector<16xf32> to vector<16xf32>
    %get3A_1750 = arith.constant 448 : index
    %get3A_1751 = tpu.vector_load %arg6[%get3A_1750] {strides = array<i32>} : memref<512xi32, #tpu.memory_space<vmem>>, vector<16xi32>,
    %get3A_1752 = vector.shape_cast %get3A_1751 : vector<16xi32> to vector<16xi32>
    %eq3A_1753 = arith.constant 0 : i32
    %eq3A_1754 = vector.broadcast %eq3A_1753 : i32 to vector<16xi32>
    %eq3A_1755 = arith.cmpi eq, %get3A_1752, %eq3A_1754 : vector<16xi32>
    %jit3A_1756 = arith.constant 0.000000e+00 : f32
    %broadcast_in_dim3A_1757 = vector.broadcast %jit3A_1756 : f32 to vector<16xf32>
    %select_n3A_1758 = arith.select %eq3A_1755, %get3A_1749, %broadcast_in_dim3A_1757 : vector<16xi1>, vector<16xf32>
    %add3A_1759 = arith.addf %add3A_1697, %select_n3A_1758 : vector<16xf32>
    %eq3A_1760 = arith.constant 1 : i32
    %eq3A_1761 = vector.broadcast %eq3A_1760 : i32 to vector<16xi32>
    %eq3A_1762 = arith.cmpi eq, %get3A_1752, %eq3A_1761 : vector<16xi32>
    %jit3A_1763 = arith.constant 0.000000e+00 : f32
    %broadcast_in_dim3A_1764 = vector.broadcast %jit3A_1763 : f32 to vector<16xf32>
    %select_n3A_1765 = arith.select %eq3A_1762, %get3A_1749, %broadcast_in_dim3A_1764 : vector<16xi1>, vector<16xf32>
    %add3A_1766 = arith.addf %add3A_1704, %select_n3A_1765 : vector<16xf32>
    %eq3A_1767 = arith.constant 2 : i32
    %eq3A_1768 = vector.broadcast %eq3A_1767 : i32 to vector<16xi32>
    %eq3A_1769 = arith.cmpi eq, %get3A_1752, %eq3A_1768 : vector<16xi32>
    %jit3A_1770 = arith.constant 0.000000e+00 : f32
    %broadcast_in_dim3A_1771 = vector.broadcast %jit3A_1770 : f32 to vector<16xf32>
    %select_n3A_1772 = arith.select %eq3A_1769, %get3A_1749, %broadcast_in_dim3A_1771 : vector<16xi1>, vector<16xf32>
    %add3A_1773 = arith.addf %add3A_1711, %select_n3A_1772 : vector<16xf32>
    %eq3A_1774 = arith.constant 3 : i32
    %eq3A_1775 = vector.broadcast %eq3A_1774 : i32 to vector<16xi32>
    %eq3A_1776 = arith.cmpi eq, %get3A_1752, %eq3A_1775 : vector<16xi32>
    %jit3A_1777 = arith.constant 0.000000e+00 : f32
    %broadcast_in_dim3A_1778 = vector.broadcast %jit3A_1777 : f32 to vector<16xf32>
    %select_n3A_1779 = arith.select %eq3A_1776, %get3A_1749, %broadcast_in_dim3A_1778 : vector<16xi1>, vector<16xf32>
    %add3A_1780 = arith.addf %add3A_1718, %select_n3A_1779 : vector<16xf32>
    %eq3A_1781 = arith.constant 4 : i32
    %eq3A_1782 = vector.broadcast %eq3A_1781 : i32 to vector<16xi32>
    %eq3A_1783 = arith.cmpi eq, %get3A_1752, %eq3A_1782 : vector<16xi32>
    %jit3A_1784 = arith.constant 0.000000e+00 : f32
    %broadcast_in_dim3A_1785 = vector.broadcast %jit3A_1784 : f32 to vector<16xf32>
    %select_n3A_1786 = arith.select %eq3A_1783, %get3A_1749, %broadcast_in_dim3A_1785 : vector<16xi1>, vector<16xf32>
    %add3A_1787 = arith.addf %add3A_1725, %select_n3A_1786 : vector<16xf32>
    %eq3A_1788 = arith.constant 5 : i32
    %eq3A_1789 = vector.broadcast %eq3A_1788 : i32 to vector<16xi32>
    %eq3A_1790 = arith.cmpi eq, %get3A_1752, %eq3A_1789 : vector<16xi32>
    %jit3A_1791 = arith.constant 0.000000e+00 : f32
    %broadcast_in_dim3A_1792 = vector.broadcast %jit3A_1791 : f32 to vector<16xf32>
    %select_n3A_1793 = arith.select %eq3A_1790, %get3A_1749, %broadcast_in_dim3A_1792 : vector<16xi1>, vector<16xf32>
    %add3A_1794 = arith.addf %add3A_1732, %select_n3A_1793 : vector<16xf32>
    %eq3A_1795 = arith.constant 6 : i32
    %eq3A_1796 = vector.broadcast %eq3A_1795 : i32 to vector<16xi32>
    %eq3A_1797 = arith.cmpi eq, %get3A_1752, %eq3A_1796 : vector<16xi32>
    %jit3A_1798 = arith.constant 0.000000e+00 : f32
    %broadcast_in_dim3A_1799 = vector.broadcast %jit3A_1798 : f32 to vector<16xf32>
    %select_n3A_1800 = arith.select %eq3A_1797, %get3A_1749, %broadcast_in_dim3A_1799 : vector<16xi1>, vector<16xf32>
    %add3A_1801 = arith.addf %add3A_1739, %select_n3A_1800 : vector<16xf32>
    %eq3A_1802 = arith.constant 7 : i32
    %eq3A_1803 = vector.broadcast %eq3A_1802 : i32 to vector<16xi32>
    %eq3A_1804 = arith.cmpi eq, %get3A_1752, %eq3A_1803 : vector<16xi32>
    %jit3A_1805 = arith.constant 0.000000e+00 : f32
    %broadcast_in_dim3A_1806 = vector.broadcast %jit3A_1805 : f32 to vector<16xf32>
    %select_n3A_1807 = arith.select %eq3A_1804, %get3A_1749, %broadcast_in_dim3A_1806 : vector<16xi1>, vector<16xf32>
    %add3A_1808 = arith.addf %add3A_1746, %select_n3A_1807 : vector<16xf32>
    %get3A_1809 = arith.constant 464 : index
    %get3A_1810 = tpu.vector_load %arg5[%get3A_1809] {strides = array<i32>} : memref<512xf32, #tpu.memory_space<vmem>>, vector<16xf32>,
    %get3A_1811 = vector.shape_cast %get3A_1810 : vector<16xf32> to vector<16xf32>
    %get3A_1812 = arith.constant 464 : index
    %get3A_1813 = tpu.vector_load %arg6[%get3A_1812] {strides = array<i32>} : memref<512xi32, #tpu.memory_space<vmem>>, vector<16xi32>,
    %get3A_1814 = vector.shape_cast %get3A_1813 : vector<16xi32> to vector<16xi32>
    %eq3A_1815 = arith.constant 0 : i32
    %eq3A_1816 = vector.broadcast %eq3A_1815 : i32 to vector<16xi32>
    %eq3A_1817 = arith.cmpi eq, %get3A_1814, %eq3A_1816 : vector<16xi32>
    %jit3A_1818 = arith.constant 0.000000e+00 : f32
    %broadcast_in_dim3A_1819 = vector.broadcast %jit3A_1818 : f32 to vector<16xf32>
    %select_n3A_1820 = arith.select %eq3A_1817, %get3A_1811, %broadcast_in_dim3A_1819 : vector<16xi1>, vector<16xf32>
    %add3A_1821 = arith.addf %add3A_1759, %select_n3A_1820 : vector<16xf32>
    %eq3A_1822 = arith.constant 1 : i32
    %eq3A_1823 = vector.broadcast %eq3A_1822 : i32 to vector<16xi32>
    %eq3A_1824 = arith.cmpi eq, %get3A_1814, %eq3A_1823 : vector<16xi32>
    %jit3A_1825 = arith.constant 0.000000e+00 : f32
    %broadcast_in_dim3A_1826 = vector.broadcast %jit3A_1825 : f32 to vector<16xf32>
    %select_n3A_1827 = arith.select %eq3A_1824, %get3A_1811, %broadcast_in_dim3A_1826 : vector<16xi1>, vector<16xf32>
    %add3A_1828 = arith.addf %add3A_1766, %select_n3A_1827 : vector<16xf32>
    %eq3A_1829 = arith.constant 2 : i32
    %eq3A_1830 = vector.broadcast %eq3A_1829 : i32 to vector<16xi32>
    %eq3A_1831 = arith.cmpi eq, %get3A_1814, %eq3A_1830 : vector<16xi32>
    %jit3A_1832 = arith.constant 0.000000e+00 : f32
    %broadcast_in_dim3A_1833 = vector.broadcast %jit3A_1832 : f32 to vector<16xf32>
    %select_n3A_1834 = arith.select %eq3A_1831, %get3A_1811, %broadcast_in_dim3A_1833 : vector<16xi1>, vector<16xf32>
    %add3A_1835 = arith.addf %add3A_1773, %select_n3A_1834 : vector<16xf32>
    %eq3A_1836 = arith.constant 3 : i32
    %eq3A_1837 = vector.broadcast %eq3A_1836 : i32 to vector<16xi32>
    %eq3A_1838 = arith.cmpi eq, %get3A_1814, %eq3A_1837 : vector<16xi32>
    %jit3A_1839 = arith.constant 0.000000e+00 : f32
    %broadcast_in_dim3A_1840 = vector.broadcast %jit3A_1839 : f32 to vector<16xf32>
    %select_n3A_1841 = arith.select %eq3A_1838, %get3A_1811, %broadcast_in_dim3A_1840 : vector<16xi1>, vector<16xf32>
    %add3A_1842 = arith.addf %add3A_1780, %select_n3A_1841 : vector<16xf32>
    %eq3A_1843 = arith.constant 4 : i32
    %eq3A_1844 = vector.broadcast %eq3A_1843 : i32 to vector<16xi32>
    %eq3A_1845 = arith.cmpi eq, %get3A_1814, %eq3A_1844 : vector<16xi32>
    %jit3A_1846 = arith.constant 0.000000e+00 : f32
    %broadcast_in_dim3A_1847 = vector.broadcast %jit3A_1846 : f32 to vector<16xf32>
    %select_n3A_1848 = arith.select %eq3A_1845, %get3A_1811, %broadcast_in_dim3A_1847 : vector<16xi1>, vector<16xf32>
    %add3A_1849 = arith.addf %add3A_1787, %select_n3A_1848 : vector<16xf32>
    %eq3A_1850 = arith.constant 5 : i32
    %eq3A_1851 = vector.broadcast %eq3A_1850 : i32 to vector<16xi32>
    %eq3A_1852 = arith.cmpi eq, %get3A_1814, %eq3A_1851 : vector<16xi32>
    %jit3A_1853 = arith.constant 0.000000e+00 : f32
    %broadcast_in_dim3A_1854 = vector.broadcast %jit3A_1853 : f32 to vector<16xf32>
    %select_n3A_1855 = arith.select %eq3A_1852, %get3A_1811, %broadcast_in_dim3A_1854 : vector<16xi1>, vector<16xf32>
    %add3A_1856 = arith.addf %add3A_1794, %select_n3A_1855 : vector<16xf32>
    %eq3A_1857 = arith.constant 6 : i32
    %eq3A_1858 = vector.broadcast %eq3A_1857 : i32 to vector<16xi32>
    %eq3A_1859 = arith.cmpi eq, %get3A_1814, %eq3A_1858 : vector<16xi32>
    %jit3A_1860 = arith.constant 0.000000e+00 : f32
    %broadcast_in_dim3A_1861 = vector.broadcast %jit3A_1860 : f32 to vector<16xf32>
    %select_n3A_1862 = arith.select %eq3A_1859, %get3A_1811, %broadcast_in_dim3A_1861 : vector<16xi1>, vector<16xf32>
    %add3A_1863 = arith.addf %add3A_1801, %select_n3A_1862 : vector<16xf32>
    %eq3A_1864 = arith.constant 7 : i32
    %eq3A_1865 = vector.broadcast %eq3A_1864 : i32 to vector<16xi32>
    %eq3A_1866 = arith.cmpi eq, %get3A_1814, %eq3A_1865 : vector<16xi32>
    %jit3A_1867 = arith.constant 0.000000e+00 : f32
    %broadcast_in_dim3A_1868 = vector.broadcast %jit3A_1867 : f32 to vector<16xf32>
    %select_n3A_1869 = arith.select %eq3A_1866, %get3A_1811, %broadcast_in_dim3A_1868 : vector<16xi1>, vector<16xf32>
    %add3A_1870 = arith.addf %add3A_1808, %select_n3A_1869 : vector<16xf32>
    %get3A_1871 = arith.constant 480 : index
    %get3A_1872 = tpu.vector_load %arg5[%get3A_1871] {strides = array<i32>} : memref<512xf32, #tpu.memory_space<vmem>>, vector<16xf32>,
    %get3A_1873 = vector.shape_cast %get3A_1872 : vector<16xf32> to vector<16xf32>
    %get3A_1874 = arith.constant 480 : index
    %get3A_1875 = tpu.vector_load %arg6[%get3A_1874] {strides = array<i32>} : memref<512xi32, #tpu.memory_space<vmem>>, vector<16xi32>,
    %get3A_1876 = vector.shape_cast %get3A_1875 : vector<16xi32> to vector<16xi32>
    %eq3A_1877 = arith.constant 0 : i32
    %eq3A_1878 = vector.broadcast %eq3A_1877 : i32 to vector<16xi32>
    %eq3A_1879 = arith.cmpi eq, %get3A_1876, %eq3A_1878 : vector<16xi32>
    %jit3A_1880 = arith.constant 0.000000e+00 : f32
    %broadcast_in_dim3A_1881 = vector.broadcast %jit3A_1880 : f32 to vector<16xf32>
    %select_n3A_1882 = arith.select %eq3A_1879, %get3A_1873, %broadcast_in_dim3A_1881 : vector<16xi1>, vector<16xf32>
    %add3A_1883 = arith.addf %add3A_1821, %select_n3A_1882 : vector<16xf32>
    %eq3A_1884 = arith.constant 1 : i32
    %eq3A_1885 = vector.broadcast %eq3A_1884 : i32 to vector<16xi32>
    %eq3A_1886 = arith.cmpi eq, %get3A_1876, %eq3A_1885 : vector<16xi32>
    %jit3A_1887 = arith.constant 0.000000e+00 : f32
    %broadcast_in_dim3A_1888 = vector.broadcast %jit3A_1887 : f32 to vector<16xf32>
    %select_n3A_1889 = arith.select %eq3A_1886, %get3A_1873, %broadcast_in_dim3A_1888 : vector<16xi1>, vector<16xf32>
    %add3A_1890 = arith.addf %add3A_1828, %select_n3A_1889 : vector<16xf32>
    %eq3A_1891 = arith.constant 2 : i32
    %eq3A_1892 = vector.broadcast %eq3A_1891 : i32 to vector<16xi32>
    %eq3A_1893 = arith.cmpi eq, %get3A_1876, %eq3A_1892 : vector<16xi32>
    %jit3A_1894 = arith.constant 0.000000e+00 : f32
    %broadcast_in_dim3A_1895 = vector.broadcast %jit3A_1894 : f32 to vector<16xf32>
    %select_n3A_1896 = arith.select %eq3A_1893, %get3A_1873, %broadcast_in_dim3A_1895 : vector<16xi1>, vector<16xf32>
    %add3A_1897 = arith.addf %add3A_1835, %select_n3A_1896 : vector<16xf32>
    %eq3A_1898 = arith.constant 3 : i32
    %eq3A_1899 = vector.broadcast %eq3A_1898 : i32 to vector<16xi32>
    %eq3A_1900 = arith.cmpi eq, %get3A_1876, %eq3A_1899 : vector<16xi32>
    %jit3A_1901 = arith.constant 0.000000e+00 : f32
    %broadcast_in_dim3A_1902 = vector.broadcast %jit3A_1901 : f32 to vector<16xf32>
    %select_n3A_1903 = arith.select %eq3A_1900, %get3A_1873, %broadcast_in_dim3A_1902 : vector<16xi1>, vector<16xf32>
    %add3A_1904 = arith.addf %add3A_1842, %select_n3A_1903 : vector<16xf32>
    %eq3A_1905 = arith.constant 4 : i32
    %eq3A_1906 = vector.broadcast %eq3A_1905 : i32 to vector<16xi32>
    %eq3A_1907 = arith.cmpi eq, %get3A_1876, %eq3A_1906 : vector<16xi32>
    %jit3A_1908 = arith.constant 0.000000e+00 : f32
    %broadcast_in_dim3A_1909 = vector.broadcast %jit3A_1908 : f32 to vector<16xf32>
    %select_n3A_1910 = arith.select %eq3A_1907, %get3A_1873, %broadcast_in_dim3A_1909 : vector<16xi1>, vector<16xf32>
    %add3A_1911 = arith.addf %add3A_1849, %select_n3A_1910 : vector<16xf32>
    %eq3A_1912 = arith.constant 5 : i32
    %eq3A_1913 = vector.broadcast %eq3A_1912 : i32 to vector<16xi32>
    %eq3A_1914 = arith.cmpi eq, %get3A_1876, %eq3A_1913 : vector<16xi32>
    %jit3A_1915 = arith.constant 0.000000e+00 : f32
    %broadcast_in_dim3A_1916 = vector.broadcast %jit3A_1915 : f32 to vector<16xf32>
    %select_n3A_1917 = arith.select %eq3A_1914, %get3A_1873, %broadcast_in_dim3A_1916 : vector<16xi1>, vector<16xf32>
    %add3A_1918 = arith.addf %add3A_1856, %select_n3A_1917 : vector<16xf32>
    %eq3A_1919 = arith.constant 6 : i32
    %eq3A_1920 = vector.broadcast %eq3A_1919 : i32 to vector<16xi32>
    %eq3A_1921 = arith.cmpi eq, %get3A_1876, %eq3A_1920 : vector<16xi32>
    %jit3A_1922 = arith.constant 0.000000e+00 : f32
    %broadcast_in_dim3A_1923 = vector.broadcast %jit3A_1922 : f32 to vector<16xf32>
    %select_n3A_1924 = arith.select %eq3A_1921, %get3A_1873, %broadcast_in_dim3A_1923 : vector<16xi1>, vector<16xf32>
    %add3A_1925 = arith.addf %add3A_1863, %select_n3A_1924 : vector<16xf32>
    %eq3A_1926 = arith.constant 7 : i32
    %eq3A_1927 = vector.broadcast %eq3A_1926 : i32 to vector<16xi32>
    %eq3A_1928 = arith.cmpi eq, %get3A_1876, %eq3A_1927 : vector<16xi32>
    %jit3A_1929 = arith.constant 0.000000e+00 : f32
    %broadcast_in_dim3A_1930 = vector.broadcast %jit3A_1929 : f32 to vector<16xf32>
    %select_n3A_1931 = arith.select %eq3A_1928, %get3A_1873, %broadcast_in_dim3A_1930 : vector<16xi1>, vector<16xf32>
    %add3A_1932 = arith.addf %add3A_1870, %select_n3A_1931 : vector<16xf32>
    %get3A_1933 = arith.constant 496 : index
    %get3A_1934 = tpu.vector_load %arg5[%get3A_1933] {strides = array<i32>} : memref<512xf32, #tpu.memory_space<vmem>>, vector<16xf32>,
    %get3A_1935 = vector.shape_cast %get3A_1934 : vector<16xf32> to vector<16xf32>
    %get3A_1936 = arith.constant 496 : index
    %get3A_1937 = tpu.vector_load %arg6[%get3A_1936] {strides = array<i32>} : memref<512xi32, #tpu.memory_space<vmem>>, vector<16xi32>,
    %get3A_1938 = vector.shape_cast %get3A_1937 : vector<16xi32> to vector<16xi32>
    %eq3A_1939 = arith.constant 0 : i32
    %eq3A_1940 = vector.broadcast %eq3A_1939 : i32 to vector<16xi32>
    %eq3A_1941 = arith.cmpi eq, %get3A_1938, %eq3A_1940 : vector<16xi32>
    %jit3A_1942 = arith.constant 0.000000e+00 : f32
    %broadcast_in_dim3A_1943 = vector.broadcast %jit3A_1942 : f32 to vector<16xf32>
    %select_n3A_1944 = arith.select %eq3A_1941, %get3A_1935, %broadcast_in_dim3A_1943 : vector<16xi1>, vector<16xf32>
    %add3A_1945 = arith.addf %add3A_1883, %select_n3A_1944 : vector<16xf32>
    %eq3A_1946 = arith.constant 1 : i32
    %eq3A_1947 = vector.broadcast %eq3A_1946 : i32 to vector<16xi32>
    %eq3A_1948 = arith.cmpi eq, %get3A_1938, %eq3A_1947 : vector<16xi32>
    %jit3A_1949 = arith.constant 0.000000e+00 : f32
    %broadcast_in_dim3A_1950 = vector.broadcast %jit3A_1949 : f32 to vector<16xf32>
    %select_n3A_1951 = arith.select %eq3A_1948, %get3A_1935, %broadcast_in_dim3A_1950 : vector<16xi1>, vector<16xf32>
    %add3A_1952 = arith.addf %add3A_1890, %select_n3A_1951 : vector<16xf32>
    %eq3A_1953 = arith.constant 2 : i32
    %eq3A_1954 = vector.broadcast %eq3A_1953 : i32 to vector<16xi32>
    %eq3A_1955 = arith.cmpi eq, %get3A_1938, %eq3A_1954 : vector<16xi32>
    %jit3A_1956 = arith.constant 0.000000e+00 : f32
    %broadcast_in_dim3A_1957 = vector.broadcast %jit3A_1956 : f32 to vector<16xf32>
    %select_n3A_1958 = arith.select %eq3A_1955, %get3A_1935, %broadcast_in_dim3A_1957 : vector<16xi1>, vector<16xf32>
    %add3A_1959 = arith.addf %add3A_1897, %select_n3A_1958 : vector<16xf32>
    %eq3A_1960 = arith.constant 3 : i32
    %eq3A_1961 = vector.broadcast %eq3A_1960 : i32 to vector<16xi32>
    %eq3A_1962 = arith.cmpi eq, %get3A_1938, %eq3A_1961 : vector<16xi32>
    %jit3A_1963 = arith.constant 0.000000e+00 : f32
    %broadcast_in_dim3A_1964 = vector.broadcast %jit3A_1963 : f32 to vector<16xf32>
    %select_n3A_1965 = arith.select %eq3A_1962, %get3A_1935, %broadcast_in_dim3A_1964 : vector<16xi1>, vector<16xf32>
    %add3A_1966 = arith.addf %add3A_1904, %select_n3A_1965 : vector<16xf32>
    %eq3A_1967 = arith.constant 4 : i32
    %eq3A_1968 = vector.broadcast %eq3A_1967 : i32 to vector<16xi32>
    %eq3A_1969 = arith.cmpi eq, %get3A_1938, %eq3A_1968 : vector<16xi32>
    %jit3A_1970 = arith.constant 0.000000e+00 : f32
    %broadcast_in_dim3A_1971 = vector.broadcast %jit3A_1970 : f32 to vector<16xf32>
    %select_n3A_1972 = arith.select %eq3A_1969, %get3A_1935, %broadcast_in_dim3A_1971 : vector<16xi1>, vector<16xf32>
    %add3A_1973 = arith.addf %add3A_1911, %select_n3A_1972 : vector<16xf32>
    %eq3A_1974 = arith.constant 5 : i32
    %eq3A_1975 = vector.broadcast %eq3A_1974 : i32 to vector<16xi32>
    %eq3A_1976 = arith.cmpi eq, %get3A_1938, %eq3A_1975 : vector<16xi32>
    %jit3A_1977 = arith.constant 0.000000e+00 : f32
    %broadcast_in_dim3A_1978 = vector.broadcast %jit3A_1977 : f32 to vector<16xf32>
    %select_n3A_1979 = arith.select %eq3A_1976, %get3A_1935, %broadcast_in_dim3A_1978 : vector<16xi1>, vector<16xf32>
    %add3A_1980 = arith.addf %add3A_1918, %select_n3A_1979 : vector<16xf32>
    %eq3A_1981 = arith.constant 6 : i32
    %eq3A_1982 = vector.broadcast %eq3A_1981 : i32 to vector<16xi32>
    %eq3A_1983 = arith.cmpi eq, %get3A_1938, %eq3A_1982 : vector<16xi32>
    %jit3A_1984 = arith.constant 0.000000e+00 : f32
    %broadcast_in_dim3A_1985 = vector.broadcast %jit3A_1984 : f32 to vector<16xf32>
    %select_n3A_1986 = arith.select %eq3A_1983, %get3A_1935, %broadcast_in_dim3A_1985 : vector<16xi1>, vector<16xf32>
    %add3A_1987 = arith.addf %add3A_1925, %select_n3A_1986 : vector<16xf32>
    %eq3A_1988 = arith.constant 7 : i32
    %eq3A_1989 = vector.broadcast %eq3A_1988 : i32 to vector<16xi32>
    %eq3A_1990 = arith.cmpi eq, %get3A_1938, %eq3A_1989 : vector<16xi32>
    %jit3A_1991 = arith.constant 0.000000e+00 : f32
    %broadcast_in_dim3A_1992 = vector.broadcast %jit3A_1991 : f32 to vector<16xf32>
    %select_n3A_1993 = arith.select %eq3A_1990, %get3A_1935, %broadcast_in_dim3A_1992 : vector<16xi1>, vector<16xf32>
    %add3A_1994 = arith.addf %add3A_1932, %select_n3A_1993 : vector<16xf32>
    %swap3A = arith.constant 0 : i32
    %swap3A_1995 = arith.index_cast %swap3A : i32 to index
    %swap3A_1996 = arith.constant 0 : index
    %swap3A_1997 = tpu.vector_load %arg7[%swap3A_1995, %swap3A_1996] {strides = array<i32>} : memref<8x16xf32, #tpu.memory_space<vmem>>, vector<1x16xf32>,
    %swap3A_1998 = vector.shape_cast %swap3A_1997 : vector<1x16xf32> to vector<16xf32>
    %swap3A_1999 = vector.shape_cast %add3A_1945 : vector<16xf32> to vector<1x16xf32>
    tpu.vector_store %arg7[%swap3A_1995, %swap3A_1996], %swap3A_1999 {strides = array<i32>} : memref<8x16xf32, #tpu.memory_space<vmem>>, vector<1x16xf32>,
    %swap3A_2000 = arith.constant 1 : i32
    %swap3A_2001 = arith.index_cast %swap3A_2000 : i32 to index
    %swap3A_2002 = arith.constant 0 : index
    %swap3A_2003 = tpu.vector_load %arg7[%swap3A_2001, %swap3A_2002] {strides = array<i32>} : memref<8x16xf32, #tpu.memory_space<vmem>>, vector<1x16xf32>,
    %swap3A_2004 = vector.shape_cast %swap3A_2003 : vector<1x16xf32> to vector<16xf32>
    %swap3A_2005 = vector.shape_cast %add3A_1952 : vector<16xf32> to vector<1x16xf32>
    tpu.vector_store %arg7[%swap3A_2001, %swap3A_2002], %swap3A_2005 {strides = array<i32>} : memref<8x16xf32, #tpu.memory_space<vmem>>, vector<1x16xf32>,
    %swap3A_2006 = arith.constant 2 : i32
    %swap3A_2007 = arith.index_cast %swap3A_2006 : i32 to index
    %swap3A_2008 = arith.constant 0 : index
    %swap3A_2009 = tpu.vector_load %arg7[%swap3A_2007, %swap3A_2008] {strides = array<i32>} : memref<8x16xf32, #tpu.memory_space<vmem>>, vector<1x16xf32>,
    %swap3A_2010 = vector.shape_cast %swap3A_2009 : vector<1x16xf32> to vector<16xf32>
    %swap3A_2011 = vector.shape_cast %add3A_1959 : vector<16xf32> to vector<1x16xf32>
    tpu.vector_store %arg7[%swap3A_2007, %swap3A_2008], %swap3A_2011 {strides = array<i32>} : memref<8x16xf32, #tpu.memory_space<vmem>>, vector<1x16xf32>,
    %swap3A_2012 = arith.constant 3 : i32
    %swap3A_2013 = arith.index_cast %swap3A_2012 : i32 to index
    %swap3A_2014 = arith.constant 0 : index
    %swap3A_2015 = tpu.vector_load %arg7[%swap3A_2013, %swap3A_2014] {strides = array<i32>} : memref<8x16xf32, #tpu.memory_space<vmem>>, vector<1x16xf32>,
    %swap3A_2016 = vector.shape_cast %swap3A_2015 : vector<1x16xf32> to vector<16xf32>
    %swap3A_2017 = vector.shape_cast %add3A_1966 : vector<16xf32> to vector<1x16xf32>
    tpu.vector_store %arg7[%swap3A_2013, %swap3A_2014], %swap3A_2017 {strides = array<i32>} : memref<8x16xf32, #tpu.memory_space<vmem>>, vector<1x16xf32>,
    %swap3A_2018 = arith.constant 4 : i32
    %swap3A_2019 = arith.index_cast %swap3A_2018 : i32 to index
    %swap3A_2020 = arith.constant 0 : index
    %swap3A_2021 = tpu.vector_load %arg7[%swap3A_2019, %swap3A_2020] {strides = array<i32>} : memref<8x16xf32, #tpu.memory_space<vmem>>, vector<1x16xf32>,
    %swap3A_2022 = vector.shape_cast %swap3A_2021 : vector<1x16xf32> to vector<16xf32>
    %swap3A_2023 = vector.shape_cast %add3A_1973 : vector<16xf32> to vector<1x16xf32>
    tpu.vector_store %arg7[%swap3A_2019, %swap3A_2020], %swap3A_2023 {strides = array<i32>} : memref<8x16xf32, #tpu.memory_space<vmem>>, vector<1x16xf32>,
    %swap3A_2024 = arith.constant 5 : i32
    %swap3A_2025 = arith.index_cast %swap3A_2024 : i32 to index
    %swap3A_2026 = arith.constant 0 : index
    %swap3A_2027 = tpu.vector_load %arg7[%swap3A_2025, %swap3A_2026] {strides = array<i32>} : memref<8x16xf32, #tpu.memory_space<vmem>>, vector<1x16xf32>,
    %swap3A_2028 = vector.shape_cast %swap3A_2027 : vector<1x16xf32> to vector<16xf32>
    %swap3A_2029 = vector.shape_cast %add3A_1980 : vector<16xf32> to vector<1x16xf32>
    tpu.vector_store %arg7[%swap3A_2025, %swap3A_2026], %swap3A_2029 {strides = array<i32>} : memref<8x16xf32, #tpu.memory_space<vmem>>, vector<1x16xf32>,
    %swap3A_2030 = arith.constant 6 : i32
    %swap3A_2031 = arith.index_cast %swap3A_2030 : i32 to index
    %swap3A_2032 = arith.constant 0 : index
    %swap3A_2033 = tpu.vector_load %arg7[%swap3A_2031, %swap3A_2032] {strides = array<i32>} : memref<8x16xf32, #tpu.memory_space<vmem>>, vector<1x16xf32>,
    %swap3A_2034 = vector.shape_cast %swap3A_2033 : vector<1x16xf32> to vector<16xf32>
    %swap3A_2035 = vector.shape_cast %add3A_1987 : vector<16xf32> to vector<1x16xf32>
    tpu.vector_store %arg7[%swap3A_2031, %swap3A_2032], %swap3A_2035 {strides = array<i32>} : memref<8x16xf32, #tpu.memory_space<vmem>>, vector<1x16xf32>,
    %swap3A_2036 = arith.constant 7 : i32
    %swap3A_2037 = arith.index_cast %swap3A_2036 : i32 to index
    %swap3A_2038 = arith.constant 0 : index
    %swap3A_2039 = tpu.vector_load %arg7[%swap3A_2037, %swap3A_2038] {strides = array<i32>} : memref<8x16xf32, #tpu.memory_space<vmem>>, vector<1x16xf32>,
    %swap3A_2040 = vector.shape_cast %swap3A_2039 : vector<1x16xf32> to vector<16xf32>
    %swap3A_2041 = vector.shape_cast %add3A_1994 : vector<16xf32> to vector<1x16xf32>
    tpu.vector_store %arg7[%swap3A_2037, %swap3A_2038], %swap3A_2041 {strides = array<i32>} : memref<8x16xf32, #tpu.memory_space<vmem>>, vector<1x16xf32>,
    "tpu.region"() ({
      %run_scoped3A = tpu.sem_alloc : memref<!tpu.dma_semaphore, #tpu.memory_space<semaphore_mem>>
      %dma_start3A = arith.constant 0 : i32
      %dma_start3A_2042 = arith.constant 0 : i32
      %dma_start3A_2043 = tpu.memref_slice %arg4[%arg1, %dma_start3A, %dma_start3A_2042] : memref<16x8x16xf32, #tpu.memory_space<hbm>> -> memref<1x8x16xf32, #tpu.memory_space<hbm>>
      %dma_start3A_2044 = tpu.memref_squeeze %dma_start3A_2043 : memref<1x8x16xf32, #tpu.memory_space<hbm>> -> memref<8x16xf32, #tpu.memory_space<hbm>>
      %dma_start3A_2045 = arith.constant 0 : i32
      %dma_start3A_2046 = arith.constant 0 : i32
      %dma_start3A_2047 = tpu.memref_slice %arg4[%arg1, %dma_start3A_2045, %dma_start3A_2046] : memref<16x8x16xf32, #tpu.memory_space<hbm>> -> memref<1x8x16xf32, #tpu.memory_space<hbm>>
      %dma_start3A_2048 = tpu.memref_squeeze %dma_start3A_2047 : memref<1x8x16xf32, #tpu.memory_space<hbm>> -> memref<8x16xf32, #tpu.memory_space<hbm>>
      tpu.enqueue_dma source(%arg7 : memref<8x16xf32, #tpu.memory_space<vmem>>) target(%dma_start3A_2048 : memref<8x16xf32, #tpu.memory_space<hbm>>) target_semaphore(%run_scoped3A : memref<!tpu.dma_semaphore, #tpu.memory_space<semaphore_mem>>)
      %dma_wait3A = arith.constant 0 : i32
      %dma_wait3A_2049 = arith.constant 0 : i32
      %dma_wait3A_2050 = tpu.memref_slice %arg4[%arg1, %dma_wait3A, %dma_wait3A_2049] : memref<16x8x16xf32, #tpu.memory_space<hbm>> -> memref<1x8x16xf32, #tpu.memory_space<hbm>>
      %dma_wait3A_2051 = tpu.memref_squeeze %dma_wait3A_2050 : memref<1x8x16xf32, #tpu.memory_space<hbm>> -> memref<8x16xf32, #tpu.memory_space<hbm>>
      %dma_wait3A_2052 = arith.constant 0 : i32
      %dma_wait3A_2053 = arith.constant 0 : i32
      %dma_wait3A_2054 = tpu.memref_slice %arg4[%arg1, %dma_wait3A_2052, %dma_wait3A_2053] : memref<16x8x16xf32, #tpu.memory_space<hbm>> -> memref<1x8x16xf32, #tpu.memory_space<hbm>>
      %dma_wait3A_2055 = tpu.memref_squeeze %dma_wait3A_2054 : memref<1x8x16xf32, #tpu.memory_space<hbm>> -> memref<8x16xf32, #tpu.memory_space<hbm>>
      tpu.wait_dma2 semaphore(%run_scoped3A : memref<!tpu.dma_semaphore, #tpu.memory_space<semaphore_mem>>) src(%arg7 : memref<8x16xf32, #tpu.memory_space<vmem>>) dst(%dma_wait3A_2055 : memref<8x16xf32, #tpu.memory_space<hbm>>)
      tpu.yield
    }) : () -> ()
    return
  }
}

module attributes {stable_mosaic.version = 14 : i64} {
  func.func @_rowsum_kernel(%arg0: memref<8192x512xf32, #tpu.memory_space<any>>, %arg1: memref<16x512xf32, #tpu.memory_space<vmem>>, %arg2: memref<8192x512xf32, #tpu.memory_space<vmem>>, %arg3: memref<16x!tpu.dma_semaphore, #tpu.memory_space<semaphore_mem>>) attributes {dimension_semantics = [], scalar_prefetch = 0 : i64, scratch_operands = 2 : i64, tpu.core_type = #tpu.core_type<tc>} {
    %dma_start3A = arith.constant 0 : i32
    %dma_start3A_0 = tpu.memref_slice %arg3[%dma_start3A] : memref<16x!tpu.dma_semaphore, #tpu.memory_space<semaphore_mem>> -> memref<1x!tpu.dma_semaphore, #tpu.memory_space<semaphore_mem>>
    %dma_start3A_1 = tpu.memref_squeeze %dma_start3A_0 : memref<1x!tpu.dma_semaphore, #tpu.memory_space<semaphore_mem>> -> memref<!tpu.dma_semaphore, #tpu.memory_space<semaphore_mem>>
    %dma_start3A_2 = arith.constant 0 : i32
    %dma_start3A_3 = arith.constant 0 : i32
    %dma_start3A_4 = tpu.memref_slice %arg2[%dma_start3A_2, %dma_start3A_3] : memref<8192x512xf32, #tpu.memory_space<vmem>> -> memref<512x512xf32, #tpu.memory_space<vmem>>
    %dma_start3A_5 = arith.constant 0 : i32
    %dma_start3A_6 = arith.constant 0 : i32
    %dma_start3A_7 = tpu.memref_slice %arg0[%dma_start3A_5, %dma_start3A_6] : memref<8192x512xf32, #tpu.memory_space<any>> -> memref<512x512xf32, #tpu.memory_space<any>>
    tpu.enqueue_dma source(%dma_start3A_7 : memref<512x512xf32, #tpu.memory_space<any>>) target(%dma_start3A_4 : memref<512x512xf32, #tpu.memory_space<vmem>>) target_semaphore(%dma_start3A_1 : memref<!tpu.dma_semaphore, #tpu.memory_space<semaphore_mem>>)
    %dma_start3A_8 = arith.constant 1 : i32
    %dma_start3A_9 = tpu.memref_slice %arg3[%dma_start3A_8] : memref<16x!tpu.dma_semaphore, #tpu.memory_space<semaphore_mem>> -> memref<1x!tpu.dma_semaphore, #tpu.memory_space<semaphore_mem>>
    %dma_start3A_10 = tpu.memref_squeeze %dma_start3A_9 : memref<1x!tpu.dma_semaphore, #tpu.memory_space<semaphore_mem>> -> memref<!tpu.dma_semaphore, #tpu.memory_space<semaphore_mem>>
    %dma_start3A_11 = arith.constant 512 : i32
    %dma_start3A_12 = arith.constant 0 : i32
    %dma_start3A_13 = tpu.memref_slice %arg2[%dma_start3A_11, %dma_start3A_12] : memref<8192x512xf32, #tpu.memory_space<vmem>> -> memref<512x512xf32, #tpu.memory_space<vmem>>
    %dma_start3A_14 = arith.constant 512 : i32
    %dma_start3A_15 = arith.constant 0 : i32
    %dma_start3A_16 = tpu.memref_slice %arg0[%dma_start3A_14, %dma_start3A_15] : memref<8192x512xf32, #tpu.memory_space<any>> -> memref<512x512xf32, #tpu.memory_space<any>>
    tpu.enqueue_dma source(%dma_start3A_16 : memref<512x512xf32, #tpu.memory_space<any>>) target(%dma_start3A_13 : memref<512x512xf32, #tpu.memory_space<vmem>>) target_semaphore(%dma_start3A_10 : memref<!tpu.dma_semaphore, #tpu.memory_space<semaphore_mem>>)
    %dma_start3A_17 = arith.constant 2 : i32
    %dma_start3A_18 = tpu.memref_slice %arg3[%dma_start3A_17] : memref<16x!tpu.dma_semaphore, #tpu.memory_space<semaphore_mem>> -> memref<1x!tpu.dma_semaphore, #tpu.memory_space<semaphore_mem>>
    %dma_start3A_19 = tpu.memref_squeeze %dma_start3A_18 : memref<1x!tpu.dma_semaphore, #tpu.memory_space<semaphore_mem>> -> memref<!tpu.dma_semaphore, #tpu.memory_space<semaphore_mem>>
    %dma_start3A_20 = arith.constant 1024 : i32
    %dma_start3A_21 = arith.constant 0 : i32
    %dma_start3A_22 = tpu.memref_slice %arg2[%dma_start3A_20, %dma_start3A_21] : memref<8192x512xf32, #tpu.memory_space<vmem>> -> memref<512x512xf32, #tpu.memory_space<vmem>>
    %dma_start3A_23 = arith.constant 1024 : i32
    %dma_start3A_24 = arith.constant 0 : i32
    %dma_start3A_25 = tpu.memref_slice %arg0[%dma_start3A_23, %dma_start3A_24] : memref<8192x512xf32, #tpu.memory_space<any>> -> memref<512x512xf32, #tpu.memory_space<any>>
    tpu.enqueue_dma source(%dma_start3A_25 : memref<512x512xf32, #tpu.memory_space<any>>) target(%dma_start3A_22 : memref<512x512xf32, #tpu.memory_space<vmem>>) target_semaphore(%dma_start3A_19 : memref<!tpu.dma_semaphore, #tpu.memory_space<semaphore_mem>>)
    %dma_start3A_26 = arith.constant 3 : i32
    %dma_start3A_27 = tpu.memref_slice %arg3[%dma_start3A_26] : memref<16x!tpu.dma_semaphore, #tpu.memory_space<semaphore_mem>> -> memref<1x!tpu.dma_semaphore, #tpu.memory_space<semaphore_mem>>
    %dma_start3A_28 = tpu.memref_squeeze %dma_start3A_27 : memref<1x!tpu.dma_semaphore, #tpu.memory_space<semaphore_mem>> -> memref<!tpu.dma_semaphore, #tpu.memory_space<semaphore_mem>>
    %dma_start3A_29 = arith.constant 1536 : i32
    %dma_start3A_30 = arith.constant 0 : i32
    %dma_start3A_31 = tpu.memref_slice %arg2[%dma_start3A_29, %dma_start3A_30] : memref<8192x512xf32, #tpu.memory_space<vmem>> -> memref<512x512xf32, #tpu.memory_space<vmem>>
    %dma_start3A_32 = arith.constant 1536 : i32
    %dma_start3A_33 = arith.constant 0 : i32
    %dma_start3A_34 = tpu.memref_slice %arg0[%dma_start3A_32, %dma_start3A_33] : memref<8192x512xf32, #tpu.memory_space<any>> -> memref<512x512xf32, #tpu.memory_space<any>>
    tpu.enqueue_dma source(%dma_start3A_34 : memref<512x512xf32, #tpu.memory_space<any>>) target(%dma_start3A_31 : memref<512x512xf32, #tpu.memory_space<vmem>>) target_semaphore(%dma_start3A_28 : memref<!tpu.dma_semaphore, #tpu.memory_space<semaphore_mem>>)
    %dma_start3A_35 = arith.constant 4 : i32
    %dma_start3A_36 = tpu.memref_slice %arg3[%dma_start3A_35] : memref<16x!tpu.dma_semaphore, #tpu.memory_space<semaphore_mem>> -> memref<1x!tpu.dma_semaphore, #tpu.memory_space<semaphore_mem>>
    %dma_start3A_37 = tpu.memref_squeeze %dma_start3A_36 : memref<1x!tpu.dma_semaphore, #tpu.memory_space<semaphore_mem>> -> memref<!tpu.dma_semaphore, #tpu.memory_space<semaphore_mem>>
    %dma_start3A_38 = arith.constant 2048 : i32
    %dma_start3A_39 = arith.constant 0 : i32
    %dma_start3A_40 = tpu.memref_slice %arg2[%dma_start3A_38, %dma_start3A_39] : memref<8192x512xf32, #tpu.memory_space<vmem>> -> memref<512x512xf32, #tpu.memory_space<vmem>>
    %dma_start3A_41 = arith.constant 2048 : i32
    %dma_start3A_42 = arith.constant 0 : i32
    %dma_start3A_43 = tpu.memref_slice %arg0[%dma_start3A_41, %dma_start3A_42] : memref<8192x512xf32, #tpu.memory_space<any>> -> memref<512x512xf32, #tpu.memory_space<any>>
    tpu.enqueue_dma source(%dma_start3A_43 : memref<512x512xf32, #tpu.memory_space<any>>) target(%dma_start3A_40 : memref<512x512xf32, #tpu.memory_space<vmem>>) target_semaphore(%dma_start3A_37 : memref<!tpu.dma_semaphore, #tpu.memory_space<semaphore_mem>>)
    %dma_start3A_44 = arith.constant 5 : i32
    %dma_start3A_45 = tpu.memref_slice %arg3[%dma_start3A_44] : memref<16x!tpu.dma_semaphore, #tpu.memory_space<semaphore_mem>> -> memref<1x!tpu.dma_semaphore, #tpu.memory_space<semaphore_mem>>
    %dma_start3A_46 = tpu.memref_squeeze %dma_start3A_45 : memref<1x!tpu.dma_semaphore, #tpu.memory_space<semaphore_mem>> -> memref<!tpu.dma_semaphore, #tpu.memory_space<semaphore_mem>>
    %dma_start3A_47 = arith.constant 2560 : i32
    %dma_start3A_48 = arith.constant 0 : i32
    %dma_start3A_49 = tpu.memref_slice %arg2[%dma_start3A_47, %dma_start3A_48] : memref<8192x512xf32, #tpu.memory_space<vmem>> -> memref<512x512xf32, #tpu.memory_space<vmem>>
    %dma_start3A_50 = arith.constant 2560 : i32
    %dma_start3A_51 = arith.constant 0 : i32
    %dma_start3A_52 = tpu.memref_slice %arg0[%dma_start3A_50, %dma_start3A_51] : memref<8192x512xf32, #tpu.memory_space<any>> -> memref<512x512xf32, #tpu.memory_space<any>>
    tpu.enqueue_dma source(%dma_start3A_52 : memref<512x512xf32, #tpu.memory_space<any>>) target(%dma_start3A_49 : memref<512x512xf32, #tpu.memory_space<vmem>>) target_semaphore(%dma_start3A_46 : memref<!tpu.dma_semaphore, #tpu.memory_space<semaphore_mem>>)
    %dma_start3A_53 = arith.constant 6 : i32
    %dma_start3A_54 = tpu.memref_slice %arg3[%dma_start3A_53] : memref<16x!tpu.dma_semaphore, #tpu.memory_space<semaphore_mem>> -> memref<1x!tpu.dma_semaphore, #tpu.memory_space<semaphore_mem>>
    %dma_start3A_55 = tpu.memref_squeeze %dma_start3A_54 : memref<1x!tpu.dma_semaphore, #tpu.memory_space<semaphore_mem>> -> memref<!tpu.dma_semaphore, #tpu.memory_space<semaphore_mem>>
    %dma_start3A_56 = arith.constant 3072 : i32
    %dma_start3A_57 = arith.constant 0 : i32
    %dma_start3A_58 = tpu.memref_slice %arg2[%dma_start3A_56, %dma_start3A_57] : memref<8192x512xf32, #tpu.memory_space<vmem>> -> memref<512x512xf32, #tpu.memory_space<vmem>>
    %dma_start3A_59 = arith.constant 3072 : i32
    %dma_start3A_60 = arith.constant 0 : i32
    %dma_start3A_61 = tpu.memref_slice %arg0[%dma_start3A_59, %dma_start3A_60] : memref<8192x512xf32, #tpu.memory_space<any>> -> memref<512x512xf32, #tpu.memory_space<any>>
    tpu.enqueue_dma source(%dma_start3A_61 : memref<512x512xf32, #tpu.memory_space<any>>) target(%dma_start3A_58 : memref<512x512xf32, #tpu.memory_space<vmem>>) target_semaphore(%dma_start3A_55 : memref<!tpu.dma_semaphore, #tpu.memory_space<semaphore_mem>>)
    %dma_start3A_62 = arith.constant 7 : i32
    %dma_start3A_63 = tpu.memref_slice %arg3[%dma_start3A_62] : memref<16x!tpu.dma_semaphore, #tpu.memory_space<semaphore_mem>> -> memref<1x!tpu.dma_semaphore, #tpu.memory_space<semaphore_mem>>
    %dma_start3A_64 = tpu.memref_squeeze %dma_start3A_63 : memref<1x!tpu.dma_semaphore, #tpu.memory_space<semaphore_mem>> -> memref<!tpu.dma_semaphore, #tpu.memory_space<semaphore_mem>>
    %dma_start3A_65 = arith.constant 3584 : i32
    %dma_start3A_66 = arith.constant 0 : i32
    %dma_start3A_67 = tpu.memref_slice %arg2[%dma_start3A_65, %dma_start3A_66] : memref<8192x512xf32, #tpu.memory_space<vmem>> -> memref<512x512xf32, #tpu.memory_space<vmem>>
    %dma_start3A_68 = arith.constant 3584 : i32
    %dma_start3A_69 = arith.constant 0 : i32
    %dma_start3A_70 = tpu.memref_slice %arg0[%dma_start3A_68, %dma_start3A_69] : memref<8192x512xf32, #tpu.memory_space<any>> -> memref<512x512xf32, #tpu.memory_space<any>>
    tpu.enqueue_dma source(%dma_start3A_70 : memref<512x512xf32, #tpu.memory_space<any>>) target(%dma_start3A_67 : memref<512x512xf32, #tpu.memory_space<vmem>>) target_semaphore(%dma_start3A_64 : memref<!tpu.dma_semaphore, #tpu.memory_space<semaphore_mem>>)
    %dma_start3A_71 = arith.constant 8 : i32
    %dma_start3A_72 = tpu.memref_slice %arg3[%dma_start3A_71] : memref<16x!tpu.dma_semaphore, #tpu.memory_space<semaphore_mem>> -> memref<1x!tpu.dma_semaphore, #tpu.memory_space<semaphore_mem>>
    %dma_start3A_73 = tpu.memref_squeeze %dma_start3A_72 : memref<1x!tpu.dma_semaphore, #tpu.memory_space<semaphore_mem>> -> memref<!tpu.dma_semaphore, #tpu.memory_space<semaphore_mem>>
    %dma_start3A_74 = arith.constant 4096 : i32
    %dma_start3A_75 = arith.constant 0 : i32
    %dma_start3A_76 = tpu.memref_slice %arg2[%dma_start3A_74, %dma_start3A_75] : memref<8192x512xf32, #tpu.memory_space<vmem>> -> memref<512x512xf32, #tpu.memory_space<vmem>>
    %dma_start3A_77 = arith.constant 4096 : i32
    %dma_start3A_78 = arith.constant 0 : i32
    %dma_start3A_79 = tpu.memref_slice %arg0[%dma_start3A_77, %dma_start3A_78] : memref<8192x512xf32, #tpu.memory_space<any>> -> memref<512x512xf32, #tpu.memory_space<any>>
    tpu.enqueue_dma source(%dma_start3A_79 : memref<512x512xf32, #tpu.memory_space<any>>) target(%dma_start3A_76 : memref<512x512xf32, #tpu.memory_space<vmem>>) target_semaphore(%dma_start3A_73 : memref<!tpu.dma_semaphore, #tpu.memory_space<semaphore_mem>>)
    %dma_start3A_80 = arith.constant 9 : i32
    %dma_start3A_81 = tpu.memref_slice %arg3[%dma_start3A_80] : memref<16x!tpu.dma_semaphore, #tpu.memory_space<semaphore_mem>> -> memref<1x!tpu.dma_semaphore, #tpu.memory_space<semaphore_mem>>
    %dma_start3A_82 = tpu.memref_squeeze %dma_start3A_81 : memref<1x!tpu.dma_semaphore, #tpu.memory_space<semaphore_mem>> -> memref<!tpu.dma_semaphore, #tpu.memory_space<semaphore_mem>>
    %dma_start3A_83 = arith.constant 4608 : i32
    %dma_start3A_84 = arith.constant 0 : i32
    %dma_start3A_85 = tpu.memref_slice %arg2[%dma_start3A_83, %dma_start3A_84] : memref<8192x512xf32, #tpu.memory_space<vmem>> -> memref<512x512xf32, #tpu.memory_space<vmem>>
    %dma_start3A_86 = arith.constant 4608 : i32
    %dma_start3A_87 = arith.constant 0 : i32
    %dma_start3A_88 = tpu.memref_slice %arg0[%dma_start3A_86, %dma_start3A_87] : memref<8192x512xf32, #tpu.memory_space<any>> -> memref<512x512xf32, #tpu.memory_space<any>>
    tpu.enqueue_dma source(%dma_start3A_88 : memref<512x512xf32, #tpu.memory_space<any>>) target(%dma_start3A_85 : memref<512x512xf32, #tpu.memory_space<vmem>>) target_semaphore(%dma_start3A_82 : memref<!tpu.dma_semaphore, #tpu.memory_space<semaphore_mem>>)
    %dma_start3A_89 = arith.constant 10 : i32
    %dma_start3A_90 = tpu.memref_slice %arg3[%dma_start3A_89] : memref<16x!tpu.dma_semaphore, #tpu.memory_space<semaphore_mem>> -> memref<1x!tpu.dma_semaphore, #tpu.memory_space<semaphore_mem>>
    %dma_start3A_91 = tpu.memref_squeeze %dma_start3A_90 : memref<1x!tpu.dma_semaphore, #tpu.memory_space<semaphore_mem>> -> memref<!tpu.dma_semaphore, #tpu.memory_space<semaphore_mem>>
    %dma_start3A_92 = arith.constant 5120 : i32
    %dma_start3A_93 = arith.constant 0 : i32
    %dma_start3A_94 = tpu.memref_slice %arg2[%dma_start3A_92, %dma_start3A_93] : memref<8192x512xf32, #tpu.memory_space<vmem>> -> memref<512x512xf32, #tpu.memory_space<vmem>>
    %dma_start3A_95 = arith.constant 5120 : i32
    %dma_start3A_96 = arith.constant 0 : i32
    %dma_start3A_97 = tpu.memref_slice %arg0[%dma_start3A_95, %dma_start3A_96] : memref<8192x512xf32, #tpu.memory_space<any>> -> memref<512x512xf32, #tpu.memory_space<any>>
    tpu.enqueue_dma source(%dma_start3A_97 : memref<512x512xf32, #tpu.memory_space<any>>) target(%dma_start3A_94 : memref<512x512xf32, #tpu.memory_space<vmem>>) target_semaphore(%dma_start3A_91 : memref<!tpu.dma_semaphore, #tpu.memory_space<semaphore_mem>>)
    %dma_start3A_98 = arith.constant 11 : i32
    %dma_start3A_99 = tpu.memref_slice %arg3[%dma_start3A_98] : memref<16x!tpu.dma_semaphore, #tpu.memory_space<semaphore_mem>> -> memref<1x!tpu.dma_semaphore, #tpu.memory_space<semaphore_mem>>
    %dma_start3A_100 = tpu.memref_squeeze %dma_start3A_99 : memref<1x!tpu.dma_semaphore, #tpu.memory_space<semaphore_mem>> -> memref<!tpu.dma_semaphore, #tpu.memory_space<semaphore_mem>>
    %dma_start3A_101 = arith.constant 5632 : i32
    %dma_start3A_102 = arith.constant 0 : i32
    %dma_start3A_103 = tpu.memref_slice %arg2[%dma_start3A_101, %dma_start3A_102] : memref<8192x512xf32, #tpu.memory_space<vmem>> -> memref<512x512xf32, #tpu.memory_space<vmem>>
    %dma_start3A_104 = arith.constant 5632 : i32
    %dma_start3A_105 = arith.constant 0 : i32
    %dma_start3A_106 = tpu.memref_slice %arg0[%dma_start3A_104, %dma_start3A_105] : memref<8192x512xf32, #tpu.memory_space<any>> -> memref<512x512xf32, #tpu.memory_space<any>>
    tpu.enqueue_dma source(%dma_start3A_106 : memref<512x512xf32, #tpu.memory_space<any>>) target(%dma_start3A_103 : memref<512x512xf32, #tpu.memory_space<vmem>>) target_semaphore(%dma_start3A_100 : memref<!tpu.dma_semaphore, #tpu.memory_space<semaphore_mem>>)
    %dma_start3A_107 = arith.constant 12 : i32
    %dma_start3A_108 = tpu.memref_slice %arg3[%dma_start3A_107] : memref<16x!tpu.dma_semaphore, #tpu.memory_space<semaphore_mem>> -> memref<1x!tpu.dma_semaphore, #tpu.memory_space<semaphore_mem>>
    %dma_start3A_109 = tpu.memref_squeeze %dma_start3A_108 : memref<1x!tpu.dma_semaphore, #tpu.memory_space<semaphore_mem>> -> memref<!tpu.dma_semaphore, #tpu.memory_space<semaphore_mem>>
    %dma_start3A_110 = arith.constant 6144 : i32
    %dma_start3A_111 = arith.constant 0 : i32
    %dma_start3A_112 = tpu.memref_slice %arg2[%dma_start3A_110, %dma_start3A_111] : memref<8192x512xf32, #tpu.memory_space<vmem>> -> memref<512x512xf32, #tpu.memory_space<vmem>>
    %dma_start3A_113 = arith.constant 6144 : i32
    %dma_start3A_114 = arith.constant 0 : i32
    %dma_start3A_115 = tpu.memref_slice %arg0[%dma_start3A_113, %dma_start3A_114] : memref<8192x512xf32, #tpu.memory_space<any>> -> memref<512x512xf32, #tpu.memory_space<any>>
    tpu.enqueue_dma source(%dma_start3A_115 : memref<512x512xf32, #tpu.memory_space<any>>) target(%dma_start3A_112 : memref<512x512xf32, #tpu.memory_space<vmem>>) target_semaphore(%dma_start3A_109 : memref<!tpu.dma_semaphore, #tpu.memory_space<semaphore_mem>>)
    %dma_start3A_116 = arith.constant 13 : i32
    %dma_start3A_117 = tpu.memref_slice %arg3[%dma_start3A_116] : memref<16x!tpu.dma_semaphore, #tpu.memory_space<semaphore_mem>> -> memref<1x!tpu.dma_semaphore, #tpu.memory_space<semaphore_mem>>
    %dma_start3A_118 = tpu.memref_squeeze %dma_start3A_117 : memref<1x!tpu.dma_semaphore, #tpu.memory_space<semaphore_mem>> -> memref<!tpu.dma_semaphore, #tpu.memory_space<semaphore_mem>>
    %dma_start3A_119 = arith.constant 6656 : i32
    %dma_start3A_120 = arith.constant 0 : i32
    %dma_start3A_121 = tpu.memref_slice %arg2[%dma_start3A_119, %dma_start3A_120] : memref<8192x512xf32, #tpu.memory_space<vmem>> -> memref<512x512xf32, #tpu.memory_space<vmem>>
    %dma_start3A_122 = arith.constant 6656 : i32
    %dma_start3A_123 = arith.constant 0 : i32
    %dma_start3A_124 = tpu.memref_slice %arg0[%dma_start3A_122, %dma_start3A_123] : memref<8192x512xf32, #tpu.memory_space<any>> -> memref<512x512xf32, #tpu.memory_space<any>>
    tpu.enqueue_dma source(%dma_start3A_124 : memref<512x512xf32, #tpu.memory_space<any>>) target(%dma_start3A_121 : memref<512x512xf32, #tpu.memory_space<vmem>>) target_semaphore(%dma_start3A_118 : memref<!tpu.dma_semaphore, #tpu.memory_space<semaphore_mem>>)
    %dma_start3A_125 = arith.constant 14 : i32
    %dma_start3A_126 = tpu.memref_slice %arg3[%dma_start3A_125] : memref<16x!tpu.dma_semaphore, #tpu.memory_space<semaphore_mem>> -> memref<1x!tpu.dma_semaphore, #tpu.memory_space<semaphore_mem>>
    %dma_start3A_127 = tpu.memref_squeeze %dma_start3A_126 : memref<1x!tpu.dma_semaphore, #tpu.memory_space<semaphore_mem>> -> memref<!tpu.dma_semaphore, #tpu.memory_space<semaphore_mem>>
    %dma_start3A_128 = arith.constant 7168 : i32
    %dma_start3A_129 = arith.constant 0 : i32
    %dma_start3A_130 = tpu.memref_slice %arg2[%dma_start3A_128, %dma_start3A_129] : memref<8192x512xf32, #tpu.memory_space<vmem>> -> memref<512x512xf32, #tpu.memory_space<vmem>>
    %dma_start3A_131 = arith.constant 7168 : i32
    %dma_start3A_132 = arith.constant 0 : i32
    %dma_start3A_133 = tpu.memref_slice %arg0[%dma_start3A_131, %dma_start3A_132] : memref<8192x512xf32, #tpu.memory_space<any>> -> memref<512x512xf32, #tpu.memory_space<any>>
    tpu.enqueue_dma source(%dma_start3A_133 : memref<512x512xf32, #tpu.memory_space<any>>) target(%dma_start3A_130 : memref<512x512xf32, #tpu.memory_space<vmem>>) target_semaphore(%dma_start3A_127 : memref<!tpu.dma_semaphore, #tpu.memory_space<semaphore_mem>>)
    %dma_start3A_134 = arith.constant 15 : i32
    %dma_start3A_135 = tpu.memref_slice %arg3[%dma_start3A_134] : memref<16x!tpu.dma_semaphore, #tpu.memory_space<semaphore_mem>> -> memref<1x!tpu.dma_semaphore, #tpu.memory_space<semaphore_mem>>
    %dma_start3A_136 = tpu.memref_squeeze %dma_start3A_135 : memref<1x!tpu.dma_semaphore, #tpu.memory_space<semaphore_mem>> -> memref<!tpu.dma_semaphore, #tpu.memory_space<semaphore_mem>>
    %dma_start3A_137 = arith.constant 7680 : i32
    %dma_start3A_138 = arith.constant 0 : i32
    %dma_start3A_139 = tpu.memref_slice %arg2[%dma_start3A_137, %dma_start3A_138] : memref<8192x512xf32, #tpu.memory_space<vmem>> -> memref<512x512xf32, #tpu.memory_space<vmem>>
    %dma_start3A_140 = arith.constant 7680 : i32
    %dma_start3A_141 = arith.constant 0 : i32
    %dma_start3A_142 = tpu.memref_slice %arg0[%dma_start3A_140, %dma_start3A_141] : memref<8192x512xf32, #tpu.memory_space<any>> -> memref<512x512xf32, #tpu.memory_space<any>>
    tpu.enqueue_dma source(%dma_start3A_142 : memref<512x512xf32, #tpu.memory_space<any>>) target(%dma_start3A_139 : memref<512x512xf32, #tpu.memory_space<vmem>>) target_semaphore(%dma_start3A_136 : memref<!tpu.dma_semaphore, #tpu.memory_space<semaphore_mem>>)
    %broadcast_in_dim3A = arith.constant 1.000000e+00 : f32
    %broadcast_in_dim3A_143 = vector.broadcast %broadcast_in_dim3A : f32 to vector<1x512xf32>
    %dma_wait3A = arith.constant 0 : i32
    %dma_wait3A_144 = tpu.memref_slice %arg3[%dma_wait3A] : memref<16x!tpu.dma_semaphore, #tpu.memory_space<semaphore_mem>> -> memref<1x!tpu.dma_semaphore, #tpu.memory_space<semaphore_mem>>
    %dma_wait3A_145 = tpu.memref_squeeze %dma_wait3A_144 : memref<1x!tpu.dma_semaphore, #tpu.memory_space<semaphore_mem>> -> memref<!tpu.dma_semaphore, #tpu.memory_space<semaphore_mem>>
    %dma_wait3A_146 = arith.constant 0 : i32
    %dma_wait3A_147 = arith.constant 0 : i32
    %dma_wait3A_148 = tpu.memref_slice %arg2[%dma_wait3A_146, %dma_wait3A_147] : memref<8192x512xf32, #tpu.memory_space<vmem>> -> memref<512x512xf32, #tpu.memory_space<vmem>>
    %dma_wait3A_149 = arith.constant 0 : i32
    %dma_wait3A_150 = arith.constant 0 : i32
    %dma_wait3A_151 = tpu.memref_slice %arg0[%dma_wait3A_149, %dma_wait3A_150] : memref<8192x512xf32, #tpu.memory_space<any>> -> memref<512x512xf32, #tpu.memory_space<any>>
    tpu.wait_dma2 semaphore(%dma_wait3A_145 : memref<!tpu.dma_semaphore, #tpu.memory_space<semaphore_mem>>) src(%dma_wait3A_151 : memref<512x512xf32, #tpu.memory_space<any>>) dst(%dma_wait3A_148 : memref<512x512xf32, #tpu.memory_space<vmem>>)
    %get3A = arith.constant 0 : index
    %get3A_152 = arith.constant 0 : index
    %get3A_153 = vector.load %arg2[%get3A, %get3A_152] : memref<8192x512xf32, #tpu.memory_space<vmem>>, vector<512x512xf32>
    %exp3A = math.exp %get3A_153 : vector<512x512xf32>
    %dot_general3A = arith.constant dense<0.000000e+00> : vector<1x512xf32>
    %dot_general3A_154 = tpu.matmul %broadcast_in_dim3A_143, %exp3A, %dot_general3A {dimension_numbers = #tpu.dot_dimension_numbers<[1], [1], [0], [0], [0, 0, 1, 0], [], []>, transpose_lhs_hint = false} : vector<1x512xf32>, vector<512x512xf32>, vector<1x512xf32> -> vector<1x512xf32>
    %swap3A = arith.constant 0 : index
    %swap3A_155 = arith.constant 0 : index
    %swap3A_156 = vector.load %arg1[%swap3A, %swap3A_155] : memref<16x512xf32, #tpu.memory_space<vmem>>, vector<1x512xf32>
    tpu.vector_store %arg1[%swap3A, %swap3A_155], %dot_general3A_154 {strides = array<i32>} : memref<16x512xf32, #tpu.memory_space<vmem>>, vector<1x512xf32>,
    %dma_wait3A_157 = arith.constant 1 : i32
    %dma_wait3A_158 = tpu.memref_slice %arg3[%dma_wait3A_157] : memref<16x!tpu.dma_semaphore, #tpu.memory_space<semaphore_mem>> -> memref<1x!tpu.dma_semaphore, #tpu.memory_space<semaphore_mem>>
    %dma_wait3A_159 = tpu.memref_squeeze %dma_wait3A_158 : memref<1x!tpu.dma_semaphore, #tpu.memory_space<semaphore_mem>> -> memref<!tpu.dma_semaphore, #tpu.memory_space<semaphore_mem>>
    %dma_wait3A_160 = arith.constant 512 : i32
    %dma_wait3A_161 = arith.constant 0 : i32
    %dma_wait3A_162 = tpu.memref_slice %arg2[%dma_wait3A_160, %dma_wait3A_161] : memref<8192x512xf32, #tpu.memory_space<vmem>> -> memref<512x512xf32, #tpu.memory_space<vmem>>
    %dma_wait3A_163 = arith.constant 512 : i32
    %dma_wait3A_164 = arith.constant 0 : i32
    %dma_wait3A_165 = tpu.memref_slice %arg0[%dma_wait3A_163, %dma_wait3A_164] : memref<8192x512xf32, #tpu.memory_space<any>> -> memref<512x512xf32, #tpu.memory_space<any>>
    tpu.wait_dma2 semaphore(%dma_wait3A_159 : memref<!tpu.dma_semaphore, #tpu.memory_space<semaphore_mem>>) src(%dma_wait3A_165 : memref<512x512xf32, #tpu.memory_space<any>>) dst(%dma_wait3A_162 : memref<512x512xf32, #tpu.memory_space<vmem>>)
    %get3A_166 = arith.constant 512 : index
    %get3A_167 = arith.constant 0 : index
    %get3A_168 = vector.load %arg2[%get3A_166, %get3A_167] : memref<8192x512xf32, #tpu.memory_space<vmem>>, vector<512x512xf32>
    %exp3A_169 = math.exp %get3A_168 : vector<512x512xf32>
    %dot_general3A_170 = arith.constant dense<0.000000e+00> : vector<1x512xf32>
    %dot_general3A_171 = tpu.matmul %broadcast_in_dim3A_143, %exp3A_169, %dot_general3A_170 {dimension_numbers = #tpu.dot_dimension_numbers<[1], [1], [0], [0], [0, 0, 1, 0], [], []>, transpose_lhs_hint = false} : vector<1x512xf32>, vector<512x512xf32>, vector<1x512xf32> -> vector<1x512xf32>
    %swap3A_172 = arith.constant 1 : index
    %swap3A_173 = arith.constant 0 : index
    %swap3A_174 = vector.load %arg1[%swap3A_172, %swap3A_173] : memref<16x512xf32, #tpu.memory_space<vmem>>, vector<1x512xf32>
    tpu.vector_store %arg1[%swap3A_172, %swap3A_173], %dot_general3A_171 {strides = array<i32>} : memref<16x512xf32, #tpu.memory_space<vmem>>, vector<1x512xf32>,
    %dma_wait3A_175 = arith.constant 2 : i32
    %dma_wait3A_176 = tpu.memref_slice %arg3[%dma_wait3A_175] : memref<16x!tpu.dma_semaphore, #tpu.memory_space<semaphore_mem>> -> memref<1x!tpu.dma_semaphore, #tpu.memory_space<semaphore_mem>>
    %dma_wait3A_177 = tpu.memref_squeeze %dma_wait3A_176 : memref<1x!tpu.dma_semaphore, #tpu.memory_space<semaphore_mem>> -> memref<!tpu.dma_semaphore, #tpu.memory_space<semaphore_mem>>
    %dma_wait3A_178 = arith.constant 1024 : i32
    %dma_wait3A_179 = arith.constant 0 : i32
    %dma_wait3A_180 = tpu.memref_slice %arg2[%dma_wait3A_178, %dma_wait3A_179] : memref<8192x512xf32, #tpu.memory_space<vmem>> -> memref<512x512xf32, #tpu.memory_space<vmem>>
    %dma_wait3A_181 = arith.constant 1024 : i32
    %dma_wait3A_182 = arith.constant 0 : i32
    %dma_wait3A_183 = tpu.memref_slice %arg0[%dma_wait3A_181, %dma_wait3A_182] : memref<8192x512xf32, #tpu.memory_space<any>> -> memref<512x512xf32, #tpu.memory_space<any>>
    tpu.wait_dma2 semaphore(%dma_wait3A_177 : memref<!tpu.dma_semaphore, #tpu.memory_space<semaphore_mem>>) src(%dma_wait3A_183 : memref<512x512xf32, #tpu.memory_space<any>>) dst(%dma_wait3A_180 : memref<512x512xf32, #tpu.memory_space<vmem>>)
    %get3A_184 = arith.constant 1024 : index
    %get3A_185 = arith.constant 0 : index
    %get3A_186 = vector.load %arg2[%get3A_184, %get3A_185] : memref<8192x512xf32, #tpu.memory_space<vmem>>, vector<512x512xf32>
    %exp3A_187 = math.exp %get3A_186 : vector<512x512xf32>
    %dot_general3A_188 = arith.constant dense<0.000000e+00> : vector<1x512xf32>
    %dot_general3A_189 = tpu.matmul %broadcast_in_dim3A_143, %exp3A_187, %dot_general3A_188 {dimension_numbers = #tpu.dot_dimension_numbers<[1], [1], [0], [0], [0, 0, 1, 0], [], []>, transpose_lhs_hint = false} : vector<1x512xf32>, vector<512x512xf32>, vector<1x512xf32> -> vector<1x512xf32>
    %swap3A_190 = arith.constant 2 : index
    %swap3A_191 = arith.constant 0 : index
    %swap3A_192 = vector.load %arg1[%swap3A_190, %swap3A_191] : memref<16x512xf32, #tpu.memory_space<vmem>>, vector<1x512xf32>
    tpu.vector_store %arg1[%swap3A_190, %swap3A_191], %dot_general3A_189 {strides = array<i32>} : memref<16x512xf32, #tpu.memory_space<vmem>>, vector<1x512xf32>,
    %dma_wait3A_193 = arith.constant 3 : i32
    %dma_wait3A_194 = tpu.memref_slice %arg3[%dma_wait3A_193] : memref<16x!tpu.dma_semaphore, #tpu.memory_space<semaphore_mem>> -> memref<1x!tpu.dma_semaphore, #tpu.memory_space<semaphore_mem>>
    %dma_wait3A_195 = tpu.memref_squeeze %dma_wait3A_194 : memref<1x!tpu.dma_semaphore, #tpu.memory_space<semaphore_mem>> -> memref<!tpu.dma_semaphore, #tpu.memory_space<semaphore_mem>>
    %dma_wait3A_196 = arith.constant 1536 : i32
    %dma_wait3A_197 = arith.constant 0 : i32
    %dma_wait3A_198 = tpu.memref_slice %arg2[%dma_wait3A_196, %dma_wait3A_197] : memref<8192x512xf32, #tpu.memory_space<vmem>> -> memref<512x512xf32, #tpu.memory_space<vmem>>
    %dma_wait3A_199 = arith.constant 1536 : i32
    %dma_wait3A_200 = arith.constant 0 : i32
    %dma_wait3A_201 = tpu.memref_slice %arg0[%dma_wait3A_199, %dma_wait3A_200] : memref<8192x512xf32, #tpu.memory_space<any>> -> memref<512x512xf32, #tpu.memory_space<any>>
    tpu.wait_dma2 semaphore(%dma_wait3A_195 : memref<!tpu.dma_semaphore, #tpu.memory_space<semaphore_mem>>) src(%dma_wait3A_201 : memref<512x512xf32, #tpu.memory_space<any>>) dst(%dma_wait3A_198 : memref<512x512xf32, #tpu.memory_space<vmem>>)
    %get3A_202 = arith.constant 1536 : index
    %get3A_203 = arith.constant 0 : index
    %get3A_204 = vector.load %arg2[%get3A_202, %get3A_203] : memref<8192x512xf32, #tpu.memory_space<vmem>>, vector<512x512xf32>
    %exp3A_205 = math.exp %get3A_204 : vector<512x512xf32>
    %dot_general3A_206 = arith.constant dense<0.000000e+00> : vector<1x512xf32>
    %dot_general3A_207 = tpu.matmul %broadcast_in_dim3A_143, %exp3A_205, %dot_general3A_206 {dimension_numbers = #tpu.dot_dimension_numbers<[1], [1], [0], [0], [0, 0, 1, 0], [], []>, transpose_lhs_hint = false} : vector<1x512xf32>, vector<512x512xf32>, vector<1x512xf32> -> vector<1x512xf32>
    %swap3A_208 = arith.constant 3 : index
    %swap3A_209 = arith.constant 0 : index
    %swap3A_210 = vector.load %arg1[%swap3A_208, %swap3A_209] : memref<16x512xf32, #tpu.memory_space<vmem>>, vector<1x512xf32>
    tpu.vector_store %arg1[%swap3A_208, %swap3A_209], %dot_general3A_207 {strides = array<i32>} : memref<16x512xf32, #tpu.memory_space<vmem>>, vector<1x512xf32>,
    %dma_wait3A_211 = arith.constant 4 : i32
    %dma_wait3A_212 = tpu.memref_slice %arg3[%dma_wait3A_211] : memref<16x!tpu.dma_semaphore, #tpu.memory_space<semaphore_mem>> -> memref<1x!tpu.dma_semaphore, #tpu.memory_space<semaphore_mem>>
    %dma_wait3A_213 = tpu.memref_squeeze %dma_wait3A_212 : memref<1x!tpu.dma_semaphore, #tpu.memory_space<semaphore_mem>> -> memref<!tpu.dma_semaphore, #tpu.memory_space<semaphore_mem>>
    %dma_wait3A_214 = arith.constant 2048 : i32
    %dma_wait3A_215 = arith.constant 0 : i32
    %dma_wait3A_216 = tpu.memref_slice %arg2[%dma_wait3A_214, %dma_wait3A_215] : memref<8192x512xf32, #tpu.memory_space<vmem>> -> memref<512x512xf32, #tpu.memory_space<vmem>>
    %dma_wait3A_217 = arith.constant 2048 : i32
    %dma_wait3A_218 = arith.constant 0 : i32
    %dma_wait3A_219 = tpu.memref_slice %arg0[%dma_wait3A_217, %dma_wait3A_218] : memref<8192x512xf32, #tpu.memory_space<any>> -> memref<512x512xf32, #tpu.memory_space<any>>
    tpu.wait_dma2 semaphore(%dma_wait3A_213 : memref<!tpu.dma_semaphore, #tpu.memory_space<semaphore_mem>>) src(%dma_wait3A_219 : memref<512x512xf32, #tpu.memory_space<any>>) dst(%dma_wait3A_216 : memref<512x512xf32, #tpu.memory_space<vmem>>)
    %get3A_220 = arith.constant 2048 : index
    %get3A_221 = arith.constant 0 : index
    %get3A_222 = vector.load %arg2[%get3A_220, %get3A_221] : memref<8192x512xf32, #tpu.memory_space<vmem>>, vector<512x512xf32>
    %exp3A_223 = math.exp %get3A_222 : vector<512x512xf32>
    %dot_general3A_224 = arith.constant dense<0.000000e+00> : vector<1x512xf32>
    %dot_general3A_225 = tpu.matmul %broadcast_in_dim3A_143, %exp3A_223, %dot_general3A_224 {dimension_numbers = #tpu.dot_dimension_numbers<[1], [1], [0], [0], [0, 0, 1, 0], [], []>, transpose_lhs_hint = false} : vector<1x512xf32>, vector<512x512xf32>, vector<1x512xf32> -> vector<1x512xf32>
    %swap3A_226 = arith.constant 4 : index
    %swap3A_227 = arith.constant 0 : index
    %swap3A_228 = vector.load %arg1[%swap3A_226, %swap3A_227] : memref<16x512xf32, #tpu.memory_space<vmem>>, vector<1x512xf32>
    tpu.vector_store %arg1[%swap3A_226, %swap3A_227], %dot_general3A_225 {strides = array<i32>} : memref<16x512xf32, #tpu.memory_space<vmem>>, vector<1x512xf32>,
    %dma_wait3A_229 = arith.constant 5 : i32
    %dma_wait3A_230 = tpu.memref_slice %arg3[%dma_wait3A_229] : memref<16x!tpu.dma_semaphore, #tpu.memory_space<semaphore_mem>> -> memref<1x!tpu.dma_semaphore, #tpu.memory_space<semaphore_mem>>
    %dma_wait3A_231 = tpu.memref_squeeze %dma_wait3A_230 : memref<1x!tpu.dma_semaphore, #tpu.memory_space<semaphore_mem>> -> memref<!tpu.dma_semaphore, #tpu.memory_space<semaphore_mem>>
    %dma_wait3A_232 = arith.constant 2560 : i32
    %dma_wait3A_233 = arith.constant 0 : i32
    %dma_wait3A_234 = tpu.memref_slice %arg2[%dma_wait3A_232, %dma_wait3A_233] : memref<8192x512xf32, #tpu.memory_space<vmem>> -> memref<512x512xf32, #tpu.memory_space<vmem>>
    %dma_wait3A_235 = arith.constant 2560 : i32
    %dma_wait3A_236 = arith.constant 0 : i32
    %dma_wait3A_237 = tpu.memref_slice %arg0[%dma_wait3A_235, %dma_wait3A_236] : memref<8192x512xf32, #tpu.memory_space<any>> -> memref<512x512xf32, #tpu.memory_space<any>>
    tpu.wait_dma2 semaphore(%dma_wait3A_231 : memref<!tpu.dma_semaphore, #tpu.memory_space<semaphore_mem>>) src(%dma_wait3A_237 : memref<512x512xf32, #tpu.memory_space<any>>) dst(%dma_wait3A_234 : memref<512x512xf32, #tpu.memory_space<vmem>>)
    %get3A_238 = arith.constant 2560 : index
    %get3A_239 = arith.constant 0 : index
    %get3A_240 = vector.load %arg2[%get3A_238, %get3A_239] : memref<8192x512xf32, #tpu.memory_space<vmem>>, vector<512x512xf32>
    %exp3A_241 = math.exp %get3A_240 : vector<512x512xf32>
    %dot_general3A_242 = arith.constant dense<0.000000e+00> : vector<1x512xf32>
    %dot_general3A_243 = tpu.matmul %broadcast_in_dim3A_143, %exp3A_241, %dot_general3A_242 {dimension_numbers = #tpu.dot_dimension_numbers<[1], [1], [0], [0], [0, 0, 1, 0], [], []>, transpose_lhs_hint = false} : vector<1x512xf32>, vector<512x512xf32>, vector<1x512xf32> -> vector<1x512xf32>
    %swap3A_244 = arith.constant 5 : index
    %swap3A_245 = arith.constant 0 : index
    %swap3A_246 = vector.load %arg1[%swap3A_244, %swap3A_245] : memref<16x512xf32, #tpu.memory_space<vmem>>, vector<1x512xf32>
    tpu.vector_store %arg1[%swap3A_244, %swap3A_245], %dot_general3A_243 {strides = array<i32>} : memref<16x512xf32, #tpu.memory_space<vmem>>, vector<1x512xf32>,
    %dma_wait3A_247 = arith.constant 6 : i32
    %dma_wait3A_248 = tpu.memref_slice %arg3[%dma_wait3A_247] : memref<16x!tpu.dma_semaphore, #tpu.memory_space<semaphore_mem>> -> memref<1x!tpu.dma_semaphore, #tpu.memory_space<semaphore_mem>>
    %dma_wait3A_249 = tpu.memref_squeeze %dma_wait3A_248 : memref<1x!tpu.dma_semaphore, #tpu.memory_space<semaphore_mem>> -> memref<!tpu.dma_semaphore, #tpu.memory_space<semaphore_mem>>
    %dma_wait3A_250 = arith.constant 3072 : i32
    %dma_wait3A_251 = arith.constant 0 : i32
    %dma_wait3A_252 = tpu.memref_slice %arg2[%dma_wait3A_250, %dma_wait3A_251] : memref<8192x512xf32, #tpu.memory_space<vmem>> -> memref<512x512xf32, #tpu.memory_space<vmem>>
    %dma_wait3A_253 = arith.constant 3072 : i32
    %dma_wait3A_254 = arith.constant 0 : i32
    %dma_wait3A_255 = tpu.memref_slice %arg0[%dma_wait3A_253, %dma_wait3A_254] : memref<8192x512xf32, #tpu.memory_space<any>> -> memref<512x512xf32, #tpu.memory_space<any>>
    tpu.wait_dma2 semaphore(%dma_wait3A_249 : memref<!tpu.dma_semaphore, #tpu.memory_space<semaphore_mem>>) src(%dma_wait3A_255 : memref<512x512xf32, #tpu.memory_space<any>>) dst(%dma_wait3A_252 : memref<512x512xf32, #tpu.memory_space<vmem>>)
    %get3A_256 = arith.constant 3072 : index
    %get3A_257 = arith.constant 0 : index
    %get3A_258 = vector.load %arg2[%get3A_256, %get3A_257] : memref<8192x512xf32, #tpu.memory_space<vmem>>, vector<512x512xf32>
    %exp3A_259 = math.exp %get3A_258 : vector<512x512xf32>
    %dot_general3A_260 = arith.constant dense<0.000000e+00> : vector<1x512xf32>
    %dot_general3A_261 = tpu.matmul %broadcast_in_dim3A_143, %exp3A_259, %dot_general3A_260 {dimension_numbers = #tpu.dot_dimension_numbers<[1], [1], [0], [0], [0, 0, 1, 0], [], []>, transpose_lhs_hint = false} : vector<1x512xf32>, vector<512x512xf32>, vector<1x512xf32> -> vector<1x512xf32>
    %swap3A_262 = arith.constant 6 : index
    %swap3A_263 = arith.constant 0 : index
    %swap3A_264 = vector.load %arg1[%swap3A_262, %swap3A_263] : memref<16x512xf32, #tpu.memory_space<vmem>>, vector<1x512xf32>
    tpu.vector_store %arg1[%swap3A_262, %swap3A_263], %dot_general3A_261 {strides = array<i32>} : memref<16x512xf32, #tpu.memory_space<vmem>>, vector<1x512xf32>,
    %dma_wait3A_265 = arith.constant 7 : i32
    %dma_wait3A_266 = tpu.memref_slice %arg3[%dma_wait3A_265] : memref<16x!tpu.dma_semaphore, #tpu.memory_space<semaphore_mem>> -> memref<1x!tpu.dma_semaphore, #tpu.memory_space<semaphore_mem>>
    %dma_wait3A_267 = tpu.memref_squeeze %dma_wait3A_266 : memref<1x!tpu.dma_semaphore, #tpu.memory_space<semaphore_mem>> -> memref<!tpu.dma_semaphore, #tpu.memory_space<semaphore_mem>>
    %dma_wait3A_268 = arith.constant 3584 : i32
    %dma_wait3A_269 = arith.constant 0 : i32
    %dma_wait3A_270 = tpu.memref_slice %arg2[%dma_wait3A_268, %dma_wait3A_269] : memref<8192x512xf32, #tpu.memory_space<vmem>> -> memref<512x512xf32, #tpu.memory_space<vmem>>
    %dma_wait3A_271 = arith.constant 3584 : i32
    %dma_wait3A_272 = arith.constant 0 : i32
    %dma_wait3A_273 = tpu.memref_slice %arg0[%dma_wait3A_271, %dma_wait3A_272] : memref<8192x512xf32, #tpu.memory_space<any>> -> memref<512x512xf32, #tpu.memory_space<any>>
    tpu.wait_dma2 semaphore(%dma_wait3A_267 : memref<!tpu.dma_semaphore, #tpu.memory_space<semaphore_mem>>) src(%dma_wait3A_273 : memref<512x512xf32, #tpu.memory_space<any>>) dst(%dma_wait3A_270 : memref<512x512xf32, #tpu.memory_space<vmem>>)
    %get3A_274 = arith.constant 3584 : index
    %get3A_275 = arith.constant 0 : index
    %get3A_276 = vector.load %arg2[%get3A_274, %get3A_275] : memref<8192x512xf32, #tpu.memory_space<vmem>>, vector<512x512xf32>
    %exp3A_277 = math.exp %get3A_276 : vector<512x512xf32>
    %dot_general3A_278 = arith.constant dense<0.000000e+00> : vector<1x512xf32>
    %dot_general3A_279 = tpu.matmul %broadcast_in_dim3A_143, %exp3A_277, %dot_general3A_278 {dimension_numbers = #tpu.dot_dimension_numbers<[1], [1], [0], [0], [0, 0, 1, 0], [], []>, transpose_lhs_hint = false} : vector<1x512xf32>, vector<512x512xf32>, vector<1x512xf32> -> vector<1x512xf32>
    %swap3A_280 = arith.constant 7 : index
    %swap3A_281 = arith.constant 0 : index
    %swap3A_282 = vector.load %arg1[%swap3A_280, %swap3A_281] : memref<16x512xf32, #tpu.memory_space<vmem>>, vector<1x512xf32>
    tpu.vector_store %arg1[%swap3A_280, %swap3A_281], %dot_general3A_279 {strides = array<i32>} : memref<16x512xf32, #tpu.memory_space<vmem>>, vector<1x512xf32>,
    %dma_wait3A_283 = arith.constant 8 : i32
    %dma_wait3A_284 = tpu.memref_slice %arg3[%dma_wait3A_283] : memref<16x!tpu.dma_semaphore, #tpu.memory_space<semaphore_mem>> -> memref<1x!tpu.dma_semaphore, #tpu.memory_space<semaphore_mem>>
    %dma_wait3A_285 = tpu.memref_squeeze %dma_wait3A_284 : memref<1x!tpu.dma_semaphore, #tpu.memory_space<semaphore_mem>> -> memref<!tpu.dma_semaphore, #tpu.memory_space<semaphore_mem>>
    %dma_wait3A_286 = arith.constant 4096 : i32
    %dma_wait3A_287 = arith.constant 0 : i32
    %dma_wait3A_288 = tpu.memref_slice %arg2[%dma_wait3A_286, %dma_wait3A_287] : memref<8192x512xf32, #tpu.memory_space<vmem>> -> memref<512x512xf32, #tpu.memory_space<vmem>>
    %dma_wait3A_289 = arith.constant 4096 : i32
    %dma_wait3A_290 = arith.constant 0 : i32
    %dma_wait3A_291 = tpu.memref_slice %arg0[%dma_wait3A_289, %dma_wait3A_290] : memref<8192x512xf32, #tpu.memory_space<any>> -> memref<512x512xf32, #tpu.memory_space<any>>
    tpu.wait_dma2 semaphore(%dma_wait3A_285 : memref<!tpu.dma_semaphore, #tpu.memory_space<semaphore_mem>>) src(%dma_wait3A_291 : memref<512x512xf32, #tpu.memory_space<any>>) dst(%dma_wait3A_288 : memref<512x512xf32, #tpu.memory_space<vmem>>)
    %get3A_292 = arith.constant 4096 : index
    %get3A_293 = arith.constant 0 : index
    %get3A_294 = vector.load %arg2[%get3A_292, %get3A_293] : memref<8192x512xf32, #tpu.memory_space<vmem>>, vector<512x512xf32>
    %exp3A_295 = math.exp %get3A_294 : vector<512x512xf32>
    %dot_general3A_296 = arith.constant dense<0.000000e+00> : vector<1x512xf32>
    %dot_general3A_297 = tpu.matmul %broadcast_in_dim3A_143, %exp3A_295, %dot_general3A_296 {dimension_numbers = #tpu.dot_dimension_numbers<[1], [1], [0], [0], [0, 0, 1, 0], [], []>, transpose_lhs_hint = false} : vector<1x512xf32>, vector<512x512xf32>, vector<1x512xf32> -> vector<1x512xf32>
    %swap3A_298 = arith.constant 8 : index
    %swap3A_299 = arith.constant 0 : index
    %swap3A_300 = vector.load %arg1[%swap3A_298, %swap3A_299] : memref<16x512xf32, #tpu.memory_space<vmem>>, vector<1x512xf32>
    tpu.vector_store %arg1[%swap3A_298, %swap3A_299], %dot_general3A_297 {strides = array<i32>} : memref<16x512xf32, #tpu.memory_space<vmem>>, vector<1x512xf32>,
    %dma_wait3A_301 = arith.constant 9 : i32
    %dma_wait3A_302 = tpu.memref_slice %arg3[%dma_wait3A_301] : memref<16x!tpu.dma_semaphore, #tpu.memory_space<semaphore_mem>> -> memref<1x!tpu.dma_semaphore, #tpu.memory_space<semaphore_mem>>
    %dma_wait3A_303 = tpu.memref_squeeze %dma_wait3A_302 : memref<1x!tpu.dma_semaphore, #tpu.memory_space<semaphore_mem>> -> memref<!tpu.dma_semaphore, #tpu.memory_space<semaphore_mem>>
    %dma_wait3A_304 = arith.constant 4608 : i32
    %dma_wait3A_305 = arith.constant 0 : i32
    %dma_wait3A_306 = tpu.memref_slice %arg2[%dma_wait3A_304, %dma_wait3A_305] : memref<8192x512xf32, #tpu.memory_space<vmem>> -> memref<512x512xf32, #tpu.memory_space<vmem>>
    %dma_wait3A_307 = arith.constant 4608 : i32
    %dma_wait3A_308 = arith.constant 0 : i32
    %dma_wait3A_309 = tpu.memref_slice %arg0[%dma_wait3A_307, %dma_wait3A_308] : memref<8192x512xf32, #tpu.memory_space<any>> -> memref<512x512xf32, #tpu.memory_space<any>>
    tpu.wait_dma2 semaphore(%dma_wait3A_303 : memref<!tpu.dma_semaphore, #tpu.memory_space<semaphore_mem>>) src(%dma_wait3A_309 : memref<512x512xf32, #tpu.memory_space<any>>) dst(%dma_wait3A_306 : memref<512x512xf32, #tpu.memory_space<vmem>>)
    %get3A_310 = arith.constant 4608 : index
    %get3A_311 = arith.constant 0 : index
    %get3A_312 = vector.load %arg2[%get3A_310, %get3A_311] : memref<8192x512xf32, #tpu.memory_space<vmem>>, vector<512x512xf32>
    %exp3A_313 = math.exp %get3A_312 : vector<512x512xf32>
    %dot_general3A_314 = arith.constant dense<0.000000e+00> : vector<1x512xf32>
    %dot_general3A_315 = tpu.matmul %broadcast_in_dim3A_143, %exp3A_313, %dot_general3A_314 {dimension_numbers = #tpu.dot_dimension_numbers<[1], [1], [0], [0], [0, 0, 1, 0], [], []>, transpose_lhs_hint = false} : vector<1x512xf32>, vector<512x512xf32>, vector<1x512xf32> -> vector<1x512xf32>
    %swap3A_316 = arith.constant 9 : index
    %swap3A_317 = arith.constant 0 : index
    %swap3A_318 = vector.load %arg1[%swap3A_316, %swap3A_317] : memref<16x512xf32, #tpu.memory_space<vmem>>, vector<1x512xf32>
    tpu.vector_store %arg1[%swap3A_316, %swap3A_317], %dot_general3A_315 {strides = array<i32>} : memref<16x512xf32, #tpu.memory_space<vmem>>, vector<1x512xf32>,
    %dma_wait3A_319 = arith.constant 10 : i32
    %dma_wait3A_320 = tpu.memref_slice %arg3[%dma_wait3A_319] : memref<16x!tpu.dma_semaphore, #tpu.memory_space<semaphore_mem>> -> memref<1x!tpu.dma_semaphore, #tpu.memory_space<semaphore_mem>>
    %dma_wait3A_321 = tpu.memref_squeeze %dma_wait3A_320 : memref<1x!tpu.dma_semaphore, #tpu.memory_space<semaphore_mem>> -> memref<!tpu.dma_semaphore, #tpu.memory_space<semaphore_mem>>
    %dma_wait3A_322 = arith.constant 5120 : i32
    %dma_wait3A_323 = arith.constant 0 : i32
    %dma_wait3A_324 = tpu.memref_slice %arg2[%dma_wait3A_322, %dma_wait3A_323] : memref<8192x512xf32, #tpu.memory_space<vmem>> -> memref<512x512xf32, #tpu.memory_space<vmem>>
    %dma_wait3A_325 = arith.constant 5120 : i32
    %dma_wait3A_326 = arith.constant 0 : i32
    %dma_wait3A_327 = tpu.memref_slice %arg0[%dma_wait3A_325, %dma_wait3A_326] : memref<8192x512xf32, #tpu.memory_space<any>> -> memref<512x512xf32, #tpu.memory_space<any>>
    tpu.wait_dma2 semaphore(%dma_wait3A_321 : memref<!tpu.dma_semaphore, #tpu.memory_space<semaphore_mem>>) src(%dma_wait3A_327 : memref<512x512xf32, #tpu.memory_space<any>>) dst(%dma_wait3A_324 : memref<512x512xf32, #tpu.memory_space<vmem>>)
    %get3A_328 = arith.constant 5120 : index
    %get3A_329 = arith.constant 0 : index
    %get3A_330 = vector.load %arg2[%get3A_328, %get3A_329] : memref<8192x512xf32, #tpu.memory_space<vmem>>, vector<512x512xf32>
    %exp3A_331 = math.exp %get3A_330 : vector<512x512xf32>
    %dot_general3A_332 = arith.constant dense<0.000000e+00> : vector<1x512xf32>
    %dot_general3A_333 = tpu.matmul %broadcast_in_dim3A_143, %exp3A_331, %dot_general3A_332 {dimension_numbers = #tpu.dot_dimension_numbers<[1], [1], [0], [0], [0, 0, 1, 0], [], []>, transpose_lhs_hint = false} : vector<1x512xf32>, vector<512x512xf32>, vector<1x512xf32> -> vector<1x512xf32>
    %swap3A_334 = arith.constant 10 : index
    %swap3A_335 = arith.constant 0 : index
    %swap3A_336 = vector.load %arg1[%swap3A_334, %swap3A_335] : memref<16x512xf32, #tpu.memory_space<vmem>>, vector<1x512xf32>
    tpu.vector_store %arg1[%swap3A_334, %swap3A_335], %dot_general3A_333 {strides = array<i32>} : memref<16x512xf32, #tpu.memory_space<vmem>>, vector<1x512xf32>,
    %dma_wait3A_337 = arith.constant 11 : i32
    %dma_wait3A_338 = tpu.memref_slice %arg3[%dma_wait3A_337] : memref<16x!tpu.dma_semaphore, #tpu.memory_space<semaphore_mem>> -> memref<1x!tpu.dma_semaphore, #tpu.memory_space<semaphore_mem>>
    %dma_wait3A_339 = tpu.memref_squeeze %dma_wait3A_338 : memref<1x!tpu.dma_semaphore, #tpu.memory_space<semaphore_mem>> -> memref<!tpu.dma_semaphore, #tpu.memory_space<semaphore_mem>>
    %dma_wait3A_340 = arith.constant 5632 : i32
    %dma_wait3A_341 = arith.constant 0 : i32
    %dma_wait3A_342 = tpu.memref_slice %arg2[%dma_wait3A_340, %dma_wait3A_341] : memref<8192x512xf32, #tpu.memory_space<vmem>> -> memref<512x512xf32, #tpu.memory_space<vmem>>
    %dma_wait3A_343 = arith.constant 5632 : i32
    %dma_wait3A_344 = arith.constant 0 : i32
    %dma_wait3A_345 = tpu.memref_slice %arg0[%dma_wait3A_343, %dma_wait3A_344] : memref<8192x512xf32, #tpu.memory_space<any>> -> memref<512x512xf32, #tpu.memory_space<any>>
    tpu.wait_dma2 semaphore(%dma_wait3A_339 : memref<!tpu.dma_semaphore, #tpu.memory_space<semaphore_mem>>) src(%dma_wait3A_345 : memref<512x512xf32, #tpu.memory_space<any>>) dst(%dma_wait3A_342 : memref<512x512xf32, #tpu.memory_space<vmem>>)
    %get3A_346 = arith.constant 5632 : index
    %get3A_347 = arith.constant 0 : index
    %get3A_348 = vector.load %arg2[%get3A_346, %get3A_347] : memref<8192x512xf32, #tpu.memory_space<vmem>>, vector<512x512xf32>
    %exp3A_349 = math.exp %get3A_348 : vector<512x512xf32>
    %dot_general3A_350 = arith.constant dense<0.000000e+00> : vector<1x512xf32>
    %dot_general3A_351 = tpu.matmul %broadcast_in_dim3A_143, %exp3A_349, %dot_general3A_350 {dimension_numbers = #tpu.dot_dimension_numbers<[1], [1], [0], [0], [0, 0, 1, 0], [], []>, transpose_lhs_hint = false} : vector<1x512xf32>, vector<512x512xf32>, vector<1x512xf32> -> vector<1x512xf32>
    %swap3A_352 = arith.constant 11 : index
    %swap3A_353 = arith.constant 0 : index
    %swap3A_354 = vector.load %arg1[%swap3A_352, %swap3A_353] : memref<16x512xf32, #tpu.memory_space<vmem>>, vector<1x512xf32>
    tpu.vector_store %arg1[%swap3A_352, %swap3A_353], %dot_general3A_351 {strides = array<i32>} : memref<16x512xf32, #tpu.memory_space<vmem>>, vector<1x512xf32>,
    %dma_wait3A_355 = arith.constant 12 : i32
    %dma_wait3A_356 = tpu.memref_slice %arg3[%dma_wait3A_355] : memref<16x!tpu.dma_semaphore, #tpu.memory_space<semaphore_mem>> -> memref<1x!tpu.dma_semaphore, #tpu.memory_space<semaphore_mem>>
    %dma_wait3A_357 = tpu.memref_squeeze %dma_wait3A_356 : memref<1x!tpu.dma_semaphore, #tpu.memory_space<semaphore_mem>> -> memref<!tpu.dma_semaphore, #tpu.memory_space<semaphore_mem>>
    %dma_wait3A_358 = arith.constant 6144 : i32
    %dma_wait3A_359 = arith.constant 0 : i32
    %dma_wait3A_360 = tpu.memref_slice %arg2[%dma_wait3A_358, %dma_wait3A_359] : memref<8192x512xf32, #tpu.memory_space<vmem>> -> memref<512x512xf32, #tpu.memory_space<vmem>>
    %dma_wait3A_361 = arith.constant 6144 : i32
    %dma_wait3A_362 = arith.constant 0 : i32
    %dma_wait3A_363 = tpu.memref_slice %arg0[%dma_wait3A_361, %dma_wait3A_362] : memref<8192x512xf32, #tpu.memory_space<any>> -> memref<512x512xf32, #tpu.memory_space<any>>
    tpu.wait_dma2 semaphore(%dma_wait3A_357 : memref<!tpu.dma_semaphore, #tpu.memory_space<semaphore_mem>>) src(%dma_wait3A_363 : memref<512x512xf32, #tpu.memory_space<any>>) dst(%dma_wait3A_360 : memref<512x512xf32, #tpu.memory_space<vmem>>)
    %get3A_364 = arith.constant 6144 : index
    %get3A_365 = arith.constant 0 : index
    %get3A_366 = vector.load %arg2[%get3A_364, %get3A_365] : memref<8192x512xf32, #tpu.memory_space<vmem>>, vector<512x512xf32>
    %exp3A_367 = math.exp %get3A_366 : vector<512x512xf32>
    %dot_general3A_368 = arith.constant dense<0.000000e+00> : vector<1x512xf32>
    %dot_general3A_369 = tpu.matmul %broadcast_in_dim3A_143, %exp3A_367, %dot_general3A_368 {dimension_numbers = #tpu.dot_dimension_numbers<[1], [1], [0], [0], [0, 0, 1, 0], [], []>, transpose_lhs_hint = false} : vector<1x512xf32>, vector<512x512xf32>, vector<1x512xf32> -> vector<1x512xf32>
    %swap3A_370 = arith.constant 12 : index
    %swap3A_371 = arith.constant 0 : index
    %swap3A_372 = vector.load %arg1[%swap3A_370, %swap3A_371] : memref<16x512xf32, #tpu.memory_space<vmem>>, vector<1x512xf32>
    tpu.vector_store %arg1[%swap3A_370, %swap3A_371], %dot_general3A_369 {strides = array<i32>} : memref<16x512xf32, #tpu.memory_space<vmem>>, vector<1x512xf32>,
    %dma_wait3A_373 = arith.constant 13 : i32
    %dma_wait3A_374 = tpu.memref_slice %arg3[%dma_wait3A_373] : memref<16x!tpu.dma_semaphore, #tpu.memory_space<semaphore_mem>> -> memref<1x!tpu.dma_semaphore, #tpu.memory_space<semaphore_mem>>
    %dma_wait3A_375 = tpu.memref_squeeze %dma_wait3A_374 : memref<1x!tpu.dma_semaphore, #tpu.memory_space<semaphore_mem>> -> memref<!tpu.dma_semaphore, #tpu.memory_space<semaphore_mem>>
    %dma_wait3A_376 = arith.constant 6656 : i32
    %dma_wait3A_377 = arith.constant 0 : i32
    %dma_wait3A_378 = tpu.memref_slice %arg2[%dma_wait3A_376, %dma_wait3A_377] : memref<8192x512xf32, #tpu.memory_space<vmem>> -> memref<512x512xf32, #tpu.memory_space<vmem>>
    %dma_wait3A_379 = arith.constant 6656 : i32
    %dma_wait3A_380 = arith.constant 0 : i32
    %dma_wait3A_381 = tpu.memref_slice %arg0[%dma_wait3A_379, %dma_wait3A_380] : memref<8192x512xf32, #tpu.memory_space<any>> -> memref<512x512xf32, #tpu.memory_space<any>>
    tpu.wait_dma2 semaphore(%dma_wait3A_375 : memref<!tpu.dma_semaphore, #tpu.memory_space<semaphore_mem>>) src(%dma_wait3A_381 : memref<512x512xf32, #tpu.memory_space<any>>) dst(%dma_wait3A_378 : memref<512x512xf32, #tpu.memory_space<vmem>>)
    %get3A_382 = arith.constant 6656 : index
    %get3A_383 = arith.constant 0 : index
    %get3A_384 = vector.load %arg2[%get3A_382, %get3A_383] : memref<8192x512xf32, #tpu.memory_space<vmem>>, vector<512x512xf32>
    %exp3A_385 = math.exp %get3A_384 : vector<512x512xf32>
    %dot_general3A_386 = arith.constant dense<0.000000e+00> : vector<1x512xf32>
    %dot_general3A_387 = tpu.matmul %broadcast_in_dim3A_143, %exp3A_385, %dot_general3A_386 {dimension_numbers = #tpu.dot_dimension_numbers<[1], [1], [0], [0], [0, 0, 1, 0], [], []>, transpose_lhs_hint = false} : vector<1x512xf32>, vector<512x512xf32>, vector<1x512xf32> -> vector<1x512xf32>
    %swap3A_388 = arith.constant 13 : index
    %swap3A_389 = arith.constant 0 : index
    %swap3A_390 = vector.load %arg1[%swap3A_388, %swap3A_389] : memref<16x512xf32, #tpu.memory_space<vmem>>, vector<1x512xf32>
    tpu.vector_store %arg1[%swap3A_388, %swap3A_389], %dot_general3A_387 {strides = array<i32>} : memref<16x512xf32, #tpu.memory_space<vmem>>, vector<1x512xf32>,
    %dma_wait3A_391 = arith.constant 14 : i32
    %dma_wait3A_392 = tpu.memref_slice %arg3[%dma_wait3A_391] : memref<16x!tpu.dma_semaphore, #tpu.memory_space<semaphore_mem>> -> memref<1x!tpu.dma_semaphore, #tpu.memory_space<semaphore_mem>>
    %dma_wait3A_393 = tpu.memref_squeeze %dma_wait3A_392 : memref<1x!tpu.dma_semaphore, #tpu.memory_space<semaphore_mem>> -> memref<!tpu.dma_semaphore, #tpu.memory_space<semaphore_mem>>
    %dma_wait3A_394 = arith.constant 7168 : i32
    %dma_wait3A_395 = arith.constant 0 : i32
    %dma_wait3A_396 = tpu.memref_slice %arg2[%dma_wait3A_394, %dma_wait3A_395] : memref<8192x512xf32, #tpu.memory_space<vmem>> -> memref<512x512xf32, #tpu.memory_space<vmem>>
    %dma_wait3A_397 = arith.constant 7168 : i32
    %dma_wait3A_398 = arith.constant 0 : i32
    %dma_wait3A_399 = tpu.memref_slice %arg0[%dma_wait3A_397, %dma_wait3A_398] : memref<8192x512xf32, #tpu.memory_space<any>> -> memref<512x512xf32, #tpu.memory_space<any>>
    tpu.wait_dma2 semaphore(%dma_wait3A_393 : memref<!tpu.dma_semaphore, #tpu.memory_space<semaphore_mem>>) src(%dma_wait3A_399 : memref<512x512xf32, #tpu.memory_space<any>>) dst(%dma_wait3A_396 : memref<512x512xf32, #tpu.memory_space<vmem>>)
    %get3A_400 = arith.constant 7168 : index
    %get3A_401 = arith.constant 0 : index
    %get3A_402 = vector.load %arg2[%get3A_400, %get3A_401] : memref<8192x512xf32, #tpu.memory_space<vmem>>, vector<512x512xf32>
    %exp3A_403 = math.exp %get3A_402 : vector<512x512xf32>
    %dot_general3A_404 = arith.constant dense<0.000000e+00> : vector<1x512xf32>
    %dot_general3A_405 = tpu.matmul %broadcast_in_dim3A_143, %exp3A_403, %dot_general3A_404 {dimension_numbers = #tpu.dot_dimension_numbers<[1], [1], [0], [0], [0, 0, 1, 0], [], []>, transpose_lhs_hint = false} : vector<1x512xf32>, vector<512x512xf32>, vector<1x512xf32> -> vector<1x512xf32>
    %swap3A_406 = arith.constant 14 : index
    %swap3A_407 = arith.constant 0 : index
    %swap3A_408 = vector.load %arg1[%swap3A_406, %swap3A_407] : memref<16x512xf32, #tpu.memory_space<vmem>>, vector<1x512xf32>
    tpu.vector_store %arg1[%swap3A_406, %swap3A_407], %dot_general3A_405 {strides = array<i32>} : memref<16x512xf32, #tpu.memory_space<vmem>>, vector<1x512xf32>,
    %dma_wait3A_409 = arith.constant 15 : i32
    %dma_wait3A_410 = tpu.memref_slice %arg3[%dma_wait3A_409] : memref<16x!tpu.dma_semaphore, #tpu.memory_space<semaphore_mem>> -> memref<1x!tpu.dma_semaphore, #tpu.memory_space<semaphore_mem>>
    %dma_wait3A_411 = tpu.memref_squeeze %dma_wait3A_410 : memref<1x!tpu.dma_semaphore, #tpu.memory_space<semaphore_mem>> -> memref<!tpu.dma_semaphore, #tpu.memory_space<semaphore_mem>>
    %dma_wait3A_412 = arith.constant 7680 : i32
    %dma_wait3A_413 = arith.constant 0 : i32
    %dma_wait3A_414 = tpu.memref_slice %arg2[%dma_wait3A_412, %dma_wait3A_413] : memref<8192x512xf32, #tpu.memory_space<vmem>> -> memref<512x512xf32, #tpu.memory_space<vmem>>
    %dma_wait3A_415 = arith.constant 7680 : i32
    %dma_wait3A_416 = arith.constant 0 : i32
    %dma_wait3A_417 = tpu.memref_slice %arg0[%dma_wait3A_415, %dma_wait3A_416] : memref<8192x512xf32, #tpu.memory_space<any>> -> memref<512x512xf32, #tpu.memory_space<any>>
    tpu.wait_dma2 semaphore(%dma_wait3A_411 : memref<!tpu.dma_semaphore, #tpu.memory_space<semaphore_mem>>) src(%dma_wait3A_417 : memref<512x512xf32, #tpu.memory_space<any>>) dst(%dma_wait3A_414 : memref<512x512xf32, #tpu.memory_space<vmem>>)
    %get3A_418 = arith.constant 7680 : index
    %get3A_419 = arith.constant 0 : index
    %get3A_420 = vector.load %arg2[%get3A_418, %get3A_419] : memref<8192x512xf32, #tpu.memory_space<vmem>>, vector<512x512xf32>
    %exp3A_421 = math.exp %get3A_420 : vector<512x512xf32>
    %dot_general3A_422 = arith.constant dense<0.000000e+00> : vector<1x512xf32>
    %dot_general3A_423 = tpu.matmul %broadcast_in_dim3A_143, %exp3A_421, %dot_general3A_422 {dimension_numbers = #tpu.dot_dimension_numbers<[1], [1], [0], [0], [0, 0, 1, 0], [], []>, transpose_lhs_hint = false} : vector<1x512xf32>, vector<512x512xf32>, vector<1x512xf32> -> vector<1x512xf32>
    %swap3A_424 = arith.constant 15 : index
    %swap3A_425 = arith.constant 0 : index
    %swap3A_426 = vector.load %arg1[%swap3A_424, %swap3A_425] : memref<16x512xf32, #tpu.memory_space<vmem>>, vector<1x512xf32>
    tpu.vector_store %arg1[%swap3A_424, %swap3A_425], %dot_general3A_423 {strides = array<i32>} : memref<16x512xf32, #tpu.memory_space<vmem>>, vector<1x512xf32>,
    return
  }
}

module attributes {stable_mosaic.version = 14 : i64} {
  func.func @_subtract_kernel(%arg0: memref<16x8x16xf32, #tpu.memory_space<vmem>>, %arg1: memref<512x16xf32, #tpu.memory_space<vmem>>, %arg2: memref<8192x512xf32, #tpu.memory_space<any>>, %arg3: memref<8192x512xf32, #tpu.memory_space<any>>, %arg4: memref<8192x512xf32, #tpu.memory_space<vmem>>, %arg5: memref<16x!tpu.dma_semaphore, #tpu.memory_space<semaphore_mem>>, %arg6: memref<16x!tpu.dma_semaphore, #tpu.memory_space<semaphore_mem>>) attributes {dimension_semantics = [], scalar_prefetch = 0 : i64, scratch_operands = 3 : i64, tpu.core_type = #tpu.core_type<tc>} {
    %dma_start3A = arith.constant 0 : i32
    %dma_start3A_0 = tpu.memref_slice %arg5[%dma_start3A] : memref<16x!tpu.dma_semaphore, #tpu.memory_space<semaphore_mem>> -> memref<1x!tpu.dma_semaphore, #tpu.memory_space<semaphore_mem>>
    %dma_start3A_1 = tpu.memref_squeeze %dma_start3A_0 : memref<1x!tpu.dma_semaphore, #tpu.memory_space<semaphore_mem>> -> memref<!tpu.dma_semaphore, #tpu.memory_space<semaphore_mem>>
    %dma_start3A_2 = arith.constant 0 : i32
    %dma_start3A_3 = arith.constant 0 : i32
    %dma_start3A_4 = tpu.memref_slice %arg4[%dma_start3A_2, %dma_start3A_3] : memref<8192x512xf32, #tpu.memory_space<vmem>> -> memref<512x512xf32, #tpu.memory_space<vmem>>
    %dma_start3A_5 = arith.constant 0 : i32
    %dma_start3A_6 = arith.constant 0 : i32
    %dma_start3A_7 = tpu.memref_slice %arg2[%dma_start3A_5, %dma_start3A_6] : memref<8192x512xf32, #tpu.memory_space<any>> -> memref<512x512xf32, #tpu.memory_space<any>>
    tpu.enqueue_dma source(%dma_start3A_7 : memref<512x512xf32, #tpu.memory_space<any>>) target(%dma_start3A_4 : memref<512x512xf32, #tpu.memory_space<vmem>>) target_semaphore(%dma_start3A_1 : memref<!tpu.dma_semaphore, #tpu.memory_space<semaphore_mem>>)
    %dma_start3A_8 = arith.constant 1 : i32
    %dma_start3A_9 = tpu.memref_slice %arg5[%dma_start3A_8] : memref<16x!tpu.dma_semaphore, #tpu.memory_space<semaphore_mem>> -> memref<1x!tpu.dma_semaphore, #tpu.memory_space<semaphore_mem>>
    %dma_start3A_10 = tpu.memref_squeeze %dma_start3A_9 : memref<1x!tpu.dma_semaphore, #tpu.memory_space<semaphore_mem>> -> memref<!tpu.dma_semaphore, #tpu.memory_space<semaphore_mem>>
    %dma_start3A_11 = arith.constant 512 : i32
    %dma_start3A_12 = arith.constant 0 : i32
    %dma_start3A_13 = tpu.memref_slice %arg4[%dma_start3A_11, %dma_start3A_12] : memref<8192x512xf32, #tpu.memory_space<vmem>> -> memref<512x512xf32, #tpu.memory_space<vmem>>
    %dma_start3A_14 = arith.constant 512 : i32
    %dma_start3A_15 = arith.constant 0 : i32
    %dma_start3A_16 = tpu.memref_slice %arg2[%dma_start3A_14, %dma_start3A_15] : memref<8192x512xf32, #tpu.memory_space<any>> -> memref<512x512xf32, #tpu.memory_space<any>>
    tpu.enqueue_dma source(%dma_start3A_16 : memref<512x512xf32, #tpu.memory_space<any>>) target(%dma_start3A_13 : memref<512x512xf32, #tpu.memory_space<vmem>>) target_semaphore(%dma_start3A_10 : memref<!tpu.dma_semaphore, #tpu.memory_space<semaphore_mem>>)
    %dma_start3A_17 = arith.constant 2 : i32
    %dma_start3A_18 = tpu.memref_slice %arg5[%dma_start3A_17] : memref<16x!tpu.dma_semaphore, #tpu.memory_space<semaphore_mem>> -> memref<1x!tpu.dma_semaphore, #tpu.memory_space<semaphore_mem>>
    %dma_start3A_19 = tpu.memref_squeeze %dma_start3A_18 : memref<1x!tpu.dma_semaphore, #tpu.memory_space<semaphore_mem>> -> memref<!tpu.dma_semaphore, #tpu.memory_space<semaphore_mem>>
    %dma_start3A_20 = arith.constant 1024 : i32
    %dma_start3A_21 = arith.constant 0 : i32
    %dma_start3A_22 = tpu.memref_slice %arg4[%dma_start3A_20, %dma_start3A_21] : memref<8192x512xf32, #tpu.memory_space<vmem>> -> memref<512x512xf32, #tpu.memory_space<vmem>>
    %dma_start3A_23 = arith.constant 1024 : i32
    %dma_start3A_24 = arith.constant 0 : i32
    %dma_start3A_25 = tpu.memref_slice %arg2[%dma_start3A_23, %dma_start3A_24] : memref<8192x512xf32, #tpu.memory_space<any>> -> memref<512x512xf32, #tpu.memory_space<any>>
    tpu.enqueue_dma source(%dma_start3A_25 : memref<512x512xf32, #tpu.memory_space<any>>) target(%dma_start3A_22 : memref<512x512xf32, #tpu.memory_space<vmem>>) target_semaphore(%dma_start3A_19 : memref<!tpu.dma_semaphore, #tpu.memory_space<semaphore_mem>>)
    %dma_start3A_26 = arith.constant 3 : i32
    %dma_start3A_27 = tpu.memref_slice %arg5[%dma_start3A_26] : memref<16x!tpu.dma_semaphore, #tpu.memory_space<semaphore_mem>> -> memref<1x!tpu.dma_semaphore, #tpu.memory_space<semaphore_mem>>
    %dma_start3A_28 = tpu.memref_squeeze %dma_start3A_27 : memref<1x!tpu.dma_semaphore, #tpu.memory_space<semaphore_mem>> -> memref<!tpu.dma_semaphore, #tpu.memory_space<semaphore_mem>>
    %dma_start3A_29 = arith.constant 1536 : i32
    %dma_start3A_30 = arith.constant 0 : i32
    %dma_start3A_31 = tpu.memref_slice %arg4[%dma_start3A_29, %dma_start3A_30] : memref<8192x512xf32, #tpu.memory_space<vmem>> -> memref<512x512xf32, #tpu.memory_space<vmem>>
    %dma_start3A_32 = arith.constant 1536 : i32
    %dma_start3A_33 = arith.constant 0 : i32
    %dma_start3A_34 = tpu.memref_slice %arg2[%dma_start3A_32, %dma_start3A_33] : memref<8192x512xf32, #tpu.memory_space<any>> -> memref<512x512xf32, #tpu.memory_space<any>>
    tpu.enqueue_dma source(%dma_start3A_34 : memref<512x512xf32, #tpu.memory_space<any>>) target(%dma_start3A_31 : memref<512x512xf32, #tpu.memory_space<vmem>>) target_semaphore(%dma_start3A_28 : memref<!tpu.dma_semaphore, #tpu.memory_space<semaphore_mem>>)
    %dma_start3A_35 = arith.constant 4 : i32
    %dma_start3A_36 = tpu.memref_slice %arg5[%dma_start3A_35] : memref<16x!tpu.dma_semaphore, #tpu.memory_space<semaphore_mem>> -> memref<1x!tpu.dma_semaphore, #tpu.memory_space<semaphore_mem>>
    %dma_start3A_37 = tpu.memref_squeeze %dma_start3A_36 : memref<1x!tpu.dma_semaphore, #tpu.memory_space<semaphore_mem>> -> memref<!tpu.dma_semaphore, #tpu.memory_space<semaphore_mem>>
    %dma_start3A_38 = arith.constant 2048 : i32
    %dma_start3A_39 = arith.constant 0 : i32
    %dma_start3A_40 = tpu.memref_slice %arg4[%dma_start3A_38, %dma_start3A_39] : memref<8192x512xf32, #tpu.memory_space<vmem>> -> memref<512x512xf32, #tpu.memory_space<vmem>>
    %dma_start3A_41 = arith.constant 2048 : i32
    %dma_start3A_42 = arith.constant 0 : i32
    %dma_start3A_43 = tpu.memref_slice %arg2[%dma_start3A_41, %dma_start3A_42] : memref<8192x512xf32, #tpu.memory_space<any>> -> memref<512x512xf32, #tpu.memory_space<any>>
    tpu.enqueue_dma source(%dma_start3A_43 : memref<512x512xf32, #tpu.memory_space<any>>) target(%dma_start3A_40 : memref<512x512xf32, #tpu.memory_space<vmem>>) target_semaphore(%dma_start3A_37 : memref<!tpu.dma_semaphore, #tpu.memory_space<semaphore_mem>>)
    %dma_start3A_44 = arith.constant 5 : i32
    %dma_start3A_45 = tpu.memref_slice %arg5[%dma_start3A_44] : memref<16x!tpu.dma_semaphore, #tpu.memory_space<semaphore_mem>> -> memref<1x!tpu.dma_semaphore, #tpu.memory_space<semaphore_mem>>
    %dma_start3A_46 = tpu.memref_squeeze %dma_start3A_45 : memref<1x!tpu.dma_semaphore, #tpu.memory_space<semaphore_mem>> -> memref<!tpu.dma_semaphore, #tpu.memory_space<semaphore_mem>>
    %dma_start3A_47 = arith.constant 2560 : i32
    %dma_start3A_48 = arith.constant 0 : i32
    %dma_start3A_49 = tpu.memref_slice %arg4[%dma_start3A_47, %dma_start3A_48] : memref<8192x512xf32, #tpu.memory_space<vmem>> -> memref<512x512xf32, #tpu.memory_space<vmem>>
    %dma_start3A_50 = arith.constant 2560 : i32
    %dma_start3A_51 = arith.constant 0 : i32
    %dma_start3A_52 = tpu.memref_slice %arg2[%dma_start3A_50, %dma_start3A_51] : memref<8192x512xf32, #tpu.memory_space<any>> -> memref<512x512xf32, #tpu.memory_space<any>>
    tpu.enqueue_dma source(%dma_start3A_52 : memref<512x512xf32, #tpu.memory_space<any>>) target(%dma_start3A_49 : memref<512x512xf32, #tpu.memory_space<vmem>>) target_semaphore(%dma_start3A_46 : memref<!tpu.dma_semaphore, #tpu.memory_space<semaphore_mem>>)
    %dma_start3A_53 = arith.constant 6 : i32
    %dma_start3A_54 = tpu.memref_slice %arg5[%dma_start3A_53] : memref<16x!tpu.dma_semaphore, #tpu.memory_space<semaphore_mem>> -> memref<1x!tpu.dma_semaphore, #tpu.memory_space<semaphore_mem>>
    %dma_start3A_55 = tpu.memref_squeeze %dma_start3A_54 : memref<1x!tpu.dma_semaphore, #tpu.memory_space<semaphore_mem>> -> memref<!tpu.dma_semaphore, #tpu.memory_space<semaphore_mem>>
    %dma_start3A_56 = arith.constant 3072 : i32
    %dma_start3A_57 = arith.constant 0 : i32
    %dma_start3A_58 = tpu.memref_slice %arg4[%dma_start3A_56, %dma_start3A_57] : memref<8192x512xf32, #tpu.memory_space<vmem>> -> memref<512x512xf32, #tpu.memory_space<vmem>>
    %dma_start3A_59 = arith.constant 3072 : i32
    %dma_start3A_60 = arith.constant 0 : i32
    %dma_start3A_61 = tpu.memref_slice %arg2[%dma_start3A_59, %dma_start3A_60] : memref<8192x512xf32, #tpu.memory_space<any>> -> memref<512x512xf32, #tpu.memory_space<any>>
    tpu.enqueue_dma source(%dma_start3A_61 : memref<512x512xf32, #tpu.memory_space<any>>) target(%dma_start3A_58 : memref<512x512xf32, #tpu.memory_space<vmem>>) target_semaphore(%dma_start3A_55 : memref<!tpu.dma_semaphore, #tpu.memory_space<semaphore_mem>>)
    %dma_start3A_62 = arith.constant 7 : i32
    %dma_start3A_63 = tpu.memref_slice %arg5[%dma_start3A_62] : memref<16x!tpu.dma_semaphore, #tpu.memory_space<semaphore_mem>> -> memref<1x!tpu.dma_semaphore, #tpu.memory_space<semaphore_mem>>
    %dma_start3A_64 = tpu.memref_squeeze %dma_start3A_63 : memref<1x!tpu.dma_semaphore, #tpu.memory_space<semaphore_mem>> -> memref<!tpu.dma_semaphore, #tpu.memory_space<semaphore_mem>>
    %dma_start3A_65 = arith.constant 3584 : i32
    %dma_start3A_66 = arith.constant 0 : i32
    %dma_start3A_67 = tpu.memref_slice %arg4[%dma_start3A_65, %dma_start3A_66] : memref<8192x512xf32, #tpu.memory_space<vmem>> -> memref<512x512xf32, #tpu.memory_space<vmem>>
    %dma_start3A_68 = arith.constant 3584 : i32
    %dma_start3A_69 = arith.constant 0 : i32
    %dma_start3A_70 = tpu.memref_slice %arg2[%dma_start3A_68, %dma_start3A_69] : memref<8192x512xf32, #tpu.memory_space<any>> -> memref<512x512xf32, #tpu.memory_space<any>>
    tpu.enqueue_dma source(%dma_start3A_70 : memref<512x512xf32, #tpu.memory_space<any>>) target(%dma_start3A_67 : memref<512x512xf32, #tpu.memory_space<vmem>>) target_semaphore(%dma_start3A_64 : memref<!tpu.dma_semaphore, #tpu.memory_space<semaphore_mem>>)
    %dma_start3A_71 = arith.constant 8 : i32
    %dma_start3A_72 = tpu.memref_slice %arg5[%dma_start3A_71] : memref<16x!tpu.dma_semaphore, #tpu.memory_space<semaphore_mem>> -> memref<1x!tpu.dma_semaphore, #tpu.memory_space<semaphore_mem>>
    %dma_start3A_73 = tpu.memref_squeeze %dma_start3A_72 : memref<1x!tpu.dma_semaphore, #tpu.memory_space<semaphore_mem>> -> memref<!tpu.dma_semaphore, #tpu.memory_space<semaphore_mem>>
    %dma_start3A_74 = arith.constant 4096 : i32
    %dma_start3A_75 = arith.constant 0 : i32
    %dma_start3A_76 = tpu.memref_slice %arg4[%dma_start3A_74, %dma_start3A_75] : memref<8192x512xf32, #tpu.memory_space<vmem>> -> memref<512x512xf32, #tpu.memory_space<vmem>>
    %dma_start3A_77 = arith.constant 4096 : i32
    %dma_start3A_78 = arith.constant 0 : i32
    %dma_start3A_79 = tpu.memref_slice %arg2[%dma_start3A_77, %dma_start3A_78] : memref<8192x512xf32, #tpu.memory_space<any>> -> memref<512x512xf32, #tpu.memory_space<any>>
    tpu.enqueue_dma source(%dma_start3A_79 : memref<512x512xf32, #tpu.memory_space<any>>) target(%dma_start3A_76 : memref<512x512xf32, #tpu.memory_space<vmem>>) target_semaphore(%dma_start3A_73 : memref<!tpu.dma_semaphore, #tpu.memory_space<semaphore_mem>>)
    %dma_start3A_80 = arith.constant 9 : i32
    %dma_start3A_81 = tpu.memref_slice %arg5[%dma_start3A_80] : memref<16x!tpu.dma_semaphore, #tpu.memory_space<semaphore_mem>> -> memref<1x!tpu.dma_semaphore, #tpu.memory_space<semaphore_mem>>
    %dma_start3A_82 = tpu.memref_squeeze %dma_start3A_81 : memref<1x!tpu.dma_semaphore, #tpu.memory_space<semaphore_mem>> -> memref<!tpu.dma_semaphore, #tpu.memory_space<semaphore_mem>>
    %dma_start3A_83 = arith.constant 4608 : i32
    %dma_start3A_84 = arith.constant 0 : i32
    %dma_start3A_85 = tpu.memref_slice %arg4[%dma_start3A_83, %dma_start3A_84] : memref<8192x512xf32, #tpu.memory_space<vmem>> -> memref<512x512xf32, #tpu.memory_space<vmem>>
    %dma_start3A_86 = arith.constant 4608 : i32
    %dma_start3A_87 = arith.constant 0 : i32
    %dma_start3A_88 = tpu.memref_slice %arg2[%dma_start3A_86, %dma_start3A_87] : memref<8192x512xf32, #tpu.memory_space<any>> -> memref<512x512xf32, #tpu.memory_space<any>>
    tpu.enqueue_dma source(%dma_start3A_88 : memref<512x512xf32, #tpu.memory_space<any>>) target(%dma_start3A_85 : memref<512x512xf32, #tpu.memory_space<vmem>>) target_semaphore(%dma_start3A_82 : memref<!tpu.dma_semaphore, #tpu.memory_space<semaphore_mem>>)
    %dma_start3A_89 = arith.constant 10 : i32
    %dma_start3A_90 = tpu.memref_slice %arg5[%dma_start3A_89] : memref<16x!tpu.dma_semaphore, #tpu.memory_space<semaphore_mem>> -> memref<1x!tpu.dma_semaphore, #tpu.memory_space<semaphore_mem>>
    %dma_start3A_91 = tpu.memref_squeeze %dma_start3A_90 : memref<1x!tpu.dma_semaphore, #tpu.memory_space<semaphore_mem>> -> memref<!tpu.dma_semaphore, #tpu.memory_space<semaphore_mem>>
    %dma_start3A_92 = arith.constant 5120 : i32
    %dma_start3A_93 = arith.constant 0 : i32
    %dma_start3A_94 = tpu.memref_slice %arg4[%dma_start3A_92, %dma_start3A_93] : memref<8192x512xf32, #tpu.memory_space<vmem>> -> memref<512x512xf32, #tpu.memory_space<vmem>>
    %dma_start3A_95 = arith.constant 5120 : i32
    %dma_start3A_96 = arith.constant 0 : i32
    %dma_start3A_97 = tpu.memref_slice %arg2[%dma_start3A_95, %dma_start3A_96] : memref<8192x512xf32, #tpu.memory_space<any>> -> memref<512x512xf32, #tpu.memory_space<any>>
    tpu.enqueue_dma source(%dma_start3A_97 : memref<512x512xf32, #tpu.memory_space<any>>) target(%dma_start3A_94 : memref<512x512xf32, #tpu.memory_space<vmem>>) target_semaphore(%dma_start3A_91 : memref<!tpu.dma_semaphore, #tpu.memory_space<semaphore_mem>>)
    %dma_start3A_98 = arith.constant 11 : i32
    %dma_start3A_99 = tpu.memref_slice %arg5[%dma_start3A_98] : memref<16x!tpu.dma_semaphore, #tpu.memory_space<semaphore_mem>> -> memref<1x!tpu.dma_semaphore, #tpu.memory_space<semaphore_mem>>
    %dma_start3A_100 = tpu.memref_squeeze %dma_start3A_99 : memref<1x!tpu.dma_semaphore, #tpu.memory_space<semaphore_mem>> -> memref<!tpu.dma_semaphore, #tpu.memory_space<semaphore_mem>>
    %dma_start3A_101 = arith.constant 5632 : i32
    %dma_start3A_102 = arith.constant 0 : i32
    %dma_start3A_103 = tpu.memref_slice %arg4[%dma_start3A_101, %dma_start3A_102] : memref<8192x512xf32, #tpu.memory_space<vmem>> -> memref<512x512xf32, #tpu.memory_space<vmem>>
    %dma_start3A_104 = arith.constant 5632 : i32
    %dma_start3A_105 = arith.constant 0 : i32
    %dma_start3A_106 = tpu.memref_slice %arg2[%dma_start3A_104, %dma_start3A_105] : memref<8192x512xf32, #tpu.memory_space<any>> -> memref<512x512xf32, #tpu.memory_space<any>>
    tpu.enqueue_dma source(%dma_start3A_106 : memref<512x512xf32, #tpu.memory_space<any>>) target(%dma_start3A_103 : memref<512x512xf32, #tpu.memory_space<vmem>>) target_semaphore(%dma_start3A_100 : memref<!tpu.dma_semaphore, #tpu.memory_space<semaphore_mem>>)
    %dma_start3A_107 = arith.constant 12 : i32
    %dma_start3A_108 = tpu.memref_slice %arg5[%dma_start3A_107] : memref<16x!tpu.dma_semaphore, #tpu.memory_space<semaphore_mem>> -> memref<1x!tpu.dma_semaphore, #tpu.memory_space<semaphore_mem>>
    %dma_start3A_109 = tpu.memref_squeeze %dma_start3A_108 : memref<1x!tpu.dma_semaphore, #tpu.memory_space<semaphore_mem>> -> memref<!tpu.dma_semaphore, #tpu.memory_space<semaphore_mem>>
    %dma_start3A_110 = arith.constant 6144 : i32
    %dma_start3A_111 = arith.constant 0 : i32
    %dma_start3A_112 = tpu.memref_slice %arg4[%dma_start3A_110, %dma_start3A_111] : memref<8192x512xf32, #tpu.memory_space<vmem>> -> memref<512x512xf32, #tpu.memory_space<vmem>>
    %dma_start3A_113 = arith.constant 6144 : i32
    %dma_start3A_114 = arith.constant 0 : i32
    %dma_start3A_115 = tpu.memref_slice %arg2[%dma_start3A_113, %dma_start3A_114] : memref<8192x512xf32, #tpu.memory_space<any>> -> memref<512x512xf32, #tpu.memory_space<any>>
    tpu.enqueue_dma source(%dma_start3A_115 : memref<512x512xf32, #tpu.memory_space<any>>) target(%dma_start3A_112 : memref<512x512xf32, #tpu.memory_space<vmem>>) target_semaphore(%dma_start3A_109 : memref<!tpu.dma_semaphore, #tpu.memory_space<semaphore_mem>>)
    %dma_start3A_116 = arith.constant 13 : i32
    %dma_start3A_117 = tpu.memref_slice %arg5[%dma_start3A_116] : memref<16x!tpu.dma_semaphore, #tpu.memory_space<semaphore_mem>> -> memref<1x!tpu.dma_semaphore, #tpu.memory_space<semaphore_mem>>
    %dma_start3A_118 = tpu.memref_squeeze %dma_start3A_117 : memref<1x!tpu.dma_semaphore, #tpu.memory_space<semaphore_mem>> -> memref<!tpu.dma_semaphore, #tpu.memory_space<semaphore_mem>>
    %dma_start3A_119 = arith.constant 6656 : i32
    %dma_start3A_120 = arith.constant 0 : i32
    %dma_start3A_121 = tpu.memref_slice %arg4[%dma_start3A_119, %dma_start3A_120] : memref<8192x512xf32, #tpu.memory_space<vmem>> -> memref<512x512xf32, #tpu.memory_space<vmem>>
    %dma_start3A_122 = arith.constant 6656 : i32
    %dma_start3A_123 = arith.constant 0 : i32
    %dma_start3A_124 = tpu.memref_slice %arg2[%dma_start3A_122, %dma_start3A_123] : memref<8192x512xf32, #tpu.memory_space<any>> -> memref<512x512xf32, #tpu.memory_space<any>>
    tpu.enqueue_dma source(%dma_start3A_124 : memref<512x512xf32, #tpu.memory_space<any>>) target(%dma_start3A_121 : memref<512x512xf32, #tpu.memory_space<vmem>>) target_semaphore(%dma_start3A_118 : memref<!tpu.dma_semaphore, #tpu.memory_space<semaphore_mem>>)
    %dma_start3A_125 = arith.constant 14 : i32
    %dma_start3A_126 = tpu.memref_slice %arg5[%dma_start3A_125] : memref<16x!tpu.dma_semaphore, #tpu.memory_space<semaphore_mem>> -> memref<1x!tpu.dma_semaphore, #tpu.memory_space<semaphore_mem>>
    %dma_start3A_127 = tpu.memref_squeeze %dma_start3A_126 : memref<1x!tpu.dma_semaphore, #tpu.memory_space<semaphore_mem>> -> memref<!tpu.dma_semaphore, #tpu.memory_space<semaphore_mem>>
    %dma_start3A_128 = arith.constant 7168 : i32
    %dma_start3A_129 = arith.constant 0 : i32
    %dma_start3A_130 = tpu.memref_slice %arg4[%dma_start3A_128, %dma_start3A_129] : memref<8192x512xf32, #tpu.memory_space<vmem>> -> memref<512x512xf32, #tpu.memory_space<vmem>>
    %dma_start3A_131 = arith.constant 7168 : i32
    %dma_start3A_132 = arith.constant 0 : i32
    %dma_start3A_133 = tpu.memref_slice %arg2[%dma_start3A_131, %dma_start3A_132] : memref<8192x512xf32, #tpu.memory_space<any>> -> memref<512x512xf32, #tpu.memory_space<any>>
    tpu.enqueue_dma source(%dma_start3A_133 : memref<512x512xf32, #tpu.memory_space<any>>) target(%dma_start3A_130 : memref<512x512xf32, #tpu.memory_space<vmem>>) target_semaphore(%dma_start3A_127 : memref<!tpu.dma_semaphore, #tpu.memory_space<semaphore_mem>>)
    %dma_start3A_134 = arith.constant 15 : i32
    %dma_start3A_135 = tpu.memref_slice %arg5[%dma_start3A_134] : memref<16x!tpu.dma_semaphore, #tpu.memory_space<semaphore_mem>> -> memref<1x!tpu.dma_semaphore, #tpu.memory_space<semaphore_mem>>
    %dma_start3A_136 = tpu.memref_squeeze %dma_start3A_135 : memref<1x!tpu.dma_semaphore, #tpu.memory_space<semaphore_mem>> -> memref<!tpu.dma_semaphore, #tpu.memory_space<semaphore_mem>>
    %dma_start3A_137 = arith.constant 7680 : i32
    %dma_start3A_138 = arith.constant 0 : i32
    %dma_start3A_139 = tpu.memref_slice %arg4[%dma_start3A_137, %dma_start3A_138] : memref<8192x512xf32, #tpu.memory_space<vmem>> -> memref<512x512xf32, #tpu.memory_space<vmem>>
    %dma_start3A_140 = arith.constant 7680 : i32
    %dma_start3A_141 = arith.constant 0 : i32
    %dma_start3A_142 = tpu.memref_slice %arg2[%dma_start3A_140, %dma_start3A_141] : memref<8192x512xf32, #tpu.memory_space<any>> -> memref<512x512xf32, #tpu.memory_space<any>>
    tpu.enqueue_dma source(%dma_start3A_142 : memref<512x512xf32, #tpu.memory_space<any>>) target(%dma_start3A_139 : memref<512x512xf32, #tpu.memory_space<vmem>>) target_semaphore(%dma_start3A_136 : memref<!tpu.dma_semaphore, #tpu.memory_space<semaphore_mem>>)
    %get3A = arith.constant 0 : index
    %get3A_143 = arith.constant 0 : index
    %get3A_144 = arith.constant 0 : index
    %get3A_145 = vector.load %arg0[%get3A, %get3A_143, %get3A_144] : memref<16x8x16xf32, #tpu.memory_space<vmem>>, vector<16x8x16xf32>
    %reduce_sum3A = arith.constant dense<0.000000e+00> : vector<8x16xf32>
    %reduce_sum3A_146 = vector.multi_reduction <add>, %get3A_145, %reduce_sum3A [0] : vector<16x8x16xf32> to vector<8x16xf32>
    %reduce_sum3A_147 = arith.constant dense<0.000000e+00> : vector<8xf32>
    %reduce_sum3A_148 = vector.multi_reduction <add>, %reduce_sum3A_146, %reduce_sum3A_147 [1] : vector<8x16xf32> to vector<8xf32>
    %broadcast_in_dim3A = vector.shape_cast %reduce_sum3A_148 : vector<8xf32> to vector<8x1xf32>
    %log3A = math.log %broadcast_in_dim3A : vector<8x1xf32>
    %get3A_149 = arith.constant 0 : index
    %get3A_150 = arith.constant 0 : index
    %get3A_151 = vector.load %arg1[%get3A_149, %get3A_150] : memref<512x16xf32, #tpu.memory_space<vmem>>, vector<512x16xf32>
    %broadcast_in_dim3A_152 = arith.constant 0.000000e+00 : f32
    %broadcast_in_dim3A_153 = vector.broadcast %broadcast_in_dim3A_152 : f32 to vector<512x16xf32>
    %eq3A = arith.constant 0.000000e+00 : f32
    %eq3A_154 = vector.broadcast %eq3A : f32 to vector<512x16xf32>
    %eq3A_155 = arith.cmpf oeq, %get3A_151, %eq3A_154 : vector<512x16xf32>
    %slice3A = vector.extract_strided_slice %log3A {offsets = [0, 0], sizes = [1, 1], strides = [1, 1]} : vector<8x1xf32> to vector<1x1xf32>
    %squeeze3A = vector.extract %slice3A[0, 0] : f32 from vector<1x1xf32>
    %broadcast_in_dim3A_156 = vector.broadcast %squeeze3A : f32 to vector<512x16xf32>
    %select_n3A = arith.select %eq3A_155, %broadcast_in_dim3A_156, %broadcast_in_dim3A_153 : vector<512x16xi1>, vector<512x16xf32>
    %eq3A_157 = arith.constant 1.000000e+00 : f32
    %eq3A_158 = vector.broadcast %eq3A_157 : f32 to vector<512x16xf32>
    %eq3A_159 = arith.cmpf oeq, %get3A_151, %eq3A_158 : vector<512x16xf32>
    %slice3A_160 = vector.extract_strided_slice %log3A {offsets = [1, 0], sizes = [1, 1], strides = [1, 1]} : vector<8x1xf32> to vector<1x1xf32>
    %squeeze3A_161 = vector.extract %slice3A_160[0, 0] : f32 from vector<1x1xf32>
    %broadcast_in_dim3A_162 = vector.broadcast %squeeze3A_161 : f32 to vector<512x16xf32>
    %select_n3A_163 = arith.select %eq3A_159, %broadcast_in_dim3A_162, %select_n3A : vector<512x16xi1>, vector<512x16xf32>
    %eq3A_164 = arith.constant 2.000000e+00 : f32
    %eq3A_165 = vector.broadcast %eq3A_164 : f32 to vector<512x16xf32>
    %eq3A_166 = arith.cmpf oeq, %get3A_151, %eq3A_165 : vector<512x16xf32>
    %slice3A_167 = vector.extract_strided_slice %log3A {offsets = [2, 0], sizes = [1, 1], strides = [1, 1]} : vector<8x1xf32> to vector<1x1xf32>
    %squeeze3A_168 = vector.extract %slice3A_167[0, 0] : f32 from vector<1x1xf32>
    %broadcast_in_dim3A_169 = vector.broadcast %squeeze3A_168 : f32 to vector<512x16xf32>
    %select_n3A_170 = arith.select %eq3A_166, %broadcast_in_dim3A_169, %select_n3A_163 : vector<512x16xi1>, vector<512x16xf32>
    %eq3A_171 = arith.constant 3.000000e+00 : f32
    %eq3A_172 = vector.broadcast %eq3A_171 : f32 to vector<512x16xf32>
    %eq3A_173 = arith.cmpf oeq, %get3A_151, %eq3A_172 : vector<512x16xf32>
    %slice3A_174 = vector.extract_strided_slice %log3A {offsets = [3, 0], sizes = [1, 1], strides = [1, 1]} : vector<8x1xf32> to vector<1x1xf32>
    %squeeze3A_175 = vector.extract %slice3A_174[0, 0] : f32 from vector<1x1xf32>
    %broadcast_in_dim3A_176 = vector.broadcast %squeeze3A_175 : f32 to vector<512x16xf32>
    %select_n3A_177 = arith.select %eq3A_173, %broadcast_in_dim3A_176, %select_n3A_170 : vector<512x16xi1>, vector<512x16xf32>
    %eq3A_178 = arith.constant 4.000000e+00 : f32
    %eq3A_179 = vector.broadcast %eq3A_178 : f32 to vector<512x16xf32>
    %eq3A_180 = arith.cmpf oeq, %get3A_151, %eq3A_179 : vector<512x16xf32>
    %slice3A_181 = vector.extract_strided_slice %log3A {offsets = [4, 0], sizes = [1, 1], strides = [1, 1]} : vector<8x1xf32> to vector<1x1xf32>
    %squeeze3A_182 = vector.extract %slice3A_181[0, 0] : f32 from vector<1x1xf32>
    %broadcast_in_dim3A_183 = vector.broadcast %squeeze3A_182 : f32 to vector<512x16xf32>
    %select_n3A_184 = arith.select %eq3A_180, %broadcast_in_dim3A_183, %select_n3A_177 : vector<512x16xi1>, vector<512x16xf32>
    %eq3A_185 = arith.constant 5.000000e+00 : f32
    %eq3A_186 = vector.broadcast %eq3A_185 : f32 to vector<512x16xf32>
    %eq3A_187 = arith.cmpf oeq, %get3A_151, %eq3A_186 : vector<512x16xf32>
    %slice3A_188 = vector.extract_strided_slice %log3A {offsets = [5, 0], sizes = [1, 1], strides = [1, 1]} : vector<8x1xf32> to vector<1x1xf32>
    %squeeze3A_189 = vector.extract %slice3A_188[0, 0] : f32 from vector<1x1xf32>
    %broadcast_in_dim3A_190 = vector.broadcast %squeeze3A_189 : f32 to vector<512x16xf32>
    %select_n3A_191 = arith.select %eq3A_187, %broadcast_in_dim3A_190, %select_n3A_184 : vector<512x16xi1>, vector<512x16xf32>
    %eq3A_192 = arith.constant 6.000000e+00 : f32
    %eq3A_193 = vector.broadcast %eq3A_192 : f32 to vector<512x16xf32>
    %eq3A_194 = arith.cmpf oeq, %get3A_151, %eq3A_193 : vector<512x16xf32>
    %slice3A_195 = vector.extract_strided_slice %log3A {offsets = [6, 0], sizes = [1, 1], strides = [1, 1]} : vector<8x1xf32> to vector<1x1xf32>
    %squeeze3A_196 = vector.extract %slice3A_195[0, 0] : f32 from vector<1x1xf32>
    %broadcast_in_dim3A_197 = vector.broadcast %squeeze3A_196 : f32 to vector<512x16xf32>
    %select_n3A_198 = arith.select %eq3A_194, %broadcast_in_dim3A_197, %select_n3A_191 : vector<512x16xi1>, vector<512x16xf32>
    %eq3A_199 = arith.constant 7.000000e+00 : f32
    %eq3A_200 = vector.broadcast %eq3A_199 : f32 to vector<512x16xf32>
    %eq3A_201 = arith.cmpf oeq, %get3A_151, %eq3A_200 : vector<512x16xf32>
    %slice3A_202 = vector.extract_strided_slice %log3A {offsets = [7, 0], sizes = [1, 1], strides = [1, 1]} : vector<8x1xf32> to vector<1x1xf32>
    %squeeze3A_203 = vector.extract %slice3A_202[0, 0] : f32 from vector<1x1xf32>
    %broadcast_in_dim3A_204 = vector.broadcast %squeeze3A_203 : f32 to vector<512x16xf32>
    %select_n3A_205 = arith.select %eq3A_201, %broadcast_in_dim3A_204, %select_n3A_198 : vector<512x16xi1>, vector<512x16xf32>
    %dma_wait3A = arith.constant 0 : i32
    %dma_wait3A_206 = tpu.memref_slice %arg5[%dma_wait3A] : memref<16x!tpu.dma_semaphore, #tpu.memory_space<semaphore_mem>> -> memref<1x!tpu.dma_semaphore, #tpu.memory_space<semaphore_mem>>
    %dma_wait3A_207 = tpu.memref_squeeze %dma_wait3A_206 : memref<1x!tpu.dma_semaphore, #tpu.memory_space<semaphore_mem>> -> memref<!tpu.dma_semaphore, #tpu.memory_space<semaphore_mem>>
    %dma_wait3A_208 = arith.constant 0 : i32
    %dma_wait3A_209 = arith.constant 0 : i32
    %dma_wait3A_210 = tpu.memref_slice %arg4[%dma_wait3A_208, %dma_wait3A_209] : memref<8192x512xf32, #tpu.memory_space<vmem>> -> memref<512x512xf32, #tpu.memory_space<vmem>>
    %dma_wait3A_211 = arith.constant 0 : i32
    %dma_wait3A_212 = arith.constant 0 : i32
    %dma_wait3A_213 = tpu.memref_slice %arg2[%dma_wait3A_211, %dma_wait3A_212] : memref<8192x512xf32, #tpu.memory_space<any>> -> memref<512x512xf32, #tpu.memory_space<any>>
    tpu.wait_dma2 semaphore(%dma_wait3A_207 : memref<!tpu.dma_semaphore, #tpu.memory_space<semaphore_mem>>) src(%dma_wait3A_213 : memref<512x512xf32, #tpu.memory_space<any>>) dst(%dma_wait3A_210 : memref<512x512xf32, #tpu.memory_space<vmem>>)
    %slice3A_214 = vector.extract_strided_slice %select_n3A_205 {offsets = [0, 0], sizes = [512, 1], strides = [1, 1]} : vector<512x16xf32> to vector<512x1xf32>
    %get3A_215 = arith.constant 0 : index
    %get3A_216 = arith.constant 0 : index
    %get3A_217 = vector.load %arg4[%get3A_215, %get3A_216] : memref<8192x512xf32, #tpu.memory_space<vmem>>, vector<512x512xf32>
    %sub3A = vector.broadcast %slice3A_214 : vector<512x1xf32> to vector<512x512xf32>
    %sub3A_218 = arith.subf %get3A_217, %sub3A : vector<512x512xf32>
    %swap3A = arith.constant 0 : index
    %swap3A_219 = arith.constant 0 : index
    %swap3A_220 = vector.load %arg4[%swap3A, %swap3A_219] : memref<8192x512xf32, #tpu.memory_space<vmem>>, vector<512x512xf32>
    tpu.vector_store %arg4[%swap3A, %swap3A_219], %sub3A_218 {strides = array<i32>} : memref<8192x512xf32, #tpu.memory_space<vmem>>, vector<512x512xf32>,
    %dma_start3A_221 = arith.constant 0 : i32
    %dma_start3A_222 = tpu.memref_slice %arg6[%dma_start3A_221] : memref<16x!tpu.dma_semaphore, #tpu.memory_space<semaphore_mem>> -> memref<1x!tpu.dma_semaphore, #tpu.memory_space<semaphore_mem>>
    %dma_start3A_223 = tpu.memref_squeeze %dma_start3A_222 : memref<1x!tpu.dma_semaphore, #tpu.memory_space<semaphore_mem>> -> memref<!tpu.dma_semaphore, #tpu.memory_space<semaphore_mem>>
    %dma_start3A_224 = arith.constant 0 : i32
    %dma_start3A_225 = arith.constant 0 : i32
    %dma_start3A_226 = tpu.memref_slice %arg3[%dma_start3A_224, %dma_start3A_225] : memref<8192x512xf32, #tpu.memory_space<any>> -> memref<512x512xf32, #tpu.memory_space<any>>
    %dma_start3A_227 = arith.constant 0 : i32
    %dma_start3A_228 = arith.constant 0 : i32
    %dma_start3A_229 = tpu.memref_slice %arg4[%dma_start3A_227, %dma_start3A_228] : memref<8192x512xf32, #tpu.memory_space<vmem>> -> memref<512x512xf32, #tpu.memory_space<vmem>>
    tpu.enqueue_dma source(%dma_start3A_229 : memref<512x512xf32, #tpu.memory_space<vmem>>) target(%dma_start3A_226 : memref<512x512xf32, #tpu.memory_space<any>>) target_semaphore(%dma_start3A_223 : memref<!tpu.dma_semaphore, #tpu.memory_space<semaphore_mem>>)
    %dma_wait3A_230 = arith.constant 1 : i32
    %dma_wait3A_231 = tpu.memref_slice %arg5[%dma_wait3A_230] : memref<16x!tpu.dma_semaphore, #tpu.memory_space<semaphore_mem>> -> memref<1x!tpu.dma_semaphore, #tpu.memory_space<semaphore_mem>>
    %dma_wait3A_232 = tpu.memref_squeeze %dma_wait3A_231 : memref<1x!tpu.dma_semaphore, #tpu.memory_space<semaphore_mem>> -> memref<!tpu.dma_semaphore, #tpu.memory_space<semaphore_mem>>
    %dma_wait3A_233 = arith.constant 512 : i32
    %dma_wait3A_234 = arith.constant 0 : i32
    %dma_wait3A_235 = tpu.memref_slice %arg4[%dma_wait3A_233, %dma_wait3A_234] : memref<8192x512xf32, #tpu.memory_space<vmem>> -> memref<512x512xf32, #tpu.memory_space<vmem>>
    %dma_wait3A_236 = arith.constant 512 : i32
    %dma_wait3A_237 = arith.constant 0 : i32
    %dma_wait3A_238 = tpu.memref_slice %arg2[%dma_wait3A_236, %dma_wait3A_237] : memref<8192x512xf32, #tpu.memory_space<any>> -> memref<512x512xf32, #tpu.memory_space<any>>
    tpu.wait_dma2 semaphore(%dma_wait3A_232 : memref<!tpu.dma_semaphore, #tpu.memory_space<semaphore_mem>>) src(%dma_wait3A_238 : memref<512x512xf32, #tpu.memory_space<any>>) dst(%dma_wait3A_235 : memref<512x512xf32, #tpu.memory_space<vmem>>)
    %slice3A_239 = vector.extract_strided_slice %select_n3A_205 {offsets = [0, 1], sizes = [512, 1], strides = [1, 1]} : vector<512x16xf32> to vector<512x1xf32>
    %get3A_240 = arith.constant 512 : index
    %get3A_241 = arith.constant 0 : index
    %get3A_242 = vector.load %arg4[%get3A_240, %get3A_241] : memref<8192x512xf32, #tpu.memory_space<vmem>>, vector<512x512xf32>
    %sub3A_243 = vector.broadcast %slice3A_239 : vector<512x1xf32> to vector<512x512xf32>
    %sub3A_244 = arith.subf %get3A_242, %sub3A_243 : vector<512x512xf32>
    %swap3A_245 = arith.constant 512 : index
    %swap3A_246 = arith.constant 0 : index
    %swap3A_247 = vector.load %arg4[%swap3A_245, %swap3A_246] : memref<8192x512xf32, #tpu.memory_space<vmem>>, vector<512x512xf32>
    tpu.vector_store %arg4[%swap3A_245, %swap3A_246], %sub3A_244 {strides = array<i32>} : memref<8192x512xf32, #tpu.memory_space<vmem>>, vector<512x512xf32>,
    %dma_start3A_248 = arith.constant 1 : i32
    %dma_start3A_249 = tpu.memref_slice %arg6[%dma_start3A_248] : memref<16x!tpu.dma_semaphore, #tpu.memory_space<semaphore_mem>> -> memref<1x!tpu.dma_semaphore, #tpu.memory_space<semaphore_mem>>
    %dma_start3A_250 = tpu.memref_squeeze %dma_start3A_249 : memref<1x!tpu.dma_semaphore, #tpu.memory_space<semaphore_mem>> -> memref<!tpu.dma_semaphore, #tpu.memory_space<semaphore_mem>>
    %dma_start3A_251 = arith.constant 512 : i32
    %dma_start3A_252 = arith.constant 0 : i32
    %dma_start3A_253 = tpu.memref_slice %arg3[%dma_start3A_251, %dma_start3A_252] : memref<8192x512xf32, #tpu.memory_space<any>> -> memref<512x512xf32, #tpu.memory_space<any>>
    %dma_start3A_254 = arith.constant 512 : i32
    %dma_start3A_255 = arith.constant 0 : i32
    %dma_start3A_256 = tpu.memref_slice %arg4[%dma_start3A_254, %dma_start3A_255] : memref<8192x512xf32, #tpu.memory_space<vmem>> -> memref<512x512xf32, #tpu.memory_space<vmem>>
    tpu.enqueue_dma source(%dma_start3A_256 : memref<512x512xf32, #tpu.memory_space<vmem>>) target(%dma_start3A_253 : memref<512x512xf32, #tpu.memory_space<any>>) target_semaphore(%dma_start3A_250 : memref<!tpu.dma_semaphore, #tpu.memory_space<semaphore_mem>>)
    %dma_wait3A_257 = arith.constant 2 : i32
    %dma_wait3A_258 = tpu.memref_slice %arg5[%dma_wait3A_257] : memref<16x!tpu.dma_semaphore, #tpu.memory_space<semaphore_mem>> -> memref<1x!tpu.dma_semaphore, #tpu.memory_space<semaphore_mem>>
    %dma_wait3A_259 = tpu.memref_squeeze %dma_wait3A_258 : memref<1x!tpu.dma_semaphore, #tpu.memory_space<semaphore_mem>> -> memref<!tpu.dma_semaphore, #tpu.memory_space<semaphore_mem>>
    %dma_wait3A_260 = arith.constant 1024 : i32
    %dma_wait3A_261 = arith.constant 0 : i32
    %dma_wait3A_262 = tpu.memref_slice %arg4[%dma_wait3A_260, %dma_wait3A_261] : memref<8192x512xf32, #tpu.memory_space<vmem>> -> memref<512x512xf32, #tpu.memory_space<vmem>>
    %dma_wait3A_263 = arith.constant 1024 : i32
    %dma_wait3A_264 = arith.constant 0 : i32
    %dma_wait3A_265 = tpu.memref_slice %arg2[%dma_wait3A_263, %dma_wait3A_264] : memref<8192x512xf32, #tpu.memory_space<any>> -> memref<512x512xf32, #tpu.memory_space<any>>
    tpu.wait_dma2 semaphore(%dma_wait3A_259 : memref<!tpu.dma_semaphore, #tpu.memory_space<semaphore_mem>>) src(%dma_wait3A_265 : memref<512x512xf32, #tpu.memory_space<any>>) dst(%dma_wait3A_262 : memref<512x512xf32, #tpu.memory_space<vmem>>)
    %slice3A_266 = vector.extract_strided_slice %select_n3A_205 {offsets = [0, 2], sizes = [512, 1], strides = [1, 1]} : vector<512x16xf32> to vector<512x1xf32>
    %get3A_267 = arith.constant 1024 : index
    %get3A_268 = arith.constant 0 : index
    %get3A_269 = vector.load %arg4[%get3A_267, %get3A_268] : memref<8192x512xf32, #tpu.memory_space<vmem>>, vector<512x512xf32>
    %sub3A_270 = vector.broadcast %slice3A_266 : vector<512x1xf32> to vector<512x512xf32>
    %sub3A_271 = arith.subf %get3A_269, %sub3A_270 : vector<512x512xf32>
    %swap3A_272 = arith.constant 1024 : index
    %swap3A_273 = arith.constant 0 : index
    %swap3A_274 = vector.load %arg4[%swap3A_272, %swap3A_273] : memref<8192x512xf32, #tpu.memory_space<vmem>>, vector<512x512xf32>
    tpu.vector_store %arg4[%swap3A_272, %swap3A_273], %sub3A_271 {strides = array<i32>} : memref<8192x512xf32, #tpu.memory_space<vmem>>, vector<512x512xf32>,
    %dma_start3A_275 = arith.constant 2 : i32
    %dma_start3A_276 = tpu.memref_slice %arg6[%dma_start3A_275] : memref<16x!tpu.dma_semaphore, #tpu.memory_space<semaphore_mem>> -> memref<1x!tpu.dma_semaphore, #tpu.memory_space<semaphore_mem>>
    %dma_start3A_277 = tpu.memref_squeeze %dma_start3A_276 : memref<1x!tpu.dma_semaphore, #tpu.memory_space<semaphore_mem>> -> memref<!tpu.dma_semaphore, #tpu.memory_space<semaphore_mem>>
    %dma_start3A_278 = arith.constant 1024 : i32
    %dma_start3A_279 = arith.constant 0 : i32
    %dma_start3A_280 = tpu.memref_slice %arg3[%dma_start3A_278, %dma_start3A_279] : memref<8192x512xf32, #tpu.memory_space<any>> -> memref<512x512xf32, #tpu.memory_space<any>>
    %dma_start3A_281 = arith.constant 1024 : i32
    %dma_start3A_282 = arith.constant 0 : i32
    %dma_start3A_283 = tpu.memref_slice %arg4[%dma_start3A_281, %dma_start3A_282] : memref<8192x512xf32, #tpu.memory_space<vmem>> -> memref<512x512xf32, #tpu.memory_space<vmem>>
    tpu.enqueue_dma source(%dma_start3A_283 : memref<512x512xf32, #tpu.memory_space<vmem>>) target(%dma_start3A_280 : memref<512x512xf32, #tpu.memory_space<any>>) target_semaphore(%dma_start3A_277 : memref<!tpu.dma_semaphore, #tpu.memory_space<semaphore_mem>>)
    %dma_wait3A_284 = arith.constant 3 : i32
    %dma_wait3A_285 = tpu.memref_slice %arg5[%dma_wait3A_284] : memref<16x!tpu.dma_semaphore, #tpu.memory_space<semaphore_mem>> -> memref<1x!tpu.dma_semaphore, #tpu.memory_space<semaphore_mem>>
    %dma_wait3A_286 = tpu.memref_squeeze %dma_wait3A_285 : memref<1x!tpu.dma_semaphore, #tpu.memory_space<semaphore_mem>> -> memref<!tpu.dma_semaphore, #tpu.memory_space<semaphore_mem>>
    %dma_wait3A_287 = arith.constant 1536 : i32
    %dma_wait3A_288 = arith.constant 0 : i32
    %dma_wait3A_289 = tpu.memref_slice %arg4[%dma_wait3A_287, %dma_wait3A_288] : memref<8192x512xf32, #tpu.memory_space<vmem>> -> memref<512x512xf32, #tpu.memory_space<vmem>>
    %dma_wait3A_290 = arith.constant 1536 : i32
    %dma_wait3A_291 = arith.constant 0 : i32
    %dma_wait3A_292 = tpu.memref_slice %arg2[%dma_wait3A_290, %dma_wait3A_291] : memref<8192x512xf32, #tpu.memory_space<any>> -> memref<512x512xf32, #tpu.memory_space<any>>
    tpu.wait_dma2 semaphore(%dma_wait3A_286 : memref<!tpu.dma_semaphore, #tpu.memory_space<semaphore_mem>>) src(%dma_wait3A_292 : memref<512x512xf32, #tpu.memory_space<any>>) dst(%dma_wait3A_289 : memref<512x512xf32, #tpu.memory_space<vmem>>)
    %slice3A_293 = vector.extract_strided_slice %select_n3A_205 {offsets = [0, 3], sizes = [512, 1], strides = [1, 1]} : vector<512x16xf32> to vector<512x1xf32>
    %get3A_294 = arith.constant 1536 : index
    %get3A_295 = arith.constant 0 : index
    %get3A_296 = vector.load %arg4[%get3A_294, %get3A_295] : memref<8192x512xf32, #tpu.memory_space<vmem>>, vector<512x512xf32>
    %sub3A_297 = vector.broadcast %slice3A_293 : vector<512x1xf32> to vector<512x512xf32>
    %sub3A_298 = arith.subf %get3A_296, %sub3A_297 : vector<512x512xf32>
    %swap3A_299 = arith.constant 1536 : index
    %swap3A_300 = arith.constant 0 : index
    %swap3A_301 = vector.load %arg4[%swap3A_299, %swap3A_300] : memref<8192x512xf32, #tpu.memory_space<vmem>>, vector<512x512xf32>
    tpu.vector_store %arg4[%swap3A_299, %swap3A_300], %sub3A_298 {strides = array<i32>} : memref<8192x512xf32, #tpu.memory_space<vmem>>, vector<512x512xf32>,
    %dma_start3A_302 = arith.constant 3 : i32
    %dma_start3A_303 = tpu.memref_slice %arg6[%dma_start3A_302] : memref<16x!tpu.dma_semaphore, #tpu.memory_space<semaphore_mem>> -> memref<1x!tpu.dma_semaphore, #tpu.memory_space<semaphore_mem>>
    %dma_start3A_304 = tpu.memref_squeeze %dma_start3A_303 : memref<1x!tpu.dma_semaphore, #tpu.memory_space<semaphore_mem>> -> memref<!tpu.dma_semaphore, #tpu.memory_space<semaphore_mem>>
    %dma_start3A_305 = arith.constant 1536 : i32
    %dma_start3A_306 = arith.constant 0 : i32
    %dma_start3A_307 = tpu.memref_slice %arg3[%dma_start3A_305, %dma_start3A_306] : memref<8192x512xf32, #tpu.memory_space<any>> -> memref<512x512xf32, #tpu.memory_space<any>>
    %dma_start3A_308 = arith.constant 1536 : i32
    %dma_start3A_309 = arith.constant 0 : i32
    %dma_start3A_310 = tpu.memref_slice %arg4[%dma_start3A_308, %dma_start3A_309] : memref<8192x512xf32, #tpu.memory_space<vmem>> -> memref<512x512xf32, #tpu.memory_space<vmem>>
    tpu.enqueue_dma source(%dma_start3A_310 : memref<512x512xf32, #tpu.memory_space<vmem>>) target(%dma_start3A_307 : memref<512x512xf32, #tpu.memory_space<any>>) target_semaphore(%dma_start3A_304 : memref<!tpu.dma_semaphore, #tpu.memory_space<semaphore_mem>>)
    %dma_wait3A_311 = arith.constant 4 : i32
    %dma_wait3A_312 = tpu.memref_slice %arg5[%dma_wait3A_311] : memref<16x!tpu.dma_semaphore, #tpu.memory_space<semaphore_mem>> -> memref<1x!tpu.dma_semaphore, #tpu.memory_space<semaphore_mem>>
    %dma_wait3A_313 = tpu.memref_squeeze %dma_wait3A_312 : memref<1x!tpu.dma_semaphore, #tpu.memory_space<semaphore_mem>> -> memref<!tpu.dma_semaphore, #tpu.memory_space<semaphore_mem>>
    %dma_wait3A_314 = arith.constant 2048 : i32
    %dma_wait3A_315 = arith.constant 0 : i32
    %dma_wait3A_316 = tpu.memref_slice %arg4[%dma_wait3A_314, %dma_wait3A_315] : memref<8192x512xf32, #tpu.memory_space<vmem>> -> memref<512x512xf32, #tpu.memory_space<vmem>>
    %dma_wait3A_317 = arith.constant 2048 : i32
    %dma_wait3A_318 = arith.constant 0 : i32
    %dma_wait3A_319 = tpu.memref_slice %arg2[%dma_wait3A_317, %dma_wait3A_318] : memref<8192x512xf32, #tpu.memory_space<any>> -> memref<512x512xf32, #tpu.memory_space<any>>
    tpu.wait_dma2 semaphore(%dma_wait3A_313 : memref<!tpu.dma_semaphore, #tpu.memory_space<semaphore_mem>>) src(%dma_wait3A_319 : memref<512x512xf32, #tpu.memory_space<any>>) dst(%dma_wait3A_316 : memref<512x512xf32, #tpu.memory_space<vmem>>)
    %slice3A_320 = vector.extract_strided_slice %select_n3A_205 {offsets = [0, 4], sizes = [512, 1], strides = [1, 1]} : vector<512x16xf32> to vector<512x1xf32>
    %get3A_321 = arith.constant 2048 : index
    %get3A_322 = arith.constant 0 : index
    %get3A_323 = vector.load %arg4[%get3A_321, %get3A_322] : memref<8192x512xf32, #tpu.memory_space<vmem>>, vector<512x512xf32>
    %sub3A_324 = vector.broadcast %slice3A_320 : vector<512x1xf32> to vector<512x512xf32>
    %sub3A_325 = arith.subf %get3A_323, %sub3A_324 : vector<512x512xf32>
    %swap3A_326 = arith.constant 2048 : index
    %swap3A_327 = arith.constant 0 : index
    %swap3A_328 = vector.load %arg4[%swap3A_326, %swap3A_327] : memref<8192x512xf32, #tpu.memory_space<vmem>>, vector<512x512xf32>
    tpu.vector_store %arg4[%swap3A_326, %swap3A_327], %sub3A_325 {strides = array<i32>} : memref<8192x512xf32, #tpu.memory_space<vmem>>, vector<512x512xf32>,
    %dma_start3A_329 = arith.constant 4 : i32
    %dma_start3A_330 = tpu.memref_slice %arg6[%dma_start3A_329] : memref<16x!tpu.dma_semaphore, #tpu.memory_space<semaphore_mem>> -> memref<1x!tpu.dma_semaphore, #tpu.memory_space<semaphore_mem>>
    %dma_start3A_331 = tpu.memref_squeeze %dma_start3A_330 : memref<1x!tpu.dma_semaphore, #tpu.memory_space<semaphore_mem>> -> memref<!tpu.dma_semaphore, #tpu.memory_space<semaphore_mem>>
    %dma_start3A_332 = arith.constant 2048 : i32
    %dma_start3A_333 = arith.constant 0 : i32
    %dma_start3A_334 = tpu.memref_slice %arg3[%dma_start3A_332, %dma_start3A_333] : memref<8192x512xf32, #tpu.memory_space<any>> -> memref<512x512xf32, #tpu.memory_space<any>>
    %dma_start3A_335 = arith.constant 2048 : i32
    %dma_start3A_336 = arith.constant 0 : i32
    %dma_start3A_337 = tpu.memref_slice %arg4[%dma_start3A_335, %dma_start3A_336] : memref<8192x512xf32, #tpu.memory_space<vmem>> -> memref<512x512xf32, #tpu.memory_space<vmem>>
    tpu.enqueue_dma source(%dma_start3A_337 : memref<512x512xf32, #tpu.memory_space<vmem>>) target(%dma_start3A_334 : memref<512x512xf32, #tpu.memory_space<any>>) target_semaphore(%dma_start3A_331 : memref<!tpu.dma_semaphore, #tpu.memory_space<semaphore_mem>>)
    %dma_wait3A_338 = arith.constant 5 : i32
    %dma_wait3A_339 = tpu.memref_slice %arg5[%dma_wait3A_338] : memref<16x!tpu.dma_semaphore, #tpu.memory_space<semaphore_mem>> -> memref<1x!tpu.dma_semaphore, #tpu.memory_space<semaphore_mem>>
    %dma_wait3A_340 = tpu.memref_squeeze %dma_wait3A_339 : memref<1x!tpu.dma_semaphore, #tpu.memory_space<semaphore_mem>> -> memref<!tpu.dma_semaphore, #tpu.memory_space<semaphore_mem>>
    %dma_wait3A_341 = arith.constant 2560 : i32
    %dma_wait3A_342 = arith.constant 0 : i32
    %dma_wait3A_343 = tpu.memref_slice %arg4[%dma_wait3A_341, %dma_wait3A_342] : memref<8192x512xf32, #tpu.memory_space<vmem>> -> memref<512x512xf32, #tpu.memory_space<vmem>>
    %dma_wait3A_344 = arith.constant 2560 : i32
    %dma_wait3A_345 = arith.constant 0 : i32
    %dma_wait3A_346 = tpu.memref_slice %arg2[%dma_wait3A_344, %dma_wait3A_345] : memref<8192x512xf32, #tpu.memory_space<any>> -> memref<512x512xf32, #tpu.memory_space<any>>
    tpu.wait_dma2 semaphore(%dma_wait3A_340 : memref<!tpu.dma_semaphore, #tpu.memory_space<semaphore_mem>>) src(%dma_wait3A_346 : memref<512x512xf32, #tpu.memory_space<any>>) dst(%dma_wait3A_343 : memref<512x512xf32, #tpu.memory_space<vmem>>)
    %slice3A_347 = vector.extract_strided_slice %select_n3A_205 {offsets = [0, 5], sizes = [512, 1], strides = [1, 1]} : vector<512x16xf32> to vector<512x1xf32>
    %get3A_348 = arith.constant 2560 : index
    %get3A_349 = arith.constant 0 : index
    %get3A_350 = vector.load %arg4[%get3A_348, %get3A_349] : memref<8192x512xf32, #tpu.memory_space<vmem>>, vector<512x512xf32>
    %sub3A_351 = vector.broadcast %slice3A_347 : vector<512x1xf32> to vector<512x512xf32>
    %sub3A_352 = arith.subf %get3A_350, %sub3A_351 : vector<512x512xf32>
    %swap3A_353 = arith.constant 2560 : index
    %swap3A_354 = arith.constant 0 : index
    %swap3A_355 = vector.load %arg4[%swap3A_353, %swap3A_354] : memref<8192x512xf32, #tpu.memory_space<vmem>>, vector<512x512xf32>
    tpu.vector_store %arg4[%swap3A_353, %swap3A_354], %sub3A_352 {strides = array<i32>} : memref<8192x512xf32, #tpu.memory_space<vmem>>, vector<512x512xf32>,
    %dma_start3A_356 = arith.constant 5 : i32
    %dma_start3A_357 = tpu.memref_slice %arg6[%dma_start3A_356] : memref<16x!tpu.dma_semaphore, #tpu.memory_space<semaphore_mem>> -> memref<1x!tpu.dma_semaphore, #tpu.memory_space<semaphore_mem>>
    %dma_start3A_358 = tpu.memref_squeeze %dma_start3A_357 : memref<1x!tpu.dma_semaphore, #tpu.memory_space<semaphore_mem>> -> memref<!tpu.dma_semaphore, #tpu.memory_space<semaphore_mem>>
    %dma_start3A_359 = arith.constant 2560 : i32
    %dma_start3A_360 = arith.constant 0 : i32
    %dma_start3A_361 = tpu.memref_slice %arg3[%dma_start3A_359, %dma_start3A_360] : memref<8192x512xf32, #tpu.memory_space<any>> -> memref<512x512xf32, #tpu.memory_space<any>>
    %dma_start3A_362 = arith.constant 2560 : i32
    %dma_start3A_363 = arith.constant 0 : i32
    %dma_start3A_364 = tpu.memref_slice %arg4[%dma_start3A_362, %dma_start3A_363] : memref<8192x512xf32, #tpu.memory_space<vmem>> -> memref<512x512xf32, #tpu.memory_space<vmem>>
    tpu.enqueue_dma source(%dma_start3A_364 : memref<512x512xf32, #tpu.memory_space<vmem>>) target(%dma_start3A_361 : memref<512x512xf32, #tpu.memory_space<any>>) target_semaphore(%dma_start3A_358 : memref<!tpu.dma_semaphore, #tpu.memory_space<semaphore_mem>>)
    %dma_wait3A_365 = arith.constant 6 : i32
    %dma_wait3A_366 = tpu.memref_slice %arg5[%dma_wait3A_365] : memref<16x!tpu.dma_semaphore, #tpu.memory_space<semaphore_mem>> -> memref<1x!tpu.dma_semaphore, #tpu.memory_space<semaphore_mem>>
    %dma_wait3A_367 = tpu.memref_squeeze %dma_wait3A_366 : memref<1x!tpu.dma_semaphore, #tpu.memory_space<semaphore_mem>> -> memref<!tpu.dma_semaphore, #tpu.memory_space<semaphore_mem>>
    %dma_wait3A_368 = arith.constant 3072 : i32
    %dma_wait3A_369 = arith.constant 0 : i32
    %dma_wait3A_370 = tpu.memref_slice %arg4[%dma_wait3A_368, %dma_wait3A_369] : memref<8192x512xf32, #tpu.memory_space<vmem>> -> memref<512x512xf32, #tpu.memory_space<vmem>>
    %dma_wait3A_371 = arith.constant 3072 : i32
    %dma_wait3A_372 = arith.constant 0 : i32
    %dma_wait3A_373 = tpu.memref_slice %arg2[%dma_wait3A_371, %dma_wait3A_372] : memref<8192x512xf32, #tpu.memory_space<any>> -> memref<512x512xf32, #tpu.memory_space<any>>
    tpu.wait_dma2 semaphore(%dma_wait3A_367 : memref<!tpu.dma_semaphore, #tpu.memory_space<semaphore_mem>>) src(%dma_wait3A_373 : memref<512x512xf32, #tpu.memory_space<any>>) dst(%dma_wait3A_370 : memref<512x512xf32, #tpu.memory_space<vmem>>)
    %slice3A_374 = vector.extract_strided_slice %select_n3A_205 {offsets = [0, 6], sizes = [512, 1], strides = [1, 1]} : vector<512x16xf32> to vector<512x1xf32>
    %get3A_375 = arith.constant 3072 : index
    %get3A_376 = arith.constant 0 : index
    %get3A_377 = vector.load %arg4[%get3A_375, %get3A_376] : memref<8192x512xf32, #tpu.memory_space<vmem>>, vector<512x512xf32>
    %sub3A_378 = vector.broadcast %slice3A_374 : vector<512x1xf32> to vector<512x512xf32>
    %sub3A_379 = arith.subf %get3A_377, %sub3A_378 : vector<512x512xf32>
    %swap3A_380 = arith.constant 3072 : index
    %swap3A_381 = arith.constant 0 : index
    %swap3A_382 = vector.load %arg4[%swap3A_380, %swap3A_381] : memref<8192x512xf32, #tpu.memory_space<vmem>>, vector<512x512xf32>
    tpu.vector_store %arg4[%swap3A_380, %swap3A_381], %sub3A_379 {strides = array<i32>} : memref<8192x512xf32, #tpu.memory_space<vmem>>, vector<512x512xf32>,
    %dma_start3A_383 = arith.constant 6 : i32
    %dma_start3A_384 = tpu.memref_slice %arg6[%dma_start3A_383] : memref<16x!tpu.dma_semaphore, #tpu.memory_space<semaphore_mem>> -> memref<1x!tpu.dma_semaphore, #tpu.memory_space<semaphore_mem>>
    %dma_start3A_385 = tpu.memref_squeeze %dma_start3A_384 : memref<1x!tpu.dma_semaphore, #tpu.memory_space<semaphore_mem>> -> memref<!tpu.dma_semaphore, #tpu.memory_space<semaphore_mem>>
    %dma_start3A_386 = arith.constant 3072 : i32
    %dma_start3A_387 = arith.constant 0 : i32
    %dma_start3A_388 = tpu.memref_slice %arg3[%dma_start3A_386, %dma_start3A_387] : memref<8192x512xf32, #tpu.memory_space<any>> -> memref<512x512xf32, #tpu.memory_space<any>>
    %dma_start3A_389 = arith.constant 3072 : i32
    %dma_start3A_390 = arith.constant 0 : i32
    %dma_start3A_391 = tpu.memref_slice %arg4[%dma_start3A_389, %dma_start3A_390] : memref<8192x512xf32, #tpu.memory_space<vmem>> -> memref<512x512xf32, #tpu.memory_space<vmem>>
    tpu.enqueue_dma source(%dma_start3A_391 : memref<512x512xf32, #tpu.memory_space<vmem>>) target(%dma_start3A_388 : memref<512x512xf32, #tpu.memory_space<any>>) target_semaphore(%dma_start3A_385 : memref<!tpu.dma_semaphore, #tpu.memory_space<semaphore_mem>>)
    %dma_wait3A_392 = arith.constant 7 : i32
    %dma_wait3A_393 = tpu.memref_slice %arg5[%dma_wait3A_392] : memref<16x!tpu.dma_semaphore, #tpu.memory_space<semaphore_mem>> -> memref<1x!tpu.dma_semaphore, #tpu.memory_space<semaphore_mem>>
    %dma_wait3A_394 = tpu.memref_squeeze %dma_wait3A_393 : memref<1x!tpu.dma_semaphore, #tpu.memory_space<semaphore_mem>> -> memref<!tpu.dma_semaphore, #tpu.memory_space<semaphore_mem>>
    %dma_wait3A_395 = arith.constant 3584 : i32
    %dma_wait3A_396 = arith.constant 0 : i32
    %dma_wait3A_397 = tpu.memref_slice %arg4[%dma_wait3A_395, %dma_wait3A_396] : memref<8192x512xf32, #tpu.memory_space<vmem>> -> memref<512x512xf32, #tpu.memory_space<vmem>>
    %dma_wait3A_398 = arith.constant 3584 : i32
    %dma_wait3A_399 = arith.constant 0 : i32
    %dma_wait3A_400 = tpu.memref_slice %arg2[%dma_wait3A_398, %dma_wait3A_399] : memref<8192x512xf32, #tpu.memory_space<any>> -> memref<512x512xf32, #tpu.memory_space<any>>
    tpu.wait_dma2 semaphore(%dma_wait3A_394 : memref<!tpu.dma_semaphore, #tpu.memory_space<semaphore_mem>>) src(%dma_wait3A_400 : memref<512x512xf32, #tpu.memory_space<any>>) dst(%dma_wait3A_397 : memref<512x512xf32, #tpu.memory_space<vmem>>)
    %slice3A_401 = vector.extract_strided_slice %select_n3A_205 {offsets = [0, 7], sizes = [512, 1], strides = [1, 1]} : vector<512x16xf32> to vector<512x1xf32>
    %get3A_402 = arith.constant 3584 : index
    %get3A_403 = arith.constant 0 : index
    %get3A_404 = vector.load %arg4[%get3A_402, %get3A_403] : memref<8192x512xf32, #tpu.memory_space<vmem>>, vector<512x512xf32>
    %sub3A_405 = vector.broadcast %slice3A_401 : vector<512x1xf32> to vector<512x512xf32>
    %sub3A_406 = arith.subf %get3A_404, %sub3A_405 : vector<512x512xf32>
    %swap3A_407 = arith.constant 3584 : index
    %swap3A_408 = arith.constant 0 : index
    %swap3A_409 = vector.load %arg4[%swap3A_407, %swap3A_408] : memref<8192x512xf32, #tpu.memory_space<vmem>>, vector<512x512xf32>
    tpu.vector_store %arg4[%swap3A_407, %swap3A_408], %sub3A_406 {strides = array<i32>} : memref<8192x512xf32, #tpu.memory_space<vmem>>, vector<512x512xf32>,
    %dma_start3A_410 = arith.constant 7 : i32
    %dma_start3A_411 = tpu.memref_slice %arg6[%dma_start3A_410] : memref<16x!tpu.dma_semaphore, #tpu.memory_space<semaphore_mem>> -> memref<1x!tpu.dma_semaphore, #tpu.memory_space<semaphore_mem>>
    %dma_start3A_412 = tpu.memref_squeeze %dma_start3A_411 : memref<1x!tpu.dma_semaphore, #tpu.memory_space<semaphore_mem>> -> memref<!tpu.dma_semaphore, #tpu.memory_space<semaphore_mem>>
    %dma_start3A_413 = arith.constant 3584 : i32
    %dma_start3A_414 = arith.constant 0 : i32
    %dma_start3A_415 = tpu.memref_slice %arg3[%dma_start3A_413, %dma_start3A_414] : memref<8192x512xf32, #tpu.memory_space<any>> -> memref<512x512xf32, #tpu.memory_space<any>>
    %dma_start3A_416 = arith.constant 3584 : i32
    %dma_start3A_417 = arith.constant 0 : i32
    %dma_start3A_418 = tpu.memref_slice %arg4[%dma_start3A_416, %dma_start3A_417] : memref<8192x512xf32, #tpu.memory_space<vmem>> -> memref<512x512xf32, #tpu.memory_space<vmem>>
    tpu.enqueue_dma source(%dma_start3A_418 : memref<512x512xf32, #tpu.memory_space<vmem>>) target(%dma_start3A_415 : memref<512x512xf32, #tpu.memory_space<any>>) target_semaphore(%dma_start3A_412 : memref<!tpu.dma_semaphore, #tpu.memory_space<semaphore_mem>>)
    %dma_wait3A_419 = arith.constant 8 : i32
    %dma_wait3A_420 = tpu.memref_slice %arg5[%dma_wait3A_419] : memref<16x!tpu.dma_semaphore, #tpu.memory_space<semaphore_mem>> -> memref<1x!tpu.dma_semaphore, #tpu.memory_space<semaphore_mem>>
    %dma_wait3A_421 = tpu.memref_squeeze %dma_wait3A_420 : memref<1x!tpu.dma_semaphore, #tpu.memory_space<semaphore_mem>> -> memref<!tpu.dma_semaphore, #tpu.memory_space<semaphore_mem>>
    %dma_wait3A_422 = arith.constant 4096 : i32
    %dma_wait3A_423 = arith.constant 0 : i32
    %dma_wait3A_424 = tpu.memref_slice %arg4[%dma_wait3A_422, %dma_wait3A_423] : memref<8192x512xf32, #tpu.memory_space<vmem>> -> memref<512x512xf32, #tpu.memory_space<vmem>>
    %dma_wait3A_425 = arith.constant 4096 : i32
    %dma_wait3A_426 = arith.constant 0 : i32
    %dma_wait3A_427 = tpu.memref_slice %arg2[%dma_wait3A_425, %dma_wait3A_426] : memref<8192x512xf32, #tpu.memory_space<any>> -> memref<512x512xf32, #tpu.memory_space<any>>
    tpu.wait_dma2 semaphore(%dma_wait3A_421 : memref<!tpu.dma_semaphore, #tpu.memory_space<semaphore_mem>>) src(%dma_wait3A_427 : memref<512x512xf32, #tpu.memory_space<any>>) dst(%dma_wait3A_424 : memref<512x512xf32, #tpu.memory_space<vmem>>)
    %slice3A_428 = vector.extract_strided_slice %select_n3A_205 {offsets = [0, 8], sizes = [512, 1], strides = [1, 1]} : vector<512x16xf32> to vector<512x1xf32>
    %get3A_429 = arith.constant 4096 : index
    %get3A_430 = arith.constant 0 : index
    %get3A_431 = vector.load %arg4[%get3A_429, %get3A_430] : memref<8192x512xf32, #tpu.memory_space<vmem>>, vector<512x512xf32>
    %sub3A_432 = vector.broadcast %slice3A_428 : vector<512x1xf32> to vector<512x512xf32>
    %sub3A_433 = arith.subf %get3A_431, %sub3A_432 : vector<512x512xf32>
    %swap3A_434 = arith.constant 4096 : index
    %swap3A_435 = arith.constant 0 : index
    %swap3A_436 = vector.load %arg4[%swap3A_434, %swap3A_435] : memref<8192x512xf32, #tpu.memory_space<vmem>>, vector<512x512xf32>
    tpu.vector_store %arg4[%swap3A_434, %swap3A_435], %sub3A_433 {strides = array<i32>} : memref<8192x512xf32, #tpu.memory_space<vmem>>, vector<512x512xf32>,
    %dma_start3A_437 = arith.constant 8 : i32
    %dma_start3A_438 = tpu.memref_slice %arg6[%dma_start3A_437] : memref<16x!tpu.dma_semaphore, #tpu.memory_space<semaphore_mem>> -> memref<1x!tpu.dma_semaphore, #tpu.memory_space<semaphore_mem>>
    %dma_start3A_439 = tpu.memref_squeeze %dma_start3A_438 : memref<1x!tpu.dma_semaphore, #tpu.memory_space<semaphore_mem>> -> memref<!tpu.dma_semaphore, #tpu.memory_space<semaphore_mem>>
    %dma_start3A_440 = arith.constant 4096 : i32
    %dma_start3A_441 = arith.constant 0 : i32
    %dma_start3A_442 = tpu.memref_slice %arg3[%dma_start3A_440, %dma_start3A_441] : memref<8192x512xf32, #tpu.memory_space<any>> -> memref<512x512xf32, #tpu.memory_space<any>>
    %dma_start3A_443 = arith.constant 4096 : i32
    %dma_start3A_444 = arith.constant 0 : i32
    %dma_start3A_445 = tpu.memref_slice %arg4[%dma_start3A_443, %dma_start3A_444] : memref<8192x512xf32, #tpu.memory_space<vmem>> -> memref<512x512xf32, #tpu.memory_space<vmem>>
    tpu.enqueue_dma source(%dma_start3A_445 : memref<512x512xf32, #tpu.memory_space<vmem>>) target(%dma_start3A_442 : memref<512x512xf32, #tpu.memory_space<any>>) target_semaphore(%dma_start3A_439 : memref<!tpu.dma_semaphore, #tpu.memory_space<semaphore_mem>>)
    %dma_wait3A_446 = arith.constant 9 : i32
    %dma_wait3A_447 = tpu.memref_slice %arg5[%dma_wait3A_446] : memref<16x!tpu.dma_semaphore, #tpu.memory_space<semaphore_mem>> -> memref<1x!tpu.dma_semaphore, #tpu.memory_space<semaphore_mem>>
    %dma_wait3A_448 = tpu.memref_squeeze %dma_wait3A_447 : memref<1x!tpu.dma_semaphore, #tpu.memory_space<semaphore_mem>> -> memref<!tpu.dma_semaphore, #tpu.memory_space<semaphore_mem>>
    %dma_wait3A_449 = arith.constant 4608 : i32
    %dma_wait3A_450 = arith.constant 0 : i32
    %dma_wait3A_451 = tpu.memref_slice %arg4[%dma_wait3A_449, %dma_wait3A_450] : memref<8192x512xf32, #tpu.memory_space<vmem>> -> memref<512x512xf32, #tpu.memory_space<vmem>>
    %dma_wait3A_452 = arith.constant 4608 : i32
    %dma_wait3A_453 = arith.constant 0 : i32
    %dma_wait3A_454 = tpu.memref_slice %arg2[%dma_wait3A_452, %dma_wait3A_453] : memref<8192x512xf32, #tpu.memory_space<any>> -> memref<512x512xf32, #tpu.memory_space<any>>
    tpu.wait_dma2 semaphore(%dma_wait3A_448 : memref<!tpu.dma_semaphore, #tpu.memory_space<semaphore_mem>>) src(%dma_wait3A_454 : memref<512x512xf32, #tpu.memory_space<any>>) dst(%dma_wait3A_451 : memref<512x512xf32, #tpu.memory_space<vmem>>)
    %slice3A_455 = vector.extract_strided_slice %select_n3A_205 {offsets = [0, 9], sizes = [512, 1], strides = [1, 1]} : vector<512x16xf32> to vector<512x1xf32>
    %get3A_456 = arith.constant 4608 : index
    %get3A_457 = arith.constant 0 : index
    %get3A_458 = vector.load %arg4[%get3A_456, %get3A_457] : memref<8192x512xf32, #tpu.memory_space<vmem>>, vector<512x512xf32>
    %sub3A_459 = vector.broadcast %slice3A_455 : vector<512x1xf32> to vector<512x512xf32>
    %sub3A_460 = arith.subf %get3A_458, %sub3A_459 : vector<512x512xf32>
    %swap3A_461 = arith.constant 4608 : index
    %swap3A_462 = arith.constant 0 : index
    %swap3A_463 = vector.load %arg4[%swap3A_461, %swap3A_462] : memref<8192x512xf32, #tpu.memory_space<vmem>>, vector<512x512xf32>
    tpu.vector_store %arg4[%swap3A_461, %swap3A_462], %sub3A_460 {strides = array<i32>} : memref<8192x512xf32, #tpu.memory_space<vmem>>, vector<512x512xf32>,
    %dma_start3A_464 = arith.constant 9 : i32
    %dma_start3A_465 = tpu.memref_slice %arg6[%dma_start3A_464] : memref<16x!tpu.dma_semaphore, #tpu.memory_space<semaphore_mem>> -> memref<1x!tpu.dma_semaphore, #tpu.memory_space<semaphore_mem>>
    %dma_start3A_466 = tpu.memref_squeeze %dma_start3A_465 : memref<1x!tpu.dma_semaphore, #tpu.memory_space<semaphore_mem>> -> memref<!tpu.dma_semaphore, #tpu.memory_space<semaphore_mem>>
    %dma_start3A_467 = arith.constant 4608 : i32
    %dma_start3A_468 = arith.constant 0 : i32
    %dma_start3A_469 = tpu.memref_slice %arg3[%dma_start3A_467, %dma_start3A_468] : memref<8192x512xf32, #tpu.memory_space<any>> -> memref<512x512xf32, #tpu.memory_space<any>>
    %dma_start3A_470 = arith.constant 4608 : i32
    %dma_start3A_471 = arith.constant 0 : i32
    %dma_start3A_472 = tpu.memref_slice %arg4[%dma_start3A_470, %dma_start3A_471] : memref<8192x512xf32, #tpu.memory_space<vmem>> -> memref<512x512xf32, #tpu.memory_space<vmem>>
    tpu.enqueue_dma source(%dma_start3A_472 : memref<512x512xf32, #tpu.memory_space<vmem>>) target(%dma_start3A_469 : memref<512x512xf32, #tpu.memory_space<any>>) target_semaphore(%dma_start3A_466 : memref<!tpu.dma_semaphore, #tpu.memory_space<semaphore_mem>>)
    %dma_wait3A_473 = arith.constant 10 : i32
    %dma_wait3A_474 = tpu.memref_slice %arg5[%dma_wait3A_473] : memref<16x!tpu.dma_semaphore, #tpu.memory_space<semaphore_mem>> -> memref<1x!tpu.dma_semaphore, #tpu.memory_space<semaphore_mem>>
    %dma_wait3A_475 = tpu.memref_squeeze %dma_wait3A_474 : memref<1x!tpu.dma_semaphore, #tpu.memory_space<semaphore_mem>> -> memref<!tpu.dma_semaphore, #tpu.memory_space<semaphore_mem>>
    %dma_wait3A_476 = arith.constant 5120 : i32
    %dma_wait3A_477 = arith.constant 0 : i32
    %dma_wait3A_478 = tpu.memref_slice %arg4[%dma_wait3A_476, %dma_wait3A_477] : memref<8192x512xf32, #tpu.memory_space<vmem>> -> memref<512x512xf32, #tpu.memory_space<vmem>>
    %dma_wait3A_479 = arith.constant 5120 : i32
    %dma_wait3A_480 = arith.constant 0 : i32
    %dma_wait3A_481 = tpu.memref_slice %arg2[%dma_wait3A_479, %dma_wait3A_480] : memref<8192x512xf32, #tpu.memory_space<any>> -> memref<512x512xf32, #tpu.memory_space<any>>
    tpu.wait_dma2 semaphore(%dma_wait3A_475 : memref<!tpu.dma_semaphore, #tpu.memory_space<semaphore_mem>>) src(%dma_wait3A_481 : memref<512x512xf32, #tpu.memory_space<any>>) dst(%dma_wait3A_478 : memref<512x512xf32, #tpu.memory_space<vmem>>)
    %slice3A_482 = vector.extract_strided_slice %select_n3A_205 {offsets = [0, 10], sizes = [512, 1], strides = [1, 1]} : vector<512x16xf32> to vector<512x1xf32>
    %get3A_483 = arith.constant 5120 : index
    %get3A_484 = arith.constant 0 : index
    %get3A_485 = vector.load %arg4[%get3A_483, %get3A_484] : memref<8192x512xf32, #tpu.memory_space<vmem>>, vector<512x512xf32>
    %sub3A_486 = vector.broadcast %slice3A_482 : vector<512x1xf32> to vector<512x512xf32>
    %sub3A_487 = arith.subf %get3A_485, %sub3A_486 : vector<512x512xf32>
    %swap3A_488 = arith.constant 5120 : index
    %swap3A_489 = arith.constant 0 : index
    %swap3A_490 = vector.load %arg4[%swap3A_488, %swap3A_489] : memref<8192x512xf32, #tpu.memory_space<vmem>>, vector<512x512xf32>
    tpu.vector_store %arg4[%swap3A_488, %swap3A_489], %sub3A_487 {strides = array<i32>} : memref<8192x512xf32, #tpu.memory_space<vmem>>, vector<512x512xf32>,
    %dma_start3A_491 = arith.constant 10 : i32
    %dma_start3A_492 = tpu.memref_slice %arg6[%dma_start3A_491] : memref<16x!tpu.dma_semaphore, #tpu.memory_space<semaphore_mem>> -> memref<1x!tpu.dma_semaphore, #tpu.memory_space<semaphore_mem>>
    %dma_start3A_493 = tpu.memref_squeeze %dma_start3A_492 : memref<1x!tpu.dma_semaphore, #tpu.memory_space<semaphore_mem>> -> memref<!tpu.dma_semaphore, #tpu.memory_space<semaphore_mem>>
    %dma_start3A_494 = arith.constant 5120 : i32
    %dma_start3A_495 = arith.constant 0 : i32
    %dma_start3A_496 = tpu.memref_slice %arg3[%dma_start3A_494, %dma_start3A_495] : memref<8192x512xf32, #tpu.memory_space<any>> -> memref<512x512xf32, #tpu.memory_space<any>>
    %dma_start3A_497 = arith.constant 5120 : i32
    %dma_start3A_498 = arith.constant 0 : i32
    %dma_start3A_499 = tpu.memref_slice %arg4[%dma_start3A_497, %dma_start3A_498] : memref<8192x512xf32, #tpu.memory_space<vmem>> -> memref<512x512xf32, #tpu.memory_space<vmem>>
    tpu.enqueue_dma source(%dma_start3A_499 : memref<512x512xf32, #tpu.memory_space<vmem>>) target(%dma_start3A_496 : memref<512x512xf32, #tpu.memory_space<any>>) target_semaphore(%dma_start3A_493 : memref<!tpu.dma_semaphore, #tpu.memory_space<semaphore_mem>>)
    %dma_wait3A_500 = arith.constant 11 : i32
    %dma_wait3A_501 = tpu.memref_slice %arg5[%dma_wait3A_500] : memref<16x!tpu.dma_semaphore, #tpu.memory_space<semaphore_mem>> -> memref<1x!tpu.dma_semaphore, #tpu.memory_space<semaphore_mem>>
    %dma_wait3A_502 = tpu.memref_squeeze %dma_wait3A_501 : memref<1x!tpu.dma_semaphore, #tpu.memory_space<semaphore_mem>> -> memref<!tpu.dma_semaphore, #tpu.memory_space<semaphore_mem>>
    %dma_wait3A_503 = arith.constant 5632 : i32
    %dma_wait3A_504 = arith.constant 0 : i32
    %dma_wait3A_505 = tpu.memref_slice %arg4[%dma_wait3A_503, %dma_wait3A_504] : memref<8192x512xf32, #tpu.memory_space<vmem>> -> memref<512x512xf32, #tpu.memory_space<vmem>>
    %dma_wait3A_506 = arith.constant 5632 : i32
    %dma_wait3A_507 = arith.constant 0 : i32
    %dma_wait3A_508 = tpu.memref_slice %arg2[%dma_wait3A_506, %dma_wait3A_507] : memref<8192x512xf32, #tpu.memory_space<any>> -> memref<512x512xf32, #tpu.memory_space<any>>
    tpu.wait_dma2 semaphore(%dma_wait3A_502 : memref<!tpu.dma_semaphore, #tpu.memory_space<semaphore_mem>>) src(%dma_wait3A_508 : memref<512x512xf32, #tpu.memory_space<any>>) dst(%dma_wait3A_505 : memref<512x512xf32, #tpu.memory_space<vmem>>)
    %slice3A_509 = vector.extract_strided_slice %select_n3A_205 {offsets = [0, 11], sizes = [512, 1], strides = [1, 1]} : vector<512x16xf32> to vector<512x1xf32>
    %get3A_510 = arith.constant 5632 : index
    %get3A_511 = arith.constant 0 : index
    %get3A_512 = vector.load %arg4[%get3A_510, %get3A_511] : memref<8192x512xf32, #tpu.memory_space<vmem>>, vector<512x512xf32>
    %sub3A_513 = vector.broadcast %slice3A_509 : vector<512x1xf32> to vector<512x512xf32>
    %sub3A_514 = arith.subf %get3A_512, %sub3A_513 : vector<512x512xf32>
    %swap3A_515 = arith.constant 5632 : index
    %swap3A_516 = arith.constant 0 : index
    %swap3A_517 = vector.load %arg4[%swap3A_515, %swap3A_516] : memref<8192x512xf32, #tpu.memory_space<vmem>>, vector<512x512xf32>
    tpu.vector_store %arg4[%swap3A_515, %swap3A_516], %sub3A_514 {strides = array<i32>} : memref<8192x512xf32, #tpu.memory_space<vmem>>, vector<512x512xf32>,
    %dma_start3A_518 = arith.constant 11 : i32
    %dma_start3A_519 = tpu.memref_slice %arg6[%dma_start3A_518] : memref<16x!tpu.dma_semaphore, #tpu.memory_space<semaphore_mem>> -> memref<1x!tpu.dma_semaphore, #tpu.memory_space<semaphore_mem>>
    %dma_start3A_520 = tpu.memref_squeeze %dma_start3A_519 : memref<1x!tpu.dma_semaphore, #tpu.memory_space<semaphore_mem>> -> memref<!tpu.dma_semaphore, #tpu.memory_space<semaphore_mem>>
    %dma_start3A_521 = arith.constant 5632 : i32
    %dma_start3A_522 = arith.constant 0 : i32
    %dma_start3A_523 = tpu.memref_slice %arg3[%dma_start3A_521, %dma_start3A_522] : memref<8192x512xf32, #tpu.memory_space<any>> -> memref<512x512xf32, #tpu.memory_space<any>>
    %dma_start3A_524 = arith.constant 5632 : i32
    %dma_start3A_525 = arith.constant 0 : i32
    %dma_start3A_526 = tpu.memref_slice %arg4[%dma_start3A_524, %dma_start3A_525] : memref<8192x512xf32, #tpu.memory_space<vmem>> -> memref<512x512xf32, #tpu.memory_space<vmem>>
    tpu.enqueue_dma source(%dma_start3A_526 : memref<512x512xf32, #tpu.memory_space<vmem>>) target(%dma_start3A_523 : memref<512x512xf32, #tpu.memory_space<any>>) target_semaphore(%dma_start3A_520 : memref<!tpu.dma_semaphore, #tpu.memory_space<semaphore_mem>>)
    %dma_wait3A_527 = arith.constant 12 : i32
    %dma_wait3A_528 = tpu.memref_slice %arg5[%dma_wait3A_527] : memref<16x!tpu.dma_semaphore, #tpu.memory_space<semaphore_mem>> -> memref<1x!tpu.dma_semaphore, #tpu.memory_space<semaphore_mem>>
    %dma_wait3A_529 = tpu.memref_squeeze %dma_wait3A_528 : memref<1x!tpu.dma_semaphore, #tpu.memory_space<semaphore_mem>> -> memref<!tpu.dma_semaphore, #tpu.memory_space<semaphore_mem>>
    %dma_wait3A_530 = arith.constant 6144 : i32
    %dma_wait3A_531 = arith.constant 0 : i32
    %dma_wait3A_532 = tpu.memref_slice %arg4[%dma_wait3A_530, %dma_wait3A_531] : memref<8192x512xf32, #tpu.memory_space<vmem>> -> memref<512x512xf32, #tpu.memory_space<vmem>>
    %dma_wait3A_533 = arith.constant 6144 : i32
    %dma_wait3A_534 = arith.constant 0 : i32
    %dma_wait3A_535 = tpu.memref_slice %arg2[%dma_wait3A_533, %dma_wait3A_534] : memref<8192x512xf32, #tpu.memory_space<any>> -> memref<512x512xf32, #tpu.memory_space<any>>
    tpu.wait_dma2 semaphore(%dma_wait3A_529 : memref<!tpu.dma_semaphore, #tpu.memory_space<semaphore_mem>>) src(%dma_wait3A_535 : memref<512x512xf32, #tpu.memory_space<any>>) dst(%dma_wait3A_532 : memref<512x512xf32, #tpu.memory_space<vmem>>)
    %slice3A_536 = vector.extract_strided_slice %select_n3A_205 {offsets = [0, 12], sizes = [512, 1], strides = [1, 1]} : vector<512x16xf32> to vector<512x1xf32>
    %get3A_537 = arith.constant 6144 : index
    %get3A_538 = arith.constant 0 : index
    %get3A_539 = vector.load %arg4[%get3A_537, %get3A_538] : memref<8192x512xf32, #tpu.memory_space<vmem>>, vector<512x512xf32>
    %sub3A_540 = vector.broadcast %slice3A_536 : vector<512x1xf32> to vector<512x512xf32>
    %sub3A_541 = arith.subf %get3A_539, %sub3A_540 : vector<512x512xf32>
    %swap3A_542 = arith.constant 6144 : index
    %swap3A_543 = arith.constant 0 : index
    %swap3A_544 = vector.load %arg4[%swap3A_542, %swap3A_543] : memref<8192x512xf32, #tpu.memory_space<vmem>>, vector<512x512xf32>
    tpu.vector_store %arg4[%swap3A_542, %swap3A_543], %sub3A_541 {strides = array<i32>} : memref<8192x512xf32, #tpu.memory_space<vmem>>, vector<512x512xf32>,
    %dma_start3A_545 = arith.constant 12 : i32
    %dma_start3A_546 = tpu.memref_slice %arg6[%dma_start3A_545] : memref<16x!tpu.dma_semaphore, #tpu.memory_space<semaphore_mem>> -> memref<1x!tpu.dma_semaphore, #tpu.memory_space<semaphore_mem>>
    %dma_start3A_547 = tpu.memref_squeeze %dma_start3A_546 : memref<1x!tpu.dma_semaphore, #tpu.memory_space<semaphore_mem>> -> memref<!tpu.dma_semaphore, #tpu.memory_space<semaphore_mem>>
    %dma_start3A_548 = arith.constant 6144 : i32
    %dma_start3A_549 = arith.constant 0 : i32
    %dma_start3A_550 = tpu.memref_slice %arg3[%dma_start3A_548, %dma_start3A_549] : memref<8192x512xf32, #tpu.memory_space<any>> -> memref<512x512xf32, #tpu.memory_space<any>>
    %dma_start3A_551 = arith.constant 6144 : i32
    %dma_start3A_552 = arith.constant 0 : i32
    %dma_start3A_553 = tpu.memref_slice %arg4[%dma_start3A_551, %dma_start3A_552] : memref<8192x512xf32, #tpu.memory_space<vmem>> -> memref<512x512xf32, #tpu.memory_space<vmem>>
    tpu.enqueue_dma source(%dma_start3A_553 : memref<512x512xf32, #tpu.memory_space<vmem>>) target(%dma_start3A_550 : memref<512x512xf32, #tpu.memory_space<any>>) target_semaphore(%dma_start3A_547 : memref<!tpu.dma_semaphore, #tpu.memory_space<semaphore_mem>>)
    %dma_wait3A_554 = arith.constant 13 : i32
    %dma_wait3A_555 = tpu.memref_slice %arg5[%dma_wait3A_554] : memref<16x!tpu.dma_semaphore, #tpu.memory_space<semaphore_mem>> -> memref<1x!tpu.dma_semaphore, #tpu.memory_space<semaphore_mem>>
    %dma_wait3A_556 = tpu.memref_squeeze %dma_wait3A_555 : memref<1x!tpu.dma_semaphore, #tpu.memory_space<semaphore_mem>> -> memref<!tpu.dma_semaphore, #tpu.memory_space<semaphore_mem>>
    %dma_wait3A_557 = arith.constant 6656 : i32
    %dma_wait3A_558 = arith.constant 0 : i32
    %dma_wait3A_559 = tpu.memref_slice %arg4[%dma_wait3A_557, %dma_wait3A_558] : memref<8192x512xf32, #tpu.memory_space<vmem>> -> memref<512x512xf32, #tpu.memory_space<vmem>>
    %dma_wait3A_560 = arith.constant 6656 : i32
    %dma_wait3A_561 = arith.constant 0 : i32
    %dma_wait3A_562 = tpu.memref_slice %arg2[%dma_wait3A_560, %dma_wait3A_561] : memref<8192x512xf32, #tpu.memory_space<any>> -> memref<512x512xf32, #tpu.memory_space<any>>
    tpu.wait_dma2 semaphore(%dma_wait3A_556 : memref<!tpu.dma_semaphore, #tpu.memory_space<semaphore_mem>>) src(%dma_wait3A_562 : memref<512x512xf32, #tpu.memory_space<any>>) dst(%dma_wait3A_559 : memref<512x512xf32, #tpu.memory_space<vmem>>)
    %slice3A_563 = vector.extract_strided_slice %select_n3A_205 {offsets = [0, 13], sizes = [512, 1], strides = [1, 1]} : vector<512x16xf32> to vector<512x1xf32>
    %get3A_564 = arith.constant 6656 : index
    %get3A_565 = arith.constant 0 : index
    %get3A_566 = vector.load %arg4[%get3A_564, %get3A_565] : memref<8192x512xf32, #tpu.memory_space<vmem>>, vector<512x512xf32>
    %sub3A_567 = vector.broadcast %slice3A_563 : vector<512x1xf32> to vector<512x512xf32>
    %sub3A_568 = arith.subf %get3A_566, %sub3A_567 : vector<512x512xf32>
    %swap3A_569 = arith.constant 6656 : index
    %swap3A_570 = arith.constant 0 : index
    %swap3A_571 = vector.load %arg4[%swap3A_569, %swap3A_570] : memref<8192x512xf32, #tpu.memory_space<vmem>>, vector<512x512xf32>
    tpu.vector_store %arg4[%swap3A_569, %swap3A_570], %sub3A_568 {strides = array<i32>} : memref<8192x512xf32, #tpu.memory_space<vmem>>, vector<512x512xf32>,
    %dma_start3A_572 = arith.constant 13 : i32
    %dma_start3A_573 = tpu.memref_slice %arg6[%dma_start3A_572] : memref<16x!tpu.dma_semaphore, #tpu.memory_space<semaphore_mem>> -> memref<1x!tpu.dma_semaphore, #tpu.memory_space<semaphore_mem>>
    %dma_start3A_574 = tpu.memref_squeeze %dma_start3A_573 : memref<1x!tpu.dma_semaphore, #tpu.memory_space<semaphore_mem>> -> memref<!tpu.dma_semaphore, #tpu.memory_space<semaphore_mem>>
    %dma_start3A_575 = arith.constant 6656 : i32
    %dma_start3A_576 = arith.constant 0 : i32
    %dma_start3A_577 = tpu.memref_slice %arg3[%dma_start3A_575, %dma_start3A_576] : memref<8192x512xf32, #tpu.memory_space<any>> -> memref<512x512xf32, #tpu.memory_space<any>>
    %dma_start3A_578 = arith.constant 6656 : i32
    %dma_start3A_579 = arith.constant 0 : i32
    %dma_start3A_580 = tpu.memref_slice %arg4[%dma_start3A_578, %dma_start3A_579] : memref<8192x512xf32, #tpu.memory_space<vmem>> -> memref<512x512xf32, #tpu.memory_space<vmem>>
    tpu.enqueue_dma source(%dma_start3A_580 : memref<512x512xf32, #tpu.memory_space<vmem>>) target(%dma_start3A_577 : memref<512x512xf32, #tpu.memory_space<any>>) target_semaphore(%dma_start3A_574 : memref<!tpu.dma_semaphore, #tpu.memory_space<semaphore_mem>>)
    %dma_wait3A_581 = arith.constant 14 : i32
    %dma_wait3A_582 = tpu.memref_slice %arg5[%dma_wait3A_581] : memref<16x!tpu.dma_semaphore, #tpu.memory_space<semaphore_mem>> -> memref<1x!tpu.dma_semaphore, #tpu.memory_space<semaphore_mem>>
    %dma_wait3A_583 = tpu.memref_squeeze %dma_wait3A_582 : memref<1x!tpu.dma_semaphore, #tpu.memory_space<semaphore_mem>> -> memref<!tpu.dma_semaphore, #tpu.memory_space<semaphore_mem>>
    %dma_wait3A_584 = arith.constant 7168 : i32
    %dma_wait3A_585 = arith.constant 0 : i32
    %dma_wait3A_586 = tpu.memref_slice %arg4[%dma_wait3A_584, %dma_wait3A_585] : memref<8192x512xf32, #tpu.memory_space<vmem>> -> memref<512x512xf32, #tpu.memory_space<vmem>>
    %dma_wait3A_587 = arith.constant 7168 : i32
    %dma_wait3A_588 = arith.constant 0 : i32
    %dma_wait3A_589 = tpu.memref_slice %arg2[%dma_wait3A_587, %dma_wait3A_588] : memref<8192x512xf32, #tpu.memory_space<any>> -> memref<512x512xf32, #tpu.memory_space<any>>
    tpu.wait_dma2 semaphore(%dma_wait3A_583 : memref<!tpu.dma_semaphore, #tpu.memory_space<semaphore_mem>>) src(%dma_wait3A_589 : memref<512x512xf32, #tpu.memory_space<any>>) dst(%dma_wait3A_586 : memref<512x512xf32, #tpu.memory_space<vmem>>)
    %slice3A_590 = vector.extract_strided_slice %select_n3A_205 {offsets = [0, 14], sizes = [512, 1], strides = [1, 1]} : vector<512x16xf32> to vector<512x1xf32>
    %get3A_591 = arith.constant 7168 : index
    %get3A_592 = arith.constant 0 : index
    %get3A_593 = vector.load %arg4[%get3A_591, %get3A_592] : memref<8192x512xf32, #tpu.memory_space<vmem>>, vector<512x512xf32>
    %sub3A_594 = vector.broadcast %slice3A_590 : vector<512x1xf32> to vector<512x512xf32>
    %sub3A_595 = arith.subf %get3A_593, %sub3A_594 : vector<512x512xf32>
    %swap3A_596 = arith.constant 7168 : index
    %swap3A_597 = arith.constant 0 : index
    %swap3A_598 = vector.load %arg4[%swap3A_596, %swap3A_597] : memref<8192x512xf32, #tpu.memory_space<vmem>>, vector<512x512xf32>
    tpu.vector_store %arg4[%swap3A_596, %swap3A_597], %sub3A_595 {strides = array<i32>} : memref<8192x512xf32, #tpu.memory_space<vmem>>, vector<512x512xf32>,
    %dma_start3A_599 = arith.constant 14 : i32
    %dma_start3A_600 = tpu.memref_slice %arg6[%dma_start3A_599] : memref<16x!tpu.dma_semaphore, #tpu.memory_space<semaphore_mem>> -> memref<1x!tpu.dma_semaphore, #tpu.memory_space<semaphore_mem>>
    %dma_start3A_601 = tpu.memref_squeeze %dma_start3A_600 : memref<1x!tpu.dma_semaphore, #tpu.memory_space<semaphore_mem>> -> memref<!tpu.dma_semaphore, #tpu.memory_space<semaphore_mem>>
    %dma_start3A_602 = arith.constant 7168 : i32
    %dma_start3A_603 = arith.constant 0 : i32
    %dma_start3A_604 = tpu.memref_slice %arg3[%dma_start3A_602, %dma_start3A_603] : memref<8192x512xf32, #tpu.memory_space<any>> -> memref<512x512xf32, #tpu.memory_space<any>>
    %dma_start3A_605 = arith.constant 7168 : i32
    %dma_start3A_606 = arith.constant 0 : i32
    %dma_start3A_607 = tpu.memref_slice %arg4[%dma_start3A_605, %dma_start3A_606] : memref<8192x512xf32, #tpu.memory_space<vmem>> -> memref<512x512xf32, #tpu.memory_space<vmem>>
    tpu.enqueue_dma source(%dma_start3A_607 : memref<512x512xf32, #tpu.memory_space<vmem>>) target(%dma_start3A_604 : memref<512x512xf32, #tpu.memory_space<any>>) target_semaphore(%dma_start3A_601 : memref<!tpu.dma_semaphore, #tpu.memory_space<semaphore_mem>>)
    %dma_wait3A_608 = arith.constant 15 : i32
    %dma_wait3A_609 = tpu.memref_slice %arg5[%dma_wait3A_608] : memref<16x!tpu.dma_semaphore, #tpu.memory_space<semaphore_mem>> -> memref<1x!tpu.dma_semaphore, #tpu.memory_space<semaphore_mem>>
    %dma_wait3A_610 = tpu.memref_squeeze %dma_wait3A_609 : memref<1x!tpu.dma_semaphore, #tpu.memory_space<semaphore_mem>> -> memref<!tpu.dma_semaphore, #tpu.memory_space<semaphore_mem>>
    %dma_wait3A_611 = arith.constant 7680 : i32
    %dma_wait3A_612 = arith.constant 0 : i32
    %dma_wait3A_613 = tpu.memref_slice %arg4[%dma_wait3A_611, %dma_wait3A_612] : memref<8192x512xf32, #tpu.memory_space<vmem>> -> memref<512x512xf32, #tpu.memory_space<vmem>>
    %dma_wait3A_614 = arith.constant 7680 : i32
    %dma_wait3A_615 = arith.constant 0 : i32
    %dma_wait3A_616 = tpu.memref_slice %arg2[%dma_wait3A_614, %dma_wait3A_615] : memref<8192x512xf32, #tpu.memory_space<any>> -> memref<512x512xf32, #tpu.memory_space<any>>
    tpu.wait_dma2 semaphore(%dma_wait3A_610 : memref<!tpu.dma_semaphore, #tpu.memory_space<semaphore_mem>>) src(%dma_wait3A_616 : memref<512x512xf32, #tpu.memory_space<any>>) dst(%dma_wait3A_613 : memref<512x512xf32, #tpu.memory_space<vmem>>)
    %slice3A_617 = vector.extract_strided_slice %select_n3A_205 {offsets = [0, 15], sizes = [512, 1], strides = [1, 1]} : vector<512x16xf32> to vector<512x1xf32>
    %get3A_618 = arith.constant 7680 : index
    %get3A_619 = arith.constant 0 : index
    %get3A_620 = vector.load %arg4[%get3A_618, %get3A_619] : memref<8192x512xf32, #tpu.memory_space<vmem>>, vector<512x512xf32>
    %sub3A_621 = vector.broadcast %slice3A_617 : vector<512x1xf32> to vector<512x512xf32>
    %sub3A_622 = arith.subf %get3A_620, %sub3A_621 : vector<512x512xf32>
    %swap3A_623 = arith.constant 7680 : index
    %swap3A_624 = arith.constant 0 : index
    %swap3A_625 = vector.load %arg4[%swap3A_623, %swap3A_624] : memref<8192x512xf32, #tpu.memory_space<vmem>>, vector<512x512xf32>
    tpu.vector_store %arg4[%swap3A_623, %swap3A_624], %sub3A_622 {strides = array<i32>} : memref<8192x512xf32, #tpu.memory_space<vmem>>, vector<512x512xf32>,
    %dma_start3A_626 = arith.constant 15 : i32
    %dma_start3A_627 = tpu.memref_slice %arg6[%dma_start3A_626] : memref<16x!tpu.dma_semaphore, #tpu.memory_space<semaphore_mem>> -> memref<1x!tpu.dma_semaphore, #tpu.memory_space<semaphore_mem>>
    %dma_start3A_628 = tpu.memref_squeeze %dma_start3A_627 : memref<1x!tpu.dma_semaphore, #tpu.memory_space<semaphore_mem>> -> memref<!tpu.dma_semaphore, #tpu.memory_space<semaphore_mem>>
    %dma_start3A_629 = arith.constant 7680 : i32
    %dma_start3A_630 = arith.constant 0 : i32
    %dma_start3A_631 = tpu.memref_slice %arg3[%dma_start3A_629, %dma_start3A_630] : memref<8192x512xf32, #tpu.memory_space<any>> -> memref<512x512xf32, #tpu.memory_space<any>>
    %dma_start3A_632 = arith.constant 7680 : i32
    %dma_start3A_633 = arith.constant 0 : i32
    %dma_start3A_634 = tpu.memref_slice %arg4[%dma_start3A_632, %dma_start3A_633] : memref<8192x512xf32, #tpu.memory_space<vmem>> -> memref<512x512xf32, #tpu.memory_space<vmem>>
    tpu.enqueue_dma source(%dma_start3A_634 : memref<512x512xf32, #tpu.memory_space<vmem>>) target(%dma_start3A_631 : memref<512x512xf32, #tpu.memory_space<any>>) target_semaphore(%dma_start3A_628 : memref<!tpu.dma_semaphore, #tpu.memory_space<semaphore_mem>>)
    %dma_wait3A_635 = arith.constant 0 : i32
    %dma_wait3A_636 = tpu.memref_slice %arg6[%dma_wait3A_635] : memref<16x!tpu.dma_semaphore, #tpu.memory_space<semaphore_mem>> -> memref<1x!tpu.dma_semaphore, #tpu.memory_space<semaphore_mem>>
    %dma_wait3A_637 = tpu.memref_squeeze %dma_wait3A_636 : memref<1x!tpu.dma_semaphore, #tpu.memory_space<semaphore_mem>> -> memref<!tpu.dma_semaphore, #tpu.memory_space<semaphore_mem>>
    %dma_wait3A_638 = arith.constant 0 : i32
    %dma_wait3A_639 = arith.constant 0 : i32
    %dma_wait3A_640 = tpu.memref_slice %arg3[%dma_wait3A_638, %dma_wait3A_639] : memref<8192x512xf32, #tpu.memory_space<any>> -> memref<512x512xf32, #tpu.memory_space<any>>
    %dma_wait3A_641 = arith.constant 0 : i32
    %dma_wait3A_642 = arith.constant 0 : i32
    %dma_wait3A_643 = tpu.memref_slice %arg4[%dma_wait3A_641, %dma_wait3A_642] : memref<8192x512xf32, #tpu.memory_space<vmem>> -> memref<512x512xf32, #tpu.memory_space<vmem>>
    tpu.wait_dma2 semaphore(%dma_wait3A_637 : memref<!tpu.dma_semaphore, #tpu.memory_space<semaphore_mem>>) src(%dma_wait3A_643 : memref<512x512xf32, #tpu.memory_space<vmem>>) dst(%dma_wait3A_640 : memref<512x512xf32, #tpu.memory_space<any>>)
    %dma_wait3A_644 = arith.constant 1 : i32
    %dma_wait3A_645 = tpu.memref_slice %arg6[%dma_wait3A_644] : memref<16x!tpu.dma_semaphore, #tpu.memory_space<semaphore_mem>> -> memref<1x!tpu.dma_semaphore, #tpu.memory_space<semaphore_mem>>
    %dma_wait3A_646 = tpu.memref_squeeze %dma_wait3A_645 : memref<1x!tpu.dma_semaphore, #tpu.memory_space<semaphore_mem>> -> memref<!tpu.dma_semaphore, #tpu.memory_space<semaphore_mem>>
    %dma_wait3A_647 = arith.constant 512 : i32
    %dma_wait3A_648 = arith.constant 0 : i32
    %dma_wait3A_649 = tpu.memref_slice %arg3[%dma_wait3A_647, %dma_wait3A_648] : memref<8192x512xf32, #tpu.memory_space<any>> -> memref<512x512xf32, #tpu.memory_space<any>>
    %dma_wait3A_650 = arith.constant 512 : i32
    %dma_wait3A_651 = arith.constant 0 : i32
    %dma_wait3A_652 = tpu.memref_slice %arg4[%dma_wait3A_650, %dma_wait3A_651] : memref<8192x512xf32, #tpu.memory_space<vmem>> -> memref<512x512xf32, #tpu.memory_space<vmem>>
    tpu.wait_dma2 semaphore(%dma_wait3A_646 : memref<!tpu.dma_semaphore, #tpu.memory_space<semaphore_mem>>) src(%dma_wait3A_652 : memref<512x512xf32, #tpu.memory_space<vmem>>) dst(%dma_wait3A_649 : memref<512x512xf32, #tpu.memory_space<any>>)
    %dma_wait3A_653 = arith.constant 2 : i32
    %dma_wait3A_654 = tpu.memref_slice %arg6[%dma_wait3A_653] : memref<16x!tpu.dma_semaphore, #tpu.memory_space<semaphore_mem>> -> memref<1x!tpu.dma_semaphore, #tpu.memory_space<semaphore_mem>>
    %dma_wait3A_655 = tpu.memref_squeeze %dma_wait3A_654 : memref<1x!tpu.dma_semaphore, #tpu.memory_space<semaphore_mem>> -> memref<!tpu.dma_semaphore, #tpu.memory_space<semaphore_mem>>
    %dma_wait3A_656 = arith.constant 1024 : i32
    %dma_wait3A_657 = arith.constant 0 : i32
    %dma_wait3A_658 = tpu.memref_slice %arg3[%dma_wait3A_656, %dma_wait3A_657] : memref<8192x512xf32, #tpu.memory_space<any>> -> memref<512x512xf32, #tpu.memory_space<any>>
    %dma_wait3A_659 = arith.constant 1024 : i32
    %dma_wait3A_660 = arith.constant 0 : i32
    %dma_wait3A_661 = tpu.memref_slice %arg4[%dma_wait3A_659, %dma_wait3A_660] : memref<8192x512xf32, #tpu.memory_space<vmem>> -> memref<512x512xf32, #tpu.memory_space<vmem>>
    tpu.wait_dma2 semaphore(%dma_wait3A_655 : memref<!tpu.dma_semaphore, #tpu.memory_space<semaphore_mem>>) src(%dma_wait3A_661 : memref<512x512xf32, #tpu.memory_space<vmem>>) dst(%dma_wait3A_658 : memref<512x512xf32, #tpu.memory_space<any>>)
    %dma_wait3A_662 = arith.constant 3 : i32
    %dma_wait3A_663 = tpu.memref_slice %arg6[%dma_wait3A_662] : memref<16x!tpu.dma_semaphore, #tpu.memory_space<semaphore_mem>> -> memref<1x!tpu.dma_semaphore, #tpu.memory_space<semaphore_mem>>
    %dma_wait3A_664 = tpu.memref_squeeze %dma_wait3A_663 : memref<1x!tpu.dma_semaphore, #tpu.memory_space<semaphore_mem>> -> memref<!tpu.dma_semaphore, #tpu.memory_space<semaphore_mem>>
    %dma_wait3A_665 = arith.constant 1536 : i32
    %dma_wait3A_666 = arith.constant 0 : i32
    %dma_wait3A_667 = tpu.memref_slice %arg3[%dma_wait3A_665, %dma_wait3A_666] : memref<8192x512xf32, #tpu.memory_space<any>> -> memref<512x512xf32, #tpu.memory_space<any>>
    %dma_wait3A_668 = arith.constant 1536 : i32
    %dma_wait3A_669 = arith.constant 0 : i32
    %dma_wait3A_670 = tpu.memref_slice %arg4[%dma_wait3A_668, %dma_wait3A_669] : memref<8192x512xf32, #tpu.memory_space<vmem>> -> memref<512x512xf32, #tpu.memory_space<vmem>>
    tpu.wait_dma2 semaphore(%dma_wait3A_664 : memref<!tpu.dma_semaphore, #tpu.memory_space<semaphore_mem>>) src(%dma_wait3A_670 : memref<512x512xf32, #tpu.memory_space<vmem>>) dst(%dma_wait3A_667 : memref<512x512xf32, #tpu.memory_space<any>>)
    %dma_wait3A_671 = arith.constant 4 : i32
    %dma_wait3A_672 = tpu.memref_slice %arg6[%dma_wait3A_671] : memref<16x!tpu.dma_semaphore, #tpu.memory_space<semaphore_mem>> -> memref<1x!tpu.dma_semaphore, #tpu.memory_space<semaphore_mem>>
    %dma_wait3A_673 = tpu.memref_squeeze %dma_wait3A_672 : memref<1x!tpu.dma_semaphore, #tpu.memory_space<semaphore_mem>> -> memref<!tpu.dma_semaphore, #tpu.memory_space<semaphore_mem>>
    %dma_wait3A_674 = arith.constant 2048 : i32
    %dma_wait3A_675 = arith.constant 0 : i32
    %dma_wait3A_676 = tpu.memref_slice %arg3[%dma_wait3A_674, %dma_wait3A_675] : memref<8192x512xf32, #tpu.memory_space<any>> -> memref<512x512xf32, #tpu.memory_space<any>>
    %dma_wait3A_677 = arith.constant 2048 : i32
    %dma_wait3A_678 = arith.constant 0 : i32
    %dma_wait3A_679 = tpu.memref_slice %arg4[%dma_wait3A_677, %dma_wait3A_678] : memref<8192x512xf32, #tpu.memory_space<vmem>> -> memref<512x512xf32, #tpu.memory_space<vmem>>
    tpu.wait_dma2 semaphore(%dma_wait3A_673 : memref<!tpu.dma_semaphore, #tpu.memory_space<semaphore_mem>>) src(%dma_wait3A_679 : memref<512x512xf32, #tpu.memory_space<vmem>>) dst(%dma_wait3A_676 : memref<512x512xf32, #tpu.memory_space<any>>)
    %dma_wait3A_680 = arith.constant 5 : i32
    %dma_wait3A_681 = tpu.memref_slice %arg6[%dma_wait3A_680] : memref<16x!tpu.dma_semaphore, #tpu.memory_space<semaphore_mem>> -> memref<1x!tpu.dma_semaphore, #tpu.memory_space<semaphore_mem>>
    %dma_wait3A_682 = tpu.memref_squeeze %dma_wait3A_681 : memref<1x!tpu.dma_semaphore, #tpu.memory_space<semaphore_mem>> -> memref<!tpu.dma_semaphore, #tpu.memory_space<semaphore_mem>>
    %dma_wait3A_683 = arith.constant 2560 : i32
    %dma_wait3A_684 = arith.constant 0 : i32
    %dma_wait3A_685 = tpu.memref_slice %arg3[%dma_wait3A_683, %dma_wait3A_684] : memref<8192x512xf32, #tpu.memory_space<any>> -> memref<512x512xf32, #tpu.memory_space<any>>
    %dma_wait3A_686 = arith.constant 2560 : i32
    %dma_wait3A_687 = arith.constant 0 : i32
    %dma_wait3A_688 = tpu.memref_slice %arg4[%dma_wait3A_686, %dma_wait3A_687] : memref<8192x512xf32, #tpu.memory_space<vmem>> -> memref<512x512xf32, #tpu.memory_space<vmem>>
    tpu.wait_dma2 semaphore(%dma_wait3A_682 : memref<!tpu.dma_semaphore, #tpu.memory_space<semaphore_mem>>) src(%dma_wait3A_688 : memref<512x512xf32, #tpu.memory_space<vmem>>) dst(%dma_wait3A_685 : memref<512x512xf32, #tpu.memory_space<any>>)
    %dma_wait3A_689 = arith.constant 6 : i32
    %dma_wait3A_690 = tpu.memref_slice %arg6[%dma_wait3A_689] : memref<16x!tpu.dma_semaphore, #tpu.memory_space<semaphore_mem>> -> memref<1x!tpu.dma_semaphore, #tpu.memory_space<semaphore_mem>>
    %dma_wait3A_691 = tpu.memref_squeeze %dma_wait3A_690 : memref<1x!tpu.dma_semaphore, #tpu.memory_space<semaphore_mem>> -> memref<!tpu.dma_semaphore, #tpu.memory_space<semaphore_mem>>
    %dma_wait3A_692 = arith.constant 3072 : i32
    %dma_wait3A_693 = arith.constant 0 : i32
    %dma_wait3A_694 = tpu.memref_slice %arg3[%dma_wait3A_692, %dma_wait3A_693] : memref<8192x512xf32, #tpu.memory_space<any>> -> memref<512x512xf32, #tpu.memory_space<any>>
    %dma_wait3A_695 = arith.constant 3072 : i32
    %dma_wait3A_696 = arith.constant 0 : i32
    %dma_wait3A_697 = tpu.memref_slice %arg4[%dma_wait3A_695, %dma_wait3A_696] : memref<8192x512xf32, #tpu.memory_space<vmem>> -> memref<512x512xf32, #tpu.memory_space<vmem>>
    tpu.wait_dma2 semaphore(%dma_wait3A_691 : memref<!tpu.dma_semaphore, #tpu.memory_space<semaphore_mem>>) src(%dma_wait3A_697 : memref<512x512xf32, #tpu.memory_space<vmem>>) dst(%dma_wait3A_694 : memref<512x512xf32, #tpu.memory_space<any>>)
    %dma_wait3A_698 = arith.constant 7 : i32
    %dma_wait3A_699 = tpu.memref_slice %arg6[%dma_wait3A_698] : memref<16x!tpu.dma_semaphore, #tpu.memory_space<semaphore_mem>> -> memref<1x!tpu.dma_semaphore, #tpu.memory_space<semaphore_mem>>
    %dma_wait3A_700 = tpu.memref_squeeze %dma_wait3A_699 : memref<1x!tpu.dma_semaphore, #tpu.memory_space<semaphore_mem>> -> memref<!tpu.dma_semaphore, #tpu.memory_space<semaphore_mem>>
    %dma_wait3A_701 = arith.constant 3584 : i32
    %dma_wait3A_702 = arith.constant 0 : i32
    %dma_wait3A_703 = tpu.memref_slice %arg3[%dma_wait3A_701, %dma_wait3A_702] : memref<8192x512xf32, #tpu.memory_space<any>> -> memref<512x512xf32, #tpu.memory_space<any>>
    %dma_wait3A_704 = arith.constant 3584 : i32
    %dma_wait3A_705 = arith.constant 0 : i32
    %dma_wait3A_706 = tpu.memref_slice %arg4[%dma_wait3A_704, %dma_wait3A_705] : memref<8192x512xf32, #tpu.memory_space<vmem>> -> memref<512x512xf32, #tpu.memory_space<vmem>>
    tpu.wait_dma2 semaphore(%dma_wait3A_700 : memref<!tpu.dma_semaphore, #tpu.memory_space<semaphore_mem>>) src(%dma_wait3A_706 : memref<512x512xf32, #tpu.memory_space<vmem>>) dst(%dma_wait3A_703 : memref<512x512xf32, #tpu.memory_space<any>>)
    %dma_wait3A_707 = arith.constant 8 : i32
    %dma_wait3A_708 = tpu.memref_slice %arg6[%dma_wait3A_707] : memref<16x!tpu.dma_semaphore, #tpu.memory_space<semaphore_mem>> -> memref<1x!tpu.dma_semaphore, #tpu.memory_space<semaphore_mem>>
    %dma_wait3A_709 = tpu.memref_squeeze %dma_wait3A_708 : memref<1x!tpu.dma_semaphore, #tpu.memory_space<semaphore_mem>> -> memref<!tpu.dma_semaphore, #tpu.memory_space<semaphore_mem>>
    %dma_wait3A_710 = arith.constant 4096 : i32
    %dma_wait3A_711 = arith.constant 0 : i32
    %dma_wait3A_712 = tpu.memref_slice %arg3[%dma_wait3A_710, %dma_wait3A_711] : memref<8192x512xf32, #tpu.memory_space<any>> -> memref<512x512xf32, #tpu.memory_space<any>>
    %dma_wait3A_713 = arith.constant 4096 : i32
    %dma_wait3A_714 = arith.constant 0 : i32
    %dma_wait3A_715 = tpu.memref_slice %arg4[%dma_wait3A_713, %dma_wait3A_714] : memref<8192x512xf32, #tpu.memory_space<vmem>> -> memref<512x512xf32, #tpu.memory_space<vmem>>
    tpu.wait_dma2 semaphore(%dma_wait3A_709 : memref<!tpu.dma_semaphore, #tpu.memory_space<semaphore_mem>>) src(%dma_wait3A_715 : memref<512x512xf32, #tpu.memory_space<vmem>>) dst(%dma_wait3A_712 : memref<512x512xf32, #tpu.memory_space<any>>)
    %dma_wait3A_716 = arith.constant 9 : i32
    %dma_wait3A_717 = tpu.memref_slice %arg6[%dma_wait3A_716] : memref<16x!tpu.dma_semaphore, #tpu.memory_space<semaphore_mem>> -> memref<1x!tpu.dma_semaphore, #tpu.memory_space<semaphore_mem>>
    %dma_wait3A_718 = tpu.memref_squeeze %dma_wait3A_717 : memref<1x!tpu.dma_semaphore, #tpu.memory_space<semaphore_mem>> -> memref<!tpu.dma_semaphore, #tpu.memory_space<semaphore_mem>>
    %dma_wait3A_719 = arith.constant 4608 : i32
    %dma_wait3A_720 = arith.constant 0 : i32
    %dma_wait3A_721 = tpu.memref_slice %arg3[%dma_wait3A_719, %dma_wait3A_720] : memref<8192x512xf32, #tpu.memory_space<any>> -> memref<512x512xf32, #tpu.memory_space<any>>
    %dma_wait3A_722 = arith.constant 4608 : i32
    %dma_wait3A_723 = arith.constant 0 : i32
    %dma_wait3A_724 = tpu.memref_slice %arg4[%dma_wait3A_722, %dma_wait3A_723] : memref<8192x512xf32, #tpu.memory_space<vmem>> -> memref<512x512xf32, #tpu.memory_space<vmem>>
    tpu.wait_dma2 semaphore(%dma_wait3A_718 : memref<!tpu.dma_semaphore, #tpu.memory_space<semaphore_mem>>) src(%dma_wait3A_724 : memref<512x512xf32, #tpu.memory_space<vmem>>) dst(%dma_wait3A_721 : memref<512x512xf32, #tpu.memory_space<any>>)
    %dma_wait3A_725 = arith.constant 10 : i32
    %dma_wait3A_726 = tpu.memref_slice %arg6[%dma_wait3A_725] : memref<16x!tpu.dma_semaphore, #tpu.memory_space<semaphore_mem>> -> memref<1x!tpu.dma_semaphore, #tpu.memory_space<semaphore_mem>>
    %dma_wait3A_727 = tpu.memref_squeeze %dma_wait3A_726 : memref<1x!tpu.dma_semaphore, #tpu.memory_space<semaphore_mem>> -> memref<!tpu.dma_semaphore, #tpu.memory_space<semaphore_mem>>
    %dma_wait3A_728 = arith.constant 5120 : i32
    %dma_wait3A_729 = arith.constant 0 : i32
    %dma_wait3A_730 = tpu.memref_slice %arg3[%dma_wait3A_728, %dma_wait3A_729] : memref<8192x512xf32, #tpu.memory_space<any>> -> memref<512x512xf32, #tpu.memory_space<any>>
    %dma_wait3A_731 = arith.constant 5120 : i32
    %dma_wait3A_732 = arith.constant 0 : i32
    %dma_wait3A_733 = tpu.memref_slice %arg4[%dma_wait3A_731, %dma_wait3A_732] : memref<8192x512xf32, #tpu.memory_space<vmem>> -> memref<512x512xf32, #tpu.memory_space<vmem>>
    tpu.wait_dma2 semaphore(%dma_wait3A_727 : memref<!tpu.dma_semaphore, #tpu.memory_space<semaphore_mem>>) src(%dma_wait3A_733 : memref<512x512xf32, #tpu.memory_space<vmem>>) dst(%dma_wait3A_730 : memref<512x512xf32, #tpu.memory_space<any>>)
    %dma_wait3A_734 = arith.constant 11 : i32
    %dma_wait3A_735 = tpu.memref_slice %arg6[%dma_wait3A_734] : memref<16x!tpu.dma_semaphore, #tpu.memory_space<semaphore_mem>> -> memref<1x!tpu.dma_semaphore, #tpu.memory_space<semaphore_mem>>
    %dma_wait3A_736 = tpu.memref_squeeze %dma_wait3A_735 : memref<1x!tpu.dma_semaphore, #tpu.memory_space<semaphore_mem>> -> memref<!tpu.dma_semaphore, #tpu.memory_space<semaphore_mem>>
    %dma_wait3A_737 = arith.constant 5632 : i32
    %dma_wait3A_738 = arith.constant 0 : i32
    %dma_wait3A_739 = tpu.memref_slice %arg3[%dma_wait3A_737, %dma_wait3A_738] : memref<8192x512xf32, #tpu.memory_space<any>> -> memref<512x512xf32, #tpu.memory_space<any>>
    %dma_wait3A_740 = arith.constant 5632 : i32
    %dma_wait3A_741 = arith.constant 0 : i32
    %dma_wait3A_742 = tpu.memref_slice %arg4[%dma_wait3A_740, %dma_wait3A_741] : memref<8192x512xf32, #tpu.memory_space<vmem>> -> memref<512x512xf32, #tpu.memory_space<vmem>>
    tpu.wait_dma2 semaphore(%dma_wait3A_736 : memref<!tpu.dma_semaphore, #tpu.memory_space<semaphore_mem>>) src(%dma_wait3A_742 : memref<512x512xf32, #tpu.memory_space<vmem>>) dst(%dma_wait3A_739 : memref<512x512xf32, #tpu.memory_space<any>>)
    %dma_wait3A_743 = arith.constant 12 : i32
    %dma_wait3A_744 = tpu.memref_slice %arg6[%dma_wait3A_743] : memref<16x!tpu.dma_semaphore, #tpu.memory_space<semaphore_mem>> -> memref<1x!tpu.dma_semaphore, #tpu.memory_space<semaphore_mem>>
    %dma_wait3A_745 = tpu.memref_squeeze %dma_wait3A_744 : memref<1x!tpu.dma_semaphore, #tpu.memory_space<semaphore_mem>> -> memref<!tpu.dma_semaphore, #tpu.memory_space<semaphore_mem>>
    %dma_wait3A_746 = arith.constant 6144 : i32
    %dma_wait3A_747 = arith.constant 0 : i32
    %dma_wait3A_748 = tpu.memref_slice %arg3[%dma_wait3A_746, %dma_wait3A_747] : memref<8192x512xf32, #tpu.memory_space<any>> -> memref<512x512xf32, #tpu.memory_space<any>>
    %dma_wait3A_749 = arith.constant 6144 : i32
    %dma_wait3A_750 = arith.constant 0 : i32
    %dma_wait3A_751 = tpu.memref_slice %arg4[%dma_wait3A_749, %dma_wait3A_750] : memref<8192x512xf32, #tpu.memory_space<vmem>> -> memref<512x512xf32, #tpu.memory_space<vmem>>
    tpu.wait_dma2 semaphore(%dma_wait3A_745 : memref<!tpu.dma_semaphore, #tpu.memory_space<semaphore_mem>>) src(%dma_wait3A_751 : memref<512x512xf32, #tpu.memory_space<vmem>>) dst(%dma_wait3A_748 : memref<512x512xf32, #tpu.memory_space<any>>)
    %dma_wait3A_752 = arith.constant 13 : i32
    %dma_wait3A_753 = tpu.memref_slice %arg6[%dma_wait3A_752] : memref<16x!tpu.dma_semaphore, #tpu.memory_space<semaphore_mem>> -> memref<1x!tpu.dma_semaphore, #tpu.memory_space<semaphore_mem>>
    %dma_wait3A_754 = tpu.memref_squeeze %dma_wait3A_753 : memref<1x!tpu.dma_semaphore, #tpu.memory_space<semaphore_mem>> -> memref<!tpu.dma_semaphore, #tpu.memory_space<semaphore_mem>>
    %dma_wait3A_755 = arith.constant 6656 : i32
    %dma_wait3A_756 = arith.constant 0 : i32
    %dma_wait3A_757 = tpu.memref_slice %arg3[%dma_wait3A_755, %dma_wait3A_756] : memref<8192x512xf32, #tpu.memory_space<any>> -> memref<512x512xf32, #tpu.memory_space<any>>
    %dma_wait3A_758 = arith.constant 6656 : i32
    %dma_wait3A_759 = arith.constant 0 : i32
    %dma_wait3A_760 = tpu.memref_slice %arg4[%dma_wait3A_758, %dma_wait3A_759] : memref<8192x512xf32, #tpu.memory_space<vmem>> -> memref<512x512xf32, #tpu.memory_space<vmem>>
    tpu.wait_dma2 semaphore(%dma_wait3A_754 : memref<!tpu.dma_semaphore, #tpu.memory_space<semaphore_mem>>) src(%dma_wait3A_760 : memref<512x512xf32, #tpu.memory_space<vmem>>) dst(%dma_wait3A_757 : memref<512x512xf32, #tpu.memory_space<any>>)
    %dma_wait3A_761 = arith.constant 14 : i32
    %dma_wait3A_762 = tpu.memref_slice %arg6[%dma_wait3A_761] : memref<16x!tpu.dma_semaphore, #tpu.memory_space<semaphore_mem>> -> memref<1x!tpu.dma_semaphore, #tpu.memory_space<semaphore_mem>>
    %dma_wait3A_763 = tpu.memref_squeeze %dma_wait3A_762 : memref<1x!tpu.dma_semaphore, #tpu.memory_space<semaphore_mem>> -> memref<!tpu.dma_semaphore, #tpu.memory_space<semaphore_mem>>
    %dma_wait3A_764 = arith.constant 7168 : i32
    %dma_wait3A_765 = arith.constant 0 : i32
    %dma_wait3A_766 = tpu.memref_slice %arg3[%dma_wait3A_764, %dma_wait3A_765] : memref<8192x512xf32, #tpu.memory_space<any>> -> memref<512x512xf32, #tpu.memory_space<any>>
    %dma_wait3A_767 = arith.constant 7168 : i32
    %dma_wait3A_768 = arith.constant 0 : i32
    %dma_wait3A_769 = tpu.memref_slice %arg4[%dma_wait3A_767, %dma_wait3A_768] : memref<8192x512xf32, #tpu.memory_space<vmem>> -> memref<512x512xf32, #tpu.memory_space<vmem>>
    tpu.wait_dma2 semaphore(%dma_wait3A_763 : memref<!tpu.dma_semaphore, #tpu.memory_space<semaphore_mem>>) src(%dma_wait3A_769 : memref<512x512xf32, #tpu.memory_space<vmem>>) dst(%dma_wait3A_766 : memref<512x512xf32, #tpu.memory_space<any>>)
    %dma_wait3A_770 = arith.constant 15 : i32
    %dma_wait3A_771 = tpu.memref_slice %arg6[%dma_wait3A_770] : memref<16x!tpu.dma_semaphore, #tpu.memory_space<semaphore_mem>> -> memref<1x!tpu.dma_semaphore, #tpu.memory_space<semaphore_mem>>
    %dma_wait3A_772 = tpu.memref_squeeze %dma_wait3A_771 : memref<1x!tpu.dma_semaphore, #tpu.memory_space<semaphore_mem>> -> memref<!tpu.dma_semaphore, #tpu.memory_space<semaphore_mem>>
    %dma_wait3A_773 = arith.constant 7680 : i32
    %dma_wait3A_774 = arith.constant 0 : i32
    %dma_wait3A_775 = tpu.memref_slice %arg3[%dma_wait3A_773, %dma_wait3A_774] : memref<8192x512xf32, #tpu.memory_space<any>> -> memref<512x512xf32, #tpu.memory_space<any>>
    %dma_wait3A_776 = arith.constant 7680 : i32
    %dma_wait3A_777 = arith.constant 0 : i32
    %dma_wait3A_778 = tpu.memref_slice %arg4[%dma_wait3A_776, %dma_wait3A_777] : memref<8192x512xf32, #tpu.memory_space<vmem>> -> memref<512x512xf32, #tpu.memory_space<vmem>>
    tpu.wait_dma2 semaphore(%dma_wait3A_772 : memref<!tpu.dma_semaphore, #tpu.memory_space<semaphore_mem>>) src(%dma_wait3A_778 : memref<512x512xf32, #tpu.memory_space<vmem>>) dst(%dma_wait3A_775 : memref<512x512xf32, #tpu.memory_space<any>>)
    return
  }
}

</mosaic_0001>

<sc_bundles>
// kernel: kernel.5.cloned.1.call-start
scs
__scs_entry_jumppad:
0x0: {  	(pc) =	sbr.rel $0x88, $3  }
0x1: {  	(tag) =	ssettag $0x0;
	lr =	simm.s32 $0x1  }
0x2: {  	[smem:$0x3F9F] =	sst lr;
	_ =	strace $0xD0000000  }
0x3: {  	_ = 	snop  }
0x4: {  	_ = 	snop  }
0x5: {  	_ = 	snop  }
0x6: {  	_ = 	snop  }
0x7: {  	_ = 	snop  }
__scs_overlays_trampoline_lowered:
0x8: {  	[smem:$0x3FAE] =	sst s0  }
0x9: {  	[smem:$0x3FAF] =	sst s1  }
0xa: {  	[smem:$0x3FB0] =	sst s2  }
0xb: {  	[smem:$0x3FB1] =	sst s3  }
0xc: {  	[smem:$0x3FB2] =	sst s4  }
0xd: {  	[smem:$0x3FB3] =	sst s5  }
0xe: {  	[smem:$0x3FB4] =	sst s6  }
0xf: {  	[smem:$0x3FB5] =	sst s7  }
0x10: {  	[smem:$0x3FB6] =	sst s8  }
0x11: {  	[smem:$0x3FB7] =	sst s9;
	s0 =	simm.s32 @!p0 $0x0  }
0x12: {  	s1 =	sld [smem:$0x3F9D];
	s0 =	simm.s32 @p0 $0x1  }
0x13: {  	[smem:$0x3FB8] =	sst s0;
	s0 =	simm.s32 @!p1 $0x0  }
0x14: {  	s2 =	sld [smem:$0x3F9C];
	s0 =	simm.s32 @p1 $0x1  }
0x15: {  	[smem:$0x3FB9] =	sst s0;
	s0 =	simm.s32 @!p2 $0x0  }
0x16: {  	s3 =	sld [smem:$0x3FDB];
	s0 =	simm.s32 @p2 $0x1  }
0x17: {  	s4 =	simm.s32 $0x1BF5;
	[smem:$0x3FBB] =	sst s0  }
0x18: {  	s0 =	sld [smem:$0x3F9E];
	_ =	swait.ge [sflag:s4], $0x0  }
0x19: {  	s7 =	sld [smem:$0x3F9F]  }
0x1a: {  	s8 =	sadd.s32 $0xFFFFE003, lr  }
0x1b: {  	s9 =	sadd.s32 $0xFFFFFEF7, lr;
	s5 =	simm.s32 $0xFFFFFFFF;
	p2 =	slt.u32 s8, $0xFFFFF086  }
0x1c: {  	p1 =	slt.u32 s9, $0xF7A;
	s5 =	simm.s32 @!p2 $0x0  }
0x1d: {  	s5 =	simm.s32 @p1 $0x1;
	p0 =	seq.s32 s7, s2  }
0x1e: {  	s7 =	smul.u32 @!p0 $0xF7A, s2;
	p2 =	seq.s32 @!p0 s5, $0x0  }
0x1f: {  	s9 =	smul.u32 $0xF7A, s1;
	s8 =	simm.s32 @!p0 $0x1BF5;
	p2 =	por !p2, p0  }
0x20: {  	[sflag:s8] =	ssyncset.s32 @!p0 $0xFFFFF086;
	s6 =	sadd.s32 @!p0 s3, s7;
	s7 =	simm.s32 @!p0 $0x108  }
0x21: {  	s3 =	sadd.s32 s3, s9;
	s6 =	sadd.s32 @!p0 $0x88, s6;
	s7 =	simm.s32 @p2 $0x1082  }
0x22: {  	[simem:s7], [sflag:s8] =	dma.local @!p0 [hbm:s6], $0xF7A  }
0x23: {  	s9 =	sor.u32 $0xD0000000, s2;
	s6 =	simm.s32 $0x108;
	_ =	swait.ge @!p0 [sflag:s8], $0x0  }
0x24: {  	s3 =	sadd.s32 $0x88, s3;
	s6 =	simm.s32 @!p1 $0x1082;
	[sflag:s4] =	ssyncset.s32 $0xFFFFF086  }
0x25: {  	[simem:s6], [sflag:s4] =	dma.local [hbm:s3], $0xF7A  }
0x26: {  	[smem:$0x3F9F] =	sst s1;
	(tag) =	ssettag s2;
	_ =	strace s9  }
0x27: {  	s1 =	sld [smem:$0x3FAF]  }
0x28: {  	s2 =	sld [smem:$0x3FB0]  }
0x29: {  	s4 =	sld [smem:$0x3FB2]  }
0x2a: {  	p0 =	seq.s32 s5, $0x0;
	s5 =	sld [smem:$0x3FB3]  }
0x2b: {  	s6 =	sld [smem:$0x3FB4]  }
0x2c: {  	s7 =	sld [smem:$0x3FB5]  }
0x2d: {  	s3 =	simm.s32 $0x108;
	s8 =	sld [smem:$0x3FB6]  }
0x2e: {  	s3 =	simm.s32 @!p0 $0x1082;
	s9 =	sld [smem:$0x3FB7]  }
0x2f: {  	lr =	sadd.s32 s0, s3;
	s0 =	sld [smem:$0x3FAE]  }
0x30: {  	s3 =	sld [smem:$0x3FB1]  }
0x31: {  	[smem:$0x3FBA] =	sst s10  }
0x32: {  	s10 =	sld [smem:$0x3FB8];
	_ =	sdelay $0x3  }
0x33: {  	p0 =	seq.s32 s10, $0x1;
	s10 =	sld [smem:$0x3FBA];
	_ =	sdelay $0x3  }
0x34: {  	[smem:$0x3FBA] =	sst s10  }
0x35: {  	s10 =	sld [smem:$0x3FB9];
	_ =	sdelay $0x3  }
0x36: {  	p1 =	seq.s32 s10, $0x1;
	s10 =	sld [smem:$0x3FBA];
	_ =	sdelay $0x3  }
0x37: {  	[smem:$0x3FBA] =	sst s10  }
0x38: {  	s10 =	sld [smem:$0x3FBB]  }
0x39: {  	_ = 	snop;
	(pc) =	sbr.ind lr, $3  }
0x3a: {  	_ = 	snop  }
0x3b: {  	_ = 	snop  }
0x3c: {  	p2 =	seq.s32 s10, $0x1;
	s10 =	sld [smem:$0x3FBA]  }
0x3d: {  	_ =	shalt  }
0x3e: {  	_ =	shalt  }
0x3f: {  	_ =	shalt  }
0x40: {  	_ =	shalt  }
0x41: {  	_ =	shalt  }
0x42: {  	_ =	shalt  }
0x43: {  	_ =	shalt  }
0x44: {  	_ =	shalt  }
0x45: {  	_ =	shalt  }
0x46: {  	_ =	shalt  }
0x47: {  	_ =	shalt  }
0x48: {  	_ =	shalt  }
0x49: {  	_ =	shalt  }
0x4a: {  	_ =	shalt  }
0x4b: {  	_ =	shalt  }
0x4c: {  	_ =	shalt  }
0x4d: {  	_ =	shalt  }
0x4e: {  	_ =	shalt  }
0x4f: {  	_ =	shalt  }
0x50: {  	_ =	shalt  }
0x51: {  	_ =	shalt  }
0x52: {  	_ =	shalt  }
0x53: {  	_ =	shalt  }
0x54: {  	_ =	shalt  }
0x55: {  	_ =	shalt  }
0x56: {  	_ =	shalt  }
0x57: {  	_ =	shalt  }
0x58: {  	_ =	shalt  }
0x59: {  	_ =	shalt  }
0x5a: {  	_ =	shalt  }
0x5b: {  	_ =	shalt  }
0x5c: {  	_ =	shalt  }
0x5d: {  	_ =	shalt  }
0x5e: {  	_ =	shalt  }
0x5f: {  	_ =	shalt  }
0x60: {  	_ =	shalt  }
0x61: {  	_ =	shalt  }
0x62: {  	_ =	shalt  }
0x63: {  	_ =	shalt  }
0x64: {  	_ =	shalt  }
0x65: {  	_ =	shalt  }
0x66: {  	_ =	shalt  }
0x67: {  	_ =	shalt  }
0x68: {  	_ =	shalt  }
0x69: {  	_ =	shalt  }
0x6a: {  	_ =	shalt  }
0x6b: {  	_ =	shalt  }
0x6c: {  	_ =	shalt  }
0x6d: {  	_ =	shalt  }
0x6e: {  	_ =	shalt  }
0x6f: {  	_ =	shalt  }
0x70: {  	_ =	shalt  }
0x71: {  	_ =	shalt  }
0x72: {  	_ =	shalt  }
0x73: {  	_ =	shalt  }
0x74: {  	_ =	shalt  }
0x75: {  	_ =	shalt  }
0x76: {  	_ =	shalt  }
0x77: {  	_ =	shalt  }
0x78: {  	_ =	shalt  }
0x79: {  	_ =	shalt  }
0x7a: {  	_ =	shalt  }
0x7b: {  	_ =	shalt  }
0x7c: {  	_ =	shalt  }
0x7d: {  	_ =	shalt  }
0x7e: {  	_ =	shalt  }
0x7f: {  	_ =	shalt  }
0x80: {  	_ =	shalt  }
0x81: {  	_ =	shalt  }
0x82: {  	_ =	shalt  }
0x83: {  	_ =	shalt  }
0x84: {  	_ =	shalt  }
0x85: {  	_ =	shalt  }
0x86: {  	_ =	shalt  }
0x87: {  	_ =	shalt  }
.Lfunc_end0:
.L_simem_size_0:
called_computation_lowered:
.L_overlay_start_0:
0x88: {  	s0 =	sld [smem:$0x3FD9]  }
0x89: {  	s1 =	sld [smem:$0x3FFE];
	_ =	sdelay $0x3  }
0x8a: {  	s0 =	sadd.s32 s1, s0  }
0x8b: {  	[smem:$0x3FC6] =	sst s0  }
0x8c: {  	_ = 	snop  }
0x8d: {  	s0 =	sld [smem:$0x3FC8]  }
0x8e: {  	s16 =	sld [smem:$0x3FD0];
	(tm) =	ssettm $0x1  }
0x8f: {  	s2 =	sld [smem:$0x3FFB];
	_ =	sdelay $0x3  }
0x90: {  	_ =	strace s2  }
0x91: {  	s2 =	sld [smem:$0x3FFC];
	_ =	sdelay $0x3  }
0x92: {  	_ =	strace s2  }
0x93: {  	s2 =	sld [smem:$0x3FFD];
	_ =	sdelay $0x3  }
0x94: {  	_ =	strace s2  }
0x95: {  	_ =	strace $0x8FFFFFFF  }
0x96: {  	s17 =	sld [smem:$0x3FDB];
	_ =	sdelay $0x1  }
0x97: {  	s3 =	simm.s32 $_scs_section_size  }
0x98: {  	s4 =	simm.s32 $_size__tile_overlayer_lowered;
	s5 =	simm.s32 $_tile_overlayer_lowered  }
0x99: {  	s20 =	simm.s32 $0x1BFF;
	s19 =	sshll.u32 s5, $0x1;
	s2 =	sadd.s32 s3, s17  }
0x9a: {  	s6 =	simm.s32 $0x0;
	s18 =	sshll.u32 s4, $0x1;
	s4 =	sadd.s32 s19, s2  }
0x9b: {  	[timem:s6], [sflag:s20] =	dma.local [hbm:s4], s18  }
0x9c: {  	_ =	swait.ge [sflag:s20], s18  }
0x9d: {  	s3 =	ssub.s32 $0x0, s18;
	[sflag:s20] =	ssyncset.done $0x0  }
0x9e: {  	[sflag:s20] =	ssyncadd.s32 s3;
	_ =	sdelay $0x1  }
0x9f: {  	s21 =	simm.s32 $0x1B8B  }
0xa0: {  	_ =	swait.ge [sflag:s21], $0x1  }
0xa1: {  	[sflag:s21] =	ssyncset.done $0x0  }
0xa2: {  	s23 =	simm.s32 $0x1B8E;
	s22 =	sld [smem:$0x3FFE];
	[sflag:s21] =	ssyncadd.s32 $0xFFFFFFFF  }
0xa3: {  	s24 =	simm.s32 $execute0_lowered;
	[smem:$0x3FD2] =	sst s23  }
0xa4: {  	s4 =	sshll.u32 s24, $0x1;
	_ =	strace $0x80000046;
	[dreg:$0x1] =	wrdreg $0xFFFFFFFF  }
0xa5: {  	s25 =	simm.s32 $_size_execute0_lowered;
	s2 =	sadd.s32 s2, s4;
	[dreg:$0x0] =	wrdreg $0x0  }
0xa6: {  	s4 =	sshll.u32 s25, $0x1;
	[dreg:$0x2] =	wrdreg s2  }
0xa7: {  	[dreg:$0x3] =	wrdreg s4  }
0xa8: {  	[dreg:$0x4] =	wrdreg $0xC0  }
0xa9: {  	_ =	task [dreg:s6], $0x5FFFF  }
0xaa: {  	[dreg:$0x1] =	wrdreg $0xFFFFFFFF  }
0xab: {  	[dreg:$0x0] =	wrdreg $0x60  }
0xac: {  	[dreg:$0x2] =	wrdreg s22  }
0xad: {  	[dreg:$0x3] =	wrdreg s0  }
0xae: {  	[dreg:$0x4] =	wrdreg s16  }
0xaf: {  	[dreg:$0x5] =	wrdreg $0x9  }
0xb0: {  	_ =	task.clear_ibuf [dreg:s6], $0x6FFFF;
	_ =	strace $0x90000046  }
0xb1: {  	s26 =	simm.s32 $0x9;
	_ =	strace $0x80000048  }
0xb2: {  	_ =	swait.ge [sflag:s26], $0x1  }
0xb3: {  	[sflag:s26] =	ssyncadd.s32 $0xFFFFFFFF  }
0xb4: {  	_ =	strace $0x90000048  }
0xb5: {  	_ =	sfence  }
0xb6: {  	s28 =	sld [smem:$0x0];
	_ =	sdelay $0x1  }
0xb7: {  	s29 =	srdreg.scid  }
0xb8: {  	s30 =	sshll.u32 s29, $0xD;
	s31 =	sshrl.u32 s29, $0x2  }
0xb9: {  	s1 =	sand.u32 $0x1, s29;
	s2 =	sand.u32 $0x4000, s30;
	s0 =	sadd.s32 s31, s28  }
0xba: {  	s1 =	sor.u32 s2, s1;
	s0 =	sshll.u32 s0, $0x11  }
0xbb: {  	s0 =	sor.u32 s0, s1  }
0xbc: {  	s0 =	sadd.s32 $0x8F2B, s0  }
0xbd: {  	[sflag:s0] =	ssyncadd.remote.s32 $0x1  }
0xbe: {  	_ =	sfence.sel $0xFFFF  }
0xbf: {  	[dreg:$0x0] =	wrdreg $0xFFFFFFFF;
	(pc) =	sbr.abs _section_cstart, $3  }
0xc0: {  	[dreg:$0x1] =	wrdreg $0xFFFFFFFF  }
0xc1: {  	_ =	task.clear_ibuf [dreg:s6], $0x2FFFF;
	_ =	strace $0x9FFFFFFF  }
0xc2: {  	(tm) =	ssettm $0x7FFFFFFF  }
0xc3: {  	_ =	shalt  }
tec
execute0_lowered:
.L_overlay_start_1:
0x0: {  	(tag) =	ssettag $0x1  }
0x1: {  	s4 =	rddreg [dreg:$0x0]  }
0x2: {  	s5 =	rddreg [dreg:$0x1]  }
0x3: {  	s2 =	rddreg [dreg:$0x2];
	s1 =	stileid.u32  }
0x4: {  	s0 =	rddreg [dreg:$0x3];
	s3 =	simm.s32 $0x0;
	s6 =	sshll.u32 s1, $0x6  }
0x5: {  	[smem:$0x7FF] =	sst s3;
	s4 =	sadd.s32 s6, s4  }
0x6: {  	s28 =	simm.s32 $0x1;
	_ =	strace $0x80000047;
	s4 =	sadd.s32 $0xC00, s4  }
0x7: {  	[tilespmem:s3], [sflag:$0x1] =	stream.linear.gather [hbm4b:s4+s3], $0x200, $0x38;
	[tilespmem:$0x800] =	vst v63  }
0x8: {  	_ =	swait.ge [sflag:s28], $0x200  }
0x9: {  	[sflag:s28] =	ssyncset.done $0x0  }
0xa: {  	s29 =	simm.s32 $0x200;
	s5 =	sadd.s32 s5, s6;
	[sflag:s28] =	ssyncadd.s32 $0xFFFFFE00  }
0xb: {  	[tilespmem:s29], [sflag:$0x1] =	stream.linear.gather [hbm4b:s5+s3], $0x200, $0x38;
	[tilespmem:$0x800] =	vst v63  }
0xc: {  	_ =	swait.ge [sflag:s28], $0x200  }
0xd: {  	[sflag:s28] =	ssyncset.done $0x0  }
0xe: {  	[sflag:s28] =	ssyncadd.s32 $0xFFFFFE00  }
0xf: {  	v0 =	vld [tilespmem:$0x0]  }
0x10: {  	v1 =	vld [tilespmem:$0x200];
	_ =	sdelay $0x2  }
0x11: {  	v2 =	vld [tilespmem:$0x210];
	_ =	sdelay $0x1  }
0x12: {  	v4 =	vld [tilespmem:$0x10];
	v0 =	vadd.f32 $0.0e+00, v0;
	vm0 =	veq.s32 v1, $0x0  }
0x13: {  	vm14 =	veq.s32 v1, $0x1;
	vm1 =	veq.s32 v1, $0x2;
	vm15 =	veq.s32 v1, $0x3  }
0x14: {  	v11 =	vld [tilespmem:$0x220];
	vm4 =	veq.s32 v1, $0x4;
	vm5 =	veq.s32 v1, $0x5;
	vm6 =	veq.s32 v1, $0x6  }
0x15: {  	v61 =	vld [tilespmem:$0x230];
	vm7 =	veq.s32 v1, $0x7;
	vm8 =	veq.s32 v2, $0x0;
	vm9 =	veq.s32 v2, $0x1  }
0x16: {  	vm10 =	veq.s32 v2, $0x2;
	vm11 =	veq.s32 v2, $0x3;
	vm12 =	veq.s32 v2, $0x4  }
0x17: {  	vm13 =	veq.s32 v2, $0x5;
	v50 =	vnsel vm8, $0x0, v4;
	v51 =	vnsel vm9, $0x0, v4  }
0x18: {  	v52 =	vnsel vm10, $0x0, v4;
	v53 =	vnsel vm11, $0x0, v4;
	v54 =	vnsel vm12, $0x0, v4  }
0x19: {  	v55 =	vnsel vm13, $0x0, v4;
	vm8 =	veq.s32 v11, $0x4;
	vm9 =	veq.s32 v11, $0x5  }
0x1a: {  	vm10 =	veq.s32 v11, $0x6;
	vm11 =	veq.s32 v11, $0x7;
	vm12 =	veq.s32 v61, $0x0  }
0x1b: {  	v12 =	vld [tilespmem:$0x20];
	vm13 =	veq.s32 v61, $0x1;
	v3 =	vnsel vm0, $0x0, v0;
	v5 =	vnsel vm14, $0x0, v0  }
0x1c: {  	v63 =	vld [tilespmem:$0x30];
	v6 =	vnsel vm1, $0x0, v0;
	v7 =	vnsel vm15, $0x0, v0;
	v8 =	vnsel vm4, $0x0, v0  }
0x1d: {  	v21 =	vld [tilespmem:$0x240];
	v9 =	vnsel vm5, $0x0, v0;
	v10 =	vnsel vm6, $0x0, v0;
	v0 =	vnsel vm7, $0x0, v0  }
0x1e: {  	vm14 =	veq.s32 v2, $0x6;
	vm15 =	veq.s32 v2, $0x7;
	vm4 =	veq.s32 v11, $0x0  }
0x1f: {  	vm5 =	veq.s32 v11, $0x1;
	vm6 =	veq.s32 v11, $0x2;
	vm7 =	veq.s32 v11, $0x3  }
0x20: {  	v14 =	vnsel vm8, $0x0, v12;
	v15 =	vnsel vm9, $0x0, v12;
	v16 =	vnsel vm10, $0x0, v12  }
0x21: {  	v17 =	vnsel vm11, $0x0, v12;
	v18 =	vnsel vm12, $0x0, v63;
	v19 =	vnsel vm13, $0x0, v63  }
0x22: {  	vm8 =	veq.s32 v21, $0x0;
	vm9 =	veq.s32 v21, $0x1;
	vm10 =	veq.s32 v21, $0x2  }
0x23: {  	vm11 =	veq.s32 v21, $0x3;
	v1 =	vadd.f32 v50, v3;
	v3 =	vadd.f32 v51, v5  }
0x24: {  	vm12 =	veq.s32 v21, $0x4;
	v5 =	vadd.f32 v52, v6;
	v6 =	vadd.f32 v53, v7  }
0x25: {  	v23 =	vld [tilespmem:$0x40];
	vm13 =	veq.s32 v21, $0x5;
	v7 =	vadd.f32 v54, v8;
	v8 =	vadd.f32 v55, v9  }
0x26: {  	v56 =	vnsel vm14, $0x0, v4;
	v4 =	vnsel vm15, $0x0, v4;
	v58 =	vnsel vm4, $0x0, v12  }
0x27: {  	v31 =	vld [tilespmem:$0x250];
	v59 =	vnsel vm5, $0x0, v12;
	v60 =	vnsel vm6, $0x0, v12;
	v62 =	vnsel vm7, $0x0, v12  }
0x28: {  	v41 =	vld [tilespmem:$0x260];
	vm14 =	veq.s32 v61, $0x2;
	vm15 =	veq.s32 v61, $0x3;
	vm4 =	veq.s32 v61, $0x4  }
0x29: {  	vm5 =	veq.s32 v61, $0x5;
	vm6 =	veq.s32 v61, $0x6;
	vm7 =	veq.s32 v61, $0x7  }
0x2a: {  	v28 =	vnsel vm8, $0x0, v23;
	v29 =	vnsel vm9, $0x0, v23;
	v30 =	vnsel vm10, $0x0, v23  }
0x2b: {  	v32 =	vnsel vm11, $0x0, v23;
	v34 =	vnsel vm12, $0x0, v23;
	v35 =	vnsel vm13, $0x0, v23  }
0x2c: {  	vm8 =	veq.s32 v31, $0x4;
	vm9 =	veq.s32 v31, $0x5;
	vm10 =	veq.s32 v31, $0x6  }
0x2d: {  	v33 =	vld [tilespmem:$0x50];
	vm11 =	veq.s32 v31, $0x7;
	vm12 =	veq.s32 v41, $0x0;
	vm13 =	veq.s32 v41, $0x1  }
0x2e: {  	v57 =	vadd.f32 v56, v10;
	v0 =	vadd.f32 v4, v0;
	v20 =	vnsel vm14, $0x0, v63  }
0x2f: {  	v43 =	vld [tilespmem:$0x60];
	v22 =	vnsel vm15, $0x0, v63;
	v24 =	vnsel vm4, $0x0, v63;
	v25 =	vnsel vm5, $0x0, v63  }
0x30: {  	v26 =	vnsel vm6, $0x0, v63;
	v27 =	vnsel vm7, $0x0, v63;
	vm14 =	veq.s32 v21, $0x6  }
0x31: {  	vm15 =	veq.s32 v21, $0x7;
	vm4 =	veq.s32 v31, $0x0;
	vm5 =	veq.s32 v31, $0x1  }
0x32: {  	vm6 =	veq.s32 v31, $0x2;
	vm7 =	veq.s32 v31, $0x3;
	v44 =	vnsel vm8, $0x0, v33  }
0x33: {  	v45 =	vnsel vm9, $0x0, v33;
	v46 =	vnsel vm10, $0x0, v33;
	v47 =	vnsel vm11, $0x0, v33  }
0x34: {  	v48 =	vnsel vm12, $0x0, v43;
	v1 =	vadd.f32 v58, v1;
	v3 =	vadd.f32 v59, v3  }
0x35: {  	v49 =	vnsel vm13, $0x0, v43;
	v4 =	vadd.f32 v60, v5;
	v5 =	vadd.f32 v62, v6  }
0x36: {  	v6 =	vadd.f32 v14, v7;
	v7 =	vadd.f32 v15, v8;
	v36 =	vnsel vm14, $0x0, v23  }
0x37: {  	v37 =	vnsel vm15, $0x0, v23;
	v38 =	vnsel vm4, $0x0, v33;
	v39 =	vnsel vm5, $0x0, v33  }
0x38: {  	v40 =	vnsel vm6, $0x0, v33;
	v42 =	vnsel vm7, $0x0, v33;
	vm14 =	veq.s32 v41, $0x2  }
0x39: {  	vm15 =	veq.s32 v41, $0x3;
	vm4 =	veq.s32 v41, $0x4;
	vm5 =	veq.s32 v41, $0x5  }
0x3a: {  	vm6 =	veq.s32 v41, $0x6;
	vm7 =	veq.s32 v41, $0x7;
	v2 =	vadd.f32 v16, v57  }
0x3b: {  	v51 =	vld [tilespmem:$0x270];
	v0 =	vadd.f32 v17, v0;
	v50 =	vnsel vm14, $0x0, v43;
	v52 =	vnsel vm15, $0x0, v43  }
0x3c: {  	v54 =	vnsel vm4, $0x0, v43;
	v1 =	vadd.f32 v18, v1;
	v3 =	vadd.f32 v19, v3  }
0x3d: {  	v61 =	vld [tilespmem:$0x280];
	v55 =	vnsel vm5, $0x0, v43;
	v4 =	vadd.f32 v20, v4;
	v5 =	vadd.f32 v22, v5  }
0x3e: {  	v56 =	vnsel vm6, $0x0, v43;
	v6 =	vadd.f32 v24, v6;
	v7 =	vadd.f32 v25, v7  }
0x3f: {  	v57 =	vnsel vm7, $0x0, v43;
	v2 =	vadd.f32 v26, v2;
	v0 =	vadd.f32 v27, v0  }
0x40: {  	vm8 =	veq.s32 v51, $0x0;
	vm9 =	veq.s32 v51, $0x1;
	vm10 =	veq.s32 v51, $0x2  }
0x41: {  	v53 =	vld [tilespmem:$0x70];
	vm11 =	veq.s32 v51, $0x3;
	vm12 =	veq.s32 v51, $0x4;
	vm13 =	veq.s32 v51, $0x5  }
0x42: {  	vm14 =	veq.s32 v51, $0x6;
	vm15 =	veq.s32 v51, $0x7;
	vm4 =	veq.s32 v61, $0x0  }
0x43: {  	v63 =	vld [tilespmem:$0x80];
	vm5 =	veq.s32 v61, $0x1;
	v1 =	vadd.f32 v28, v1;
	v3 =	vadd.f32 v29, v3  }
0x44: {  	vm6 =	veq.s32 v61, $0x2;
	v4 =	vadd.f32 v30, v4;
	v5 =	vadd.f32 v32, v5  }
0x45: {  	vm7 =	veq.s32 v61, $0x3;
	v6 =	vadd.f32 v34, v6;
	v7 =	vadd.f32 v35, v7  }
0x46: {  	v21 =	vld [tilespmem:$0x290];
	v58 =	vnsel vm8, $0x0, v53;
	v59 =	vnsel vm9, $0x0, v53;
	v60 =	vnsel vm10, $0x0, v53  }
0x47: {  	v62 =	vnsel vm11, $0x0, v53;
	v14 =	vnsel vm12, $0x0, v53;
	v15 =	vnsel vm13, $0x0, v53  }
0x48: {  	v16 =	vnsel vm14, $0x0, v53;
	v17 =	vnsel vm15, $0x0, v53;
	v18 =	vnsel vm4, $0x0, v63  }
0x49: {  	v19 =	vnsel vm5, $0x0, v63;
	v20 =	vnsel vm6, $0x0, v63;
	v22 =	vnsel vm7, $0x0, v63  }
0x4a: {  	vm8 =	veq.s32 v61, $0x4;
	vm9 =	veq.s32 v61, $0x5;
	vm10 =	veq.s32 v61, $0x6  }
0x4b: {  	v23 =	vld [tilespmem:$0x90];
	vm11 =	veq.s32 v61, $0x7;
	vm12 =	veq.s32 v21, $0x0;
	vm13 =	veq.s32 v21, $0x1  }
0x4c: {  	vm14 =	veq.s32 v21, $0x2;
	vm15 =	veq.s32 v21, $0x3;
	vm4 =	veq.s32 v21, $0x4  }
0x4d: {  	v31 =	vld [tilespmem:$0x2A0];
	vm5 =	veq.s32 v21, $0x5;
	vm6 =	veq.s32 v21, $0x6;
	vm7 =	veq.s32 v21, $0x7  }
0x4e: {  	v2 =	vadd.f32 v36, v2;
	v0 =	vadd.f32 v37, v0;
	v24 =	vnsel vm8, $0x0, v63  }
0x4f: {  	v25 =	vnsel vm9, $0x0, v63;
	v26 =	vnsel vm10, $0x0, v63;
	v27 =	vnsel vm11, $0x0, v63  }
0x50: {  	v41 =	vld [tilespmem:$0x2B0];
	v28 =	vnsel vm12, $0x0, v23;
	v29 =	vnsel vm13, $0x0, v23;
	v30 =	vnsel vm14, $0x0, v23  }
0x51: {  	v32 =	vnsel vm15, $0x0, v23;
	v34 =	vnsel vm4, $0x0, v23;
	v35 =	vnsel vm5, $0x0, v23  }
0x52: {  	v36 =	vnsel vm6, $0x0, v23;
	v37 =	vnsel vm7, $0x0, v23;
	vm8 =	veq.s32 v31, $0x0  }
0x53: {  	v33 =	vld [tilespmem:$0xA0];
	vm9 =	veq.s32 v31, $0x1;
	vm10 =	veq.s32 v31, $0x2;
	vm11 =	veq.s32 v31, $0x3  }
0x54: {  	vm12 =	veq.s32 v31, $0x4;
	vm13 =	veq.s32 v31, $0x5;
	vm14 =	veq.s32 v31, $0x6  }
0x55: {  	vm15 =	veq.s32 v31, $0x7;
	vm4 =	veq.s32 v41, $0x0;
	vm5 =	veq.s32 v41, $0x1  }
0x56: {  	vm6 =	veq.s32 v41, $0x2;
	v1 =	vadd.f32 v38, v1;
	v3 =	vadd.f32 v39, v3  }
0x57: {  	vm7 =	veq.s32 v41, $0x3;
	v4 =	vadd.f32 v40, v4;
	v5 =	vadd.f32 v42, v5  }
0x58: {  	v6 =	vadd.f32 v44, v6;
	v7 =	vadd.f32 v45, v7;
	v38 =	vnsel vm8, $0x0, v33  }
0x59: {  	v39 =	vnsel vm9, $0x0, v33;
	v40 =	vnsel vm10, $0x0, v33;
	v42 =	vnsel vm11, $0x0, v33  }
0x5a: {  	v43 =	vld [tilespmem:$0xB0];
	v44 =	vnsel vm12, $0x0, v33;
	v45 =	vnsel vm13, $0x0, v33;
	vm8 =	veq.s32 v41, $0x4  }
0x5b: {  	vm9 =	veq.s32 v41, $0x5;
	vm10 =	veq.s32 v41, $0x6;
	v2 =	vadd.f32 v46, v2  }
0x5c: {  	v51 =	vld [tilespmem:$0x2C0];
	vm11 =	veq.s32 v41, $0x7;
	v0 =	vadd.f32 v47, v0;
	v1 =	vadd.f32 v48, v1  }
0x5d: {  	v46 =	vnsel vm14, $0x0, v33;
	v3 =	vadd.f32 v49, v3;
	v4 =	vadd.f32 v50, v4  }
0x5e: {  	v47 =	vnsel vm15, $0x0, v33;
	v5 =	vadd.f32 v52, v5;
	v6 =	vadd.f32 v54, v6  }
0x5f: {  	v7 =	vadd.f32 v55, v7;
	v48 =	vnsel vm4, $0x0, v43;
	v49 =	vnsel vm5, $0x0, v43  }
0x60: {  	v61 =	vld [tilespmem:$0x2D0];
	v50 =	vnsel vm6, $0x0, v43;
	v52 =	vnsel vm7, $0x0, v43;
	v54 =	vnsel vm8, $0x0, v43  }
0x61: {  	v55 =	vnsel vm9, $0x0, v43;
	vm12 =	veq.s32 v51, $0x0;
	vm13 =	veq.s32 v51, $0x1  }
0x62: {  	vm14 =	veq.s32 v51, $0x2;
	vm15 =	veq.s32 v51, $0x3;
	vm4 =	veq.s32 v51, $0x4  }
0x63: {  	v53 =	vld [tilespmem:$0xC0];
	vm5 =	veq.s32 v51, $0x5;
	vm6 =	veq.s32 v51, $0x6;
	vm7 =	veq.s32 v51, $0x7  }
0x64: {  	v2 =	vadd.f32 v56, v2;
	v0 =	vadd.f32 v57, v0;
	v56 =	vnsel vm10, $0x0, v43  }
0x65: {  	v57 =	vnsel vm11, $0x0, v43;
	vm8 =	veq.s32 v61, $0x0;
	vm9 =	veq.s32 v61, $0x1  }
0x66: {  	vm10 =	veq.s32 v61, $0x2;
	v1 =	vadd.f32 v58, v1;
	v3 =	vadd.f32 v59, v3  }
0x67: {  	v21 =	vld [tilespmem:$0x2E0];
	vm11 =	veq.s32 v61, $0x3;
	v4 =	vadd.f32 v60, v4;
	v5 =	vadd.f32 v62, v5  }
0x68: {  	v6 =	vadd.f32 v14, v6;
	v7 =	vadd.f32 v15, v7;
	v58 =	vnsel vm12, $0x0, v53  }
0x69: {  	v59 =	vnsel vm13, $0x0, v53;
	v60 =	vnsel vm14, $0x0, v53;
	v62 =	vnsel vm15, $0x0, v53  }
0x6a: {  	v14 =	vnsel vm4, $0x0, v53;
	v15 =	vnsel vm5, $0x0, v53;
	vm12 =	veq.s32 v61, $0x4  }
0x6b: {  	v63 =	vld [tilespmem:$0xD0];
	vm13 =	veq.s32 v61, $0x5;
	vm14 =	veq.s32 v61, $0x6;
	vm15 =	veq.s32 v61, $0x7  }
0x6c: {  	vm4 =	veq.s32 v21, $0x0;
	vm5 =	veq.s32 v21, $0x1;
	v2 =	vadd.f32 v16, v2  }
0x6d: {  	v0 =	vadd.f32 v17, v0;
	v16 =	vnsel vm6, $0x0, v53;
	v17 =	vnsel vm7, $0x0, v53  }
0x6e: {  	vm6 =	veq.s32 v21, $0x2;
	v1 =	vadd.f32 v18, v1;
	v3 =	vadd.f32 v19, v3  }
0x6f: {  	v31 =	vld [tilespmem:$0x2F0];
	vm7 =	veq.s32 v21, $0x3;
	v4 =	vadd.f32 v20, v4;
	v5 =	vadd.f32 v22, v5  }
0x70: {  	v6 =	vadd.f32 v24, v6;
	v7 =	vadd.f32 v25, v7;
	v18 =	vnsel vm8, $0x0, v63  }
0x71: {  	v19 =	vnsel vm9, $0x0, v63;
	v20 =	vnsel vm10, $0x0, v63;
	v22 =	vnsel vm11, $0x0, v63  }
0x72: {  	v24 =	vnsel vm12, $0x0, v63;
	v25 =	vnsel vm13, $0x0, v63;
	vm8 =	veq.s32 v21, $0x4  }
0x73: {  	v23 =	vld [tilespmem:$0xE0];
	vm9 =	veq.s32 v21, $0x5;
	vm10 =	veq.s32 v21, $0x6;
	vm11 =	veq.s32 v21, $0x7  }
0x74: {  	vm12 =	veq.s32 v31, $0x0;
	vm13 =	veq.s32 v31, $0x1;
	v2 =	vadd.f32 v26, v2  }
0x75: {  	v0 =	vadd.f32 v27, v0;
	v26 =	vnsel vm14, $0x0, v63;
	v27 =	vnsel vm15, $0x0, v63  }
0x76: {  	vm14 =	veq.s32 v31, $0x2;
	v1 =	vadd.f32 v28, v1;
	v3 =	vadd.f32 v29, v3  }
0x77: {  	v41 =	vld [tilespmem:$0x300];
	vm15 =	veq.s32 v31, $0x3;
	v4 =	vadd.f32 v30, v4;
	v5 =	vadd.f32 v32, v5  }
0x78: {  	v6 =	vadd.f32 v34, v6;
	v7 =	vadd.f32 v35, v7;
	v28 =	vnsel vm4, $0x0, v23  }
0x79: {  	v29 =	vnsel vm5, $0x0, v23;
	v30 =	vnsel vm6, $0x0, v23;
	v32 =	vnsel vm7, $0x0, v23  }
0x7a: {  	v34 =	vnsel vm8, $0x0, v23;
	v35 =	vnsel vm9, $0x0, v23;
	vm4 =	veq.s32 v31, $0x4  }
0x7b: {  	v33 =	vld [tilespmem:$0xF0];
	vm5 =	veq.s32 v31, $0x5;
	vm6 =	veq.s32 v31, $0x6;
	vm7 =	veq.s32 v31, $0x7  }
0x7c: {  	vm8 =	veq.s32 v41, $0x0;
	vm9 =	veq.s32 v41, $0x1;
	v2 =	vadd.f32 v36, v2  }
0x7d: {  	v0 =	vadd.f32 v37, v0;
	v36 =	vnsel vm10, $0x0, v23;
	v37 =	vnsel vm11, $0x0, v23  }
0x7e: {  	vm10 =	veq.s32 v41, $0x2;
	v1 =	vadd.f32 v38, v1;
	v3 =	vadd.f32 v39, v3  }
0x7f: {  	v51 =	vld [tilespmem:$0x310];
	vm11 =	veq.s32 v41, $0x3;
	v4 =	vadd.f32 v40, v4;
	v5 =	vadd.f32 v42, v5  }
0x80: {  	v6 =	vadd.f32 v44, v6;
	v7 =	vadd.f32 v45, v7;
	v38 =	vnsel vm12, $0x0, v33  }
0x81: {  	v39 =	vnsel vm13, $0x0, v33;
	v40 =	vnsel vm14, $0x0, v33;
	v42 =	vnsel vm15, $0x0, v33  }
0x82: {  	v44 =	vnsel vm4, $0x0, v33;
	v45 =	vnsel vm5, $0x0, v33;
	vm12 =	veq.s32 v41, $0x4  }
0x83: {  	v43 =	vld [tilespmem:$0x100];
	vm13 =	veq.s32 v41, $0x5;
	vm14 =	veq.s32 v41, $0x6;
	vm15 =	veq.s32 v41, $0x7  }
0x84: {  	vm4 =	veq.s32 v51, $0x0;
	vm5 =	veq.s32 v51, $0x1;
	v2 =	vadd.f32 v46, v2  }
0x85: {  	v0 =	vadd.f32 v47, v0;
	v46 =	vnsel vm6, $0x0, v33;
	v47 =	vnsel vm7, $0x0, v33  }
0x86: {  	vm6 =	veq.s32 v51, $0x2;
	v1 =	vadd.f32 v48, v1;
	v3 =	vadd.f32 v49, v3  }
0x87: {  	v61 =	vld [tilespmem:$0x320];
	vm7 =	veq.s32 v51, $0x3;
	v4 =	vadd.f32 v50, v4;
	v5 =	vadd.f32 v52, v5  }
0x88: {  	v6 =	vadd.f32 v54, v6;
	v7 =	vadd.f32 v55, v7;
	v48 =	vnsel vm8, $0x0, v43  }
0x89: {  	v49 =	vnsel vm9, $0x0, v43;
	v50 =	vnsel vm10, $0x0, v43;
	v52 =	vnsel vm11, $0x0, v43  }
0x8a: {  	v54 =	vnsel vm12, $0x0, v43;
	v55 =	vnsel vm13, $0x0, v43;
	vm8 =	veq.s32 v51, $0x4  }
0x8b: {  	v53 =	vld [tilespmem:$0x110];
	vm9 =	veq.s32 v51, $0x5;
	vm10 =	veq.s32 v51, $0x6;
	vm11 =	veq.s32 v51, $0x7  }
0x8c: {  	vm12 =	veq.s32 v61, $0x0;
	vm13 =	veq.s32 v61, $0x1;
	v2 =	vadd.f32 v56, v2  }
0x8d: {  	v0 =	vadd.f32 v57, v0;
	v56 =	vnsel vm14, $0x0, v43;
	v57 =	vnsel vm15, $0x0, v43  }
0x8e: {  	vm14 =	veq.s32 v61, $0x2;
	v1 =	vadd.f32 v58, v1;
	v3 =	vadd.f32 v59, v3  }
0x8f: {  	v21 =	vld [tilespmem:$0x330];
	vm15 =	veq.s32 v61, $0x3;
	v4 =	vadd.f32 v60, v4;
	v5 =	vadd.f32 v62, v5  }
0x90: {  	v6 =	vadd.f32 v14, v6;
	v7 =	vadd.f32 v15, v7;
	v58 =	vnsel vm4, $0x0, v53  }
0x91: {  	v59 =	vnsel vm5, $0x0, v53;
	v60 =	vnsel vm6, $0x0, v53;
	v62 =	vnsel vm7, $0x0, v53  }
0x92: {  	v14 =	vnsel vm8, $0x0, v53;
	v15 =	vnsel vm9, $0x0, v53;
	vm4 =	veq.s32 v61, $0x4  }
0x93: {  	v63 =	vld [tilespmem:$0x120];
	vm5 =	veq.s32 v61, $0x5;
	vm6 =	veq.s32 v61, $0x6;
	vm7 =	veq.s32 v61, $0x7  }
0x94: {  	vm8 =	veq.s32 v21, $0x0;
	vm9 =	veq.s32 v21, $0x1;
	v2 =	vadd.f32 v16, v2  }
0x95: {  	v0 =	vadd.f32 v17, v0;
	v16 =	vnsel vm10, $0x0, v53;
	v17 =	vnsel vm11, $0x0, v53  }
0x96: {  	vm10 =	veq.s32 v21, $0x2;
	v1 =	vadd.f32 v18, v1;
	v3 =	vadd.f32 v19, v3  }
0x97: {  	v31 =	vld [tilespmem:$0x340];
	vm11 =	veq.s32 v21, $0x3;
	v4 =	vadd.f32 v20, v4;
	v5 =	vadd.f32 v22, v5  }
0x98: {  	v6 =	vadd.f32 v24, v6;
	v7 =	vadd.f32 v25, v7;
	v18 =	vnsel vm12, $0x0, v63  }
0x99: {  	v19 =	vnsel vm13, $0x0, v63;
	v20 =	vnsel vm14, $0x0, v63;
	v22 =	vnsel vm15, $0x0, v63  }
0x9a: {  	v24 =	vnsel vm4, $0x0, v63;
	v25 =	vnsel vm5, $0x0, v63;
	vm12 =	veq.s32 v21, $0x4  }
0x9b: {  	v23 =	vld [tilespmem:$0x130];
	vm13 =	veq.s32 v21, $0x5;
	vm14 =	veq.s32 v21, $0x6;
	vm15 =	veq.s32 v21, $0x7  }
0x9c: {  	vm4 =	veq.s32 v31, $0x0;
	vm5 =	veq.s32 v31, $0x1;
	v2 =	vadd.f32 v26, v2  }
0x9d: {  	v0 =	vadd.f32 v27, v0;
	v26 =	vnsel vm6, $0x0, v63;
	v27 =	vnsel vm7, $0x0, v63  }
0x9e: {  	vm6 =	veq.s32 v31, $0x2;
	v1 =	vadd.f32 v28, v1;
	v3 =	vadd.f32 v29, v3  }
0x9f: {  	v41 =	vld [tilespmem:$0x350];
	vm7 =	veq.s32 v31, $0x3;
	v4 =	vadd.f32 v30, v4;
	v5 =	vadd.f32 v32, v5  }
0xa0: {  	v6 =	vadd.f32 v34, v6;
	v7 =	vadd.f32 v35, v7;
	v28 =	vnsel vm8, $0x0, v23  }
0xa1: {  	v29 =	vnsel vm9, $0x0, v23;
	v30 =	vnsel vm10, $0x0, v23;
	v32 =	vnsel vm11, $0x0, v23  }
0xa2: {  	v34 =	vnsel vm12, $0x0, v23;
	v35 =	vnsel vm13, $0x0, v23;
	vm8 =	veq.s32 v31, $0x4  }
0xa3: {  	v33 =	vld [tilespmem:$0x140];
	vm9 =	veq.s32 v31, $0x5;
	vm10 =	veq.s32 v31, $0x6;
	vm11 =	veq.s32 v31, $0x7  }
0xa4: {  	vm12 =	veq.s32 v41, $0x0;
	vm13 =	veq.s32 v41, $0x1;
	v2 =	vadd.f32 v36, v2  }
0xa5: {  	v0 =	vadd.f32 v37, v0;
	v36 =	vnsel vm14, $0x0, v23;
	v37 =	vnsel vm15, $0x0, v23  }
0xa6: {  	vm14 =	veq.s32 v41, $0x2;
	v1 =	vadd.f32 v38, v1;
	v3 =	vadd.f32 v39, v3  }
0xa7: {  	v51 =	vld [tilespmem:$0x360];
	vm15 =	veq.s32 v41, $0x3;
	v4 =	vadd.f32 v40, v4;
	v5 =	vadd.f32 v42, v5  }
0xa8: {  	v6 =	vadd.f32 v44, v6;
	v7 =	vadd.f32 v45, v7;
	v38 =	vnsel vm4, $0x0, v33  }
0xa9: {  	v39 =	vnsel vm5, $0x0, v33;
	v40 =	vnsel vm6, $0x0, v33;
	v42 =	vnsel vm7, $0x0, v33  }
0xaa: {  	v44 =	vnsel vm8, $0x0, v33;
	v45 =	vnsel vm9, $0x0, v33;
	vm4 =	veq.s32 v41, $0x4  }
0xab: {  	v43 =	vld [tilespmem:$0x150];
	vm5 =	veq.s32 v41, $0x5;
	vm6 =	veq.s32 v41, $0x6;
	vm7 =	veq.s32 v41, $0x7  }
0xac: {  	vm8 =	veq.s32 v51, $0x0;
	vm9 =	veq.s32 v51, $0x1;
	v2 =	vadd.f32 v46, v2  }
0xad: {  	v0 =	vadd.f32 v47, v0;
	v46 =	vnsel vm10, $0x0, v33;
	v47 =	vnsel vm11, $0x0, v33  }
0xae: {  	vm10 =	veq.s32 v51, $0x2;
	v1 =	vadd.f32 v48, v1;
	v3 =	vadd.f32 v49, v3  }
0xaf: {  	v61 =	vld [tilespmem:$0x370];
	vm11 =	veq.s32 v51, $0x3;
	v4 =	vadd.f32 v50, v4;
	v5 =	vadd.f32 v52, v5  }
0xb0: {  	v6 =	vadd.f32 v54, v6;
	v7 =	vadd.f32 v55, v7;
	v48 =	vnsel vm12, $0x0, v43  }
0xb1: {  	v63 =	vld [tilespmem:$0x170];
	v49 =	vnsel vm13, $0x0, v43;
	v50 =	vnsel vm14, $0x0, v43;
	v52 =	vnsel vm15, $0x0, v43  }
0xb2: {  	v54 =	vnsel vm4, $0x0, v43;
	v55 =	vnsel vm5, $0x0, v43;
	vm12 =	veq.s32 v51, $0x4  }
0xb3: {  	vm13 =	veq.s32 v51, $0x5;
	vm14 =	veq.s32 v51, $0x6;
	vm15 =	veq.s32 v51, $0x7  }
0xb4: {  	v53 =	vld [tilespmem:$0x160];
	vm4 =	veq.s32 v61, $0x0;
	vm5 =	veq.s32 v61, $0x1;
	v2 =	vadd.f32 v56, v2  }
0xb5: {  	v0 =	vadd.f32 v57, v0;
	v56 =	vnsel vm6, $0x0, v43;
	v57 =	vnsel vm7, $0x0, v43  }
0xb6: {  	v23 =	vld [tilespmem:$0x380];
	v21 =	vnsel vm5, $0x0, v63;
	v1 =	vadd.f32 v58, v1;
	v3 =	vadd.f32 v59, v3  }
0xb7: {  	vm6 =	veq.s32 v61, $0x2;
	v4 =	vadd.f32 v60, v4;
	v5 =	vadd.f32 v62, v5  }
0xb8: {  	vm7 =	veq.s32 v61, $0x3;
	v6 =	vadd.f32 v14, v6;
	v7 =	vadd.f32 v15, v7  }
0xb9: {  	v58 =	vnsel vm8, $0x0, v53;
	v59 =	vnsel vm9, $0x0, v53;
	v60 =	vnsel vm10, $0x0, v53  }
0xba: {  	v62 =	vnsel vm11, $0x0, v53;
	vm8 =	veq.s32 v61, $0x4;
	vm9 =	veq.s32 v61, $0x5  }
0xbb: {  	vm10 =	veq.s32 v61, $0x6;
	vm11 =	veq.s32 v61, $0x7;
	vm5 =	veq.s32 v23, $0x5  }
0xbc: {  	v2 =	vadd.f32 v16, v2;
	v0 =	vadd.f32 v17, v0;
	v16 =	vnsel vm12, $0x0, v53  }
0xbd: {  	v17 =	vnsel vm13, $0x0, v53;
	v1 =	vadd.f32 v18, v1;
	v3 =	vadd.f32 v19, v3  }
0xbe: {  	vm12 =	veq.s32 v23, $0x0;
	v4 =	vadd.f32 v20, v4;
	v5 =	vadd.f32 v22, v5  }
0xbf: {  	vm13 =	veq.s32 v23, $0x1;
	v6 =	vadd.f32 v24, v6;
	v7 =	vadd.f32 v25, v7  }
0xc0: {  	v18 =	vnsel vm14, $0x0, v53;
	v19 =	vnsel vm15, $0x0, v53;
	v20 =	vnsel vm4, $0x0, v63  }
0xc1: {  	v33 =	vld [tilespmem:$0x390];
	v22 =	vnsel vm6, $0x0, v63;
	v24 =	vnsel vm7, $0x0, v63;
	vm14 =	veq.s32 v23, $0x2  }
0xc2: {  	vm15 =	veq.s32 v23, $0x3;
	vm4 =	veq.s32 v23, $0x4;
	vm6 =	veq.s32 v23, $0x6  }
0xc3: {  	vm7 =	veq.s32 v23, $0x7;
	v2 =	vadd.f32 v26, v2;
	v0 =	vadd.f32 v27, v0  }
0xc4: {  	v26 =	vnsel vm8, $0x0, v63;
	v1 =	vadd.f32 v28, v1;
	v3 =	vadd.f32 v29, v3  }
0xc5: {  	v27 =	vnsel vm9, $0x0, v63;
	v4 =	vadd.f32 v30, v4;
	v5 =	vadd.f32 v32, v5  }
0xc6: {  	vm8 =	veq.s32 v33, $0x0;
	v6 =	vadd.f32 v34, v6;
	v7 =	vadd.f32 v35, v7  }
0xc7: {  	v25 =	vld [tilespmem:$0x180];
	vm9 =	veq.s32 v33, $0x1;
	v2 =	vadd.f32 v36, v2;
	v0 =	vadd.f32 v37, v0  }
0xc8: {  	v28 =	vnsel vm10, $0x0, v63;
	v1 =	vadd.f32 v38, v1;
	v3 =	vadd.f32 v39, v3  }
0xc9: {  	v29 =	vnsel vm11, $0x0, v63;
	v4 =	vadd.f32 v40, v4;
	v5 =	vadd.f32 v42, v5  }
0xca: {  	vm10 =	veq.s32 v33, $0x2;
	v6 =	vadd.f32 v44, v6;
	v7 =	vadd.f32 v45, v7  }
0xcb: {  	v43 =	vld [tilespmem:$0x3A0];
	vm11 =	veq.s32 v33, $0x3;
	v2 =	vadd.f32 v46, v2;
	v0 =	vadd.f32 v47, v0  }
0xcc: {  	v30 =	vnsel vm12, $0x0, v25;
	v31 =	vnsel vm13, $0x0, v25;
	v32 =	vnsel vm14, $0x0, v25  }
0xcd: {  	v34 =	vnsel vm15, $0x0, v25;
	v36 =	vnsel vm4, $0x0, v25;
	v37 =	vnsel vm5, $0x0, v25  }
0xce: {  	v38 =	vnsel vm6, $0x0, v25;
	v39 =	vnsel vm7, $0x0, v25;
	vm12 =	veq.s32 v33, $0x4  }
0xcf: {  	v35 =	vld [tilespmem:$0x190];
	vm13 =	veq.s32 v33, $0x5;
	vm14 =	veq.s32 v33, $0x6;
	vm15 =	veq.s32 v33, $0x7  }
0xd0: {  	vm4 =	veq.s32 v43, $0x0;
	v1 =	vadd.f32 v48, v1;
	v3 =	vadd.f32 v49, v3  }
0xd1: {  	vm5 =	veq.s32 v43, $0x1;
	v4 =	vadd.f32 v50, v4;
	v5 =	vadd.f32 v52, v5  }
0xd2: {  	vm6 =	veq.s32 v43, $0x2;
	v6 =	vadd.f32 v54, v6;
	v7 =	vadd.f32 v55, v7  }
0xd3: {  	v53 =	vld [tilespmem:$0x3B0];
	vm7 =	veq.s32 v43, $0x3;
	v2 =	vadd.f32 v56, v2;
	v0 =	vadd.f32 v57, v0  }
0xd4: {  	v40 =	vnsel vm8, $0x0, v35;
	v41 =	vnsel vm9, $0x0, v35;
	v42 =	vnsel vm10, $0x0, v35  }
0xd5: {  	v44 =	vnsel vm11, $0x0, v35;
	v46 =	vnsel vm12, $0x0, v35;
	v47 =	vnsel vm13, $0x0, v35  }
0xd6: {  	v48 =	vnsel vm14, $0x0, v35;
	v49 =	vnsel vm15, $0x0, v35;
	vm8 =	veq.s32 v43, $0x4  }
0xd7: {  	v45 =	vld [tilespmem:$0x1A0];
	vm9 =	veq.s32 v43, $0x5;
	vm10 =	veq.s32 v43, $0x6;
	vm11 =	veq.s32 v43, $0x7  }
0xd8: {  	vm12 =	veq.s32 v53, $0x0;
	v1 =	vadd.f32 v58, v1;
	v3 =	vadd.f32 v59, v3  }
0xd9: {  	vm13 =	veq.s32 v53, $0x1;
	v4 =	vadd.f32 v60, v4;
	v5 =	vadd.f32 v62, v5  }
0xda: {  	vm14 =	veq.s32 v53, $0x2;
	v6 =	vadd.f32 v16, v6;
	v7 =	vadd.f32 v17, v7  }
0xdb: {  	v63 =	vld [tilespmem:$0x3C0];
	vm15 =	veq.s32 v53, $0x3;
	v2 =	vadd.f32 v18, v2;
	v0 =	vadd.f32 v19, v0  }
0xdc: {  	v50 =	vnsel vm4, $0x0, v45;
	v51 =	vnsel vm5, $0x0, v45;
	v52 =	vnsel vm6, $0x0, v45  }
0xdd: {  	v54 =	vnsel vm7, $0x0, v45;
	v56 =	vnsel vm8, $0x0, v45;
	v57 =	vnsel vm9, $0x0, v45  }
0xde: {  	v58 =	vnsel vm10, $0x0, v45;
	v59 =	vnsel vm11, $0x0, v45;
	vm4 =	veq.s32 v53, $0x4  }
0xdf: {  	v55 =	vld [tilespmem:$0x1B0];
	vm5 =	veq.s32 v53, $0x5;
	vm6 =	veq.s32 v53, $0x6;
	vm7 =	veq.s32 v53, $0x7  }
0xe0: {  	vm8 =	veq.s32 v63, $0x0;
	v1 =	vadd.f32 v20, v1;
	v3 =	vadd.f32 v21, v3  }
0xe1: {  	vm9 =	veq.s32 v63, $0x1;
	v4 =	vadd.f32 v22, v4;
	v5 =	vadd.f32 v24, v5  }
0xe2: {  	vm10 =	veq.s32 v63, $0x2;
	v6 =	vadd.f32 v26, v6;
	v7 =	vadd.f32 v27, v7  }
0xe3: {  	v25 =	vld [tilespmem:$0x3D0];
	vm11 =	veq.s32 v63, $0x3;
	v2 =	vadd.f32 v28, v2;
	v0 =	vadd.f32 v29, v0  }
0xe4: {  	v60 =	vnsel vm12, $0x0, v55;
	v61 =	vnsel vm13, $0x0, v55;
	v62 =	vnsel vm14, $0x0, v55  }
0xe5: {  	v16 =	vnsel vm15, $0x0, v55;
	v18 =	vnsel vm4, $0x0, v55;
	v19 =	vnsel vm5, $0x0, v55  }
0xe6: {  	v20 =	vnsel vm6, $0x0, v55;
	v21 =	vnsel vm7, $0x0, v55;
	vm12 =	veq.s32 v63, $0x4  }
0xe7: {  	v17 =	vld [tilespmem:$0x1C0];
	vm13 =	veq.s32 v63, $0x5;
	vm14 =	veq.s32 v63, $0x6;
	vm15 =	veq.s32 v63, $0x7  }
0xe8: {  	vm4 =	veq.s32 v25, $0x0;
	v1 =	vadd.f32 v30, v1;
	v3 =	vadd.f32 v31, v3  }
0xe9: {  	vm5 =	veq.s32 v25, $0x1;
	v4 =	vadd.f32 v32, v4;
	v5 =	vadd.f32 v34, v5  }
0xea: {  	vm6 =	veq.s32 v25, $0x2;
	v6 =	vadd.f32 v36, v6;
	v7 =	vadd.f32 v37, v7  }
0xeb: {  	v35 =	vld [tilespmem:$0x3E0];
	vm7 =	veq.s32 v25, $0x3;
	v2 =	vadd.f32 v38, v2;
	v0 =	vadd.f32 v39, v0  }
0xec: {  	v22 =	vnsel vm8, $0x0, v17;
	v23 =	vnsel vm9, $0x0, v17;
	v24 =	vnsel vm10, $0x0, v17  }
0xed: {  	v26 =	vnsel vm11, $0x0, v17;
	v28 =	vnsel vm12, $0x0, v17;
	v29 =	vnsel vm13, $0x0, v17  }
0xee: {  	v30 =	vnsel vm14, $0x0, v17;
	v31 =	vnsel vm15, $0x0, v17;
	vm8 =	veq.s32 v25, $0x4  }
0xef: {  	v27 =	vld [tilespmem:$0x1D0];
	vm9 =	veq.s32 v25, $0x5;
	vm10 =	veq.s32 v25, $0x6;
	vm11 =	veq.s32 v25, $0x7  }
0xf0: {  	vm12 =	veq.s32 v35, $0x0;
	v1 =	vadd.f32 v40, v1;
	v3 =	vadd.f32 v41, v3  }
0xf1: {  	vm13 =	veq.s32 v35, $0x1;
	v4 =	vadd.f32 v42, v4;
	v5 =	vadd.f32 v44, v5  }
0xf2: {  	vm14 =	veq.s32 v35, $0x2;
	v6 =	vadd.f32 v46, v6;
	v7 =	vadd.f32 v47, v7  }
0xf3: {  	v45 =	vld [tilespmem:$0x3F0];
	vm15 =	veq.s32 v35, $0x3;
	v2 =	vadd.f32 v48, v2;
	v0 =	vadd.f32 v49, v0  }
0xf4: {  	v32 =	vnsel vm4, $0x0, v27;
	v33 =	vnsel vm5, $0x0, v27;
	v34 =	vnsel vm6, $0x0, v27  }
0xf5: {  	v36 =	vnsel vm7, $0x0, v27;
	v38 =	vnsel vm8, $0x0, v27;
	v39 =	vnsel vm9, $0x0, v27  }
0xf6: {  	v40 =	vnsel vm10, $0x0, v27;
	v41 =	vnsel vm11, $0x0, v27;
	vm4 =	veq.s32 v35, $0x4  }
0xf7: {  	v37 =	vld [tilespmem:$0x1E0];
	vm5 =	veq.s32 v35, $0x5;
	vm6 =	veq.s32 v35, $0x6;
	vm7 =	veq.s32 v35, $0x7  }
0xf8: {  	vm8 =	veq.s32 v45, $0x0;
	v1 =	vadd.f32 v50, v1;
	v3 =	vadd.f32 v51, v3  }
0xf9: {  	vm9 =	veq.s32 v45, $0x1;
	v4 =	vadd.f32 v52, v4;
	v5 =	vadd.f32 v54, v5  }
0xfa: {  	vm10 =	veq.s32 v45, $0x2;
	v6 =	vadd.f32 v56, v6;
	v7 =	vadd.f32 v57, v7  }
0xfb: {  	vm11 =	veq.s32 v45, $0x3;
	v2 =	vadd.f32 v58, v2;
	v0 =	vadd.f32 v59, v0  }
0xfc: {  	v42 =	vnsel vm12, $0x0, v37;
	v1 =	vadd.f32 v60, v1;
	v3 =	vadd.f32 v61, v3  }
0xfd: {  	v43 =	vnsel vm13, $0x0, v37;
	v4 =	vadd.f32 v62, v4;
	v5 =	vadd.f32 v16, v5  }
0xfe: {  	v44 =	vnsel vm14, $0x0, v37;
	v6 =	vadd.f32 v18, v6;
	v7 =	vadd.f32 v19, v7  }
0xff: {  	v46 =	vnsel vm15, $0x0, v37;
	v2 =	vadd.f32 v20, v2;
	v0 =	vadd.f32 v21, v0  }
0x100: {  	v48 =	vnsel vm4, $0x0, v37;
	v1 =	vadd.f32 v22, v1;
	v3 =	vadd.f32 v23, v3  }
0x101: {  	v49 =	vnsel vm5, $0x0, v37;
	v4 =	vadd.f32 v24, v4;
	v5 =	vadd.f32 v26, v5  }
0x102: {  	v50 =	vnsel vm6, $0x0, v37;
	v6 =	vadd.f32 v28, v6;
	v7 =	vadd.f32 v29, v7  }
0x103: {  	v47 =	vld [tilespmem:$0x1F0];
	v51 =	vnsel vm7, $0x0, v37;
	v2 =	vadd.f32 v30, v2;
	v0 =	vadd.f32 v31, v0  }
0x104: {  	vm12 =	veq.s32 v45, $0x4;
	v1 =	vadd.f32 v32, v1;
	v3 =	vadd.f32 v33, v3  }
0x105: {  	vm13 =	veq.s32 v45, $0x5;
	v4 =	vadd.f32 v34, v4;
	v5 =	vadd.f32 v36, v5  }
0x106: {  	vm14 =	veq.s32 v45, $0x6;
	v6 =	vadd.f32 v38, v6;
	v7 =	vadd.f32 v39, v7  }
0x107: {  	vm15 =	veq.s32 v45, $0x7;
	v2 =	vadd.f32 v40, v2;
	v1 =	vadd.f32 v42, v1  }
0x108: {  	v52 =	vnsel vm8, $0x0, v47;
	v0 =	vadd.f32 v41, v0;
	v3 =	vadd.f32 v43, v3  }
0x109: {  	v53 =	vnsel vm9, $0x0, v47;
	v4 =	vadd.f32 v44, v4;
	v1 =	vadd.f32 v52, v1  }
0x10a: {  	v54 =	vnsel vm10, $0x0, v47;
	v5 =	vadd.f32 v46, v5;
	v3 =	vadd.f32 v53, v3  }
0x10b: {  	v55 =	vnsel vm11, $0x0, v47;
	v6 =	vadd.f32 v48, v6;
	v4 =	vadd.f32 v54, v4;
	[tilespmem:$0x400] =	vst v1  }
0x10c: {  	v57 =	vnsel vm12, $0x0, v47;
	v7 =	vadd.f32 v49, v7;
	v56 =	vadd.f32 v55, v5;
	[tilespmem:$0x480] =	vst v3  }
0x10d: {  	v59 =	vnsel vm13, $0x0, v47;
	v2 =	vadd.f32 v50, v2;
	v58 =	vadd.f32 v57, v6;
	[tilespmem:$0x500] =	vst v4  }
0x10e: {  	v61 =	vnsel vm14, $0x0, v47;
	v0 =	vadd.f32 v51, v0;
	v60 =	vadd.f32 v59, v7;
	[tilespmem:$0x580] =	vst v56  }
0x10f: {  	v63 =	vnsel vm15, $0x0, v47;
	v62 =	vadd.f32 v61, v2;
	[tilespmem:$0x600] =	vst v58  }
0x110: {  	v0 =	vadd.f32 v63, v0;
	[tilespmem:$0x680] =	vst v60  }
0x111: {  	s30 =	sshll.u32 s1, $0x7;
	[tilespmem:$0x700] =	vst v62  }
0x112: {  	s31 =	simm.s32 $0x400;
	s2 =	sadd.s32 s2, s30;
	[tilespmem:$0x780] =	vst v0  }
0x113: {  	[hbm4b:s2+s3] =	stream.linear.scatter [tilespmem:s31], [sflag:$0x1], $0x400, $0x38;
	[tilespmem:$0x800] =	vst v63  }
0x114: {  	_ =	swait.ge [sflag:s28], $0x400  }
0x115: {  	[sflag:s28] =	ssyncset.done $0x0  }
0x116: {  	[sflag:s28] =	ssyncadd.s32 $0xFFFFFC00  }
0x117: {  	_ =	sfence.sel $0x180000  }
0x118: {  	[bflag:$0x0] =	sbarrier.arrive $0xFFFF  }
0x119: {  	p0 =	sne.s32 s1, $0x0;
	_ =	strace $0x90000047  }
0x11a: {  	s0 =	sadd.s32 @!p0 $0x100000, s0;
	[bflag:$0x2] =	sbarrier.arrive $0xFFFF  }
0x11b: {  	[sflag:s0] =	ssyncadd.tile.s32 @!p0 $0x1;
	_ =	shalt  }
.Lfunc_end2:
_tile_overlayer_lowered:
.L_overlay_start_2:
0x11c: {  	(tag) =	ssettag $0x2  }
0x11d: {  	s0 =	rddreg [dreg:$0x0];
	s2 =	stileid.u32  }
0x11e: {  	s1 =	rddreg [dreg:$0x1];
	p0 =	sne.s32 s2, $0x0  }
0x11f: {  	s3 =	rddreg [dreg:$0x2];
	[bflag:$0x3] =	sbarrier.arrive $0xFFFF;
	s2 =	simm.s32 @!p0 $0x1C01  }
0x120: {  	[timem:s3], [sflag:s2] =	dma.local @!p0 [hbm:s0], s1  }
0x121: {  	s0 =	simm.s32 @!p0 $0x1  }
0x122: {  	_ =	swait.ge @!p0 [sflag:s0], s1  }
0x123: {  	s1 =	ssub.s32 @!p0 $0x0, s1;
	[sflag:s0] =	ssyncset.done @!p0 $0x0  }
0x124: {  	[sflag:s0] =	ssyncadd.s32 @!p0 s1  }
0x125: {  	[bflag:$0x3] =	sbarrier.arrive $0xFFFF  }
0x126: {  	_ =	shalt  }

</sc_bundles>
